<compile_context>
chip_gen: v7x
topology: tpu7x:2x2x1
jax: 0.10.2.dev20260603
libtpu: 0.0.44.dev20260713+nightly
codegen_flags: <defaults>
</compile_context>

<pallas_src>
import functools

import jax
import jax.numpy as jnp
from jax import lax
from jax.experimental import pallas as pl
from jax.experimental.pallas import tpu as pltpu
from jax.experimental.pallas import tpu_sc as plsc

NC, NS = 2, 16
NW = NC * NS
CHUNK = 128


def _mesh():
    return plsc.VectorSubcoreMesh(core_axis_name="c", subcore_axis_name="s",
                                  num_cores=NC, num_subcores=NS)


_SC_PARAMS = pltpu.CompilerParams(use_tc_tiling_on_sc=False)


def _zero_fill(ref, rows, feat):
    z = jnp.zeros((16,), jnp.float32)

    @pl.loop(0, rows)
    def _(r):
        for f0 in range(feat // 16):
            ref[r, pl.ds(f0 * 16, 16)] = z


def _make_deg_kernel(n_pad, nb, extras):
    rows_per_s = n_pad // NS

    @functools.partial(
        pl.kernel,
        out_type=jax.ShapeDtypeStruct((NC, n_pad), jnp.float32),
        mesh=_mesh(),
        compiler_params=_SC_PARAMS,
        scratch_types=[
            pltpu.VMEM_SHARED((n_pad,), jnp.float32),
            pltpu.VMEM((nb + 1, CHUNK), jnp.int32),
            pltpu.VMEM((nb + 1, CHUNK), jnp.float32),
            pltpu.VMEM((rows_per_s,), jnp.float32),
            pltpu.SemaphoreType.DMA,
        ],
    )
    def deg_kernel(dst_hbm, ew_hbm, out_hbm, acc, dstb, ewb, zb, sem):
        c = lax.axis_index("c")
        s = lax.axis_index("s")
        wid = c * NS + s

        @pl.loop(0, rows_per_s, step=16)
        def _(i):
            zb[pl.ds(i, 16)] = jnp.zeros((16,), jnp.float32)

        pltpu.sync_copy(zb, acc.at[pl.ds(s * rows_per_s, rows_per_s)])
        pltpu.sync_copy(ew_hbm.at[pl.ds(wid * nb, nb)],
                        ewb.at[pl.ds(0, nb)])
        pltpu.sync_copy(dst_hbm.at[pl.ds(wid * nb, nb)],
                        dstb.at[pl.ds(0, nb)])

        @pl.when(wid < extras)
        def _():
            pltpu.sync_copy(ew_hbm.at[pl.ds(NW * nb + wid, 1)],
                            ewb.at[pl.ds(nb, 1)])
            pltpu.sync_copy(dst_hbm.at[pl.ds(NW * nb + wid, 1)],
                            dstb.at[pl.ds(nb, 1)])

        plsc.subcore_barrier()

        @pl.loop(0, nb)
        def _(j):
            pltpu.async_copy(ewb.at[j], acc.at[dstb.at[j]], sem, add=True)

        @pl.when(wid < extras)
        def _():
            pltpu.async_copy(ewb.at[nb], acc.at[dstb.at[nb]], sem, add=True)

        @pl.loop(0, nb)
        def _(j):
            pltpu.make_async_copy(ewb.at[j], acc.at[dstb.at[j]], sem).wait()

        @pl.when(wid < extras)
        def _():
            pltpu.make_async_copy(ewb.at[nb], acc.at[dstb.at[nb]],
                                  sem).wait()

        plsc.subcore_barrier()
        pltpu.sync_copy(acc.at[pl.ds(s * rows_per_s, rows_per_s)],
                        out_hbm.at[c, pl.ds(s * rows_per_s, rows_per_s)])

    return deg_kernel


def _make_edge_kernel(n, n_pad, nb, extras, feat):
    rows_per_s = n_pad // NS
    stage_rows = n // NS

    @functools.partial(
        pl.kernel,
        out_type=jax.ShapeDtypeStruct((NC, n_pad, feat), jnp.float32),
        mesh=_mesh(),
        compiler_params=_SC_PARAMS,
        scratch_types=[
            pltpu.VMEM_SHARED((n_pad, feat), jnp.float32),
            pltpu.VMEM_SHARED((n, feat), jnp.float32),
            pltpu.VMEM((nb + 1, CHUNK), jnp.int32),
            pltpu.VMEM((nb + 1, CHUNK), jnp.int32),
            pltpu.VMEM((nb + 1, CHUNK), jnp.float32),
            pltpu.VMEM((CHUNK, feat), jnp.float32),
            pltpu.VMEM((CHUNK, feat), jnp.float32),
            pltpu.VMEM((rows_per_s, feat), jnp.float32),
            pltpu.SemaphoreType.DMA,
            pltpu.SemaphoreType.DMA,
            pltpu.SemaphoreType.DMA,
            pltpu.SemaphoreType.DMA,
        ],
    )
    def edge_kernel(y_hbm, src_hbm, dst_hbm, ew_hbm, out_hbm,
                    acc, ysp, srcb, dstb, ewb, gb0, gb1, zb,
                    sem0, sem1, ssem0, ssem1):
        c = lax.axis_index("c")
        s = lax.axis_index("s")
        wid = c * NS + s

        pltpu.async_copy(y_hbm.at[pl.ds(s * stage_rows, stage_rows)],
                         ysp.at[pl.ds(s * stage_rows, stage_rows)], sem0)

        pltpu.async_copy(src_hbm.at[pl.ds(wid * nb, nb)],
                         srcb.at[pl.ds(0, nb)], sem1)
        pltpu.async_copy(dst_hbm.at[pl.ds(wid * nb, nb)],
                         dstb.at[pl.ds(0, nb)], ssem0)
        pltpu.async_copy(ew_hbm.at[pl.ds(wid * nb, nb)],
                         ewb.at[pl.ds(0, nb)], ssem1)

        @pl.when(wid < extras)
        def _():
            pltpu.sync_copy(src_hbm.at[pl.ds(NW * nb + wid, 1)],
                            srcb.at[pl.ds(nb, 1)])
            pltpu.sync_copy(dst_hbm.at[pl.ds(NW * nb + wid, 1)],
                            dstb.at[pl.ds(nb, 1)])
            pltpu.sync_copy(ew_hbm.at[pl.ds(NW * nb + wid, 1)],
                            ewb.at[pl.ds(nb, 1)])

        _zero_fill(zb, rows_per_s, feat)
        pltpu.sync_copy(zb, acc.at[pl.ds(s * rows_per_s, rows_per_s)])
        pltpu.make_async_copy(src_hbm.at[pl.ds(0, nb)],
                              srcb.at[pl.ds(0, nb)], sem1).wait()
        pltpu.make_async_copy(dst_hbm.at[pl.ds(0, nb)],
                              dstb.at[pl.ds(0, nb)], ssem0).wait()
        pltpu.make_async_copy(ew_hbm.at[pl.ds(0, nb)],
                              ewb.at[pl.ds(0, nb)], ssem1).wait()
        pltpu.make_async_copy(y_hbm.at[pl.ds(0, stage_rows)],
                              ysp.at[pl.ds(0, stage_rows)], sem0).wait()
        plsc.subcore_barrier()

        def gstart(j, gb, sem):
            pltpu.async_copy(ysp.at[srcb.at[j]], gb, sem)

        def gwait(j, gb, sem):
            pltpu.make_async_copy(ysp.at[srcb.at[j]], gb, sem).wait()

        def sstart(j, gb, sem):
            pltpu.async_copy(gb, acc.at[dstb.at[j]], sem, add=True)

        def swait(j, gb, sem):
            pltpu.make_async_copy(gb, acc.at[dstb.at[j]], sem).wait()

        def mult(j, gb):
            @pl.loop(0, CHUNK, step=16)
            def _(e0):
                ewv = ewb[j, pl.ds(e0, 16)]
                for i in range(16):
                    w = ewv[i]
                    for f0 in range(feat // 16):
                        sl = pl.ds(f0 * 16, 16)
                        gb[e0 + i, sl] = gb[e0 + i, sl] * w

        gstart(0, gb0, sem0)

        @pl.loop(0, nb, step=2)
        def _(j):
            @pl.when(j > 0)
            def _():
                swait(j - 1, gb1, ssem1)

            gstart(j + 1, gb1, sem1)
            gwait(j, gb0, sem0)
            mult(j, gb0)
            sstart(j, gb0, ssem0)

            @pl.when(j + 2 < nb)
            def _():
                swait(j, gb0, ssem0)
                gstart(j + 2, gb0, sem0)

            gwait(j + 1, gb1, sem1)
            mult(j + 1, gb1)
            sstart(j + 1, gb1, ssem1)

        swait(nb - 2, gb0, ssem0)
        swait(nb - 1, gb1, ssem1)

        @pl.when(wid < extras)
        def _():
            pltpu.sync_copy(ysp.at[srcb.at[nb]], gb0)
            mult(nb, gb0)
            pltpu.sync_copy(gb0, acc.at[dstb.at[nb]], add=True)

        plsc.subcore_barrier()
        pltpu.sync_copy(acc.at[pl.ds(s * rows_per_s, rows_per_s)],
                        out_hbm.at[c, pl.ds(s * rows_per_s, rows_per_s)])

    return edge_kernel


def _tc_xw(x, w1):
    n, _ = x.shape
    f = w1.shape[1]

    def body(x_ref, w_ref, o_ref):
        o_ref[...] = jnp.dot(x_ref[...], w_ref[...],
                             preferred_element_type=jnp.float32)

    return pl.pallas_call(
        body, out_shape=jax.ShapeDtypeStruct((n, f), jnp.float32))(x, w1)


def _dis_col(degp_ref, n):
    deg = (degp_ref[0] + degp_ref[1])[:n].reshape(n, 1) + 1.0
    return lax.rsqrt(deg)


def _tc_prep(degp, xw):
    n, f = xw.shape

    def body(degp_ref, xw_ref, y_ref):
        y_ref[...] = xw_ref[...] * _dis_col(degp_ref, n)

    return pl.pallas_call(
        body, out_shape=jax.ShapeDtypeStruct((n, f), jnp.float32))(degp, xw)


def _tc_mid(accp, y1, degp, b1, w2):
    n, f1 = y1.shape
    f2 = w2.shape[1]

    def body(accp_ref, y1_ref, degp_ref, b1_ref, w2_ref, y2_ref):
        dis = _dis_col(degp_ref, n)
        sacc = accp_ref[0, :n, :] + accp_ref[1, :n, :]
        t = dis * (sacc + y1_ref[...]) + b1_ref[...]
        h = jnp.where(t >= 0, t, 0.01 * t)
        y2_ref[...] = jnp.dot(h, w2_ref[...],
                              preferred_element_type=jnp.float32) * dis

    return pl.pallas_call(
        body,
        out_shape=jax.ShapeDtypeStruct((n, f2), jnp.float32))(
            accp, y1, degp, b1, w2)


def _tc_final(accp, y2, degp, b2, wf, bf):
    n, f2 = y2.shape

    def body(accp_ref, y2_ref, degp_ref, b2_ref, wf_ref, bf_ref, o_ref):
        dis = _dis_col(degp_ref, n)
        sacc = accp_ref[0, :n, :] + accp_ref[1, :n, :]
        t = dis * (sacc + y2_ref[...]) + b2_ref[...]
        x2 = jnp.where(t >= 0, t, 0.01 * t)
        o_ref[...] = jnp.dot(x2, wf_ref[...],
                             preferred_element_type=jnp.float32) + bf_ref[...]

    return pl.pallas_call(
        body,
        out_shape=jax.ShapeDtypeStruct((n, 1), jnp.float32))(
            accp, y2, degp, b2, wf, bf)


def kernel(x, edge_index, edge_weight, W1, b1, W2, b2, Wf, bf):
    n, _ = x.shape
    e = edge_index.shape[1]
    f1 = W1.shape[1]
    f2 = W2.shape[1]
    n_pad = ((n + 8 * NS - 1) // (8 * NS)) * (8 * NS)
    rows = e // CHUNK
    nb = (rows // NW) & ~1
    extras = rows - nb * NW

    src = edge_index[0].reshape(rows, CHUNK)
    dst = edge_index[1].reshape(rows, CHUNK)
    ew = edge_weight.reshape(rows, CHUNK)

    degp = _make_deg_kernel(n_pad, nb, extras)(dst, ew)
    xw = _tc_xw(x, W1)
    y1 = _tc_prep(degp, xw)
    acc1 = _make_edge_kernel(n, n_pad, nb, extras, f1)(y1, src, dst, ew)
    y2 = _tc_mid(acc1, y1, degp, b1, W2)
    acc2 = _make_edge_kernel(n, n_pad, nb, extras, f2)(y2, src, dst, ew)
    return _tc_final(acc2, y2, degp, b2, Wf, bf)

# --- scband reference (transcript-rebuilt; emitter-appended) ---
"""Pipeline reference for scband-gcn-61701500174370 (READ-ONLY COPY).

The authoritative reference and input builder live on the scoring server;
editing this copy changes nothing except your own understanding.
"""

import jax, jax.numpy as jnp
import numpy as np

N_NODES = 10000
N_EDGES = 320000
D_FEAT = 128


def setup_inputs(seed: int = 0) -> dict:
    key = jax.random.key(seed)
    ks = jax.random.split(key, 10)
    x = jax.random.normal(ks[0], (N_NODES, D_FEAT), dtype=jnp.float32)
    edge_index = jax.random.randint(ks[1], (2, N_EDGES), 0, N_NODES, dtype=jnp.int32)
    edge_weight = jax.random.uniform(ks[2], (N_EDGES,), dtype=jnp.float32)
    # GCNConv(128 -> 32)
    W1 = jax.random.normal(ks[3], (D_FEAT, 32), dtype=jnp.float32) * (1.0 / np.sqrt(D_FEAT))
    b1 = jnp.zeros((32,), dtype=jnp.float32)
    # GCNConv(32 -> 16)
    W2 = jax.random.normal(ks[4], (32, 16), dtype=jnp.float32) * (1.0 / np.sqrt(32))
    b2 = jnp.zeros((16,), dtype=jnp.float32)
    # fc1: Linear(16 -> 1)
    Wf = jax.random.normal(ks[5], (16, 1), dtype=jnp.float32) * (1.0 / np.sqrt(16))
    bf = jnp.zeros((1,), dtype=jnp.float32)
    return {"x": x, "edge_index": edge_index, "edge_weight": edge_weight,
            "W1": W1, "b1": b1, "W2": W2, "b2": b2, "Wf": Wf, "bf": bf}


def _gcn_conv(x, edge_index, edge_weight, W, b, num_nodes):
    src = edge_index[0]
    dst = edge_index[1]
    # add self-loops with weight 1.0 (PyG GCNConv default, fill_value=1.)
    loop = jnp.arange(num_nodes, dtype=src.dtype)
    src = jnp.concatenate([src, loop])
    dst = jnp.concatenate([dst, loop])
    ew = jnp.concatenate([edge_weight, jnp.ones((num_nodes,), dtype=edge_weight.dtype)])
    # symmetric normalization: deg computed on dst (col) with edge weights
    deg = jax.ops.segment_sum(ew, dst, num_segments=num_nodes)
    deg_inv_sqrt = jnp.where(deg > 0, deg ** -0.5, 0.0)
    norm = deg_inv_sqrt[src] * ew * deg_inv_sqrt[dst]
    xw = x @ W
    msg = norm[:, None] * jnp.take(xw, src, axis=0)
    out = jax.ops.segment_sum(msg, dst, num_segments=num_nodes)
    return out + b


def reference(x, edge_index, edge_weight, W1, b1, W2, b2, Wf, bf):
    num_nodes = x.shape[0]
    x1 = _gcn_conv(x, edge_index, edge_weight, W1, b1, num_nodes)
    h = jax.nn.leaky_relu(x1, negative_slope=0.01)
    # F.dropout(training=self.training): identity in eval mode
    x2 = _gcn_conv(h, edge_index, edge_weight, W2, b2, num_nodes)
    x2 = jax.nn.leaky_relu(x2, negative_slope=0.01)
    out = x2 @ Wf + bf
    return out

if __name__ == "__main__":
    import jax
    _d = setup_inputs()
    print(jax.jit(kernel)(*tuple(_d.values())))

</pallas_src>

<mosaic_0001>
#map = affine_map<(d0, d1) -> (0, 0)>
#map1 = affine_map<(d0, d1) -> (0, 0, 0)>
module attributes {stable_mosaic.version = 14 : i64} {
  func.func @edge_kernel(%arg0: i32, %arg1: i32, %arg2: memref<10000x32xf32, #tpu.memory_space<hbm>>, %arg3: memref<2500x128xi32, #tpu.memory_space<hbm>>, %arg4: memref<2500x128xi32, #tpu.memory_space<hbm>>, %arg5: memref<2500x128xf32, #tpu.memory_space<hbm>>, %arg6: memref<2x10112x32xf32, #tpu.memory_space<hbm>>, %arg7: memref<10112x32xf32, #tpu.memory_space<vmem_shared>>, %arg8: memref<10000x32xf32, #tpu.memory_space<vmem_shared>>, %arg9: memref<79x128xi32, #tpu.memory_space<vmem>>, %arg10: memref<79x128xi32, #tpu.memory_space<vmem>>, %arg11: memref<79x128xf32, #tpu.memory_space<vmem>>, %arg12: memref<128x32xf32, #tpu.memory_space<vmem>>, %arg13: memref<128x32xf32, #tpu.memory_space<vmem>>, %arg14: memref<632x32xf32, #tpu.memory_space<vmem>>, %arg15: memref<!tpu.dma_semaphore, #tpu.memory_space<semaphore_mem>>, %arg16: memref<!tpu.dma_semaphore, #tpu.memory_space<semaphore_mem>>, %arg17: memref<!tpu.dma_semaphore, #tpu.memory_space<semaphore_mem>>, %arg18: memref<!tpu.dma_semaphore, #tpu.memory_space<semaphore_mem>>) attributes {dimension_semantics = [#tpu.dimension_semantics<core_parallel>, #tpu.dimension_semantics<subcore_parallel>], iteration_bounds = array<i64: 2, 16>, scalar_prefetch = 0 : i64, scratch_operands = 12 : i64, tpu.core_type = #tpu.core_type<sc_vector_subcore>, window_params = [{transform_indices = #map}, {transform_indices = #map}, {transform_indices = #map}, {transform_indices = #map}, {transform_indices = #map1}]} {
    %mul3A = arith.constant 16 : i32
    %mul3A_0 = arith.muli %arg0, %mul3A : i32
    %add3A = arith.addi %mul3A_0, %arg1 : i32
    %mul3A_1 = arith.constant 625 : i32
    %mul3A_2 = arith.muli %arg1, %mul3A_1 : i32
    %mul3A_3 = arith.constant 625 : i32
    %mul3A_4 = arith.muli %arg1, %mul3A_3 : i32
    %dma_start3A = arith.constant 0 : i32
    %dma_start3A_5 = tpu.memref_slice %arg8[%mul3A_4, %dma_start3A] : memref<10000x32xf32, #tpu.memory_space<vmem_shared>> -> memref<625x32xf32, #tpu.memory_space<vmem_shared>>
    %dma_start3A_6 = arith.constant 0 : i32
    %dma_start3A_7 = tpu.memref_slice %arg2[%mul3A_2, %dma_start3A_6] : memref<10000x32xf32, #tpu.memory_space<hbm>> -> memref<625x32xf32, #tpu.memory_space<hbm>>
    tpu.enqueue_dma source(%dma_start3A_7 : memref<625x32xf32, #tpu.memory_space<hbm>>) target(%dma_start3A_5 : memref<625x32xf32, #tpu.memory_space<vmem_shared>>) target_semaphore(%arg15 : memref<!tpu.dma_semaphore, #tpu.memory_space<semaphore_mem>>)
    %mul3A_8 = arith.constant 78 : i32
    %mul3A_9 = arith.muli %add3A, %mul3A_8 : i32
    %dma_start3A_10 = arith.constant 0 : i32
    %dma_start3A_11 = arith.constant 0 : i32
    %dma_start3A_12 = tpu.memref_slice %arg9[%dma_start3A_10, %dma_start3A_11] : memref<79x128xi32, #tpu.memory_space<vmem>> -> memref<78x128xi32, #tpu.memory_space<vmem>>
    %dma_start3A_13 = arith.constant 0 : i32
    %dma_start3A_14 = tpu.memref_slice %arg3[%mul3A_9, %dma_start3A_13] : memref<2500x128xi32, #tpu.memory_space<hbm>> -> memref<78x128xi32, #tpu.memory_space<hbm>>
    %dma_start3A_15 = arith.constant 0 : i32
    %dma_start3A_16 = arith.constant 0 : i32
    %dma_start3A_17 = tpu.memref_slice %arg9[%dma_start3A_15, %dma_start3A_16] : memref<79x128xi32, #tpu.memory_space<vmem>> -> memref<78x128xi32, #tpu.memory_space<vmem>>
    %dma_start3A_18 = arith.constant 0 : i32
    %dma_start3A_19 = tpu.memref_slice %arg3[%mul3A_9, %dma_start3A_18] : memref<2500x128xi32, #tpu.memory_space<hbm>> -> memref<78x128xi32, #tpu.memory_space<hbm>>
    tpu.enqueue_dma source(%dma_start3A_19 : memref<78x128xi32, #tpu.memory_space<hbm>>) target(%dma_start3A_17 : memref<78x128xi32, #tpu.memory_space<vmem>>) target_semaphore(%arg16 : memref<!tpu.dma_semaphore, #tpu.memory_space<semaphore_mem>>)
    %mul3A_20 = arith.constant 78 : i32
    %mul3A_21 = arith.muli %add3A, %mul3A_20 : i32
    %dma_start3A_22 = arith.constant 0 : i32
    %dma_start3A_23 = arith.constant 0 : i32
    %dma_start3A_24 = tpu.memref_slice %arg10[%dma_start3A_22, %dma_start3A_23] : memref<79x128xi32, #tpu.memory_space<vmem>> -> memref<78x128xi32, #tpu.memory_space<vmem>>
    %dma_start3A_25 = arith.constant 0 : i32
    %dma_start3A_26 = tpu.memref_slice %arg4[%mul3A_21, %dma_start3A_25] : memref<2500x128xi32, #tpu.memory_space<hbm>> -> memref<78x128xi32, #tpu.memory_space<hbm>>
    %dma_start3A_27 = arith.constant 0 : i32
    %dma_start3A_28 = arith.constant 0 : i32
    %dma_start3A_29 = tpu.memref_slice %arg10[%dma_start3A_27, %dma_start3A_28] : memref<79x128xi32, #tpu.memory_space<vmem>> -> memref<78x128xi32, #tpu.memory_space<vmem>>
    %dma_start3A_30 = arith.constant 0 : i32
    %dma_start3A_31 = tpu.memref_slice %arg4[%mul3A_21, %dma_start3A_30] : memref<2500x128xi32, #tpu.memory_space<hbm>> -> memref<78x128xi32, #tpu.memory_space<hbm>>
    tpu.enqueue_dma source(%dma_start3A_31 : memref<78x128xi32, #tpu.memory_space<hbm>>) target(%dma_start3A_29 : memref<78x128xi32, #tpu.memory_space<vmem>>) target_semaphore(%arg17 : memref<!tpu.dma_semaphore, #tpu.memory_space<semaphore_mem>>)
    %mul3A_32 = arith.constant 78 : i32
    %mul3A_33 = arith.muli %add3A, %mul3A_32 : i32
    %dma_start3A_34 = arith.constant 0 : i32
    %dma_start3A_35 = arith.constant 0 : i32
    %dma_start3A_36 = tpu.memref_slice %arg11[%dma_start3A_34, %dma_start3A_35] : memref<79x128xf32, #tpu.memory_space<vmem>> -> memref<78x128xf32, #tpu.memory_space<vmem>>
    %dma_start3A_37 = arith.constant 0 : i32
    %dma_start3A_38 = tpu.memref_slice %arg5[%mul3A_33, %dma_start3A_37] : memref<2500x128xf32, #tpu.memory_space<hbm>> -> memref<78x128xf32, #tpu.memory_space<hbm>>
    %dma_start3A_39 = arith.constant 0 : i32
    %dma_start3A_40 = arith.constant 0 : i32
    %dma_start3A_41 = tpu.memref_slice %arg11[%dma_start3A_39, %dma_start3A_40] : memref<79x128xf32, #tpu.memory_space<vmem>> -> memref<78x128xf32, #tpu.memory_space<vmem>>
    %dma_start3A_42 = arith.constant 0 : i32
    %dma_start3A_43 = tpu.memref_slice %arg5[%mul3A_33, %dma_start3A_42] : memref<2500x128xf32, #tpu.memory_space<hbm>> -> memref<78x128xf32, #tpu.memory_space<hbm>>
    tpu.enqueue_dma source(%dma_start3A_43 : memref<78x128xf32, #tpu.memory_space<hbm>>) target(%dma_start3A_41 : memref<78x128xf32, #tpu.memory_space<vmem>>) target_semaphore(%arg18 : memref<!tpu.dma_semaphore, #tpu.memory_space<semaphore_mem>>)
    %lt3A = arith.constant 4 : i32
    %lt3A_44 = arith.cmpi slt, %add3A, %lt3A : i32
    %convert_element_type3A = arith.extui %lt3A_44 : i1 to i32
    %cond3A = arith.constant 0 : i32
    %cond3A_45 = arith.cmpi ne, %convert_element_type3A, %cond3A : i32
    scf.if %cond3A_45 {
      %add3A_130 = arith.constant 2496 : i32
      %add3A_131 = arith.addi %add3A_130, %add3A : i32
      "tpu.region"() ({
        %run_scoped3A = tpu.sem_alloc : memref<!tpu.dma_semaphore, #tpu.memory_space<semaphore_mem>>
        %dma_start3A_136 = arith.constant 78 : i32
        %dma_start3A_137 = arith.constant 0 : i32
        %dma_start3A_138 = tpu.memref_slice %arg9[%dma_start3A_136, %dma_start3A_137] : memref<79x128xi32, #tpu.memory_space<vmem>> -> memref<1x128xi32, #tpu.memory_space<vmem>>
        %dma_start3A_139 = arith.constant 0 : i32
        %dma_start3A_140 = tpu.memref_slice %arg3[%add3A_131, %dma_start3A_139] : memref<2500x128xi32, #tpu.memory_space<hbm>> -> memref<1x128xi32, #tpu.memory_space<hbm>>
        %dma_start3A_141 = arith.constant 78 : i32
        %dma_start3A_142 = arith.constant 0 : i32
        %dma_start3A_143 = tpu.memref_slice %arg9[%dma_start3A_141, %dma_start3A_142] : memref<79x128xi32, #tpu.memory_space<vmem>> -> memref<1x128xi32, #tpu.memory_space<vmem>>
        %dma_start3A_144 = arith.constant 0 : i32
        %dma_start3A_145 = tpu.memref_slice %arg3[%add3A_131, %dma_start3A_144] : memref<2500x128xi32, #tpu.memory_space<hbm>> -> memref<1x128xi32, #tpu.memory_space<hbm>>
        tpu.enqueue_dma source(%dma_start3A_145 : memref<1x128xi32, #tpu.memory_space<hbm>>) target(%dma_start3A_143 : memref<1x128xi32, #tpu.memory_space<vmem>>) target_semaphore(%run_scoped3A : memref<!tpu.dma_semaphore, #tpu.memory_space<semaphore_mem>>)
        %dma_wait3A_146 = arith.constant 78 : i32
        %dma_wait3A_147 = arith.constant 0 : i32
        %dma_wait3A_148 = tpu.memref_slice %arg9[%dma_wait3A_146, %dma_wait3A_147] : memref<79x128xi32, #tpu.memory_space<vmem>> -> memref<1x128xi32, #tpu.memory_space<vmem>>
        %dma_wait3A_149 = arith.constant 0 : i32
        %dma_wait3A_150 = tpu.memref_slice %arg3[%add3A_131, %dma_wait3A_149] : memref<2500x128xi32, #tpu.memory_space<hbm>> -> memref<1x128xi32, #tpu.memory_space<hbm>>
        %dma_wait3A_151 = arith.constant 78 : i32
        %dma_wait3A_152 = arith.constant 0 : i32
        %dma_wait3A_153 = tpu.memref_slice %arg9[%dma_wait3A_151, %dma_wait3A_152] : memref<79x128xi32, #tpu.memory_space<vmem>> -> memref<1x128xi32, #tpu.memory_space<vmem>>
        %dma_wait3A_154 = arith.constant 0 : i32
        %dma_wait3A_155 = tpu.memref_slice %arg3[%add3A_131, %dma_wait3A_154] : memref<2500x128xi32, #tpu.memory_space<hbm>> -> memref<1x128xi32, #tpu.memory_space<hbm>>
        tpu.wait_dma2 semaphore(%run_scoped3A : memref<!tpu.dma_semaphore, #tpu.memory_space<semaphore_mem>>) src(%dma_wait3A_155 : memref<1x128xi32, #tpu.memory_space<hbm>>) dst(%dma_wait3A_153 : memref<1x128xi32, #tpu.memory_space<vmem>>)
        tpu.yield
      }) : () -> ()
      %add3A_132 = arith.constant 2496 : i32
      %add3A_133 = arith.addi %add3A_132, %add3A : i32
      "tpu.region"() ({
        %run_scoped3A = tpu.sem_alloc : memref<!tpu.dma_semaphore, #tpu.memory_space<semaphore_mem>>
        %dma_start3A_136 = arith.constant 78 : i32
        %dma_start3A_137 = arith.constant 0 : i32
        %dma_start3A_138 = tpu.memref_slice %arg10[%dma_start3A_136, %dma_start3A_137] : memref<79x128xi32, #tpu.memory_space<vmem>> -> memref<1x128xi32, #tpu.memory_space<vmem>>
        %dma_start3A_139 = arith.constant 0 : i32
        %dma_start3A_140 = tpu.memref_slice %arg4[%add3A_133, %dma_start3A_139] : memref<2500x128xi32, #tpu.memory_space<hbm>> -> memref<1x128xi32, #tpu.memory_space<hbm>>
        %dma_start3A_141 = arith.constant 78 : i32
        %dma_start3A_142 = arith.constant 0 : i32
        %dma_start3A_143 = tpu.memref_slice %arg10[%dma_start3A_141, %dma_start3A_142] : memref<79x128xi32, #tpu.memory_space<vmem>> -> memref<1x128xi32, #tpu.memory_space<vmem>>
        %dma_start3A_144 = arith.constant 0 : i32
        %dma_start3A_145 = tpu.memref_slice %arg4[%add3A_133, %dma_start3A_144] : memref<2500x128xi32, #tpu.memory_space<hbm>> -> memref<1x128xi32, #tpu.memory_space<hbm>>
        tpu.enqueue_dma source(%dma_start3A_145 : memref<1x128xi32, #tpu.memory_space<hbm>>) target(%dma_start3A_143 : memref<1x128xi32, #tpu.memory_space<vmem>>) target_semaphore(%run_scoped3A : memref<!tpu.dma_semaphore, #tpu.memory_space<semaphore_mem>>)
        %dma_wait3A_146 = arith.constant 78 : i32
        %dma_wait3A_147 = arith.constant 0 : i32
        %dma_wait3A_148 = tpu.memref_slice %arg10[%dma_wait3A_146, %dma_wait3A_147] : memref<79x128xi32, #tpu.memory_space<vmem>> -> memref<1x128xi32, #tpu.memory_space<vmem>>
        %dma_wait3A_149 = arith.constant 0 : i32
        %dma_wait3A_150 = tpu.memref_slice %arg4[%add3A_133, %dma_wait3A_149] : memref<2500x128xi32, #tpu.memory_space<hbm>> -> memref<1x128xi32, #tpu.memory_space<hbm>>
        %dma_wait3A_151 = arith.constant 78 : i32
        %dma_wait3A_152 = arith.constant 0 : i32
        %dma_wait3A_153 = tpu.memref_slice %arg10[%dma_wait3A_151, %dma_wait3A_152] : memref<79x128xi32, #tpu.memory_space<vmem>> -> memref<1x128xi32, #tpu.memory_space<vmem>>
        %dma_wait3A_154 = arith.constant 0 : i32
        %dma_wait3A_155 = tpu.memref_slice %arg4[%add3A_133, %dma_wait3A_154] : memref<2500x128xi32, #tpu.memory_space<hbm>> -> memref<1x128xi32, #tpu.memory_space<hbm>>
        tpu.wait_dma2 semaphore(%run_scoped3A : memref<!tpu.dma_semaphore, #tpu.memory_space<semaphore_mem>>) src(%dma_wait3A_155 : memref<1x128xi32, #tpu.memory_space<hbm>>) dst(%dma_wait3A_153 : memref<1x128xi32, #tpu.memory_space<vmem>>)
        tpu.yield
      }) : () -> ()
      %add3A_134 = arith.constant 2496 : i32
      %add3A_135 = arith.addi %add3A_134, %add3A : i32
      "tpu.region"() ({
        %run_scoped3A = tpu.sem_alloc : memref<!tpu.dma_semaphore, #tpu.memory_space<semaphore_mem>>
        %dma_start3A_136 = arith.constant 78 : i32
        %dma_start3A_137 = arith.constant 0 : i32
        %dma_start3A_138 = tpu.memref_slice %arg11[%dma_start3A_136, %dma_start3A_137] : memref<79x128xf32, #tpu.memory_space<vmem>> -> memref<1x128xf32, #tpu.memory_space<vmem>>
        %dma_start3A_139 = arith.constant 0 : i32
        %dma_start3A_140 = tpu.memref_slice %arg5[%add3A_135, %dma_start3A_139] : memref<2500x128xf32, #tpu.memory_space<hbm>> -> memref<1x128xf32, #tpu.memory_space<hbm>>
        %dma_start3A_141 = arith.constant 78 : i32
        %dma_start3A_142 = arith.constant 0 : i32
        %dma_start3A_143 = tpu.memref_slice %arg11[%dma_start3A_141, %dma_start3A_142] : memref<79x128xf32, #tpu.memory_space<vmem>> -> memref<1x128xf32, #tpu.memory_space<vmem>>
        %dma_start3A_144 = arith.constant 0 : i32
        %dma_start3A_145 = tpu.memref_slice %arg5[%add3A_135, %dma_start3A_144] : memref<2500x128xf32, #tpu.memory_space<hbm>> -> memref<1x128xf32, #tpu.memory_space<hbm>>
        tpu.enqueue_dma source(%dma_start3A_145 : memref<1x128xf32, #tpu.memory_space<hbm>>) target(%dma_start3A_143 : memref<1x128xf32, #tpu.memory_space<vmem>>) target_semaphore(%run_scoped3A : memref<!tpu.dma_semaphore, #tpu.memory_space<semaphore_mem>>)
        %dma_wait3A_146 = arith.constant 78 : i32
        %dma_wait3A_147 = arith.constant 0 : i32
        %dma_wait3A_148 = tpu.memref_slice %arg11[%dma_wait3A_146, %dma_wait3A_147] : memref<79x128xf32, #tpu.memory_space<vmem>> -> memref<1x128xf32, #tpu.memory_space<vmem>>
        %dma_wait3A_149 = arith.constant 0 : i32
        %dma_wait3A_150 = tpu.memref_slice %arg5[%add3A_135, %dma_wait3A_149] : memref<2500x128xf32, #tpu.memory_space<hbm>> -> memref<1x128xf32, #tpu.memory_space<hbm>>
        %dma_wait3A_151 = arith.constant 78 : i32
        %dma_wait3A_152 = arith.constant 0 : i32
        %dma_wait3A_153 = tpu.memref_slice %arg11[%dma_wait3A_151, %dma_wait3A_152] : memref<79x128xf32, #tpu.memory_space<vmem>> -> memref<1x128xf32, #tpu.memory_space<vmem>>
        %dma_wait3A_154 = arith.constant 0 : i32
        %dma_wait3A_155 = tpu.memref_slice %arg5[%add3A_135, %dma_wait3A_154] : memref<2500x128xf32, #tpu.memory_space<hbm>> -> memref<1x128xf32, #tpu.memory_space<hbm>>
        tpu.wait_dma2 semaphore(%run_scoped3A : memref<!tpu.dma_semaphore, #tpu.memory_space<semaphore_mem>>) src(%dma_wait3A_155 : memref<1x128xf32, #tpu.memory_space<hbm>>) dst(%dma_wait3A_153 : memref<1x128xf32, #tpu.memory_space<vmem>>)
        tpu.yield
      }) : () -> ()
    } else {
    }
    %broadcast_in_dim3A = arith.constant 0.000000e+00 : f32
    %broadcast_in_dim3A_46 = vector.broadcast %broadcast_in_dim3A : f32 to vector<16xf32>
    %scan3A = arith.constant 0 : i32
    %scan3A_47 = arith.constant 632 : i32
    %scan3A_48 = arith.addi %scan3A, %scan3A_47 : i32
    %scan3A_49 = arith.constant 1 : i32
    scf.for %scan3A_130 = %scan3A to %scan3A_48 step %scan3A_49  : i32 {
      %mul3A_131 = arith.constant 1 : i32
      %mul3A_132 = arith.muli %scan3A_130, %mul3A_131 : i32
      %add3A_133 = arith.constant 0 : i32
      %add3A_134 = arith.addi %add3A_133, %mul3A_132 : i32
      %swap3A = arith.index_cast %add3A_134 : i32 to index
      %swap3A_135 = arith.constant 0 : index
      %swap3A_136 = tpu.vector_load %arg14[%swap3A, %swap3A_135] {strides = array<i32>} : memref<632x32xf32, #tpu.memory_space<vmem>>, vector<1x16xf32>,
      %swap3A_137 = vector.shape_cast %swap3A_136 : vector<1x16xf32> to vector<16xf32>
      %swap3A_138 = vector.shape_cast %broadcast_in_dim3A_46 : vector<16xf32> to vector<1x16xf32>
      tpu.vector_store %arg14[%swap3A, %swap3A_135], %swap3A_138 {strides = array<i32>} : memref<632x32xf32, #tpu.memory_space<vmem>>, vector<1x16xf32>,
      %swap3A_139 = arith.index_cast %add3A_134 : i32 to index
      %swap3A_140 = arith.constant 16 : index
      %swap3A_141 = tpu.vector_load %arg14[%swap3A_139, %swap3A_140] {strides = array<i32>} : memref<632x32xf32, #tpu.memory_space<vmem>>, vector<1x16xf32>,
      %swap3A_142 = vector.shape_cast %swap3A_141 : vector<1x16xf32> to vector<16xf32>
      %swap3A_143 = vector.shape_cast %broadcast_in_dim3A_46 : vector<16xf32> to vector<1x16xf32>
      tpu.vector_store %arg14[%swap3A_139, %swap3A_140], %swap3A_143 {strides = array<i32>} : memref<632x32xf32, #tpu.memory_space<vmem>>, vector<1x16xf32>,
    }
    %scan3A_50 = arith.constant 632 : i32
    %mul3A_51 = arith.constant 632 : i32
    %mul3A_52 = arith.muli %arg1, %mul3A_51 : i32
    "tpu.region"() ({
      %run_scoped3A = tpu.sem_alloc : memref<!tpu.dma_semaphore, #tpu.memory_space<semaphore_mem>>
      %dma_start3A_130 = arith.constant 0 : i32
      %dma_start3A_131 = tpu.memref_slice %arg7[%mul3A_52, %dma_start3A_130] : memref<10112x32xf32, #tpu.memory_space<vmem_shared>> -> memref<632x32xf32, #tpu.memory_space<vmem_shared>>
      %dma_start3A_132 = arith.constant 0 : i32
      %dma_start3A_133 = tpu.memref_slice %arg7[%mul3A_52, %dma_start3A_132] : memref<10112x32xf32, #tpu.memory_space<vmem_shared>> -> memref<632x32xf32, #tpu.memory_space<vmem_shared>>
      tpu.enqueue_dma source(%arg14 : memref<632x32xf32, #tpu.memory_space<vmem>>) target(%dma_start3A_133 : memref<632x32xf32, #tpu.memory_space<vmem_shared>>) target_semaphore(%run_scoped3A : memref<!tpu.dma_semaphore, #tpu.memory_space<semaphore_mem>>)
      %dma_wait3A_134 = arith.constant 0 : i32
      %dma_wait3A_135 = tpu.memref_slice %arg7[%mul3A_52, %dma_wait3A_134] : memref<10112x32xf32, #tpu.memory_space<vmem_shared>> -> memref<632x32xf32, #tpu.memory_space<vmem_shared>>
      %dma_wait3A_136 = arith.constant 0 : i32
      %dma_wait3A_137 = tpu.memref_slice %arg7[%mul3A_52, %dma_wait3A_136] : memref<10112x32xf32, #tpu.memory_space<vmem_shared>> -> memref<632x32xf32, #tpu.memory_space<vmem_shared>>
      tpu.wait_dma2 semaphore(%run_scoped3A : memref<!tpu.dma_semaphore, #tpu.memory_space<semaphore_mem>>) src(%arg14 : memref<632x32xf32, #tpu.memory_space<vmem>>) dst(%dma_wait3A_137 : memref<632x32xf32, #tpu.memory_space<vmem_shared>>)
      tpu.yield
    }) : () -> ()
    %dma_wait3A = arith.constant 0 : i32
    %dma_wait3A_53 = arith.constant 0 : i32
    %dma_wait3A_54 = tpu.memref_slice %arg9[%dma_wait3A, %dma_wait3A_53] : memref<79x128xi32, #tpu.memory_space<vmem>> -> memref<78x128xi32, #tpu.memory_space<vmem>>
    %dma_wait3A_55 = arith.constant 0 : i32
    %dma_wait3A_56 = arith.constant 0 : i32
    %dma_wait3A_57 = tpu.memref_slice %arg3[%dma_wait3A_55, %dma_wait3A_56] : memref<2500x128xi32, #tpu.memory_space<hbm>> -> memref<78x128xi32, #tpu.memory_space<hbm>>
    %dma_wait3A_58 = arith.constant 0 : i32
    %dma_wait3A_59 = arith.constant 0 : i32
    %dma_wait3A_60 = tpu.memref_slice %arg9[%dma_wait3A_58, %dma_wait3A_59] : memref<79x128xi32, #tpu.memory_space<vmem>> -> memref<78x128xi32, #tpu.memory_space<vmem>>
    %dma_wait3A_61 = arith.constant 0 : i32
    %dma_wait3A_62 = arith.constant 0 : i32
    %dma_wait3A_63 = tpu.memref_slice %arg3[%dma_wait3A_61, %dma_wait3A_62] : memref<2500x128xi32, #tpu.memory_space<hbm>> -> memref<78x128xi32, #tpu.memory_space<hbm>>
    tpu.wait_dma2 semaphore(%arg16 : memref<!tpu.dma_semaphore, #tpu.memory_space<semaphore_mem>>) src(%dma_wait3A_63 : memref<78x128xi32, #tpu.memory_space<hbm>>) dst(%dma_wait3A_60 : memref<78x128xi32, #tpu.memory_space<vmem>>)
    %dma_wait3A_64 = arith.constant 0 : i32
    %dma_wait3A_65 = arith.constant 0 : i32
    %dma_wait3A_66 = tpu.memref_slice %arg10[%dma_wait3A_64, %dma_wait3A_65] : memref<79x128xi32, #tpu.memory_space<vmem>> -> memref<78x128xi32, #tpu.memory_space<vmem>>
    %dma_wait3A_67 = arith.constant 0 : i32
    %dma_wait3A_68 = arith.constant 0 : i32
    %dma_wait3A_69 = tpu.memref_slice %arg4[%dma_wait3A_67, %dma_wait3A_68] : memref<2500x128xi32, #tpu.memory_space<hbm>> -> memref<78x128xi32, #tpu.memory_space<hbm>>
    %dma_wait3A_70 = arith.constant 0 : i32
    %dma_wait3A_71 = arith.constant 0 : i32
    %dma_wait3A_72 = tpu.memref_slice %arg10[%dma_wait3A_70, %dma_wait3A_71] : memref<79x128xi32, #tpu.memory_space<vmem>> -> memref<78x128xi32, #tpu.memory_space<vmem>>
    %dma_wait3A_73 = arith.constant 0 : i32
    %dma_wait3A_74 = arith.constant 0 : i32
    %dma_wait3A_75 = tpu.memref_slice %arg4[%dma_wait3A_73, %dma_wait3A_74] : memref<2500x128xi32, #tpu.memory_space<hbm>> -> memref<78x128xi32, #tpu.memory_space<hbm>>
    tpu.wait_dma2 semaphore(%arg17 : memref<!tpu.dma_semaphore, #tpu.memory_space<semaphore_mem>>) src(%dma_wait3A_75 : memref<78x128xi32, #tpu.memory_space<hbm>>) dst(%dma_wait3A_72 : memref<78x128xi32, #tpu.memory_space<vmem>>)
    %dma_wait3A_76 = arith.constant 0 : i32
    %dma_wait3A_77 = arith.constant 0 : i32
    %dma_wait3A_78 = tpu.memref_slice %arg11[%dma_wait3A_76, %dma_wait3A_77] : memref<79x128xf32, #tpu.memory_space<vmem>> -> memref<78x128xf32, #tpu.memory_space<vmem>>
    %dma_wait3A_79 = arith.constant 0 : i32
    %dma_wait3A_80 = arith.constant 0 : i32
    %dma_wait3A_81 = tpu.memref_slice %arg5[%dma_wait3A_79, %dma_wait3A_80] : memref<2500x128xf32, #tpu.memory_space<hbm>> -> memref<78x128xf32, #tpu.memory_space<hbm>>
    %dma_wait3A_82 = arith.constant 0 : i32
    %dma_wait3A_83 = arith.constant 0 : i32
    %dma_wait3A_84 = tpu.memref_slice %arg11[%dma_wait3A_82, %dma_wait3A_83] : memref<79x128xf32, #tpu.memory_space<vmem>> -> memref<78x128xf32, #tpu.memory_space<vmem>>
    %dma_wait3A_85 = arith.constant 0 : i32
    %dma_wait3A_86 = arith.constant 0 : i32
    %dma_wait3A_87 = tpu.memref_slice %arg5[%dma_wait3A_85, %dma_wait3A_86] : memref<2500x128xf32, #tpu.memory_space<hbm>> -> memref<78x128xf32, #tpu.memory_space<hbm>>
    tpu.wait_dma2 semaphore(%arg18 : memref<!tpu.dma_semaphore, #tpu.memory_space<semaphore_mem>>) src(%dma_wait3A_87 : memref<78x128xf32, #tpu.memory_space<hbm>>) dst(%dma_wait3A_84 : memref<78x128xf32, #tpu.memory_space<vmem>>)
    %dma_wait3A_88 = arith.constant 0 : i32
    %dma_wait3A_89 = arith.constant 0 : i32
    %dma_wait3A_90 = tpu.memref_slice %arg8[%dma_wait3A_88, %dma_wait3A_89] : memref<10000x32xf32, #tpu.memory_space<vmem_shared>> -> memref<625x32xf32, #tpu.memory_space<vmem_shared>>
    %dma_wait3A_91 = arith.constant 0 : i32
    %dma_wait3A_92 = arith.constant 0 : i32
    %dma_wait3A_93 = tpu.memref_slice %arg2[%dma_wait3A_91, %dma_wait3A_92] : memref<10000x32xf32, #tpu.memory_space<hbm>> -> memref<625x32xf32, #tpu.memory_space<hbm>>
    tpu.wait_dma2 semaphore(%arg15 : memref<!tpu.dma_semaphore, #tpu.memory_space<semaphore_mem>>) src(%dma_wait3A_93 : memref<625x32xf32, #tpu.memory_space<hbm>>) dst(%dma_wait3A_90 : memref<625x32xf32, #tpu.memory_space<vmem_shared>>)
    %barrier3A = arith.constant 0 : index
    tpu.barrier barrier_id(%barrier3A)
    %dma_start3A_94 = arith.constant 0 : i32
    %dma_start3A_95 = arith.constant 0 : i32
    %dma_start3A_96 = tpu.memref_slice %arg9[%dma_start3A_94, %dma_start3A_95] : memref<79x128xi32, #tpu.memory_space<vmem>> -> memref<1x128xi32, #tpu.memory_space<vmem>>
    %dma_start3A_97 = tpu.memref_squeeze %dma_start3A_96 : memref<1x128xi32, #tpu.memory_space<vmem>> -> memref<128xi32, #tpu.memory_space<vmem>>
    %dma_start3A_98 = arith.constant 0 : i32
    %dma_start3A_99 = arith.constant 0 : i32
    %dma_start3A_100 = tpu.memref_slice %arg8[%dma_start3A_98, %dma_start3A_99] : memref<10000x32xf32, #tpu.memory_space<vmem_shared>> -> memref<10000x32xf32, #tpu.memory_space<vmem_shared>>
    tpu.enqueue_indirect_dma source(%dma_start3A_100 : memref<10000x32xf32, #tpu.memory_space<vmem_shared>>) target(%arg12 : memref<128x32xf32, #tpu.memory_space<vmem>>) offsets(%dma_start3A_97 : memref<128xi32, #tpu.memory_space<vmem>>) semaphore(%arg15 : memref<!tpu.dma_semaphore, #tpu.memory_space<semaphore_mem>>)
    %scan3A_101 = arith.constant 0 : i32
    %scan3A_102 = arith.constant 39 : i32
    %scan3A_103 = arith.addi %scan3A_101, %scan3A_102 : i32
    %scan3A_104 = arith.constant 1 : i32
    scf.for %scan3A_130 = %scan3A_101 to %scan3A_103 step %scan3A_104  : i32 {
      %mul3A_131 = arith.constant 2 : i32
      %mul3A_132 = arith.muli %scan3A_130, %mul3A_131 : i32
      %add3A_133 = arith.constant 0 : i32
      %add3A_134 = arith.addi %add3A_133, %mul3A_132 : i32
      %gt3A = arith.constant 0 : i32
      %gt3A_135 = arith.cmpi sgt, %add3A_134, %gt3A : i32
      %convert_element_type3A_136 = arith.extui %gt3A_135 : i1 to i32
      %cond3A_137 = arith.constant 0 : i32
      %cond3A_138 = arith.cmpi ne, %convert_element_type3A_136, %cond3A_137 : i32
      scf.if %cond3A_138 {
        %sub3A = arith.constant 1 : i32
        %sub3A_194 = arith.subi %add3A_134, %sub3A : i32
        %dma_wait3A_195 = arith.constant 0 : i32
        %dma_wait3A_196 = tpu.memref_slice %arg10[%sub3A_194, %dma_wait3A_195] : memref<79x128xi32, #tpu.memory_space<vmem>> -> memref<1x128xi32, #tpu.memory_space<vmem>>
        %dma_wait3A_197 = tpu.memref_squeeze %dma_wait3A_196 : memref<1x128xi32, #tpu.memory_space<vmem>> -> memref<128xi32, #tpu.memory_space<vmem>>
        %dma_wait3A_198 = arith.constant 0 : i32
        %dma_wait3A_199 = arith.constant 0 : i32
        %dma_wait3A_200 = tpu.memref_slice %arg7[%dma_wait3A_198, %dma_wait3A_199] : memref<10112x32xf32, #tpu.memory_space<vmem_shared>> -> memref<10112x32xf32, #tpu.memory_space<vmem_shared>>
        tpu.wait_indirect_dma semaphore(%arg18 : memref<!tpu.dma_semaphore, #tpu.memory_space<semaphore_mem>>) src(%arg13 : memref<128x32xf32, #tpu.memory_space<vmem>>) dst(%dma_wait3A_200 : memref<10112x32xf32, #tpu.memory_space<vmem_shared>>)
      } else {
      }
      %add3A_139 = arith.constant 1 : i32
      %add3A_140 = arith.addi %add3A_134, %add3A_139 : i32
      %dma_start3A_141 = arith.constant 0 : i32
      %dma_start3A_142 = tpu.memref_slice %arg9[%add3A_140, %dma_start3A_141] : memref<79x128xi32, #tpu.memory_space<vmem>> -> memref<1x128xi32, #tpu.memory_space<vmem>>
      %dma_start3A_143 = tpu.memref_squeeze %dma_start3A_142 : memref<1x128xi32, #tpu.memory_space<vmem>> -> memref<128xi32, #tpu.memory_space<vmem>>
      %dma_start3A_144 = arith.constant 0 : i32
      %dma_start3A_145 = arith.constant 0 : i32
      %dma_start3A_146 = tpu.memref_slice %arg8[%dma_start3A_144, %dma_start3A_145] : memref<10000x32xf32, #tpu.memory_space<vmem_shared>> -> memref<10000x32xf32, #tpu.memory_space<vmem_shared>>
      tpu.enqueue_indirect_dma source(%dma_start3A_146 : memref<10000x32xf32, #tpu.memory_space<vmem_shared>>) target(%arg13 : memref<128x32xf32, #tpu.memory_space<vmem>>) offsets(%dma_start3A_143 : memref<128xi32, #tpu.memory_space<vmem>>) semaphore(%arg16 : memref<!tpu.dma_semaphore, #tpu.memory_space<semaphore_mem>>)
      %dma_wait3A_147 = arith.constant 0 : i32
      %dma_wait3A_148 = tpu.memref_slice %arg9[%add3A_134, %dma_wait3A_147] : memref<79x128xi32, #tpu.memory_space<vmem>> -> memref<1x128xi32, #tpu.memory_space<vmem>>
      %dma_wait3A_149 = tpu.memref_squeeze %dma_wait3A_148 : memref<1x128xi32, #tpu.memory_space<vmem>> -> memref<128xi32, #tpu.memory_space<vmem>>
      %dma_wait3A_150 = arith.constant 0 : i32
      %dma_wait3A_151 = arith.constant 0 : i32
      %dma_wait3A_152 = tpu.memref_slice %arg8[%dma_wait3A_150, %dma_wait3A_151] : memref<10000x32xf32, #tpu.memory_space<vmem_shared>> -> memref<10000x32xf32, #tpu.memory_space<vmem_shared>>
      tpu.wait_indirect_dma semaphore(%arg15 : memref<!tpu.dma_semaphore, #tpu.memory_space<semaphore_mem>>) src(%dma_wait3A_152 : memref<10000x32xf32, #tpu.memory_space<vmem_shared>>) dst(%arg12 : memref<128x32xf32, #tpu.memory_space<vmem>>)
      %scan3A_153 = arith.constant 0 : i32
      %scan3A_154 = arith.constant 8 : i32
      %scan3A_155 = arith.addi %scan3A_153, %scan3A_154 : i32
      %scan3A_156 = arith.constant 1 : i32
      scf.for %scan3A_194 = %scan3A_153 to %scan3A_155 step %scan3A_156  : i32 {
        %mul3A_195 = arith.constant 16 : i32
        %mul3A_196 = arith.muli %scan3A_194, %mul3A_195 : i32
        %add3A_197 = arith.constant 0 : i32
        %add3A_198 = arith.addi %add3A_197, %mul3A_196 : i32
        %get3A = arith.index_cast %add3A_134 : i32 to index
        %get3A_199 = arith.index_cast %add3A_198 : i32 to index
        %get3A_200 = tpu.vector_load %arg11[%get3A, %get3A_199] {strides = array<i32>} : memref<79x128xf32, #tpu.memory_space<vmem>>, vector<1x16xf32>,
        %get3A_201 = vector.shape_cast %get3A_200 : vector<1x16xf32> to vector<16xf32>
        %slice3A = vector.extract_strided_slice %get3A_201 {offsets = [0], sizes = [1], strides = [1]} : vector<16xf32> to vector<1xf32>
        %squeeze3A = vector.extract %slice3A[0] : f32 from vector<1xf32>
        %add3A_202 = arith.constant 0 : i32
        %add3A_203 = arith.addi %add3A_198, %add3A_202 : i32
        %get3A_204 = arith.index_cast %add3A_203 : i32 to index
        %get3A_205 = arith.constant 0 : index
        %get3A_206 = tpu.vector_load %arg12[%get3A_204, %get3A_205] {strides = array<i32>} : memref<128x32xf32, #tpu.memory_space<vmem>>, vector<1x16xf32>,
        %get3A_207 = vector.shape_cast %get3A_206 : vector<1x16xf32> to vector<16xf32>
        %mul3A_208 = vector.broadcast %squeeze3A : f32 to vector<16xf32>
        %mul3A_209 = arith.mulf %get3A_207, %mul3A_208 : vector<16xf32>
        %add3A_210 = arith.constant 0 : i32
        %add3A_211 = arith.addi %add3A_198, %add3A_210 : i32
        %swap3A = arith.index_cast %add3A_211 : i32 to index
        %swap3A_212 = arith.constant 0 : index
        %swap3A_213 = tpu.vector_load %arg12[%swap3A, %swap3A_212] {strides = array<i32>} : memref<128x32xf32, #tpu.memory_space<vmem>>, vector<1x16xf32>,
        %swap3A_214 = vector.shape_cast %swap3A_213 : vector<1x16xf32> to vector<16xf32>
        %swap3A_215 = vector.shape_cast %mul3A_209 : vector<16xf32> to vector<1x16xf32>
        tpu.vector_store %arg12[%swap3A, %swap3A_212], %swap3A_215 {strides = array<i32>} : memref<128x32xf32, #tpu.memory_space<vmem>>, vector<1x16xf32>,
        %add3A_216 = arith.constant 0 : i32
        %add3A_217 = arith.addi %add3A_198, %add3A_216 : i32
        %get3A_218 = arith.index_cast %add3A_217 : i32 to index
        %get3A_219 = arith.constant 16 : index
        %get3A_220 = tpu.vector_load %arg12[%get3A_218, %get3A_219] {strides = array<i32>} : memref<128x32xf32, #tpu.memory_space<vmem>>, vector<1x16xf32>,
        %get3A_221 = vector.shape_cast %get3A_220 : vector<1x16xf32> to vector<16xf32>
        %mul3A_222 = vector.broadcast %squeeze3A : f32 to vector<16xf32>
        %mul3A_223 = arith.mulf %get3A_221, %mul3A_222 : vector<16xf32>
        %add3A_224 = arith.constant 0 : i32
        %add3A_225 = arith.addi %add3A_198, %add3A_224 : i32
        %swap3A_226 = arith.index_cast %add3A_225 : i32 to index
        %swap3A_227 = arith.constant 16 : index
        %swap3A_228 = tpu.vector_load %arg12[%swap3A_226, %swap3A_227] {strides = array<i32>} : memref<128x32xf32, #tpu.memory_space<vmem>>, vector<1x16xf32>,
        %swap3A_229 = vector.shape_cast %swap3A_228 : vector<1x16xf32> to vector<16xf32>
        %swap3A_230 = vector.shape_cast %mul3A_223 : vector<16xf32> to vector<1x16xf32>
        tpu.vector_store %arg12[%swap3A_226, %swap3A_227], %swap3A_230 {strides = array<i32>} : memref<128x32xf32, #tpu.memory_space<vmem>>, vector<1x16xf32>,
        %slice3A_231 = vector.extract_strided_slice %get3A_201 {offsets = [1], sizes = [1], strides = [1]} : vector<16xf32> to vector<1xf32>
        %squeeze3A_232 = vector.extract %slice3A_231[0] : f32 from vector<1xf32>
        %add3A_233 = arith.constant 1 : i32
        %add3A_234 = arith.addi %add3A_198, %add3A_233 : i32
        %get3A_235 = arith.index_cast %add3A_234 : i32 to index
        %get3A_236 = arith.constant 0 : index
        %get3A_237 = tpu.vector_load %arg12[%get3A_235, %get3A_236] {strides = array<i32>} : memref<128x32xf32, #tpu.memory_space<vmem>>, vector<1x16xf32>,
        %get3A_238 = vector.shape_cast %get3A_237 : vector<1x16xf32> to vector<16xf32>
        %mul3A_239 = vector.broadcast %squeeze3A_232 : f32 to vector<16xf32>
        %mul3A_240 = arith.mulf %get3A_238, %mul3A_239 : vector<16xf32>
        %add3A_241 = arith.constant 1 : i32
        %add3A_242 = arith.addi %add3A_198, %add3A_241 : i32
        %swap3A_243 = arith.index_cast %add3A_242 : i32 to index
        %swap3A_244 = arith.constant 0 : index
        %swap3A_245 = tpu.vector_load %arg12[%swap3A_243, %swap3A_244] {strides = array<i32>} : memref<128x32xf32, #tpu.memory_space<vmem>>, vector<1x16xf32>,
        %swap3A_246 = vector.shape_cast %swap3A_245 : vector<1x16xf32> to vector<16xf32>
        %swap3A_247 = vector.shape_cast %mul3A_240 : vector<16xf32> to vector<1x16xf32>
        tpu.vector_store %arg12[%swap3A_243, %swap3A_244], %swap3A_247 {strides = array<i32>} : memref<128x32xf32, #tpu.memory_space<vmem>>, vector<1x16xf32>,
        %add3A_248 = arith.constant 1 : i32
        %add3A_249 = arith.addi %add3A_198, %add3A_248 : i32
        %get3A_250 = arith.index_cast %add3A_249 : i32 to index
        %get3A_251 = arith.constant 16 : index
        %get3A_252 = tpu.vector_load %arg12[%get3A_250, %get3A_251] {strides = array<i32>} : memref<128x32xf32, #tpu.memory_space<vmem>>, vector<1x16xf32>,
        %get3A_253 = vector.shape_cast %get3A_252 : vector<1x16xf32> to vector<16xf32>
        %mul3A_254 = vector.broadcast %squeeze3A_232 : f32 to vector<16xf32>
        %mul3A_255 = arith.mulf %get3A_253, %mul3A_254 : vector<16xf32>
        %add3A_256 = arith.constant 1 : i32
        %add3A_257 = arith.addi %add3A_198, %add3A_256 : i32
        %swap3A_258 = arith.index_cast %add3A_257 : i32 to index
        %swap3A_259 = arith.constant 16 : index
        %swap3A_260 = tpu.vector_load %arg12[%swap3A_258, %swap3A_259] {strides = array<i32>} : memref<128x32xf32, #tpu.memory_space<vmem>>, vector<1x16xf32>,
        %swap3A_261 = vector.shape_cast %swap3A_260 : vector<1x16xf32> to vector<16xf32>
        %swap3A_262 = vector.shape_cast %mul3A_255 : vector<16xf32> to vector<1x16xf32>
        tpu.vector_store %arg12[%swap3A_258, %swap3A_259], %swap3A_262 {strides = array<i32>} : memref<128x32xf32, #tpu.memory_space<vmem>>, vector<1x16xf32>,
        %slice3A_263 = vector.extract_strided_slice %get3A_201 {offsets = [2], sizes = [1], strides = [1]} : vector<16xf32> to vector<1xf32>
        %squeeze3A_264 = vector.extract %slice3A_263[0] : f32 from vector<1xf32>
        %add3A_265 = arith.constant 2 : i32
        %add3A_266 = arith.addi %add3A_198, %add3A_265 : i32
        %get3A_267 = arith.index_cast %add3A_266 : i32 to index
        %get3A_268 = arith.constant 0 : index
        %get3A_269 = tpu.vector_load %arg12[%get3A_267, %get3A_268] {strides = array<i32>} : memref<128x32xf32, #tpu.memory_space<vmem>>, vector<1x16xf32>,
        %get3A_270 = vector.shape_cast %get3A_269 : vector<1x16xf32> to vector<16xf32>
        %mul3A_271 = vector.broadcast %squeeze3A_264 : f32 to vector<16xf32>
        %mul3A_272 = arith.mulf %get3A_270, %mul3A_271 : vector<16xf32>
        %add3A_273 = arith.constant 2 : i32
        %add3A_274 = arith.addi %add3A_198, %add3A_273 : i32
        %swap3A_275 = arith.index_cast %add3A_274 : i32 to index
        %swap3A_276 = arith.constant 0 : index
        %swap3A_277 = tpu.vector_load %arg12[%swap3A_275, %swap3A_276] {strides = array<i32>} : memref<128x32xf32, #tpu.memory_space<vmem>>, vector<1x16xf32>,
        %swap3A_278 = vector.shape_cast %swap3A_277 : vector<1x16xf32> to vector<16xf32>
        %swap3A_279 = vector.shape_cast %mul3A_272 : vector<16xf32> to vector<1x16xf32>
        tpu.vector_store %arg12[%swap3A_275, %swap3A_276], %swap3A_279 {strides = array<i32>} : memref<128x32xf32, #tpu.memory_space<vmem>>, vector<1x16xf32>,
        %add3A_280 = arith.constant 2 : i32
        %add3A_281 = arith.addi %add3A_198, %add3A_280 : i32
        %get3A_282 = arith.index_cast %add3A_281 : i32 to index
        %get3A_283 = arith.constant 16 : index
        %get3A_284 = tpu.vector_load %arg12[%get3A_282, %get3A_283] {strides = array<i32>} : memref<128x32xf32, #tpu.memory_space<vmem>>, vector<1x16xf32>,
        %get3A_285 = vector.shape_cast %get3A_284 : vector<1x16xf32> to vector<16xf32>
        %mul3A_286 = vector.broadcast %squeeze3A_264 : f32 to vector<16xf32>
        %mul3A_287 = arith.mulf %get3A_285, %mul3A_286 : vector<16xf32>
        %add3A_288 = arith.constant 2 : i32
        %add3A_289 = arith.addi %add3A_198, %add3A_288 : i32
        %swap3A_290 = arith.index_cast %add3A_289 : i32 to index
        %swap3A_291 = arith.constant 16 : index
        %swap3A_292 = tpu.vector_load %arg12[%swap3A_290, %swap3A_291] {strides = array<i32>} : memref<128x32xf32, #tpu.memory_space<vmem>>, vector<1x16xf32>,
        %swap3A_293 = vector.shape_cast %swap3A_292 : vector<1x16xf32> to vector<16xf32>
        %swap3A_294 = vector.shape_cast %mul3A_287 : vector<16xf32> to vector<1x16xf32>
        tpu.vector_store %arg12[%swap3A_290, %swap3A_291], %swap3A_294 {strides = array<i32>} : memref<128x32xf32, #tpu.memory_space<vmem>>, vector<1x16xf32>,
        %slice3A_295 = vector.extract_strided_slice %get3A_201 {offsets = [3], sizes = [1], strides = [1]} : vector<16xf32> to vector<1xf32>
        %squeeze3A_296 = vector.extract %slice3A_295[0] : f32 from vector<1xf32>
        %add3A_297 = arith.constant 3 : i32
        %add3A_298 = arith.addi %add3A_198, %add3A_297 : i32
        %get3A_299 = arith.index_cast %add3A_298 : i32 to index
        %get3A_300 = arith.constant 0 : index
        %get3A_301 = tpu.vector_load %arg12[%get3A_299, %get3A_300] {strides = array<i32>} : memref<128x32xf32, #tpu.memory_space<vmem>>, vector<1x16xf32>,
        %get3A_302 = vector.shape_cast %get3A_301 : vector<1x16xf32> to vector<16xf32>
        %mul3A_303 = vector.broadcast %squeeze3A_296 : f32 to vector<16xf32>
        %mul3A_304 = arith.mulf %get3A_302, %mul3A_303 : vector<16xf32>
        %add3A_305 = arith.constant 3 : i32
        %add3A_306 = arith.addi %add3A_198, %add3A_305 : i32
        %swap3A_307 = arith.index_cast %add3A_306 : i32 to index
        %swap3A_308 = arith.constant 0 : index
        %swap3A_309 = tpu.vector_load %arg12[%swap3A_307, %swap3A_308] {strides = array<i32>} : memref<128x32xf32, #tpu.memory_space<vmem>>, vector<1x16xf32>,
        %swap3A_310 = vector.shape_cast %swap3A_309 : vector<1x16xf32> to vector<16xf32>
        %swap3A_311 = vector.shape_cast %mul3A_304 : vector<16xf32> to vector<1x16xf32>
        tpu.vector_store %arg12[%swap3A_307, %swap3A_308], %swap3A_311 {strides = array<i32>} : memref<128x32xf32, #tpu.memory_space<vmem>>, vector<1x16xf32>,
        %add3A_312 = arith.constant 3 : i32
        %add3A_313 = arith.addi %add3A_198, %add3A_312 : i32
        %get3A_314 = arith.index_cast %add3A_313 : i32 to index
        %get3A_315 = arith.constant 16 : index
        %get3A_316 = tpu.vector_load %arg12[%get3A_314, %get3A_315] {strides = array<i32>} : memref<128x32xf32, #tpu.memory_space<vmem>>, vector<1x16xf32>,
        %get3A_317 = vector.shape_cast %get3A_316 : vector<1x16xf32> to vector<16xf32>
        %mul3A_318 = vector.broadcast %squeeze3A_296 : f32 to vector<16xf32>
        %mul3A_319 = arith.mulf %get3A_317, %mul3A_318 : vector<16xf32>
        %add3A_320 = arith.constant 3 : i32
        %add3A_321 = arith.addi %add3A_198, %add3A_320 : i32
        %swap3A_322 = arith.index_cast %add3A_321 : i32 to index
        %swap3A_323 = arith.constant 16 : index
        %swap3A_324 = tpu.vector_load %arg12[%swap3A_322, %swap3A_323] {strides = array<i32>} : memref<128x32xf32, #tpu.memory_space<vmem>>, vector<1x16xf32>,
        %swap3A_325 = vector.shape_cast %swap3A_324 : vector<1x16xf32> to vector<16xf32>
        %swap3A_326 = vector.shape_cast %mul3A_319 : vector<16xf32> to vector<1x16xf32>
        tpu.vector_store %arg12[%swap3A_322, %swap3A_323], %swap3A_326 {strides = array<i32>} : memref<128x32xf32, #tpu.memory_space<vmem>>, vector<1x16xf32>,
        %slice3A_327 = vector.extract_strided_slice %get3A_201 {offsets = [4], sizes = [1], strides = [1]} : vector<16xf32> to vector<1xf32>
        %squeeze3A_328 = vector.extract %slice3A_327[0] : f32 from vector<1xf32>
        %add3A_329 = arith.constant 4 : i32
        %add3A_330 = arith.addi %add3A_198, %add3A_329 : i32
        %get3A_331 = arith.index_cast %add3A_330 : i32 to index
        %get3A_332 = arith.constant 0 : index
        %get3A_333 = tpu.vector_load %arg12[%get3A_331, %get3A_332] {strides = array<i32>} : memref<128x32xf32, #tpu.memory_space<vmem>>, vector<1x16xf32>,
        %get3A_334 = vector.shape_cast %get3A_333 : vector<1x16xf32> to vector<16xf32>
        %mul3A_335 = vector.broadcast %squeeze3A_328 : f32 to vector<16xf32>
        %mul3A_336 = arith.mulf %get3A_334, %mul3A_335 : vector<16xf32>
        %add3A_337 = arith.constant 4 : i32
        %add3A_338 = arith.addi %add3A_198, %add3A_337 : i32
        %swap3A_339 = arith.index_cast %add3A_338 : i32 to index
        %swap3A_340 = arith.constant 0 : index
        %swap3A_341 = tpu.vector_load %arg12[%swap3A_339, %swap3A_340] {strides = array<i32>} : memref<128x32xf32, #tpu.memory_space<vmem>>, vector<1x16xf32>,
        %swap3A_342 = vector.shape_cast %swap3A_341 : vector<1x16xf32> to vector<16xf32>
        %swap3A_343 = vector.shape_cast %mul3A_336 : vector<16xf32> to vector<1x16xf32>
        tpu.vector_store %arg12[%swap3A_339, %swap3A_340], %swap3A_343 {strides = array<i32>} : memref<128x32xf32, #tpu.memory_space<vmem>>, vector<1x16xf32>,
        %add3A_344 = arith.constant 4 : i32
        %add3A_345 = arith.addi %add3A_198, %add3A_344 : i32
        %get3A_346 = arith.index_cast %add3A_345 : i32 to index
        %get3A_347 = arith.constant 16 : index
        %get3A_348 = tpu.vector_load %arg12[%get3A_346, %get3A_347] {strides = array<i32>} : memref<128x32xf32, #tpu.memory_space<vmem>>, vector<1x16xf32>,
        %get3A_349 = vector.shape_cast %get3A_348 : vector<1x16xf32> to vector<16xf32>
        %mul3A_350 = vector.broadcast %squeeze3A_328 : f32 to vector<16xf32>
        %mul3A_351 = arith.mulf %get3A_349, %mul3A_350 : vector<16xf32>
        %add3A_352 = arith.constant 4 : i32
        %add3A_353 = arith.addi %add3A_198, %add3A_352 : i32
        %swap3A_354 = arith.index_cast %add3A_353 : i32 to index
        %swap3A_355 = arith.constant 16 : index
        %swap3A_356 = tpu.vector_load %arg12[%swap3A_354, %swap3A_355] {strides = array<i32>} : memref<128x32xf32, #tpu.memory_space<vmem>>, vector<1x16xf32>,
        %swap3A_357 = vector.shape_cast %swap3A_356 : vector<1x16xf32> to vector<16xf32>
        %swap3A_358 = vector.shape_cast %mul3A_351 : vector<16xf32> to vector<1x16xf32>
        tpu.vector_store %arg12[%swap3A_354, %swap3A_355], %swap3A_358 {strides = array<i32>} : memref<128x32xf32, #tpu.memory_space<vmem>>, vector<1x16xf32>,
        %slice3A_359 = vector.extract_strided_slice %get3A_201 {offsets = [5], sizes = [1], strides = [1]} : vector<16xf32> to vector<1xf32>
        %squeeze3A_360 = vector.extract %slice3A_359[0] : f32 from vector<1xf32>
        %add3A_361 = arith.constant 5 : i32
        %add3A_362 = arith.addi %add3A_198, %add3A_361 : i32
        %get3A_363 = arith.index_cast %add3A_362 : i32 to index
        %get3A_364 = arith.constant 0 : index
        %get3A_365 = tpu.vector_load %arg12[%get3A_363, %get3A_364] {strides = array<i32>} : memref<128x32xf32, #tpu.memory_space<vmem>>, vector<1x16xf32>,
        %get3A_366 = vector.shape_cast %get3A_365 : vector<1x16xf32> to vector<16xf32>
        %mul3A_367 = vector.broadcast %squeeze3A_360 : f32 to vector<16xf32>
        %mul3A_368 = arith.mulf %get3A_366, %mul3A_367 : vector<16xf32>
        %add3A_369 = arith.constant 5 : i32
        %add3A_370 = arith.addi %add3A_198, %add3A_369 : i32
        %swap3A_371 = arith.index_cast %add3A_370 : i32 to index
        %swap3A_372 = arith.constant 0 : index
        %swap3A_373 = tpu.vector_load %arg12[%swap3A_371, %swap3A_372] {strides = array<i32>} : memref<128x32xf32, #tpu.memory_space<vmem>>, vector<1x16xf32>,
        %swap3A_374 = vector.shape_cast %swap3A_373 : vector<1x16xf32> to vector<16xf32>
        %swap3A_375 = vector.shape_cast %mul3A_368 : vector<16xf32> to vector<1x16xf32>
        tpu.vector_store %arg12[%swap3A_371, %swap3A_372], %swap3A_375 {strides = array<i32>} : memref<128x32xf32, #tpu.memory_space<vmem>>, vector<1x16xf32>,
        %add3A_376 = arith.constant 5 : i32
        %add3A_377 = arith.addi %add3A_198, %add3A_376 : i32
        %get3A_378 = arith.index_cast %add3A_377 : i32 to index
        %get3A_379 = arith.constant 16 : index
        %get3A_380 = tpu.vector_load %arg12[%get3A_378, %get3A_379] {strides = array<i32>} : memref<128x32xf32, #tpu.memory_space<vmem>>, vector<1x16xf32>,
        %get3A_381 = vector.shape_cast %get3A_380 : vector<1x16xf32> to vector<16xf32>
        %mul3A_382 = vector.broadcast %squeeze3A_360 : f32 to vector<16xf32>
        %mul3A_383 = arith.mulf %get3A_381, %mul3A_382 : vector<16xf32>
        %add3A_384 = arith.constant 5 : i32
        %add3A_385 = arith.addi %add3A_198, %add3A_384 : i32
        %swap3A_386 = arith.index_cast %add3A_385 : i32 to index
        %swap3A_387 = arith.constant 16 : index
        %swap3A_388 = tpu.vector_load %arg12[%swap3A_386, %swap3A_387] {strides = array<i32>} : memref<128x32xf32, #tpu.memory_space<vmem>>, vector<1x16xf32>,
        %swap3A_389 = vector.shape_cast %swap3A_388 : vector<1x16xf32> to vector<16xf32>
        %swap3A_390 = vector.shape_cast %mul3A_383 : vector<16xf32> to vector<1x16xf32>
        tpu.vector_store %arg12[%swap3A_386, %swap3A_387], %swap3A_390 {strides = array<i32>} : memref<128x32xf32, #tpu.memory_space<vmem>>, vector<1x16xf32>,
        %slice3A_391 = vector.extract_strided_slice %get3A_201 {offsets = [6], sizes = [1], strides = [1]} : vector<16xf32> to vector<1xf32>
        %squeeze3A_392 = vector.extract %slice3A_391[0] : f32 from vector<1xf32>
        %add3A_393 = arith.constant 6 : i32
        %add3A_394 = arith.addi %add3A_198, %add3A_393 : i32
        %get3A_395 = arith.index_cast %add3A_394 : i32 to index
        %get3A_396 = arith.constant 0 : index
        %get3A_397 = tpu.vector_load %arg12[%get3A_395, %get3A_396] {strides = array<i32>} : memref<128x32xf32, #tpu.memory_space<vmem>>, vector<1x16xf32>,
        %get3A_398 = vector.shape_cast %get3A_397 : vector<1x16xf32> to vector<16xf32>
        %mul3A_399 = vector.broadcast %squeeze3A_392 : f32 to vector<16xf32>
        %mul3A_400 = arith.mulf %get3A_398, %mul3A_399 : vector<16xf32>
        %add3A_401 = arith.constant 6 : i32
        %add3A_402 = arith.addi %add3A_198, %add3A_401 : i32
        %swap3A_403 = arith.index_cast %add3A_402 : i32 to index
        %swap3A_404 = arith.constant 0 : index
        %swap3A_405 = tpu.vector_load %arg12[%swap3A_403, %swap3A_404] {strides = array<i32>} : memref<128x32xf32, #tpu.memory_space<vmem>>, vector<1x16xf32>,
        %swap3A_406 = vector.shape_cast %swap3A_405 : vector<1x16xf32> to vector<16xf32>
        %swap3A_407 = vector.shape_cast %mul3A_400 : vector<16xf32> to vector<1x16xf32>
        tpu.vector_store %arg12[%swap3A_403, %swap3A_404], %swap3A_407 {strides = array<i32>} : memref<128x32xf32, #tpu.memory_space<vmem>>, vector<1x16xf32>,
        %add3A_408 = arith.constant 6 : i32
        %add3A_409 = arith.addi %add3A_198, %add3A_408 : i32
        %get3A_410 = arith.index_cast %add3A_409 : i32 to index
        %get3A_411 = arith.constant 16 : index
        %get3A_412 = tpu.vector_load %arg12[%get3A_410, %get3A_411] {strides = array<i32>} : memref<128x32xf32, #tpu.memory_space<vmem>>, vector<1x16xf32>,
        %get3A_413 = vector.shape_cast %get3A_412 : vector<1x16xf32> to vector<16xf32>
        %mul3A_414 = vector.broadcast %squeeze3A_392 : f32 to vector<16xf32>
        %mul3A_415 = arith.mulf %get3A_413, %mul3A_414 : vector<16xf32>
        %add3A_416 = arith.constant 6 : i32
        %add3A_417 = arith.addi %add3A_198, %add3A_416 : i32
        %swap3A_418 = arith.index_cast %add3A_417 : i32 to index
        %swap3A_419 = arith.constant 16 : index
        %swap3A_420 = tpu.vector_load %arg12[%swap3A_418, %swap3A_419] {strides = array<i32>} : memref<128x32xf32, #tpu.memory_space<vmem>>, vector<1x16xf32>,
        %swap3A_421 = vector.shape_cast %swap3A_420 : vector<1x16xf32> to vector<16xf32>
        %swap3A_422 = vector.shape_cast %mul3A_415 : vector<16xf32> to vector<1x16xf32>
        tpu.vector_store %arg12[%swap3A_418, %swap3A_419], %swap3A_422 {strides = array<i32>} : memref<128x32xf32, #tpu.memory_space<vmem>>, vector<1x16xf32>,
        %slice3A_423 = vector.extract_strided_slice %get3A_201 {offsets = [7], sizes = [1], strides = [1]} : vector<16xf32> to vector<1xf32>
        %squeeze3A_424 = vector.extract %slice3A_423[0] : f32 from vector<1xf32>
        %add3A_425 = arith.constant 7 : i32
        %add3A_426 = arith.addi %add3A_198, %add3A_425 : i32
        %get3A_427 = arith.index_cast %add3A_426 : i32 to index
        %get3A_428 = arith.constant 0 : index
        %get3A_429 = tpu.vector_load %arg12[%get3A_427, %get3A_428] {strides = array<i32>} : memref<128x32xf32, #tpu.memory_space<vmem>>, vector<1x16xf32>,
        %get3A_430 = vector.shape_cast %get3A_429 : vector<1x16xf32> to vector<16xf32>
        %mul3A_431 = vector.broadcast %squeeze3A_424 : f32 to vector<16xf32>
        %mul3A_432 = arith.mulf %get3A_430, %mul3A_431 : vector<16xf32>
        %add3A_433 = arith.constant 7 : i32
        %add3A_434 = arith.addi %add3A_198, %add3A_433 : i32
        %swap3A_435 = arith.index_cast %add3A_434 : i32 to index
        %swap3A_436 = arith.constant 0 : index
        %swap3A_437 = tpu.vector_load %arg12[%swap3A_435, %swap3A_436] {strides = array<i32>} : memref<128x32xf32, #tpu.memory_space<vmem>>, vector<1x16xf32>,
        %swap3A_438 = vector.shape_cast %swap3A_437 : vector<1x16xf32> to vector<16xf32>
        %swap3A_439 = vector.shape_cast %mul3A_432 : vector<16xf32> to vector<1x16xf32>
        tpu.vector_store %arg12[%swap3A_435, %swap3A_436], %swap3A_439 {strides = array<i32>} : memref<128x32xf32, #tpu.memory_space<vmem>>, vector<1x16xf32>,
        %add3A_440 = arith.constant 7 : i32
        %add3A_441 = arith.addi %add3A_198, %add3A_440 : i32
        %get3A_442 = arith.index_cast %add3A_441 : i32 to index
        %get3A_443 = arith.constant 16 : index
        %get3A_444 = tpu.vector_load %arg12[%get3A_442, %get3A_443] {strides = array<i32>} : memref<128x32xf32, #tpu.memory_space<vmem>>, vector<1x16xf32>,
        %get3A_445 = vector.shape_cast %get3A_444 : vector<1x16xf32> to vector<16xf32>
        %mul3A_446 = vector.broadcast %squeeze3A_424 : f32 to vector<16xf32>
        %mul3A_447 = arith.mulf %get3A_445, %mul3A_446 : vector<16xf32>
        %add3A_448 = arith.constant 7 : i32
        %add3A_449 = arith.addi %add3A_198, %add3A_448 : i32
        %swap3A_450 = arith.index_cast %add3A_449 : i32 to index
        %swap3A_451 = arith.constant 16 : index
        %swap3A_452 = tpu.vector_load %arg12[%swap3A_450, %swap3A_451] {strides = array<i32>} : memref<128x32xf32, #tpu.memory_space<vmem>>, vector<1x16xf32>,
        %swap3A_453 = vector.shape_cast %swap3A_452 : vector<1x16xf32> to vector<16xf32>
        %swap3A_454 = vector.shape_cast %mul3A_447 : vector<16xf32> to vector<1x16xf32>
        tpu.vector_store %arg12[%swap3A_450, %swap3A_451], %swap3A_454 {strides = array<i32>} : memref<128x32xf32, #tpu.memory_space<vmem>>, vector<1x16xf32>,
        %slice3A_455 = vector.extract_strided_slice %get3A_201 {offsets = [8], sizes = [1], strides = [1]} : vector<16xf32> to vector<1xf32>
        %squeeze3A_456 = vector.extract %slice3A_455[0] : f32 from vector<1xf32>
        %add3A_457 = arith.constant 8 : i32
        %add3A_458 = arith.addi %add3A_198, %add3A_457 : i32
        %get3A_459 = arith.index_cast %add3A_458 : i32 to index
        %get3A_460 = arith.constant 0 : index
        %get3A_461 = tpu.vector_load %arg12[%get3A_459, %get3A_460] {strides = array<i32>} : memref<128x32xf32, #tpu.memory_space<vmem>>, vector<1x16xf32>,
        %get3A_462 = vector.shape_cast %get3A_461 : vector<1x16xf32> to vector<16xf32>
        %mul3A_463 = vector.broadcast %squeeze3A_456 : f32 to vector<16xf32>
        %mul3A_464 = arith.mulf %get3A_462, %mul3A_463 : vector<16xf32>
        %add3A_465 = arith.constant 8 : i32
        %add3A_466 = arith.addi %add3A_198, %add3A_465 : i32
        %swap3A_467 = arith.index_cast %add3A_466 : i32 to index
        %swap3A_468 = arith.constant 0 : index
        %swap3A_469 = tpu.vector_load %arg12[%swap3A_467, %swap3A_468] {strides = array<i32>} : memref<128x32xf32, #tpu.memory_space<vmem>>, vector<1x16xf32>,
        %swap3A_470 = vector.shape_cast %swap3A_469 : vector<1x16xf32> to vector<16xf32>
        %swap3A_471 = vector.shape_cast %mul3A_464 : vector<16xf32> to vector<1x16xf32>
        tpu.vector_store %arg12[%swap3A_467, %swap3A_468], %swap3A_471 {strides = array<i32>} : memref<128x32xf32, #tpu.memory_space<vmem>>, vector<1x16xf32>,
        %add3A_472 = arith.constant 8 : i32
        %add3A_473 = arith.addi %add3A_198, %add3A_472 : i32
        %get3A_474 = arith.index_cast %add3A_473 : i32 to index
        %get3A_475 = arith.constant 16 : index
        %get3A_476 = tpu.vector_load %arg12[%get3A_474, %get3A_475] {strides = array<i32>} : memref<128x32xf32, #tpu.memory_space<vmem>>, vector<1x16xf32>,
        %get3A_477 = vector.shape_cast %get3A_476 : vector<1x16xf32> to vector<16xf32>
        %mul3A_478 = vector.broadcast %squeeze3A_456 : f32 to vector<16xf32>
        %mul3A_479 = arith.mulf %get3A_477, %mul3A_478 : vector<16xf32>
        %add3A_480 = arith.constant 8 : i32
        %add3A_481 = arith.addi %add3A_198, %add3A_480 : i32
        %swap3A_482 = arith.index_cast %add3A_481 : i32 to index
        %swap3A_483 = arith.constant 16 : index
        %swap3A_484 = tpu.vector_load %arg12[%swap3A_482, %swap3A_483] {strides = array<i32>} : memref<128x32xf32, #tpu.memory_space<vmem>>, vector<1x16xf32>,
        %swap3A_485 = vector.shape_cast %swap3A_484 : vector<1x16xf32> to vector<16xf32>
        %swap3A_486 = vector.shape_cast %mul3A_479 : vector<16xf32> to vector<1x16xf32>
        tpu.vector_store %arg12[%swap3A_482, %swap3A_483], %swap3A_486 {strides = array<i32>} : memref<128x32xf32, #tpu.memory_space<vmem>>, vector<1x16xf32>,
        %slice3A_487 = vector.extract_strided_slice %get3A_201 {offsets = [9], sizes = [1], strides = [1]} : vector<16xf32> to vector<1xf32>
        %squeeze3A_488 = vector.extract %slice3A_487[0] : f32 from vector<1xf32>
        %add3A_489 = arith.constant 9 : i32
        %add3A_490 = arith.addi %add3A_198, %add3A_489 : i32
        %get3A_491 = arith.index_cast %add3A_490 : i32 to index
        %get3A_492 = arith.constant 0 : index
        %get3A_493 = tpu.vector_load %arg12[%get3A_491, %get3A_492] {strides = array<i32>} : memref<128x32xf32, #tpu.memory_space<vmem>>, vector<1x16xf32>,
        %get3A_494 = vector.shape_cast %get3A_493 : vector<1x16xf32> to vector<16xf32>
        %mul3A_495 = vector.broadcast %squeeze3A_488 : f32 to vector<16xf32>
        %mul3A_496 = arith.mulf %get3A_494, %mul3A_495 : vector<16xf32>
        %add3A_497 = arith.constant 9 : i32
        %add3A_498 = arith.addi %add3A_198, %add3A_497 : i32
        %swap3A_499 = arith.index_cast %add3A_498 : i32 to index
        %swap3A_500 = arith.constant 0 : index
        %swap3A_501 = tpu.vector_load %arg12[%swap3A_499, %swap3A_500] {strides = array<i32>} : memref<128x32xf32, #tpu.memory_space<vmem>>, vector<1x16xf32>,
        %swap3A_502 = vector.shape_cast %swap3A_501 : vector<1x16xf32> to vector<16xf32>
        %swap3A_503 = vector.shape_cast %mul3A_496 : vector<16xf32> to vector<1x16xf32>
        tpu.vector_store %arg12[%swap3A_499, %swap3A_500], %swap3A_503 {strides = array<i32>} : memref<128x32xf32, #tpu.memory_space<vmem>>, vector<1x16xf32>,
        %add3A_504 = arith.constant 9 : i32
        %add3A_505 = arith.addi %add3A_198, %add3A_504 : i32
        %get3A_506 = arith.index_cast %add3A_505 : i32 to index
        %get3A_507 = arith.constant 16 : index
        %get3A_508 = tpu.vector_load %arg12[%get3A_506, %get3A_507] {strides = array<i32>} : memref<128x32xf32, #tpu.memory_space<vmem>>, vector<1x16xf32>,
        %get3A_509 = vector.shape_cast %get3A_508 : vector<1x16xf32> to vector<16xf32>
        %mul3A_510 = vector.broadcast %squeeze3A_488 : f32 to vector<16xf32>
        %mul3A_511 = arith.mulf %get3A_509, %mul3A_510 : vector<16xf32>
        %add3A_512 = arith.constant 9 : i32
        %add3A_513 = arith.addi %add3A_198, %add3A_512 : i32
        %swap3A_514 = arith.index_cast %add3A_513 : i32 to index
        %swap3A_515 = arith.constant 16 : index
        %swap3A_516 = tpu.vector_load %arg12[%swap3A_514, %swap3A_515] {strides = array<i32>} : memref<128x32xf32, #tpu.memory_space<vmem>>, vector<1x16xf32>,
        %swap3A_517 = vector.shape_cast %swap3A_516 : vector<1x16xf32> to vector<16xf32>
        %swap3A_518 = vector.shape_cast %mul3A_511 : vector<16xf32> to vector<1x16xf32>
        tpu.vector_store %arg12[%swap3A_514, %swap3A_515], %swap3A_518 {strides = array<i32>} : memref<128x32xf32, #tpu.memory_space<vmem>>, vector<1x16xf32>,
        %slice3A_519 = vector.extract_strided_slice %get3A_201 {offsets = [10], sizes = [1], strides = [1]} : vector<16xf32> to vector<1xf32>
        %squeeze3A_520 = vector.extract %slice3A_519[0] : f32 from vector<1xf32>
        %add3A_521 = arith.constant 10 : i32
        %add3A_522 = arith.addi %add3A_198, %add3A_521 : i32
        %get3A_523 = arith.index_cast %add3A_522 : i32 to index
        %get3A_524 = arith.constant 0 : index
        %get3A_525 = tpu.vector_load %arg12[%get3A_523, %get3A_524] {strides = array<i32>} : memref<128x32xf32, #tpu.memory_space<vmem>>, vector<1x16xf32>,
        %get3A_526 = vector.shape_cast %get3A_525 : vector<1x16xf32> to vector<16xf32>
        %mul3A_527 = vector.broadcast %squeeze3A_520 : f32 to vector<16xf32>
        %mul3A_528 = arith.mulf %get3A_526, %mul3A_527 : vector<16xf32>
        %add3A_529 = arith.constant 10 : i32
        %add3A_530 = arith.addi %add3A_198, %add3A_529 : i32
        %swap3A_531 = arith.index_cast %add3A_530 : i32 to index
        %swap3A_532 = arith.constant 0 : index
        %swap3A_533 = tpu.vector_load %arg12[%swap3A_531, %swap3A_532] {strides = array<i32>} : memref<128x32xf32, #tpu.memory_space<vmem>>, vector<1x16xf32>,
        %swap3A_534 = vector.shape_cast %swap3A_533 : vector<1x16xf32> to vector<16xf32>
        %swap3A_535 = vector.shape_cast %mul3A_528 : vector<16xf32> to vector<1x16xf32>
        tpu.vector_store %arg12[%swap3A_531, %swap3A_532], %swap3A_535 {strides = array<i32>} : memref<128x32xf32, #tpu.memory_space<vmem>>, vector<1x16xf32>,
        %add3A_536 = arith.constant 10 : i32
        %add3A_537 = arith.addi %add3A_198, %add3A_536 : i32
        %get3A_538 = arith.index_cast %add3A_537 : i32 to index
        %get3A_539 = arith.constant 16 : index
        %get3A_540 = tpu.vector_load %arg12[%get3A_538, %get3A_539] {strides = array<i32>} : memref<128x32xf32, #tpu.memory_space<vmem>>, vector<1x16xf32>,
        %get3A_541 = vector.shape_cast %get3A_540 : vector<1x16xf32> to vector<16xf32>
        %mul3A_542 = vector.broadcast %squeeze3A_520 : f32 to vector<16xf32>
        %mul3A_543 = arith.mulf %get3A_541, %mul3A_542 : vector<16xf32>
        %add3A_544 = arith.constant 10 : i32
        %add3A_545 = arith.addi %add3A_198, %add3A_544 : i32
        %swap3A_546 = arith.index_cast %add3A_545 : i32 to index
        %swap3A_547 = arith.constant 16 : index
        %swap3A_548 = tpu.vector_load %arg12[%swap3A_546, %swap3A_547] {strides = array<i32>} : memref<128x32xf32, #tpu.memory_space<vmem>>, vector<1x16xf32>,
        %swap3A_549 = vector.shape_cast %swap3A_548 : vector<1x16xf32> to vector<16xf32>
        %swap3A_550 = vector.shape_cast %mul3A_543 : vector<16xf32> to vector<1x16xf32>
        tpu.vector_store %arg12[%swap3A_546, %swap3A_547], %swap3A_550 {strides = array<i32>} : memref<128x32xf32, #tpu.memory_space<vmem>>, vector<1x16xf32>,
        %slice3A_551 = vector.extract_strided_slice %get3A_201 {offsets = [11], sizes = [1], strides = [1]} : vector<16xf32> to vector<1xf32>
        %squeeze3A_552 = vector.extract %slice3A_551[0] : f32 from vector<1xf32>
        %add3A_553 = arith.constant 11 : i32
        %add3A_554 = arith.addi %add3A_198, %add3A_553 : i32
        %get3A_555 = arith.index_cast %add3A_554 : i32 to index
        %get3A_556 = arith.constant 0 : index
        %get3A_557 = tpu.vector_load %arg12[%get3A_555, %get3A_556] {strides = array<i32>} : memref<128x32xf32, #tpu.memory_space<vmem>>, vector<1x16xf32>,
        %get3A_558 = vector.shape_cast %get3A_557 : vector<1x16xf32> to vector<16xf32>
        %mul3A_559 = vector.broadcast %squeeze3A_552 : f32 to vector<16xf32>
        %mul3A_560 = arith.mulf %get3A_558, %mul3A_559 : vector<16xf32>
        %add3A_561 = arith.constant 11 : i32
        %add3A_562 = arith.addi %add3A_198, %add3A_561 : i32
        %swap3A_563 = arith.index_cast %add3A_562 : i32 to index
        %swap3A_564 = arith.constant 0 : index
        %swap3A_565 = tpu.vector_load %arg12[%swap3A_563, %swap3A_564] {strides = array<i32>} : memref<128x32xf32, #tpu.memory_space<vmem>>, vector<1x16xf32>,
        %swap3A_566 = vector.shape_cast %swap3A_565 : vector<1x16xf32> to vector<16xf32>
        %swap3A_567 = vector.shape_cast %mul3A_560 : vector<16xf32> to vector<1x16xf32>
        tpu.vector_store %arg12[%swap3A_563, %swap3A_564], %swap3A_567 {strides = array<i32>} : memref<128x32xf32, #tpu.memory_space<vmem>>, vector<1x16xf32>,
        %add3A_568 = arith.constant 11 : i32
        %add3A_569 = arith.addi %add3A_198, %add3A_568 : i32
        %get3A_570 = arith.index_cast %add3A_569 : i32 to index
        %get3A_571 = arith.constant 16 : index
        %get3A_572 = tpu.vector_load %arg12[%get3A_570, %get3A_571] {strides = array<i32>} : memref<128x32xf32, #tpu.memory_space<vmem>>, vector<1x16xf32>,
        %get3A_573 = vector.shape_cast %get3A_572 : vector<1x16xf32> to vector<16xf32>
        %mul3A_574 = vector.broadcast %squeeze3A_552 : f32 to vector<16xf32>
        %mul3A_575 = arith.mulf %get3A_573, %mul3A_574 : vector<16xf32>
        %add3A_576 = arith.constant 11 : i32
        %add3A_577 = arith.addi %add3A_198, %add3A_576 : i32
        %swap3A_578 = arith.index_cast %add3A_577 : i32 to index
        %swap3A_579 = arith.constant 16 : index
        %swap3A_580 = tpu.vector_load %arg12[%swap3A_578, %swap3A_579] {strides = array<i32>} : memref<128x32xf32, #tpu.memory_space<vmem>>, vector<1x16xf32>,
        %swap3A_581 = vector.shape_cast %swap3A_580 : vector<1x16xf32> to vector<16xf32>
        %swap3A_582 = vector.shape_cast %mul3A_575 : vector<16xf32> to vector<1x16xf32>
        tpu.vector_store %arg12[%swap3A_578, %swap3A_579], %swap3A_582 {strides = array<i32>} : memref<128x32xf32, #tpu.memory_space<vmem>>, vector<1x16xf32>,
        %slice3A_583 = vector.extract_strided_slice %get3A_201 {offsets = [12], sizes = [1], strides = [1]} : vector<16xf32> to vector<1xf32>
        %squeeze3A_584 = vector.extract %slice3A_583[0] : f32 from vector<1xf32>
        %add3A_585 = arith.constant 12 : i32
        %add3A_586 = arith.addi %add3A_198, %add3A_585 : i32
        %get3A_587 = arith.index_cast %add3A_586 : i32 to index
        %get3A_588 = arith.constant 0 : index
        %get3A_589 = tpu.vector_load %arg12[%get3A_587, %get3A_588] {strides = array<i32>} : memref<128x32xf32, #tpu.memory_space<vmem>>, vector<1x16xf32>,
        %get3A_590 = vector.shape_cast %get3A_589 : vector<1x16xf32> to vector<16xf32>
        %mul3A_591 = vector.broadcast %squeeze3A_584 : f32 to vector<16xf32>
        %mul3A_592 = arith.mulf %get3A_590, %mul3A_591 : vector<16xf32>
        %add3A_593 = arith.constant 12 : i32
        %add3A_594 = arith.addi %add3A_198, %add3A_593 : i32
        %swap3A_595 = arith.index_cast %add3A_594 : i32 to index
        %swap3A_596 = arith.constant 0 : index
        %swap3A_597 = tpu.vector_load %arg12[%swap3A_595, %swap3A_596] {strides = array<i32>} : memref<128x32xf32, #tpu.memory_space<vmem>>, vector<1x16xf32>,
        %swap3A_598 = vector.shape_cast %swap3A_597 : vector<1x16xf32> to vector<16xf32>
        %swap3A_599 = vector.shape_cast %mul3A_592 : vector<16xf32> to vector<1x16xf32>
        tpu.vector_store %arg12[%swap3A_595, %swap3A_596], %swap3A_599 {strides = array<i32>} : memref<128x32xf32, #tpu.memory_space<vmem>>, vector<1x16xf32>,
        %add3A_600 = arith.constant 12 : i32
        %add3A_601 = arith.addi %add3A_198, %add3A_600 : i32
        %get3A_602 = arith.index_cast %add3A_601 : i32 to index
        %get3A_603 = arith.constant 16 : index
        %get3A_604 = tpu.vector_load %arg12[%get3A_602, %get3A_603] {strides = array<i32>} : memref<128x32xf32, #tpu.memory_space<vmem>>, vector<1x16xf32>,
        %get3A_605 = vector.shape_cast %get3A_604 : vector<1x16xf32> to vector<16xf32>
        %mul3A_606 = vector.broadcast %squeeze3A_584 : f32 to vector<16xf32>
        %mul3A_607 = arith.mulf %get3A_605, %mul3A_606 : vector<16xf32>
        %add3A_608 = arith.constant 12 : i32
        %add3A_609 = arith.addi %add3A_198, %add3A_608 : i32
        %swap3A_610 = arith.index_cast %add3A_609 : i32 to index
        %swap3A_611 = arith.constant 16 : index
        %swap3A_612 = tpu.vector_load %arg12[%swap3A_610, %swap3A_611] {strides = array<i32>} : memref<128x32xf32, #tpu.memory_space<vmem>>, vector<1x16xf32>,
        %swap3A_613 = vector.shape_cast %swap3A_612 : vector<1x16xf32> to vector<16xf32>
        %swap3A_614 = vector.shape_cast %mul3A_607 : vector<16xf32> to vector<1x16xf32>
        tpu.vector_store %arg12[%swap3A_610, %swap3A_611], %swap3A_614 {strides = array<i32>} : memref<128x32xf32, #tpu.memory_space<vmem>>, vector<1x16xf32>,
        %slice3A_615 = vector.extract_strided_slice %get3A_201 {offsets = [13], sizes = [1], strides = [1]} : vector<16xf32> to vector<1xf32>
        %squeeze3A_616 = vector.extract %slice3A_615[0] : f32 from vector<1xf32>
        %add3A_617 = arith.constant 13 : i32
        %add3A_618 = arith.addi %add3A_198, %add3A_617 : i32
        %get3A_619 = arith.index_cast %add3A_618 : i32 to index
        %get3A_620 = arith.constant 0 : index
        %get3A_621 = tpu.vector_load %arg12[%get3A_619, %get3A_620] {strides = array<i32>} : memref<128x32xf32, #tpu.memory_space<vmem>>, vector<1x16xf32>,
        %get3A_622 = vector.shape_cast %get3A_621 : vector<1x16xf32> to vector<16xf32>
        %mul3A_623 = vector.broadcast %squeeze3A_616 : f32 to vector<16xf32>
        %mul3A_624 = arith.mulf %get3A_622, %mul3A_623 : vector<16xf32>
        %add3A_625 = arith.constant 13 : i32
        %add3A_626 = arith.addi %add3A_198, %add3A_625 : i32
        %swap3A_627 = arith.index_cast %add3A_626 : i32 to index
        %swap3A_628 = arith.constant 0 : index
        %swap3A_629 = tpu.vector_load %arg12[%swap3A_627, %swap3A_628] {strides = array<i32>} : memref<128x32xf32, #tpu.memory_space<vmem>>, vector<1x16xf32>,
        %swap3A_630 = vector.shape_cast %swap3A_629 : vector<1x16xf32> to vector<16xf32>
        %swap3A_631 = vector.shape_cast %mul3A_624 : vector<16xf32> to vector<1x16xf32>
        tpu.vector_store %arg12[%swap3A_627, %swap3A_628], %swap3A_631 {strides = array<i32>} : memref<128x32xf32, #tpu.memory_space<vmem>>, vector<1x16xf32>,
        %add3A_632 = arith.constant 13 : i32
        %add3A_633 = arith.addi %add3A_198, %add3A_632 : i32
        %get3A_634 = arith.index_cast %add3A_633 : i32 to index
        %get3A_635 = arith.constant 16 : index
        %get3A_636 = tpu.vector_load %arg12[%get3A_634, %get3A_635] {strides = array<i32>} : memref<128x32xf32, #tpu.memory_space<vmem>>, vector<1x16xf32>,
        %get3A_637 = vector.shape_cast %get3A_636 : vector<1x16xf32> to vector<16xf32>
        %mul3A_638 = vector.broadcast %squeeze3A_616 : f32 to vector<16xf32>
        %mul3A_639 = arith.mulf %get3A_637, %mul3A_638 : vector<16xf32>
        %add3A_640 = arith.constant 13 : i32
        %add3A_641 = arith.addi %add3A_198, %add3A_640 : i32
        %swap3A_642 = arith.index_cast %add3A_641 : i32 to index
        %swap3A_643 = arith.constant 16 : index
        %swap3A_644 = tpu.vector_load %arg12[%swap3A_642, %swap3A_643] {strides = array<i32>} : memref<128x32xf32, #tpu.memory_space<vmem>>, vector<1x16xf32>,
        %swap3A_645 = vector.shape_cast %swap3A_644 : vector<1x16xf32> to vector<16xf32>
        %swap3A_646 = vector.shape_cast %mul3A_639 : vector<16xf32> to vector<1x16xf32>
        tpu.vector_store %arg12[%swap3A_642, %swap3A_643], %swap3A_646 {strides = array<i32>} : memref<128x32xf32, #tpu.memory_space<vmem>>, vector<1x16xf32>,
        %slice3A_647 = vector.extract_strided_slice %get3A_201 {offsets = [14], sizes = [1], strides = [1]} : vector<16xf32> to vector<1xf32>
        %squeeze3A_648 = vector.extract %slice3A_647[0] : f32 from vector<1xf32>
        %add3A_649 = arith.constant 14 : i32
        %add3A_650 = arith.addi %add3A_198, %add3A_649 : i32
        %get3A_651 = arith.index_cast %add3A_650 : i32 to index
        %get3A_652 = arith.constant 0 : index
        %get3A_653 = tpu.vector_load %arg12[%get3A_651, %get3A_652] {strides = array<i32>} : memref<128x32xf32, #tpu.memory_space<vmem>>, vector<1x16xf32>,
        %get3A_654 = vector.shape_cast %get3A_653 : vector<1x16xf32> to vector<16xf32>
        %mul3A_655 = vector.broadcast %squeeze3A_648 : f32 to vector<16xf32>
        %mul3A_656 = arith.mulf %get3A_654, %mul3A_655 : vector<16xf32>
        %add3A_657 = arith.constant 14 : i32
        %add3A_658 = arith.addi %add3A_198, %add3A_657 : i32
        %swap3A_659 = arith.index_cast %add3A_658 : i32 to index
        %swap3A_660 = arith.constant 0 : index
        %swap3A_661 = tpu.vector_load %arg12[%swap3A_659, %swap3A_660] {strides = array<i32>} : memref<128x32xf32, #tpu.memory_space<vmem>>, vector<1x16xf32>,
        %swap3A_662 = vector.shape_cast %swap3A_661 : vector<1x16xf32> to vector<16xf32>
        %swap3A_663 = vector.shape_cast %mul3A_656 : vector<16xf32> to vector<1x16xf32>
        tpu.vector_store %arg12[%swap3A_659, %swap3A_660], %swap3A_663 {strides = array<i32>} : memref<128x32xf32, #tpu.memory_space<vmem>>, vector<1x16xf32>,
        %add3A_664 = arith.constant 14 : i32
        %add3A_665 = arith.addi %add3A_198, %add3A_664 : i32
        %get3A_666 = arith.index_cast %add3A_665 : i32 to index
        %get3A_667 = arith.constant 16 : index
        %get3A_668 = tpu.vector_load %arg12[%get3A_666, %get3A_667] {strides = array<i32>} : memref<128x32xf32, #tpu.memory_space<vmem>>, vector<1x16xf32>,
        %get3A_669 = vector.shape_cast %get3A_668 : vector<1x16xf32> to vector<16xf32>
        %mul3A_670 = vector.broadcast %squeeze3A_648 : f32 to vector<16xf32>
        %mul3A_671 = arith.mulf %get3A_669, %mul3A_670 : vector<16xf32>
        %add3A_672 = arith.constant 14 : i32
        %add3A_673 = arith.addi %add3A_198, %add3A_672 : i32
        %swap3A_674 = arith.index_cast %add3A_673 : i32 to index
        %swap3A_675 = arith.constant 16 : index
        %swap3A_676 = tpu.vector_load %arg12[%swap3A_674, %swap3A_675] {strides = array<i32>} : memref<128x32xf32, #tpu.memory_space<vmem>>, vector<1x16xf32>,
        %swap3A_677 = vector.shape_cast %swap3A_676 : vector<1x16xf32> to vector<16xf32>
        %swap3A_678 = vector.shape_cast %mul3A_671 : vector<16xf32> to vector<1x16xf32>
        tpu.vector_store %arg12[%swap3A_674, %swap3A_675], %swap3A_678 {strides = array<i32>} : memref<128x32xf32, #tpu.memory_space<vmem>>, vector<1x16xf32>,
        %slice3A_679 = vector.extract_strided_slice %get3A_201 {offsets = [15], sizes = [1], strides = [1]} : vector<16xf32> to vector<1xf32>
        %squeeze3A_680 = vector.extract %slice3A_679[0] : f32 from vector<1xf32>
        %add3A_681 = arith.constant 15 : i32
        %add3A_682 = arith.addi %add3A_198, %add3A_681 : i32
        %get3A_683 = arith.index_cast %add3A_682 : i32 to index
        %get3A_684 = arith.constant 0 : index
        %get3A_685 = tpu.vector_load %arg12[%get3A_683, %get3A_684] {strides = array<i32>} : memref<128x32xf32, #tpu.memory_space<vmem>>, vector<1x16xf32>,
        %get3A_686 = vector.shape_cast %get3A_685 : vector<1x16xf32> to vector<16xf32>
        %mul3A_687 = vector.broadcast %squeeze3A_680 : f32 to vector<16xf32>
        %mul3A_688 = arith.mulf %get3A_686, %mul3A_687 : vector<16xf32>
        %add3A_689 = arith.constant 15 : i32
        %add3A_690 = arith.addi %add3A_198, %add3A_689 : i32
        %swap3A_691 = arith.index_cast %add3A_690 : i32 to index
        %swap3A_692 = arith.constant 0 : index
        %swap3A_693 = tpu.vector_load %arg12[%swap3A_691, %swap3A_692] {strides = array<i32>} : memref<128x32xf32, #tpu.memory_space<vmem>>, vector<1x16xf32>,
        %swap3A_694 = vector.shape_cast %swap3A_693 : vector<1x16xf32> to vector<16xf32>
        %swap3A_695 = vector.shape_cast %mul3A_688 : vector<16xf32> to vector<1x16xf32>
        tpu.vector_store %arg12[%swap3A_691, %swap3A_692], %swap3A_695 {strides = array<i32>} : memref<128x32xf32, #tpu.memory_space<vmem>>, vector<1x16xf32>,
        %add3A_696 = arith.constant 15 : i32
        %add3A_697 = arith.addi %add3A_198, %add3A_696 : i32
        %get3A_698 = arith.index_cast %add3A_697 : i32 to index
        %get3A_699 = arith.constant 16 : index
        %get3A_700 = tpu.vector_load %arg12[%get3A_698, %get3A_699] {strides = array<i32>} : memref<128x32xf32, #tpu.memory_space<vmem>>, vector<1x16xf32>,
        %get3A_701 = vector.shape_cast %get3A_700 : vector<1x16xf32> to vector<16xf32>
        %mul3A_702 = vector.broadcast %squeeze3A_680 : f32 to vector<16xf32>
        %mul3A_703 = arith.mulf %get3A_701, %mul3A_702 : vector<16xf32>
        %add3A_704 = arith.constant 15 : i32
        %add3A_705 = arith.addi %add3A_198, %add3A_704 : i32
        %swap3A_706 = arith.index_cast %add3A_705 : i32 to index
        %swap3A_707 = arith.constant 16 : index
        %swap3A_708 = tpu.vector_load %arg12[%swap3A_706, %swap3A_707] {strides = array<i32>} : memref<128x32xf32, #tpu.memory_space<vmem>>, vector<1x16xf32>,
        %swap3A_709 = vector.shape_cast %swap3A_708 : vector<1x16xf32> to vector<16xf32>
        %swap3A_710 = vector.shape_cast %mul3A_703 : vector<16xf32> to vector<1x16xf32>
        tpu.vector_store %arg12[%swap3A_706, %swap3A_707], %swap3A_710 {strides = array<i32>} : memref<128x32xf32, #tpu.memory_space<vmem>>, vector<1x16xf32>,
      }
      %scan3A_157 = arith.constant 8 : i32
      %dma_start3A_158 = arith.constant 0 : i32
      %dma_start3A_159 = tpu.memref_slice %arg10[%add3A_134, %dma_start3A_158] : memref<79x128xi32, #tpu.memory_space<vmem>> -> memref<1x128xi32, #tpu.memory_space<vmem>>
      %dma_start3A_160 = tpu.memref_squeeze %dma_start3A_159 : memref<1x128xi32, #tpu.memory_space<vmem>> -> memref<128xi32, #tpu.memory_space<vmem>>
      %dma_start3A_161 = arith.constant 0 : i32
      %dma_start3A_162 = arith.constant 0 : i32
      %dma_start3A_163 = tpu.memref_slice %arg7[%dma_start3A_161, %dma_start3A_162] : memref<10112x32xf32, #tpu.memory_space<vmem_shared>> -> memref<10112x32xf32, #tpu.memory_space<vmem_shared>>
      tpu.enqueue_indirect_dma source(%arg12 : memref<128x32xf32, #tpu.memory_space<vmem>>) target(%dma_start3A_163 : memref<10112x32xf32, #tpu.memory_space<vmem_shared>>) offsets(%dma_start3A_160 : memref<128xi32, #tpu.memory_space<vmem>>) semaphore(%arg17 : memref<!tpu.dma_semaphore, #tpu.memory_space<semaphore_mem>>) {add = true}
      %add3A_164 = arith.constant 2 : i32
      %add3A_165 = arith.addi %add3A_134, %add3A_164 : i32
      %lt3A_166 = arith.constant 78 : i32
      %lt3A_167 = arith.cmpi slt, %add3A_165, %lt3A_166 : i32
      %convert_element_type3A_168 = arith.extui %lt3A_167 : i1 to i32
      %cond3A_169 = arith.constant 0 : i32
      %cond3A_170 = arith.cmpi ne, %convert_element_type3A_168, %cond3A_169 : i32
      scf.if %cond3A_170 {
        %dma_wait3A_194 = arith.constant 0 : i32
        %dma_wait3A_195 = tpu.memref_slice %arg10[%add3A_134, %dma_wait3A_194] : memref<79x128xi32, #tpu.memory_space<vmem>> -> memref<1x128xi32, #tpu.memory_space<vmem>>
        %dma_wait3A_196 = tpu.memref_squeeze %dma_wait3A_195 : memref<1x128xi32, #tpu.memory_space<vmem>> -> memref<128xi32, #tpu.memory_space<vmem>>
        %dma_wait3A_197 = arith.constant 0 : i32
        %dma_wait3A_198 = arith.constant 0 : i32
        %dma_wait3A_199 = tpu.memref_slice %arg7[%dma_wait3A_197, %dma_wait3A_198] : memref<10112x32xf32, #tpu.memory_space<vmem_shared>> -> memref<10112x32xf32, #tpu.memory_space<vmem_shared>>
        tpu.wait_indirect_dma semaphore(%arg17 : memref<!tpu.dma_semaphore, #tpu.memory_space<semaphore_mem>>) src(%arg12 : memref<128x32xf32, #tpu.memory_space<vmem>>) dst(%dma_wait3A_199 : memref<10112x32xf32, #tpu.memory_space<vmem_shared>>)
        %add3A_200 = arith.constant 2 : i32
        %add3A_201 = arith.addi %add3A_134, %add3A_200 : i32
        %dma_start3A_202 = arith.constant 0 : i32
        %dma_start3A_203 = tpu.memref_slice %arg9[%add3A_201, %dma_start3A_202] : memref<79x128xi32, #tpu.memory_space<vmem>> -> memref<1x128xi32, #tpu.memory_space<vmem>>
        %dma_start3A_204 = tpu.memref_squeeze %dma_start3A_203 : memref<1x128xi32, #tpu.memory_space<vmem>> -> memref<128xi32, #tpu.memory_space<vmem>>
        %dma_start3A_205 = arith.constant 0 : i32
        %dma_start3A_206 = arith.constant 0 : i32
        %dma_start3A_207 = tpu.memref_slice %arg8[%dma_start3A_205, %dma_start3A_206] : memref<10000x32xf32, #tpu.memory_space<vmem_shared>> -> memref<10000x32xf32, #tpu.memory_space<vmem_shared>>
        tpu.enqueue_indirect_dma source(%dma_start3A_207 : memref<10000x32xf32, #tpu.memory_space<vmem_shared>>) target(%arg12 : memref<128x32xf32, #tpu.memory_space<vmem>>) offsets(%dma_start3A_204 : memref<128xi32, #tpu.memory_space<vmem>>) semaphore(%arg15 : memref<!tpu.dma_semaphore, #tpu.memory_space<semaphore_mem>>)
      } else {
      }
      %add3A_171 = arith.constant 1 : i32
      %add3A_172 = arith.addi %add3A_134, %add3A_171 : i32
      %dma_wait3A_173 = arith.constant 0 : i32
      %dma_wait3A_174 = tpu.memref_slice %arg9[%add3A_172, %dma_wait3A_173] : memref<79x128xi32, #tpu.memory_space<vmem>> -> memref<1x128xi32, #tpu.memory_space<vmem>>
      %dma_wait3A_175 = tpu.memref_squeeze %dma_wait3A_174 : memref<1x128xi32, #tpu.memory_space<vmem>> -> memref<128xi32, #tpu.memory_space<vmem>>
      %dma_wait3A_176 = arith.constant 0 : i32
      %dma_wait3A_177 = arith.constant 0 : i32
      %dma_wait3A_178 = tpu.memref_slice %arg8[%dma_wait3A_176, %dma_wait3A_177] : memref<10000x32xf32, #tpu.memory_space<vmem_shared>> -> memref<10000x32xf32, #tpu.memory_space<vmem_shared>>
      tpu.wait_indirect_dma semaphore(%arg16 : memref<!tpu.dma_semaphore, #tpu.memory_space<semaphore_mem>>) src(%dma_wait3A_178 : memref<10000x32xf32, #tpu.memory_space<vmem_shared>>) dst(%arg13 : memref<128x32xf32, #tpu.memory_space<vmem>>)
      %add3A_179 = arith.constant 1 : i32
      %add3A_180 = arith.addi %add3A_134, %add3A_179 : i32
      %scan3A_181 = arith.constant 0 : i32
      %scan3A_182 = arith.constant 8 : i32
      %scan3A_183 = arith.addi %scan3A_181, %scan3A_182 : i32
      %scan3A_184 = arith.constant 1 : i32
      scf.for %scan3A_194 = %scan3A_181 to %scan3A_183 step %scan3A_184  : i32 {
        %mul3A_195 = arith.constant 16 : i32
        %mul3A_196 = arith.muli %scan3A_194, %mul3A_195 : i32
        %add3A_197 = arith.constant 0 : i32
        %add3A_198 = arith.addi %add3A_197, %mul3A_196 : i32
        %get3A = arith.index_cast %add3A_180 : i32 to index
        %get3A_199 = arith.index_cast %add3A_198 : i32 to index
        %get3A_200 = tpu.vector_load %arg11[%get3A, %get3A_199] {strides = array<i32>} : memref<79x128xf32, #tpu.memory_space<vmem>>, vector<1x16xf32>,
        %get3A_201 = vector.shape_cast %get3A_200 : vector<1x16xf32> to vector<16xf32>
        %slice3A = vector.extract_strided_slice %get3A_201 {offsets = [0], sizes = [1], strides = [1]} : vector<16xf32> to vector<1xf32>
        %squeeze3A = vector.extract %slice3A[0] : f32 from vector<1xf32>
        %add3A_202 = arith.constant 0 : i32
        %add3A_203 = arith.addi %add3A_198, %add3A_202 : i32
        %get3A_204 = arith.index_cast %add3A_203 : i32 to index
        %get3A_205 = arith.constant 0 : index
        %get3A_206 = tpu.vector_load %arg13[%get3A_204, %get3A_205] {strides = array<i32>} : memref<128x32xf32, #tpu.memory_space<vmem>>, vector<1x16xf32>,
        %get3A_207 = vector.shape_cast %get3A_206 : vector<1x16xf32> to vector<16xf32>
        %mul3A_208 = vector.broadcast %squeeze3A : f32 to vector<16xf32>
        %mul3A_209 = arith.mulf %get3A_207, %mul3A_208 : vector<16xf32>
        %add3A_210 = arith.constant 0 : i32
        %add3A_211 = arith.addi %add3A_198, %add3A_210 : i32
        %swap3A = arith.index_cast %add3A_211 : i32 to index
        %swap3A_212 = arith.constant 0 : index
        %swap3A_213 = tpu.vector_load %arg13[%swap3A, %swap3A_212] {strides = array<i32>} : memref<128x32xf32, #tpu.memory_space<vmem>>, vector<1x16xf32>,
        %swap3A_214 = vector.shape_cast %swap3A_213 : vector<1x16xf32> to vector<16xf32>
        %swap3A_215 = vector.shape_cast %mul3A_209 : vector<16xf32> to vector<1x16xf32>
        tpu.vector_store %arg13[%swap3A, %swap3A_212], %swap3A_215 {strides = array<i32>} : memref<128x32xf32, #tpu.memory_space<vmem>>, vector<1x16xf32>,
        %add3A_216 = arith.constant 0 : i32
        %add3A_217 = arith.addi %add3A_198, %add3A_216 : i32
        %get3A_218 = arith.index_cast %add3A_217 : i32 to index
        %get3A_219 = arith.constant 16 : index
        %get3A_220 = tpu.vector_load %arg13[%get3A_218, %get3A_219] {strides = array<i32>} : memref<128x32xf32, #tpu.memory_space<vmem>>, vector<1x16xf32>,
        %get3A_221 = vector.shape_cast %get3A_220 : vector<1x16xf32> to vector<16xf32>
        %mul3A_222 = vector.broadcast %squeeze3A : f32 to vector<16xf32>
        %mul3A_223 = arith.mulf %get3A_221, %mul3A_222 : vector<16xf32>
        %add3A_224 = arith.constant 0 : i32
        %add3A_225 = arith.addi %add3A_198, %add3A_224 : i32
        %swap3A_226 = arith.index_cast %add3A_225 : i32 to index
        %swap3A_227 = arith.constant 16 : index
        %swap3A_228 = tpu.vector_load %arg13[%swap3A_226, %swap3A_227] {strides = array<i32>} : memref<128x32xf32, #tpu.memory_space<vmem>>, vector<1x16xf32>,
        %swap3A_229 = vector.shape_cast %swap3A_228 : vector<1x16xf32> to vector<16xf32>
        %swap3A_230 = vector.shape_cast %mul3A_223 : vector<16xf32> to vector<1x16xf32>
        tpu.vector_store %arg13[%swap3A_226, %swap3A_227], %swap3A_230 {strides = array<i32>} : memref<128x32xf32, #tpu.memory_space<vmem>>, vector<1x16xf32>,
        %slice3A_231 = vector.extract_strided_slice %get3A_201 {offsets = [1], sizes = [1], strides = [1]} : vector<16xf32> to vector<1xf32>
        %squeeze3A_232 = vector.extract %slice3A_231[0] : f32 from vector<1xf32>
        %add3A_233 = arith.constant 1 : i32
        %add3A_234 = arith.addi %add3A_198, %add3A_233 : i32
        %get3A_235 = arith.index_cast %add3A_234 : i32 to index
        %get3A_236 = arith.constant 0 : index
        %get3A_237 = tpu.vector_load %arg13[%get3A_235, %get3A_236] {strides = array<i32>} : memref<128x32xf32, #tpu.memory_space<vmem>>, vector<1x16xf32>,
        %get3A_238 = vector.shape_cast %get3A_237 : vector<1x16xf32> to vector<16xf32>
        %mul3A_239 = vector.broadcast %squeeze3A_232 : f32 to vector<16xf32>
        %mul3A_240 = arith.mulf %get3A_238, %mul3A_239 : vector<16xf32>
        %add3A_241 = arith.constant 1 : i32
        %add3A_242 = arith.addi %add3A_198, %add3A_241 : i32
        %swap3A_243 = arith.index_cast %add3A_242 : i32 to index
        %swap3A_244 = arith.constant 0 : index
        %swap3A_245 = tpu.vector_load %arg13[%swap3A_243, %swap3A_244] {strides = array<i32>} : memref<128x32xf32, #tpu.memory_space<vmem>>, vector<1x16xf32>,
        %swap3A_246 = vector.shape_cast %swap3A_245 : vector<1x16xf32> to vector<16xf32>
        %swap3A_247 = vector.shape_cast %mul3A_240 : vector<16xf32> to vector<1x16xf32>
        tpu.vector_store %arg13[%swap3A_243, %swap3A_244], %swap3A_247 {strides = array<i32>} : memref<128x32xf32, #tpu.memory_space<vmem>>, vector<1x16xf32>,
        %add3A_248 = arith.constant 1 : i32
        %add3A_249 = arith.addi %add3A_198, %add3A_248 : i32
        %get3A_250 = arith.index_cast %add3A_249 : i32 to index
        %get3A_251 = arith.constant 16 : index
        %get3A_252 = tpu.vector_load %arg13[%get3A_250, %get3A_251] {strides = array<i32>} : memref<128x32xf32, #tpu.memory_space<vmem>>, vector<1x16xf32>,
        %get3A_253 = vector.shape_cast %get3A_252 : vector<1x16xf32> to vector<16xf32>
        %mul3A_254 = vector.broadcast %squeeze3A_232 : f32 to vector<16xf32>
        %mul3A_255 = arith.mulf %get3A_253, %mul3A_254 : vector<16xf32>
        %add3A_256 = arith.constant 1 : i32
        %add3A_257 = arith.addi %add3A_198, %add3A_256 : i32
        %swap3A_258 = arith.index_cast %add3A_257 : i32 to index
        %swap3A_259 = arith.constant 16 : index
        %swap3A_260 = tpu.vector_load %arg13[%swap3A_258, %swap3A_259] {strides = array<i32>} : memref<128x32xf32, #tpu.memory_space<vmem>>, vector<1x16xf32>,
        %swap3A_261 = vector.shape_cast %swap3A_260 : vector<1x16xf32> to vector<16xf32>
        %swap3A_262 = vector.shape_cast %mul3A_255 : vector<16xf32> to vector<1x16xf32>
        tpu.vector_store %arg13[%swap3A_258, %swap3A_259], %swap3A_262 {strides = array<i32>} : memref<128x32xf32, #tpu.memory_space<vmem>>, vector<1x16xf32>,
        %slice3A_263 = vector.extract_strided_slice %get3A_201 {offsets = [2], sizes = [1], strides = [1]} : vector<16xf32> to vector<1xf32>
        %squeeze3A_264 = vector.extract %slice3A_263[0] : f32 from vector<1xf32>
        %add3A_265 = arith.constant 2 : i32
        %add3A_266 = arith.addi %add3A_198, %add3A_265 : i32
        %get3A_267 = arith.index_cast %add3A_266 : i32 to index
        %get3A_268 = arith.constant 0 : index
        %get3A_269 = tpu.vector_load %arg13[%get3A_267, %get3A_268] {strides = array<i32>} : memref<128x32xf32, #tpu.memory_space<vmem>>, vector<1x16xf32>,
        %get3A_270 = vector.shape_cast %get3A_269 : vector<1x16xf32> to vector<16xf32>
        %mul3A_271 = vector.broadcast %squeeze3A_264 : f32 to vector<16xf32>
        %mul3A_272 = arith.mulf %get3A_270, %mul3A_271 : vector<16xf32>
        %add3A_273 = arith.constant 2 : i32
        %add3A_274 = arith.addi %add3A_198, %add3A_273 : i32
        %swap3A_275 = arith.index_cast %add3A_274 : i32 to index
        %swap3A_276 = arith.constant 0 : index
        %swap3A_277 = tpu.vector_load %arg13[%swap3A_275, %swap3A_276] {strides = array<i32>} : memref<128x32xf32, #tpu.memory_space<vmem>>, vector<1x16xf32>,
        %swap3A_278 = vector.shape_cast %swap3A_277 : vector<1x16xf32> to vector<16xf32>
        %swap3A_279 = vector.shape_cast %mul3A_272 : vector<16xf32> to vector<1x16xf32>
        tpu.vector_store %arg13[%swap3A_275, %swap3A_276], %swap3A_279 {strides = array<i32>} : memref<128x32xf32, #tpu.memory_space<vmem>>, vector<1x16xf32>,
        %add3A_280 = arith.constant 2 : i32
        %add3A_281 = arith.addi %add3A_198, %add3A_280 : i32
        %get3A_282 = arith.index_cast %add3A_281 : i32 to index
        %get3A_283 = arith.constant 16 : index
        %get3A_284 = tpu.vector_load %arg13[%get3A_282, %get3A_283] {strides = array<i32>} : memref<128x32xf32, #tpu.memory_space<vmem>>, vector<1x16xf32>,
        %get3A_285 = vector.shape_cast %get3A_284 : vector<1x16xf32> to vector<16xf32>
        %mul3A_286 = vector.broadcast %squeeze3A_264 : f32 to vector<16xf32>
        %mul3A_287 = arith.mulf %get3A_285, %mul3A_286 : vector<16xf32>
        %add3A_288 = arith.constant 2 : i32
        %add3A_289 = arith.addi %add3A_198, %add3A_288 : i32
        %swap3A_290 = arith.index_cast %add3A_289 : i32 to index
        %swap3A_291 = arith.constant 16 : index
        %swap3A_292 = tpu.vector_load %arg13[%swap3A_290, %swap3A_291] {strides = array<i32>} : memref<128x32xf32, #tpu.memory_space<vmem>>, vector<1x16xf32>,
        %swap3A_293 = vector.shape_cast %swap3A_292 : vector<1x16xf32> to vector<16xf32>
        %swap3A_294 = vector.shape_cast %mul3A_287 : vector<16xf32> to vector<1x16xf32>
        tpu.vector_store %arg13[%swap3A_290, %swap3A_291], %swap3A_294 {strides = array<i32>} : memref<128x32xf32, #tpu.memory_space<vmem>>, vector<1x16xf32>,
        %slice3A_295 = vector.extract_strided_slice %get3A_201 {offsets = [3], sizes = [1], strides = [1]} : vector<16xf32> to vector<1xf32>
        %squeeze3A_296 = vector.extract %slice3A_295[0] : f32 from vector<1xf32>
        %add3A_297 = arith.constant 3 : i32
        %add3A_298 = arith.addi %add3A_198, %add3A_297 : i32
        %get3A_299 = arith.index_cast %add3A_298 : i32 to index
        %get3A_300 = arith.constant 0 : index
        %get3A_301 = tpu.vector_load %arg13[%get3A_299, %get3A_300] {strides = array<i32>} : memref<128x32xf32, #tpu.memory_space<vmem>>, vector<1x16xf32>,
        %get3A_302 = vector.shape_cast %get3A_301 : vector<1x16xf32> to vector<16xf32>
        %mul3A_303 = vector.broadcast %squeeze3A_296 : f32 to vector<16xf32>
        %mul3A_304 = arith.mulf %get3A_302, %mul3A_303 : vector<16xf32>
        %add3A_305 = arith.constant 3 : i32
        %add3A_306 = arith.addi %add3A_198, %add3A_305 : i32
        %swap3A_307 = arith.index_cast %add3A_306 : i32 to index
        %swap3A_308 = arith.constant 0 : index
        %swap3A_309 = tpu.vector_load %arg13[%swap3A_307, %swap3A_308] {strides = array<i32>} : memref<128x32xf32, #tpu.memory_space<vmem>>, vector<1x16xf32>,
        %swap3A_310 = vector.shape_cast %swap3A_309 : vector<1x16xf32> to vector<16xf32>
        %swap3A_311 = vector.shape_cast %mul3A_304 : vector<16xf32> to vector<1x16xf32>
        tpu.vector_store %arg13[%swap3A_307, %swap3A_308], %swap3A_311 {strides = array<i32>} : memref<128x32xf32, #tpu.memory_space<vmem>>, vector<1x16xf32>,
        %add3A_312 = arith.constant 3 : i32
        %add3A_313 = arith.addi %add3A_198, %add3A_312 : i32
        %get3A_314 = arith.index_cast %add3A_313 : i32 to index
        %get3A_315 = arith.constant 16 : index
        %get3A_316 = tpu.vector_load %arg13[%get3A_314, %get3A_315] {strides = array<i32>} : memref<128x32xf32, #tpu.memory_space<vmem>>, vector<1x16xf32>,
        %get3A_317 = vector.shape_cast %get3A_316 : vector<1x16xf32> to vector<16xf32>
        %mul3A_318 = vector.broadcast %squeeze3A_296 : f32 to vector<16xf32>
        %mul3A_319 = arith.mulf %get3A_317, %mul3A_318 : vector<16xf32>
        %add3A_320 = arith.constant 3 : i32
        %add3A_321 = arith.addi %add3A_198, %add3A_320 : i32
        %swap3A_322 = arith.index_cast %add3A_321 : i32 to index
        %swap3A_323 = arith.constant 16 : index
        %swap3A_324 = tpu.vector_load %arg13[%swap3A_322, %swap3A_323] {strides = array<i32>} : memref<128x32xf32, #tpu.memory_space<vmem>>, vector<1x16xf32>,
        %swap3A_325 = vector.shape_cast %swap3A_324 : vector<1x16xf32> to vector<16xf32>
        %swap3A_326 = vector.shape_cast %mul3A_319 : vector<16xf32> to vector<1x16xf32>
        tpu.vector_store %arg13[%swap3A_322, %swap3A_323], %swap3A_326 {strides = array<i32>} : memref<128x32xf32, #tpu.memory_space<vmem>>, vector<1x16xf32>,
        %slice3A_327 = vector.extract_strided_slice %get3A_201 {offsets = [4], sizes = [1], strides = [1]} : vector<16xf32> to vector<1xf32>
        %squeeze3A_328 = vector.extract %slice3A_327[0] : f32 from vector<1xf32>
        %add3A_329 = arith.constant 4 : i32
        %add3A_330 = arith.addi %add3A_198, %add3A_329 : i32
        %get3A_331 = arith.index_cast %add3A_330 : i32 to index
        %get3A_332 = arith.constant 0 : index
        %get3A_333 = tpu.vector_load %arg13[%get3A_331, %get3A_332] {strides = array<i32>} : memref<128x32xf32, #tpu.memory_space<vmem>>, vector<1x16xf32>,
        %get3A_334 = vector.shape_cast %get3A_333 : vector<1x16xf32> to vector<16xf32>
        %mul3A_335 = vector.broadcast %squeeze3A_328 : f32 to vector<16xf32>
        %mul3A_336 = arith.mulf %get3A_334, %mul3A_335 : vector<16xf32>
        %add3A_337 = arith.constant 4 : i32
        %add3A_338 = arith.addi %add3A_198, %add3A_337 : i32
        %swap3A_339 = arith.index_cast %add3A_338 : i32 to index
        %swap3A_340 = arith.constant 0 : index
        %swap3A_341 = tpu.vector_load %arg13[%swap3A_339, %swap3A_340] {strides = array<i32>} : memref<128x32xf32, #tpu.memory_space<vmem>>, vector<1x16xf32>,
        %swap3A_342 = vector.shape_cast %swap3A_341 : vector<1x16xf32> to vector<16xf32>
        %swap3A_343 = vector.shape_cast %mul3A_336 : vector<16xf32> to vector<1x16xf32>
        tpu.vector_store %arg13[%swap3A_339, %swap3A_340], %swap3A_343 {strides = array<i32>} : memref<128x32xf32, #tpu.memory_space<vmem>>, vector<1x16xf32>,
        %add3A_344 = arith.constant 4 : i32
        %add3A_345 = arith.addi %add3A_198, %add3A_344 : i32
        %get3A_346 = arith.index_cast %add3A_345 : i32 to index
        %get3A_347 = arith.constant 16 : index
        %get3A_348 = tpu.vector_load %arg13[%get3A_346, %get3A_347] {strides = array<i32>} : memref<128x32xf32, #tpu.memory_space<vmem>>, vector<1x16xf32>,
        %get3A_349 = vector.shape_cast %get3A_348 : vector<1x16xf32> to vector<16xf32>
        %mul3A_350 = vector.broadcast %squeeze3A_328 : f32 to vector<16xf32>
        %mul3A_351 = arith.mulf %get3A_349, %mul3A_350 : vector<16xf32>
        %add3A_352 = arith.constant 4 : i32
        %add3A_353 = arith.addi %add3A_198, %add3A_352 : i32
        %swap3A_354 = arith.index_cast %add3A_353 : i32 to index
        %swap3A_355 = arith.constant 16 : index
        %swap3A_356 = tpu.vector_load %arg13[%swap3A_354, %swap3A_355] {strides = array<i32>} : memref<128x32xf32, #tpu.memory_space<vmem>>, vector<1x16xf32>,
        %swap3A_357 = vector.shape_cast %swap3A_356 : vector<1x16xf32> to vector<16xf32>
        %swap3A_358 = vector.shape_cast %mul3A_351 : vector<16xf32> to vector<1x16xf32>
        tpu.vector_store %arg13[%swap3A_354, %swap3A_355], %swap3A_358 {strides = array<i32>} : memref<128x32xf32, #tpu.memory_space<vmem>>, vector<1x16xf32>,
        %slice3A_359 = vector.extract_strided_slice %get3A_201 {offsets = [5], sizes = [1], strides = [1]} : vector<16xf32> to vector<1xf32>
        %squeeze3A_360 = vector.extract %slice3A_359[0] : f32 from vector<1xf32>
        %add3A_361 = arith.constant 5 : i32
        %add3A_362 = arith.addi %add3A_198, %add3A_361 : i32
        %get3A_363 = arith.index_cast %add3A_362 : i32 to index
        %get3A_364 = arith.constant 0 : index
        %get3A_365 = tpu.vector_load %arg13[%get3A_363, %get3A_364] {strides = array<i32>} : memref<128x32xf32, #tpu.memory_space<vmem>>, vector<1x16xf32>,
        %get3A_366 = vector.shape_cast %get3A_365 : vector<1x16xf32> to vector<16xf32>
        %mul3A_367 = vector.broadcast %squeeze3A_360 : f32 to vector<16xf32>
        %mul3A_368 = arith.mulf %get3A_366, %mul3A_367 : vector<16xf32>
        %add3A_369 = arith.constant 5 : i32
        %add3A_370 = arith.addi %add3A_198, %add3A_369 : i32
        %swap3A_371 = arith.index_cast %add3A_370 : i32 to index
        %swap3A_372 = arith.constant 0 : index
        %swap3A_373 = tpu.vector_load %arg13[%swap3A_371, %swap3A_372] {strides = array<i32>} : memref<128x32xf32, #tpu.memory_space<vmem>>, vector<1x16xf32>,
        %swap3A_374 = vector.shape_cast %swap3A_373 : vector<1x16xf32> to vector<16xf32>
        %swap3A_375 = vector.shape_cast %mul3A_368 : vector<16xf32> to vector<1x16xf32>
        tpu.vector_store %arg13[%swap3A_371, %swap3A_372], %swap3A_375 {strides = array<i32>} : memref<128x32xf32, #tpu.memory_space<vmem>>, vector<1x16xf32>,
        %add3A_376 = arith.constant 5 : i32
        %add3A_377 = arith.addi %add3A_198, %add3A_376 : i32
        %get3A_378 = arith.index_cast %add3A_377 : i32 to index
        %get3A_379 = arith.constant 16 : index
        %get3A_380 = tpu.vector_load %arg13[%get3A_378, %get3A_379] {strides = array<i32>} : memref<128x32xf32, #tpu.memory_space<vmem>>, vector<1x16xf32>,
        %get3A_381 = vector.shape_cast %get3A_380 : vector<1x16xf32> to vector<16xf32>
        %mul3A_382 = vector.broadcast %squeeze3A_360 : f32 to vector<16xf32>
        %mul3A_383 = arith.mulf %get3A_381, %mul3A_382 : vector<16xf32>
        %add3A_384 = arith.constant 5 : i32
        %add3A_385 = arith.addi %add3A_198, %add3A_384 : i32
        %swap3A_386 = arith.index_cast %add3A_385 : i32 to index
        %swap3A_387 = arith.constant 16 : index
        %swap3A_388 = tpu.vector_load %arg13[%swap3A_386, %swap3A_387] {strides = array<i32>} : memref<128x32xf32, #tpu.memory_space<vmem>>, vector<1x16xf32>,
        %swap3A_389 = vector.shape_cast %swap3A_388 : vector<1x16xf32> to vector<16xf32>
        %swap3A_390 = vector.shape_cast %mul3A_383 : vector<16xf32> to vector<1x16xf32>
        tpu.vector_store %arg13[%swap3A_386, %swap3A_387], %swap3A_390 {strides = array<i32>} : memref<128x32xf32, #tpu.memory_space<vmem>>, vector<1x16xf32>,
        %slice3A_391 = vector.extract_strided_slice %get3A_201 {offsets = [6], sizes = [1], strides = [1]} : vector<16xf32> to vector<1xf32>
        %squeeze3A_392 = vector.extract %slice3A_391[0] : f32 from vector<1xf32>
        %add3A_393 = arith.constant 6 : i32
        %add3A_394 = arith.addi %add3A_198, %add3A_393 : i32
        %get3A_395 = arith.index_cast %add3A_394 : i32 to index
        %get3A_396 = arith.constant 0 : index
        %get3A_397 = tpu.vector_load %arg13[%get3A_395, %get3A_396] {strides = array<i32>} : memref<128x32xf32, #tpu.memory_space<vmem>>, vector<1x16xf32>,
        %get3A_398 = vector.shape_cast %get3A_397 : vector<1x16xf32> to vector<16xf32>
        %mul3A_399 = vector.broadcast %squeeze3A_392 : f32 to vector<16xf32>
        %mul3A_400 = arith.mulf %get3A_398, %mul3A_399 : vector<16xf32>
        %add3A_401 = arith.constant 6 : i32
        %add3A_402 = arith.addi %add3A_198, %add3A_401 : i32
        %swap3A_403 = arith.index_cast %add3A_402 : i32 to index
        %swap3A_404 = arith.constant 0 : index
        %swap3A_405 = tpu.vector_load %arg13[%swap3A_403, %swap3A_404] {strides = array<i32>} : memref<128x32xf32, #tpu.memory_space<vmem>>, vector<1x16xf32>,
        %swap3A_406 = vector.shape_cast %swap3A_405 : vector<1x16xf32> to vector<16xf32>
        %swap3A_407 = vector.shape_cast %mul3A_400 : vector<16xf32> to vector<1x16xf32>
        tpu.vector_store %arg13[%swap3A_403, %swap3A_404], %swap3A_407 {strides = array<i32>} : memref<128x32xf32, #tpu.memory_space<vmem>>, vector<1x16xf32>,
        %add3A_408 = arith.constant 6 : i32
        %add3A_409 = arith.addi %add3A_198, %add3A_408 : i32
        %get3A_410 = arith.index_cast %add3A_409 : i32 to index
        %get3A_411 = arith.constant 16 : index
        %get3A_412 = tpu.vector_load %arg13[%get3A_410, %get3A_411] {strides = array<i32>} : memref<128x32xf32, #tpu.memory_space<vmem>>, vector<1x16xf32>,
        %get3A_413 = vector.shape_cast %get3A_412 : vector<1x16xf32> to vector<16xf32>
        %mul3A_414 = vector.broadcast %squeeze3A_392 : f32 to vector<16xf32>
        %mul3A_415 = arith.mulf %get3A_413, %mul3A_414 : vector<16xf32>
        %add3A_416 = arith.constant 6 : i32
        %add3A_417 = arith.addi %add3A_198, %add3A_416 : i32
        %swap3A_418 = arith.index_cast %add3A_417 : i32 to index
        %swap3A_419 = arith.constant 16 : index
        %swap3A_420 = tpu.vector_load %arg13[%swap3A_418, %swap3A_419] {strides = array<i32>} : memref<128x32xf32, #tpu.memory_space<vmem>>, vector<1x16xf32>,
        %swap3A_421 = vector.shape_cast %swap3A_420 : vector<1x16xf32> to vector<16xf32>
        %swap3A_422 = vector.shape_cast %mul3A_415 : vector<16xf32> to vector<1x16xf32>
        tpu.vector_store %arg13[%swap3A_418, %swap3A_419], %swap3A_422 {strides = array<i32>} : memref<128x32xf32, #tpu.memory_space<vmem>>, vector<1x16xf32>,
        %slice3A_423 = vector.extract_strided_slice %get3A_201 {offsets = [7], sizes = [1], strides = [1]} : vector<16xf32> to vector<1xf32>
        %squeeze3A_424 = vector.extract %slice3A_423[0] : f32 from vector<1xf32>
        %add3A_425 = arith.constant 7 : i32
        %add3A_426 = arith.addi %add3A_198, %add3A_425 : i32
        %get3A_427 = arith.index_cast %add3A_426 : i32 to index
        %get3A_428 = arith.constant 0 : index
        %get3A_429 = tpu.vector_load %arg13[%get3A_427, %get3A_428] {strides = array<i32>} : memref<128x32xf32, #tpu.memory_space<vmem>>, vector<1x16xf32>,
        %get3A_430 = vector.shape_cast %get3A_429 : vector<1x16xf32> to vector<16xf32>
        %mul3A_431 = vector.broadcast %squeeze3A_424 : f32 to vector<16xf32>
        %mul3A_432 = arith.mulf %get3A_430, %mul3A_431 : vector<16xf32>
        %add3A_433 = arith.constant 7 : i32
        %add3A_434 = arith.addi %add3A_198, %add3A_433 : i32
        %swap3A_435 = arith.index_cast %add3A_434 : i32 to index
        %swap3A_436 = arith.constant 0 : index
        %swap3A_437 = tpu.vector_load %arg13[%swap3A_435, %swap3A_436] {strides = array<i32>} : memref<128x32xf32, #tpu.memory_space<vmem>>, vector<1x16xf32>,
        %swap3A_438 = vector.shape_cast %swap3A_437 : vector<1x16xf32> to vector<16xf32>
        %swap3A_439 = vector.shape_cast %mul3A_432 : vector<16xf32> to vector<1x16xf32>
        tpu.vector_store %arg13[%swap3A_435, %swap3A_436], %swap3A_439 {strides = array<i32>} : memref<128x32xf32, #tpu.memory_space<vmem>>, vector<1x16xf32>,
        %add3A_440 = arith.constant 7 : i32
        %add3A_441 = arith.addi %add3A_198, %add3A_440 : i32
        %get3A_442 = arith.index_cast %add3A_441 : i32 to index
        %get3A_443 = arith.constant 16 : index
        %get3A_444 = tpu.vector_load %arg13[%get3A_442, %get3A_443] {strides = array<i32>} : memref<128x32xf32, #tpu.memory_space<vmem>>, vector<1x16xf32>,
        %get3A_445 = vector.shape_cast %get3A_444 : vector<1x16xf32> to vector<16xf32>
        %mul3A_446 = vector.broadcast %squeeze3A_424 : f32 to vector<16xf32>
        %mul3A_447 = arith.mulf %get3A_445, %mul3A_446 : vector<16xf32>
        %add3A_448 = arith.constant 7 : i32
        %add3A_449 = arith.addi %add3A_198, %add3A_448 : i32
        %swap3A_450 = arith.index_cast %add3A_449 : i32 to index
        %swap3A_451 = arith.constant 16 : index
        %swap3A_452 = tpu.vector_load %arg13[%swap3A_450, %swap3A_451] {strides = array<i32>} : memref<128x32xf32, #tpu.memory_space<vmem>>, vector<1x16xf32>,
        %swap3A_453 = vector.shape_cast %swap3A_452 : vector<1x16xf32> to vector<16xf32>
        %swap3A_454 = vector.shape_cast %mul3A_447 : vector<16xf32> to vector<1x16xf32>
        tpu.vector_store %arg13[%swap3A_450, %swap3A_451], %swap3A_454 {strides = array<i32>} : memref<128x32xf32, #tpu.memory_space<vmem>>, vector<1x16xf32>,
        %slice3A_455 = vector.extract_strided_slice %get3A_201 {offsets = [8], sizes = [1], strides = [1]} : vector<16xf32> to vector<1xf32>
        %squeeze3A_456 = vector.extract %slice3A_455[0] : f32 from vector<1xf32>
        %add3A_457 = arith.constant 8 : i32
        %add3A_458 = arith.addi %add3A_198, %add3A_457 : i32
        %get3A_459 = arith.index_cast %add3A_458 : i32 to index
        %get3A_460 = arith.constant 0 : index
        %get3A_461 = tpu.vector_load %arg13[%get3A_459, %get3A_460] {strides = array<i32>} : memref<128x32xf32, #tpu.memory_space<vmem>>, vector<1x16xf32>,
        %get3A_462 = vector.shape_cast %get3A_461 : vector<1x16xf32> to vector<16xf32>
        %mul3A_463 = vector.broadcast %squeeze3A_456 : f32 to vector<16xf32>
        %mul3A_464 = arith.mulf %get3A_462, %mul3A_463 : vector<16xf32>
        %add3A_465 = arith.constant 8 : i32
        %add3A_466 = arith.addi %add3A_198, %add3A_465 : i32
        %swap3A_467 = arith.index_cast %add3A_466 : i32 to index
        %swap3A_468 = arith.constant 0 : index
        %swap3A_469 = tpu.vector_load %arg13[%swap3A_467, %swap3A_468] {strides = array<i32>} : memref<128x32xf32, #tpu.memory_space<vmem>>, vector<1x16xf32>,
        %swap3A_470 = vector.shape_cast %swap3A_469 : vector<1x16xf32> to vector<16xf32>
        %swap3A_471 = vector.shape_cast %mul3A_464 : vector<16xf32> to vector<1x16xf32>
        tpu.vector_store %arg13[%swap3A_467, %swap3A_468], %swap3A_471 {strides = array<i32>} : memref<128x32xf32, #tpu.memory_space<vmem>>, vector<1x16xf32>,
        %add3A_472 = arith.constant 8 : i32
        %add3A_473 = arith.addi %add3A_198, %add3A_472 : i32
        %get3A_474 = arith.index_cast %add3A_473 : i32 to index
        %get3A_475 = arith.constant 16 : index
        %get3A_476 = tpu.vector_load %arg13[%get3A_474, %get3A_475] {strides = array<i32>} : memref<128x32xf32, #tpu.memory_space<vmem>>, vector<1x16xf32>,
        %get3A_477 = vector.shape_cast %get3A_476 : vector<1x16xf32> to vector<16xf32>
        %mul3A_478 = vector.broadcast %squeeze3A_456 : f32 to vector<16xf32>
        %mul3A_479 = arith.mulf %get3A_477, %mul3A_478 : vector<16xf32>
        %add3A_480 = arith.constant 8 : i32
        %add3A_481 = arith.addi %add3A_198, %add3A_480 : i32
        %swap3A_482 = arith.index_cast %add3A_481 : i32 to index
        %swap3A_483 = arith.constant 16 : index
        %swap3A_484 = tpu.vector_load %arg13[%swap3A_482, %swap3A_483] {strides = array<i32>} : memref<128x32xf32, #tpu.memory_space<vmem>>, vector<1x16xf32>,
        %swap3A_485 = vector.shape_cast %swap3A_484 : vector<1x16xf32> to vector<16xf32>
        %swap3A_486 = vector.shape_cast %mul3A_479 : vector<16xf32> to vector<1x16xf32>
        tpu.vector_store %arg13[%swap3A_482, %swap3A_483], %swap3A_486 {strides = array<i32>} : memref<128x32xf32, #tpu.memory_space<vmem>>, vector<1x16xf32>,
        %slice3A_487 = vector.extract_strided_slice %get3A_201 {offsets = [9], sizes = [1], strides = [1]} : vector<16xf32> to vector<1xf32>
        %squeeze3A_488 = vector.extract %slice3A_487[0] : f32 from vector<1xf32>
        %add3A_489 = arith.constant 9 : i32
        %add3A_490 = arith.addi %add3A_198, %add3A_489 : i32
        %get3A_491 = arith.index_cast %add3A_490 : i32 to index
        %get3A_492 = arith.constant 0 : index
        %get3A_493 = tpu.vector_load %arg13[%get3A_491, %get3A_492] {strides = array<i32>} : memref<128x32xf32, #tpu.memory_space<vmem>>, vector<1x16xf32>,
        %get3A_494 = vector.shape_cast %get3A_493 : vector<1x16xf32> to vector<16xf32>
        %mul3A_495 = vector.broadcast %squeeze3A_488 : f32 to vector<16xf32>
        %mul3A_496 = arith.mulf %get3A_494, %mul3A_495 : vector<16xf32>
        %add3A_497 = arith.constant 9 : i32
        %add3A_498 = arith.addi %add3A_198, %add3A_497 : i32
        %swap3A_499 = arith.index_cast %add3A_498 : i32 to index
        %swap3A_500 = arith.constant 0 : index
        %swap3A_501 = tpu.vector_load %arg13[%swap3A_499, %swap3A_500] {strides = array<i32>} : memref<128x32xf32, #tpu.memory_space<vmem>>, vector<1x16xf32>,
        %swap3A_502 = vector.shape_cast %swap3A_501 : vector<1x16xf32> to vector<16xf32>
        %swap3A_503 = vector.shape_cast %mul3A_496 : vector<16xf32> to vector<1x16xf32>
        tpu.vector_store %arg13[%swap3A_499, %swap3A_500], %swap3A_503 {strides = array<i32>} : memref<128x32xf32, #tpu.memory_space<vmem>>, vector<1x16xf32>,
        %add3A_504 = arith.constant 9 : i32
        %add3A_505 = arith.addi %add3A_198, %add3A_504 : i32
        %get3A_506 = arith.index_cast %add3A_505 : i32 to index
        %get3A_507 = arith.constant 16 : index
        %get3A_508 = tpu.vector_load %arg13[%get3A_506, %get3A_507] {strides = array<i32>} : memref<128x32xf32, #tpu.memory_space<vmem>>, vector<1x16xf32>,
        %get3A_509 = vector.shape_cast %get3A_508 : vector<1x16xf32> to vector<16xf32>
        %mul3A_510 = vector.broadcast %squeeze3A_488 : f32 to vector<16xf32>
        %mul3A_511 = arith.mulf %get3A_509, %mul3A_510 : vector<16xf32>
        %add3A_512 = arith.constant 9 : i32
        %add3A_513 = arith.addi %add3A_198, %add3A_512 : i32
        %swap3A_514 = arith.index_cast %add3A_513 : i32 to index
        %swap3A_515 = arith.constant 16 : index
        %swap3A_516 = tpu.vector_load %arg13[%swap3A_514, %swap3A_515] {strides = array<i32>} : memref<128x32xf32, #tpu.memory_space<vmem>>, vector<1x16xf32>,
        %swap3A_517 = vector.shape_cast %swap3A_516 : vector<1x16xf32> to vector<16xf32>
        %swap3A_518 = vector.shape_cast %mul3A_511 : vector<16xf32> to vector<1x16xf32>
        tpu.vector_store %arg13[%swap3A_514, %swap3A_515], %swap3A_518 {strides = array<i32>} : memref<128x32xf32, #tpu.memory_space<vmem>>, vector<1x16xf32>,
        %slice3A_519 = vector.extract_strided_slice %get3A_201 {offsets = [10], sizes = [1], strides = [1]} : vector<16xf32> to vector<1xf32>
        %squeeze3A_520 = vector.extract %slice3A_519[0] : f32 from vector<1xf32>
        %add3A_521 = arith.constant 10 : i32
        %add3A_522 = arith.addi %add3A_198, %add3A_521 : i32
        %get3A_523 = arith.index_cast %add3A_522 : i32 to index
        %get3A_524 = arith.constant 0 : index
        %get3A_525 = tpu.vector_load %arg13[%get3A_523, %get3A_524] {strides = array<i32>} : memref<128x32xf32, #tpu.memory_space<vmem>>, vector<1x16xf32>,
        %get3A_526 = vector.shape_cast %get3A_525 : vector<1x16xf32> to vector<16xf32>
        %mul3A_527 = vector.broadcast %squeeze3A_520 : f32 to vector<16xf32>
        %mul3A_528 = arith.mulf %get3A_526, %mul3A_527 : vector<16xf32>
        %add3A_529 = arith.constant 10 : i32
        %add3A_530 = arith.addi %add3A_198, %add3A_529 : i32
        %swap3A_531 = arith.index_cast %add3A_530 : i32 to index
        %swap3A_532 = arith.constant 0 : index
        %swap3A_533 = tpu.vector_load %arg13[%swap3A_531, %swap3A_532] {strides = array<i32>} : memref<128x32xf32, #tpu.memory_space<vmem>>, vector<1x16xf32>,
        %swap3A_534 = vector.shape_cast %swap3A_533 : vector<1x16xf32> to vector<16xf32>
        %swap3A_535 = vector.shape_cast %mul3A_528 : vector<16xf32> to vector<1x16xf32>
        tpu.vector_store %arg13[%swap3A_531, %swap3A_532], %swap3A_535 {strides = array<i32>} : memref<128x32xf32, #tpu.memory_space<vmem>>, vector<1x16xf32>,
        %add3A_536 = arith.constant 10 : i32
        %add3A_537 = arith.addi %add3A_198, %add3A_536 : i32
        %get3A_538 = arith.index_cast %add3A_537 : i32 to index
        %get3A_539 = arith.constant 16 : index
        %get3A_540 = tpu.vector_load %arg13[%get3A_538, %get3A_539] {strides = array<i32>} : memref<128x32xf32, #tpu.memory_space<vmem>>, vector<1x16xf32>,
        %get3A_541 = vector.shape_cast %get3A_540 : vector<1x16xf32> to vector<16xf32>
        %mul3A_542 = vector.broadcast %squeeze3A_520 : f32 to vector<16xf32>
        %mul3A_543 = arith.mulf %get3A_541, %mul3A_542 : vector<16xf32>
        %add3A_544 = arith.constant 10 : i32
        %add3A_545 = arith.addi %add3A_198, %add3A_544 : i32
        %swap3A_546 = arith.index_cast %add3A_545 : i32 to index
        %swap3A_547 = arith.constant 16 : index
        %swap3A_548 = tpu.vector_load %arg13[%swap3A_546, %swap3A_547] {strides = array<i32>} : memref<128x32xf32, #tpu.memory_space<vmem>>, vector<1x16xf32>,
        %swap3A_549 = vector.shape_cast %swap3A_548 : vector<1x16xf32> to vector<16xf32>
        %swap3A_550 = vector.shape_cast %mul3A_543 : vector<16xf32> to vector<1x16xf32>
        tpu.vector_store %arg13[%swap3A_546, %swap3A_547], %swap3A_550 {strides = array<i32>} : memref<128x32xf32, #tpu.memory_space<vmem>>, vector<1x16xf32>,
        %slice3A_551 = vector.extract_strided_slice %get3A_201 {offsets = [11], sizes = [1], strides = [1]} : vector<16xf32> to vector<1xf32>
        %squeeze3A_552 = vector.extract %slice3A_551[0] : f32 from vector<1xf32>
        %add3A_553 = arith.constant 11 : i32
        %add3A_554 = arith.addi %add3A_198, %add3A_553 : i32
        %get3A_555 = arith.index_cast %add3A_554 : i32 to index
        %get3A_556 = arith.constant 0 : index
        %get3A_557 = tpu.vector_load %arg13[%get3A_555, %get3A_556] {strides = array<i32>} : memref<128x32xf32, #tpu.memory_space<vmem>>, vector<1x16xf32>,
        %get3A_558 = vector.shape_cast %get3A_557 : vector<1x16xf32> to vector<16xf32>
        %mul3A_559 = vector.broadcast %squeeze3A_552 : f32 to vector<16xf32>
        %mul3A_560 = arith.mulf %get3A_558, %mul3A_559 : vector<16xf32>
        %add3A_561 = arith.constant 11 : i32
        %add3A_562 = arith.addi %add3A_198, %add3A_561 : i32
        %swap3A_563 = arith.index_cast %add3A_562 : i32 to index
        %swap3A_564 = arith.constant 0 : index
        %swap3A_565 = tpu.vector_load %arg13[%swap3A_563, %swap3A_564] {strides = array<i32>} : memref<128x32xf32, #tpu.memory_space<vmem>>, vector<1x16xf32>,
        %swap3A_566 = vector.shape_cast %swap3A_565 : vector<1x16xf32> to vector<16xf32>
        %swap3A_567 = vector.shape_cast %mul3A_560 : vector<16xf32> to vector<1x16xf32>
        tpu.vector_store %arg13[%swap3A_563, %swap3A_564], %swap3A_567 {strides = array<i32>} : memref<128x32xf32, #tpu.memory_space<vmem>>, vector<1x16xf32>,
        %add3A_568 = arith.constant 11 : i32
        %add3A_569 = arith.addi %add3A_198, %add3A_568 : i32
        %get3A_570 = arith.index_cast %add3A_569 : i32 to index
        %get3A_571 = arith.constant 16 : index
        %get3A_572 = tpu.vector_load %arg13[%get3A_570, %get3A_571] {strides = array<i32>} : memref<128x32xf32, #tpu.memory_space<vmem>>, vector<1x16xf32>,
        %get3A_573 = vector.shape_cast %get3A_572 : vector<1x16xf32> to vector<16xf32>
        %mul3A_574 = vector.broadcast %squeeze3A_552 : f32 to vector<16xf32>
        %mul3A_575 = arith.mulf %get3A_573, %mul3A_574 : vector<16xf32>
        %add3A_576 = arith.constant 11 : i32
        %add3A_577 = arith.addi %add3A_198, %add3A_576 : i32
        %swap3A_578 = arith.index_cast %add3A_577 : i32 to index
        %swap3A_579 = arith.constant 16 : index
        %swap3A_580 = tpu.vector_load %arg13[%swap3A_578, %swap3A_579] {strides = array<i32>} : memref<128x32xf32, #tpu.memory_space<vmem>>, vector<1x16xf32>,
        %swap3A_581 = vector.shape_cast %swap3A_580 : vector<1x16xf32> to vector<16xf32>
        %swap3A_582 = vector.shape_cast %mul3A_575 : vector<16xf32> to vector<1x16xf32>
        tpu.vector_store %arg13[%swap3A_578, %swap3A_579], %swap3A_582 {strides = array<i32>} : memref<128x32xf32, #tpu.memory_space<vmem>>, vector<1x16xf32>,
        %slice3A_583 = vector.extract_strided_slice %get3A_201 {offsets = [12], sizes = [1], strides = [1]} : vector<16xf32> to vector<1xf32>
        %squeeze3A_584 = vector.extract %slice3A_583[0] : f32 from vector<1xf32>
        %add3A_585 = arith.constant 12 : i32
        %add3A_586 = arith.addi %add3A_198, %add3A_585 : i32
        %get3A_587 = arith.index_cast %add3A_586 : i32 to index
        %get3A_588 = arith.constant 0 : index
        %get3A_589 = tpu.vector_load %arg13[%get3A_587, %get3A_588] {strides = array<i32>} : memref<128x32xf32, #tpu.memory_space<vmem>>, vector<1x16xf32>,
        %get3A_590 = vector.shape_cast %get3A_589 : vector<1x16xf32> to vector<16xf32>
        %mul3A_591 = vector.broadcast %squeeze3A_584 : f32 to vector<16xf32>
        %mul3A_592 = arith.mulf %get3A_590, %mul3A_591 : vector<16xf32>
        %add3A_593 = arith.constant 12 : i32
        %add3A_594 = arith.addi %add3A_198, %add3A_593 : i32
        %swap3A_595 = arith.index_cast %add3A_594 : i32 to index
        %swap3A_596 = arith.constant 0 : index
        %swap3A_597 = tpu.vector_load %arg13[%swap3A_595, %swap3A_596] {strides = array<i32>} : memref<128x32xf32, #tpu.memory_space<vmem>>, vector<1x16xf32>,
        %swap3A_598 = vector.shape_cast %swap3A_597 : vector<1x16xf32> to vector<16xf32>
        %swap3A_599 = vector.shape_cast %mul3A_592 : vector<16xf32> to vector<1x16xf32>
        tpu.vector_store %arg13[%swap3A_595, %swap3A_596], %swap3A_599 {strides = array<i32>} : memref<128x32xf32, #tpu.memory_space<vmem>>, vector<1x16xf32>,
        %add3A_600 = arith.constant 12 : i32
        %add3A_601 = arith.addi %add3A_198, %add3A_600 : i32
        %get3A_602 = arith.index_cast %add3A_601 : i32 to index
        %get3A_603 = arith.constant 16 : index
        %get3A_604 = tpu.vector_load %arg13[%get3A_602, %get3A_603] {strides = array<i32>} : memref<128x32xf32, #tpu.memory_space<vmem>>, vector<1x16xf32>,
        %get3A_605 = vector.shape_cast %get3A_604 : vector<1x16xf32> to vector<16xf32>
        %mul3A_606 = vector.broadcast %squeeze3A_584 : f32 to vector<16xf32>
        %mul3A_607 = arith.mulf %get3A_605, %mul3A_606 : vector<16xf32>
        %add3A_608 = arith.constant 12 : i32
        %add3A_609 = arith.addi %add3A_198, %add3A_608 : i32
        %swap3A_610 = arith.index_cast %add3A_609 : i32 to index
        %swap3A_611 = arith.constant 16 : index
        %swap3A_612 = tpu.vector_load %arg13[%swap3A_610, %swap3A_611] {strides = array<i32>} : memref<128x32xf32, #tpu.memory_space<vmem>>, vector<1x16xf32>,
        %swap3A_613 = vector.shape_cast %swap3A_612 : vector<1x16xf32> to vector<16xf32>
        %swap3A_614 = vector.shape_cast %mul3A_607 : vector<16xf32> to vector<1x16xf32>
        tpu.vector_store %arg13[%swap3A_610, %swap3A_611], %swap3A_614 {strides = array<i32>} : memref<128x32xf32, #tpu.memory_space<vmem>>, vector<1x16xf32>,
        %slice3A_615 = vector.extract_strided_slice %get3A_201 {offsets = [13], sizes = [1], strides = [1]} : vector<16xf32> to vector<1xf32>
        %squeeze3A_616 = vector.extract %slice3A_615[0] : f32 from vector<1xf32>
        %add3A_617 = arith.constant 13 : i32
        %add3A_618 = arith.addi %add3A_198, %add3A_617 : i32
        %get3A_619 = arith.index_cast %add3A_618 : i32 to index
        %get3A_620 = arith.constant 0 : index
        %get3A_621 = tpu.vector_load %arg13[%get3A_619, %get3A_620] {strides = array<i32>} : memref<128x32xf32, #tpu.memory_space<vmem>>, vector<1x16xf32>,
        %get3A_622 = vector.shape_cast %get3A_621 : vector<1x16xf32> to vector<16xf32>
        %mul3A_623 = vector.broadcast %squeeze3A_616 : f32 to vector<16xf32>
        %mul3A_624 = arith.mulf %get3A_622, %mul3A_623 : vector<16xf32>
        %add3A_625 = arith.constant 13 : i32
        %add3A_626 = arith.addi %add3A_198, %add3A_625 : i32
        %swap3A_627 = arith.index_cast %add3A_626 : i32 to index
        %swap3A_628 = arith.constant 0 : index
        %swap3A_629 = tpu.vector_load %arg13[%swap3A_627, %swap3A_628] {strides = array<i32>} : memref<128x32xf32, #tpu.memory_space<vmem>>, vector<1x16xf32>,
        %swap3A_630 = vector.shape_cast %swap3A_629 : vector<1x16xf32> to vector<16xf32>
        %swap3A_631 = vector.shape_cast %mul3A_624 : vector<16xf32> to vector<1x16xf32>
        tpu.vector_store %arg13[%swap3A_627, %swap3A_628], %swap3A_631 {strides = array<i32>} : memref<128x32xf32, #tpu.memory_space<vmem>>, vector<1x16xf32>,
        %add3A_632 = arith.constant 13 : i32
        %add3A_633 = arith.addi %add3A_198, %add3A_632 : i32
        %get3A_634 = arith.index_cast %add3A_633 : i32 to index
        %get3A_635 = arith.constant 16 : index
        %get3A_636 = tpu.vector_load %arg13[%get3A_634, %get3A_635] {strides = array<i32>} : memref<128x32xf32, #tpu.memory_space<vmem>>, vector<1x16xf32>,
        %get3A_637 = vector.shape_cast %get3A_636 : vector<1x16xf32> to vector<16xf32>
        %mul3A_638 = vector.broadcast %squeeze3A_616 : f32 to vector<16xf32>
        %mul3A_639 = arith.mulf %get3A_637, %mul3A_638 : vector<16xf32>
        %add3A_640 = arith.constant 13 : i32
        %add3A_641 = arith.addi %add3A_198, %add3A_640 : i32
        %swap3A_642 = arith.index_cast %add3A_641 : i32 to index
        %swap3A_643 = arith.constant 16 : index
        %swap3A_644 = tpu.vector_load %arg13[%swap3A_642, %swap3A_643] {strides = array<i32>} : memref<128x32xf32, #tpu.memory_space<vmem>>, vector<1x16xf32>,
        %swap3A_645 = vector.shape_cast %swap3A_644 : vector<1x16xf32> to vector<16xf32>
        %swap3A_646 = vector.shape_cast %mul3A_639 : vector<16xf32> to vector<1x16xf32>
        tpu.vector_store %arg13[%swap3A_642, %swap3A_643], %swap3A_646 {strides = array<i32>} : memref<128x32xf32, #tpu.memory_space<vmem>>, vector<1x16xf32>,
        %slice3A_647 = vector.extract_strided_slice %get3A_201 {offsets = [14], sizes = [1], strides = [1]} : vector<16xf32> to vector<1xf32>
        %squeeze3A_648 = vector.extract %slice3A_647[0] : f32 from vector<1xf32>
        %add3A_649 = arith.constant 14 : i32
        %add3A_650 = arith.addi %add3A_198, %add3A_649 : i32
        %get3A_651 = arith.index_cast %add3A_650 : i32 to index
        %get3A_652 = arith.constant 0 : index
        %get3A_653 = tpu.vector_load %arg13[%get3A_651, %get3A_652] {strides = array<i32>} : memref<128x32xf32, #tpu.memory_space<vmem>>, vector<1x16xf32>,
        %get3A_654 = vector.shape_cast %get3A_653 : vector<1x16xf32> to vector<16xf32>
        %mul3A_655 = vector.broadcast %squeeze3A_648 : f32 to vector<16xf32>
        %mul3A_656 = arith.mulf %get3A_654, %mul3A_655 : vector<16xf32>
        %add3A_657 = arith.constant 14 : i32
        %add3A_658 = arith.addi %add3A_198, %add3A_657 : i32
        %swap3A_659 = arith.index_cast %add3A_658 : i32 to index
        %swap3A_660 = arith.constant 0 : index
        %swap3A_661 = tpu.vector_load %arg13[%swap3A_659, %swap3A_660] {strides = array<i32>} : memref<128x32xf32, #tpu.memory_space<vmem>>, vector<1x16xf32>,
        %swap3A_662 = vector.shape_cast %swap3A_661 : vector<1x16xf32> to vector<16xf32>
        %swap3A_663 = vector.shape_cast %mul3A_656 : vector<16xf32> to vector<1x16xf32>
        tpu.vector_store %arg13[%swap3A_659, %swap3A_660], %swap3A_663 {strides = array<i32>} : memref<128x32xf32, #tpu.memory_space<vmem>>, vector<1x16xf32>,
        %add3A_664 = arith.constant 14 : i32
        %add3A_665 = arith.addi %add3A_198, %add3A_664 : i32
        %get3A_666 = arith.index_cast %add3A_665 : i32 to index
        %get3A_667 = arith.constant 16 : index
        %get3A_668 = tpu.vector_load %arg13[%get3A_666, %get3A_667] {strides = array<i32>} : memref<128x32xf32, #tpu.memory_space<vmem>>, vector<1x16xf32>,
        %get3A_669 = vector.shape_cast %get3A_668 : vector<1x16xf32> to vector<16xf32>
        %mul3A_670 = vector.broadcast %squeeze3A_648 : f32 to vector<16xf32>
        %mul3A_671 = arith.mulf %get3A_669, %mul3A_670 : vector<16xf32>
        %add3A_672 = arith.constant 14 : i32
        %add3A_673 = arith.addi %add3A_198, %add3A_672 : i32
        %swap3A_674 = arith.index_cast %add3A_673 : i32 to index
        %swap3A_675 = arith.constant 16 : index
        %swap3A_676 = tpu.vector_load %arg13[%swap3A_674, %swap3A_675] {strides = array<i32>} : memref<128x32xf32, #tpu.memory_space<vmem>>, vector<1x16xf32>,
        %swap3A_677 = vector.shape_cast %swap3A_676 : vector<1x16xf32> to vector<16xf32>
        %swap3A_678 = vector.shape_cast %mul3A_671 : vector<16xf32> to vector<1x16xf32>
        tpu.vector_store %arg13[%swap3A_674, %swap3A_675], %swap3A_678 {strides = array<i32>} : memref<128x32xf32, #tpu.memory_space<vmem>>, vector<1x16xf32>,
        %slice3A_679 = vector.extract_strided_slice %get3A_201 {offsets = [15], sizes = [1], strides = [1]} : vector<16xf32> to vector<1xf32>
        %squeeze3A_680 = vector.extract %slice3A_679[0] : f32 from vector<1xf32>
        %add3A_681 = arith.constant 15 : i32
        %add3A_682 = arith.addi %add3A_198, %add3A_681 : i32
        %get3A_683 = arith.index_cast %add3A_682 : i32 to index
        %get3A_684 = arith.constant 0 : index
        %get3A_685 = tpu.vector_load %arg13[%get3A_683, %get3A_684] {strides = array<i32>} : memref<128x32xf32, #tpu.memory_space<vmem>>, vector<1x16xf32>,
        %get3A_686 = vector.shape_cast %get3A_685 : vector<1x16xf32> to vector<16xf32>
        %mul3A_687 = vector.broadcast %squeeze3A_680 : f32 to vector<16xf32>
        %mul3A_688 = arith.mulf %get3A_686, %mul3A_687 : vector<16xf32>
        %add3A_689 = arith.constant 15 : i32
        %add3A_690 = arith.addi %add3A_198, %add3A_689 : i32
        %swap3A_691 = arith.index_cast %add3A_690 : i32 to index
        %swap3A_692 = arith.constant 0 : index
        %swap3A_693 = tpu.vector_load %arg13[%swap3A_691, %swap3A_692] {strides = array<i32>} : memref<128x32xf32, #tpu.memory_space<vmem>>, vector<1x16xf32>,
        %swap3A_694 = vector.shape_cast %swap3A_693 : vector<1x16xf32> to vector<16xf32>
        %swap3A_695 = vector.shape_cast %mul3A_688 : vector<16xf32> to vector<1x16xf32>
        tpu.vector_store %arg13[%swap3A_691, %swap3A_692], %swap3A_695 {strides = array<i32>} : memref<128x32xf32, #tpu.memory_space<vmem>>, vector<1x16xf32>,
        %add3A_696 = arith.constant 15 : i32
        %add3A_697 = arith.addi %add3A_198, %add3A_696 : i32
        %get3A_698 = arith.index_cast %add3A_697 : i32 to index
        %get3A_699 = arith.constant 16 : index
        %get3A_700 = tpu.vector_load %arg13[%get3A_698, %get3A_699] {strides = array<i32>} : memref<128x32xf32, #tpu.memory_space<vmem>>, vector<1x16xf32>,
        %get3A_701 = vector.shape_cast %get3A_700 : vector<1x16xf32> to vector<16xf32>
        %mul3A_702 = vector.broadcast %squeeze3A_680 : f32 to vector<16xf32>
        %mul3A_703 = arith.mulf %get3A_701, %mul3A_702 : vector<16xf32>
        %add3A_704 = arith.constant 15 : i32
        %add3A_705 = arith.addi %add3A_198, %add3A_704 : i32
        %swap3A_706 = arith.index_cast %add3A_705 : i32 to index
        %swap3A_707 = arith.constant 16 : index
        %swap3A_708 = tpu.vector_load %arg13[%swap3A_706, %swap3A_707] {strides = array<i32>} : memref<128x32xf32, #tpu.memory_space<vmem>>, vector<1x16xf32>,
        %swap3A_709 = vector.shape_cast %swap3A_708 : vector<1x16xf32> to vector<16xf32>
        %swap3A_710 = vector.shape_cast %mul3A_703 : vector<16xf32> to vector<1x16xf32>
        tpu.vector_store %arg13[%swap3A_706, %swap3A_707], %swap3A_710 {strides = array<i32>} : memref<128x32xf32, #tpu.memory_space<vmem>>, vector<1x16xf32>,
      }
      %scan3A_185 = arith.constant 8 : i32
      %add3A_186 = arith.constant 1 : i32
      %add3A_187 = arith.addi %add3A_134, %add3A_186 : i32
      %dma_start3A_188 = arith.constant 0 : i32
      %dma_start3A_189 = tpu.memref_slice %arg10[%add3A_187, %dma_start3A_188] : memref<79x128xi32, #tpu.memory_space<vmem>> -> memref<1x128xi32, #tpu.memory_space<vmem>>
      %dma_start3A_190 = tpu.memref_squeeze %dma_start3A_189 : memref<1x128xi32, #tpu.memory_space<vmem>> -> memref<128xi32, #tpu.memory_space<vmem>>
      %dma_start3A_191 = arith.constant 0 : i32
      %dma_start3A_192 = arith.constant 0 : i32
      %dma_start3A_193 = tpu.memref_slice %arg7[%dma_start3A_191, %dma_start3A_192] : memref<10112x32xf32, #tpu.memory_space<vmem_shared>> -> memref<10112x32xf32, #tpu.memory_space<vmem_shared>>
      tpu.enqueue_indirect_dma source(%arg13 : memref<128x32xf32, #tpu.memory_space<vmem>>) target(%dma_start3A_193 : memref<10112x32xf32, #tpu.memory_space<vmem_shared>>) offsets(%dma_start3A_190 : memref<128xi32, #tpu.memory_space<vmem>>) semaphore(%arg18 : memref<!tpu.dma_semaphore, #tpu.memory_space<semaphore_mem>>) {add = true}
    }
    %scan3A_105 = arith.constant 39 : i32
    %dma_wait3A_106 = arith.constant 76 : i32
    %dma_wait3A_107 = arith.constant 0 : i32
    %dma_wait3A_108 = tpu.memref_slice %arg10[%dma_wait3A_106, %dma_wait3A_107] : memref<79x128xi32, #tpu.memory_space<vmem>> -> memref<1x128xi32, #tpu.memory_space<vmem>>
    %dma_wait3A_109 = tpu.memref_squeeze %dma_wait3A_108 : memref<1x128xi32, #tpu.memory_space<vmem>> -> memref<128xi32, #tpu.memory_space<vmem>>
    %dma_wait3A_110 = arith.constant 0 : i32
    %dma_wait3A_111 = arith.constant 0 : i32
    %dma_wait3A_112 = tpu.memref_slice %arg7[%dma_wait3A_110, %dma_wait3A_111] : memref<10112x32xf32, #tpu.memory_space<vmem_shared>> -> memref<10112x32xf32, #tpu.memory_space<vmem_shared>>
    tpu.wait_indirect_dma semaphore(%arg17 : memref<!tpu.dma_semaphore, #tpu.memory_space<semaphore_mem>>) src(%arg12 : memref<128x32xf32, #tpu.memory_space<vmem>>) dst(%dma_wait3A_112 : memref<10112x32xf32, #tpu.memory_space<vmem_shared>>)
    %dma_wait3A_113 = arith.constant 77 : i32
    %dma_wait3A_114 = arith.constant 0 : i32
    %dma_wait3A_115 = tpu.memref_slice %arg10[%dma_wait3A_113, %dma_wait3A_114] : memref<79x128xi32, #tpu.memory_space<vmem>> -> memref<1x128xi32, #tpu.memory_space<vmem>>
    %dma_wait3A_116 = tpu.memref_squeeze %dma_wait3A_115 : memref<1x128xi32, #tpu.memory_space<vmem>> -> memref<128xi32, #tpu.memory_space<vmem>>
    %dma_wait3A_117 = arith.constant 0 : i32
    %dma_wait3A_118 = arith.constant 0 : i32
    %dma_wait3A_119 = tpu.memref_slice %arg7[%dma_wait3A_117, %dma_wait3A_118] : memref<10112x32xf32, #tpu.memory_space<vmem_shared>> -> memref<10112x32xf32, #tpu.memory_space<vmem_shared>>
    tpu.wait_indirect_dma semaphore(%arg18 : memref<!tpu.dma_semaphore, #tpu.memory_space<semaphore_mem>>) src(%arg13 : memref<128x32xf32, #tpu.memory_space<vmem>>) dst(%dma_wait3A_119 : memref<10112x32xf32, #tpu.memory_space<vmem_shared>>)
    %lt3A_120 = arith.constant 4 : i32
    %lt3A_121 = arith.cmpi slt, %add3A, %lt3A_120 : i32
    %convert_element_type3A_122 = arith.extui %lt3A_121 : i1 to i32
    %cond3A_123 = arith.constant 0 : i32
    %cond3A_124 = arith.cmpi ne, %convert_element_type3A_122, %cond3A_123 : i32
    scf.if %cond3A_124 {
      %run_scoped3A = arith.constant 78 : i32
      "tpu.region"() ({
        %run_scoped3A_136 = tpu.sem_alloc : memref<!tpu.dma_semaphore, #tpu.memory_space<semaphore_mem>>
        %dma_start3A_137 = arith.constant 0 : i32
        %dma_start3A_138 = tpu.memref_slice %arg9[%run_scoped3A, %dma_start3A_137] : memref<79x128xi32, #tpu.memory_space<vmem>> -> memref<1x128xi32, #tpu.memory_space<vmem>>
        %dma_start3A_139 = tpu.memref_squeeze %dma_start3A_138 : memref<1x128xi32, #tpu.memory_space<vmem>> -> memref<128xi32, #tpu.memory_space<vmem>>
        %dma_start3A_140 = arith.constant 0 : i32
        %dma_start3A_141 = arith.constant 0 : i32
        %dma_start3A_142 = tpu.memref_slice %arg8[%dma_start3A_140, %dma_start3A_141] : memref<10000x32xf32, #tpu.memory_space<vmem_shared>> -> memref<10000x32xf32, #tpu.memory_space<vmem_shared>>
        tpu.enqueue_indirect_dma source(%dma_start3A_142 : memref<10000x32xf32, #tpu.memory_space<vmem_shared>>) target(%arg12 : memref<128x32xf32, #tpu.memory_space<vmem>>) offsets(%dma_start3A_139 : memref<128xi32, #tpu.memory_space<vmem>>) semaphore(%run_scoped3A_136 : memref<!tpu.dma_semaphore, #tpu.memory_space<semaphore_mem>>)
        %dma_wait3A_143 = arith.constant 0 : i32
        %dma_wait3A_144 = tpu.memref_slice %arg9[%run_scoped3A, %dma_wait3A_143] : memref<79x128xi32, #tpu.memory_space<vmem>> -> memref<1x128xi32, #tpu.memory_space<vmem>>
        %dma_wait3A_145 = tpu.memref_squeeze %dma_wait3A_144 : memref<1x128xi32, #tpu.memory_space<vmem>> -> memref<128xi32, #tpu.memory_space<vmem>>
        %dma_wait3A_146 = arith.constant 0 : i32
        %dma_wait3A_147 = arith.constant 0 : i32
        %dma_wait3A_148 = tpu.memref_slice %arg8[%dma_wait3A_146, %dma_wait3A_147] : memref<10000x32xf32, #tpu.memory_space<vmem_shared>> -> memref<10000x32xf32, #tpu.memory_space<vmem_shared>>
        tpu.wait_indirect_dma semaphore(%run_scoped3A_136 : memref<!tpu.dma_semaphore, #tpu.memory_space<semaphore_mem>>) src(%dma_wait3A_148 : memref<10000x32xf32, #tpu.memory_space<vmem_shared>>) dst(%arg12 : memref<128x32xf32, #tpu.memory_space<vmem>>)
        tpu.yield
      }) : () -> ()
      %scan3A_130 = arith.constant 0 : i32
      %scan3A_131 = arith.constant 8 : i32
      %scan3A_132 = arith.addi %scan3A_130, %scan3A_131 : i32
      %scan3A_133 = arith.constant 1 : i32
      scf.for %scan3A_136 = %scan3A_130 to %scan3A_132 step %scan3A_133  : i32 {
        %mul3A_137 = arith.constant 16 : i32
        %mul3A_138 = arith.muli %scan3A_136, %mul3A_137 : i32
        %add3A_139 = arith.constant 0 : i32
        %add3A_140 = arith.addi %add3A_139, %mul3A_138 : i32
        %get3A = arith.constant 78 : i32
        %get3A_141 = arith.index_cast %get3A : i32 to index
        %get3A_142 = arith.index_cast %add3A_140 : i32 to index
        %get3A_143 = tpu.vector_load %arg11[%get3A_141, %get3A_142] {strides = array<i32>} : memref<79x128xf32, #tpu.memory_space<vmem>>, vector<1x16xf32>,
        %get3A_144 = vector.shape_cast %get3A_143 : vector<1x16xf32> to vector<16xf32>
        %slice3A = vector.extract_strided_slice %get3A_144 {offsets = [0], sizes = [1], strides = [1]} : vector<16xf32> to vector<1xf32>
        %squeeze3A = vector.extract %slice3A[0] : f32 from vector<1xf32>
        %add3A_145 = arith.constant 0 : i32
        %add3A_146 = arith.addi %add3A_140, %add3A_145 : i32
        %get3A_147 = arith.index_cast %add3A_146 : i32 to index
        %get3A_148 = arith.constant 0 : index
        %get3A_149 = tpu.vector_load %arg12[%get3A_147, %get3A_148] {strides = array<i32>} : memref<128x32xf32, #tpu.memory_space<vmem>>, vector<1x16xf32>,
        %get3A_150 = vector.shape_cast %get3A_149 : vector<1x16xf32> to vector<16xf32>
        %mul3A_151 = vector.broadcast %squeeze3A : f32 to vector<16xf32>
        %mul3A_152 = arith.mulf %get3A_150, %mul3A_151 : vector<16xf32>
        %add3A_153 = arith.constant 0 : i32
        %add3A_154 = arith.addi %add3A_140, %add3A_153 : i32
        %swap3A = arith.index_cast %add3A_154 : i32 to index
        %swap3A_155 = arith.constant 0 : index
        %swap3A_156 = tpu.vector_load %arg12[%swap3A, %swap3A_155] {strides = array<i32>} : memref<128x32xf32, #tpu.memory_space<vmem>>, vector<1x16xf32>,
        %swap3A_157 = vector.shape_cast %swap3A_156 : vector<1x16xf32> to vector<16xf32>
        %swap3A_158 = vector.shape_cast %mul3A_152 : vector<16xf32> to vector<1x16xf32>
        tpu.vector_store %arg12[%swap3A, %swap3A_155], %swap3A_158 {strides = array<i32>} : memref<128x32xf32, #tpu.memory_space<vmem>>, vector<1x16xf32>,
        %add3A_159 = arith.constant 0 : i32
        %add3A_160 = arith.addi %add3A_140, %add3A_159 : i32
        %get3A_161 = arith.index_cast %add3A_160 : i32 to index
        %get3A_162 = arith.constant 16 : index
        %get3A_163 = tpu.vector_load %arg12[%get3A_161, %get3A_162] {strides = array<i32>} : memref<128x32xf32, #tpu.memory_space<vmem>>, vector<1x16xf32>,
        %get3A_164 = vector.shape_cast %get3A_163 : vector<1x16xf32> to vector<16xf32>
        %mul3A_165 = vector.broadcast %squeeze3A : f32 to vector<16xf32>
        %mul3A_166 = arith.mulf %get3A_164, %mul3A_165 : vector<16xf32>
        %add3A_167 = arith.constant 0 : i32
        %add3A_168 = arith.addi %add3A_140, %add3A_167 : i32
        %swap3A_169 = arith.index_cast %add3A_168 : i32 to index
        %swap3A_170 = arith.constant 16 : index
        %swap3A_171 = tpu.vector_load %arg12[%swap3A_169, %swap3A_170] {strides = array<i32>} : memref<128x32xf32, #tpu.memory_space<vmem>>, vector<1x16xf32>,
        %swap3A_172 = vector.shape_cast %swap3A_171 : vector<1x16xf32> to vector<16xf32>
        %swap3A_173 = vector.shape_cast %mul3A_166 : vector<16xf32> to vector<1x16xf32>
        tpu.vector_store %arg12[%swap3A_169, %swap3A_170], %swap3A_173 {strides = array<i32>} : memref<128x32xf32, #tpu.memory_space<vmem>>, vector<1x16xf32>,
        %slice3A_174 = vector.extract_strided_slice %get3A_144 {offsets = [1], sizes = [1], strides = [1]} : vector<16xf32> to vector<1xf32>
        %squeeze3A_175 = vector.extract %slice3A_174[0] : f32 from vector<1xf32>
        %add3A_176 = arith.constant 1 : i32
        %add3A_177 = arith.addi %add3A_140, %add3A_176 : i32
        %get3A_178 = arith.index_cast %add3A_177 : i32 to index
        %get3A_179 = arith.constant 0 : index
        %get3A_180 = tpu.vector_load %arg12[%get3A_178, %get3A_179] {strides = array<i32>} : memref<128x32xf32, #tpu.memory_space<vmem>>, vector<1x16xf32>,
        %get3A_181 = vector.shape_cast %get3A_180 : vector<1x16xf32> to vector<16xf32>
        %mul3A_182 = vector.broadcast %squeeze3A_175 : f32 to vector<16xf32>
        %mul3A_183 = arith.mulf %get3A_181, %mul3A_182 : vector<16xf32>
        %add3A_184 = arith.constant 1 : i32
        %add3A_185 = arith.addi %add3A_140, %add3A_184 : i32
        %swap3A_186 = arith.index_cast %add3A_185 : i32 to index
        %swap3A_187 = arith.constant 0 : index
        %swap3A_188 = tpu.vector_load %arg12[%swap3A_186, %swap3A_187] {strides = array<i32>} : memref<128x32xf32, #tpu.memory_space<vmem>>, vector<1x16xf32>,
        %swap3A_189 = vector.shape_cast %swap3A_188 : vector<1x16xf32> to vector<16xf32>
        %swap3A_190 = vector.shape_cast %mul3A_183 : vector<16xf32> to vector<1x16xf32>
        tpu.vector_store %arg12[%swap3A_186, %swap3A_187], %swap3A_190 {strides = array<i32>} : memref<128x32xf32, #tpu.memory_space<vmem>>, vector<1x16xf32>,
        %add3A_191 = arith.constant 1 : i32
        %add3A_192 = arith.addi %add3A_140, %add3A_191 : i32
        %get3A_193 = arith.index_cast %add3A_192 : i32 to index
        %get3A_194 = arith.constant 16 : index
        %get3A_195 = tpu.vector_load %arg12[%get3A_193, %get3A_194] {strides = array<i32>} : memref<128x32xf32, #tpu.memory_space<vmem>>, vector<1x16xf32>,
        %get3A_196 = vector.shape_cast %get3A_195 : vector<1x16xf32> to vector<16xf32>
        %mul3A_197 = vector.broadcast %squeeze3A_175 : f32 to vector<16xf32>
        %mul3A_198 = arith.mulf %get3A_196, %mul3A_197 : vector<16xf32>
        %add3A_199 = arith.constant 1 : i32
        %add3A_200 = arith.addi %add3A_140, %add3A_199 : i32
        %swap3A_201 = arith.index_cast %add3A_200 : i32 to index
        %swap3A_202 = arith.constant 16 : index
        %swap3A_203 = tpu.vector_load %arg12[%swap3A_201, %swap3A_202] {strides = array<i32>} : memref<128x32xf32, #tpu.memory_space<vmem>>, vector<1x16xf32>,
        %swap3A_204 = vector.shape_cast %swap3A_203 : vector<1x16xf32> to vector<16xf32>
        %swap3A_205 = vector.shape_cast %mul3A_198 : vector<16xf32> to vector<1x16xf32>
        tpu.vector_store %arg12[%swap3A_201, %swap3A_202], %swap3A_205 {strides = array<i32>} : memref<128x32xf32, #tpu.memory_space<vmem>>, vector<1x16xf32>,
        %slice3A_206 = vector.extract_strided_slice %get3A_144 {offsets = [2], sizes = [1], strides = [1]} : vector<16xf32> to vector<1xf32>
        %squeeze3A_207 = vector.extract %slice3A_206[0] : f32 from vector<1xf32>
        %add3A_208 = arith.constant 2 : i32
        %add3A_209 = arith.addi %add3A_140, %add3A_208 : i32
        %get3A_210 = arith.index_cast %add3A_209 : i32 to index
        %get3A_211 = arith.constant 0 : index
        %get3A_212 = tpu.vector_load %arg12[%get3A_210, %get3A_211] {strides = array<i32>} : memref<128x32xf32, #tpu.memory_space<vmem>>, vector<1x16xf32>,
        %get3A_213 = vector.shape_cast %get3A_212 : vector<1x16xf32> to vector<16xf32>
        %mul3A_214 = vector.broadcast %squeeze3A_207 : f32 to vector<16xf32>
        %mul3A_215 = arith.mulf %get3A_213, %mul3A_214 : vector<16xf32>
        %add3A_216 = arith.constant 2 : i32
        %add3A_217 = arith.addi %add3A_140, %add3A_216 : i32
        %swap3A_218 = arith.index_cast %add3A_217 : i32 to index
        %swap3A_219 = arith.constant 0 : index
        %swap3A_220 = tpu.vector_load %arg12[%swap3A_218, %swap3A_219] {strides = array<i32>} : memref<128x32xf32, #tpu.memory_space<vmem>>, vector<1x16xf32>,
        %swap3A_221 = vector.shape_cast %swap3A_220 : vector<1x16xf32> to vector<16xf32>
        %swap3A_222 = vector.shape_cast %mul3A_215 : vector<16xf32> to vector<1x16xf32>
        tpu.vector_store %arg12[%swap3A_218, %swap3A_219], %swap3A_222 {strides = array<i32>} : memref<128x32xf32, #tpu.memory_space<vmem>>, vector<1x16xf32>,
        %add3A_223 = arith.constant 2 : i32
        %add3A_224 = arith.addi %add3A_140, %add3A_223 : i32
        %get3A_225 = arith.index_cast %add3A_224 : i32 to index
        %get3A_226 = arith.constant 16 : index
        %get3A_227 = tpu.vector_load %arg12[%get3A_225, %get3A_226] {strides = array<i32>} : memref<128x32xf32, #tpu.memory_space<vmem>>, vector<1x16xf32>,
        %get3A_228 = vector.shape_cast %get3A_227 : vector<1x16xf32> to vector<16xf32>
        %mul3A_229 = vector.broadcast %squeeze3A_207 : f32 to vector<16xf32>
        %mul3A_230 = arith.mulf %get3A_228, %mul3A_229 : vector<16xf32>
        %add3A_231 = arith.constant 2 : i32
        %add3A_232 = arith.addi %add3A_140, %add3A_231 : i32
        %swap3A_233 = arith.index_cast %add3A_232 : i32 to index
        %swap3A_234 = arith.constant 16 : index
        %swap3A_235 = tpu.vector_load %arg12[%swap3A_233, %swap3A_234] {strides = array<i32>} : memref<128x32xf32, #tpu.memory_space<vmem>>, vector<1x16xf32>,
        %swap3A_236 = vector.shape_cast %swap3A_235 : vector<1x16xf32> to vector<16xf32>
        %swap3A_237 = vector.shape_cast %mul3A_230 : vector<16xf32> to vector<1x16xf32>
        tpu.vector_store %arg12[%swap3A_233, %swap3A_234], %swap3A_237 {strides = array<i32>} : memref<128x32xf32, #tpu.memory_space<vmem>>, vector<1x16xf32>,
        %slice3A_238 = vector.extract_strided_slice %get3A_144 {offsets = [3], sizes = [1], strides = [1]} : vector<16xf32> to vector<1xf32>
        %squeeze3A_239 = vector.extract %slice3A_238[0] : f32 from vector<1xf32>
        %add3A_240 = arith.constant 3 : i32
        %add3A_241 = arith.addi %add3A_140, %add3A_240 : i32
        %get3A_242 = arith.index_cast %add3A_241 : i32 to index
        %get3A_243 = arith.constant 0 : index
        %get3A_244 = tpu.vector_load %arg12[%get3A_242, %get3A_243] {strides = array<i32>} : memref<128x32xf32, #tpu.memory_space<vmem>>, vector<1x16xf32>,
        %get3A_245 = vector.shape_cast %get3A_244 : vector<1x16xf32> to vector<16xf32>
        %mul3A_246 = vector.broadcast %squeeze3A_239 : f32 to vector<16xf32>
        %mul3A_247 = arith.mulf %get3A_245, %mul3A_246 : vector<16xf32>
        %add3A_248 = arith.constant 3 : i32
        %add3A_249 = arith.addi %add3A_140, %add3A_248 : i32
        %swap3A_250 = arith.index_cast %add3A_249 : i32 to index
        %swap3A_251 = arith.constant 0 : index
        %swap3A_252 = tpu.vector_load %arg12[%swap3A_250, %swap3A_251] {strides = array<i32>} : memref<128x32xf32, #tpu.memory_space<vmem>>, vector<1x16xf32>,
        %swap3A_253 = vector.shape_cast %swap3A_252 : vector<1x16xf32> to vector<16xf32>
        %swap3A_254 = vector.shape_cast %mul3A_247 : vector<16xf32> to vector<1x16xf32>
        tpu.vector_store %arg12[%swap3A_250, %swap3A_251], %swap3A_254 {strides = array<i32>} : memref<128x32xf32, #tpu.memory_space<vmem>>, vector<1x16xf32>,
        %add3A_255 = arith.constant 3 : i32
        %add3A_256 = arith.addi %add3A_140, %add3A_255 : i32
        %get3A_257 = arith.index_cast %add3A_256 : i32 to index
        %get3A_258 = arith.constant 16 : index
        %get3A_259 = tpu.vector_load %arg12[%get3A_257, %get3A_258] {strides = array<i32>} : memref<128x32xf32, #tpu.memory_space<vmem>>, vector<1x16xf32>,
        %get3A_260 = vector.shape_cast %get3A_259 : vector<1x16xf32> to vector<16xf32>
        %mul3A_261 = vector.broadcast %squeeze3A_239 : f32 to vector<16xf32>
        %mul3A_262 = arith.mulf %get3A_260, %mul3A_261 : vector<16xf32>
        %add3A_263 = arith.constant 3 : i32
        %add3A_264 = arith.addi %add3A_140, %add3A_263 : i32
        %swap3A_265 = arith.index_cast %add3A_264 : i32 to index
        %swap3A_266 = arith.constant 16 : index
        %swap3A_267 = tpu.vector_load %arg12[%swap3A_265, %swap3A_266] {strides = array<i32>} : memref<128x32xf32, #tpu.memory_space<vmem>>, vector<1x16xf32>,
        %swap3A_268 = vector.shape_cast %swap3A_267 : vector<1x16xf32> to vector<16xf32>
        %swap3A_269 = vector.shape_cast %mul3A_262 : vector<16xf32> to vector<1x16xf32>
        tpu.vector_store %arg12[%swap3A_265, %swap3A_266], %swap3A_269 {strides = array<i32>} : memref<128x32xf32, #tpu.memory_space<vmem>>, vector<1x16xf32>,
        %slice3A_270 = vector.extract_strided_slice %get3A_144 {offsets = [4], sizes = [1], strides = [1]} : vector<16xf32> to vector<1xf32>
        %squeeze3A_271 = vector.extract %slice3A_270[0] : f32 from vector<1xf32>
        %add3A_272 = arith.constant 4 : i32
        %add3A_273 = arith.addi %add3A_140, %add3A_272 : i32
        %get3A_274 = arith.index_cast %add3A_273 : i32 to index
        %get3A_275 = arith.constant 0 : index
        %get3A_276 = tpu.vector_load %arg12[%get3A_274, %get3A_275] {strides = array<i32>} : memref<128x32xf32, #tpu.memory_space<vmem>>, vector<1x16xf32>,
        %get3A_277 = vector.shape_cast %get3A_276 : vector<1x16xf32> to vector<16xf32>
        %mul3A_278 = vector.broadcast %squeeze3A_271 : f32 to vector<16xf32>
        %mul3A_279 = arith.mulf %get3A_277, %mul3A_278 : vector<16xf32>
        %add3A_280 = arith.constant 4 : i32
        %add3A_281 = arith.addi %add3A_140, %add3A_280 : i32
        %swap3A_282 = arith.index_cast %add3A_281 : i32 to index
        %swap3A_283 = arith.constant 0 : index
        %swap3A_284 = tpu.vector_load %arg12[%swap3A_282, %swap3A_283] {strides = array<i32>} : memref<128x32xf32, #tpu.memory_space<vmem>>, vector<1x16xf32>,
        %swap3A_285 = vector.shape_cast %swap3A_284 : vector<1x16xf32> to vector<16xf32>
        %swap3A_286 = vector.shape_cast %mul3A_279 : vector<16xf32> to vector<1x16xf32>
        tpu.vector_store %arg12[%swap3A_282, %swap3A_283], %swap3A_286 {strides = array<i32>} : memref<128x32xf32, #tpu.memory_space<vmem>>, vector<1x16xf32>,
        %add3A_287 = arith.constant 4 : i32
        %add3A_288 = arith.addi %add3A_140, %add3A_287 : i32
        %get3A_289 = arith.index_cast %add3A_288 : i32 to index
        %get3A_290 = arith.constant 16 : index
        %get3A_291 = tpu.vector_load %arg12[%get3A_289, %get3A_290] {strides = array<i32>} : memref<128x32xf32, #tpu.memory_space<vmem>>, vector<1x16xf32>,
        %get3A_292 = vector.shape_cast %get3A_291 : vector<1x16xf32> to vector<16xf32>
        %mul3A_293 = vector.broadcast %squeeze3A_271 : f32 to vector<16xf32>
        %mul3A_294 = arith.mulf %get3A_292, %mul3A_293 : vector<16xf32>
        %add3A_295 = arith.constant 4 : i32
        %add3A_296 = arith.addi %add3A_140, %add3A_295 : i32
        %swap3A_297 = arith.index_cast %add3A_296 : i32 to index
        %swap3A_298 = arith.constant 16 : index
        %swap3A_299 = tpu.vector_load %arg12[%swap3A_297, %swap3A_298] {strides = array<i32>} : memref<128x32xf32, #tpu.memory_space<vmem>>, vector<1x16xf32>,
        %swap3A_300 = vector.shape_cast %swap3A_299 : vector<1x16xf32> to vector<16xf32>
        %swap3A_301 = vector.shape_cast %mul3A_294 : vector<16xf32> to vector<1x16xf32>
        tpu.vector_store %arg12[%swap3A_297, %swap3A_298], %swap3A_301 {strides = array<i32>} : memref<128x32xf32, #tpu.memory_space<vmem>>, vector<1x16xf32>,
        %slice3A_302 = vector.extract_strided_slice %get3A_144 {offsets = [5], sizes = [1], strides = [1]} : vector<16xf32> to vector<1xf32>
        %squeeze3A_303 = vector.extract %slice3A_302[0] : f32 from vector<1xf32>
        %add3A_304 = arith.constant 5 : i32
        %add3A_305 = arith.addi %add3A_140, %add3A_304 : i32
        %get3A_306 = arith.index_cast %add3A_305 : i32 to index
        %get3A_307 = arith.constant 0 : index
        %get3A_308 = tpu.vector_load %arg12[%get3A_306, %get3A_307] {strides = array<i32>} : memref<128x32xf32, #tpu.memory_space<vmem>>, vector<1x16xf32>,
        %get3A_309 = vector.shape_cast %get3A_308 : vector<1x16xf32> to vector<16xf32>
        %mul3A_310 = vector.broadcast %squeeze3A_303 : f32 to vector<16xf32>
        %mul3A_311 = arith.mulf %get3A_309, %mul3A_310 : vector<16xf32>
        %add3A_312 = arith.constant 5 : i32
        %add3A_313 = arith.addi %add3A_140, %add3A_312 : i32
        %swap3A_314 = arith.index_cast %add3A_313 : i32 to index
        %swap3A_315 = arith.constant 0 : index
        %swap3A_316 = tpu.vector_load %arg12[%swap3A_314, %swap3A_315] {strides = array<i32>} : memref<128x32xf32, #tpu.memory_space<vmem>>, vector<1x16xf32>,
        %swap3A_317 = vector.shape_cast %swap3A_316 : vector<1x16xf32> to vector<16xf32>
        %swap3A_318 = vector.shape_cast %mul3A_311 : vector<16xf32> to vector<1x16xf32>
        tpu.vector_store %arg12[%swap3A_314, %swap3A_315], %swap3A_318 {strides = array<i32>} : memref<128x32xf32, #tpu.memory_space<vmem>>, vector<1x16xf32>,
        %add3A_319 = arith.constant 5 : i32
        %add3A_320 = arith.addi %add3A_140, %add3A_319 : i32
        %get3A_321 = arith.index_cast %add3A_320 : i32 to index
        %get3A_322 = arith.constant 16 : index
        %get3A_323 = tpu.vector_load %arg12[%get3A_321, %get3A_322] {strides = array<i32>} : memref<128x32xf32, #tpu.memory_space<vmem>>, vector<1x16xf32>,
        %get3A_324 = vector.shape_cast %get3A_323 : vector<1x16xf32> to vector<16xf32>
        %mul3A_325 = vector.broadcast %squeeze3A_303 : f32 to vector<16xf32>
        %mul3A_326 = arith.mulf %get3A_324, %mul3A_325 : vector<16xf32>
        %add3A_327 = arith.constant 5 : i32
        %add3A_328 = arith.addi %add3A_140, %add3A_327 : i32
        %swap3A_329 = arith.index_cast %add3A_328 : i32 to index
        %swap3A_330 = arith.constant 16 : index
        %swap3A_331 = tpu.vector_load %arg12[%swap3A_329, %swap3A_330] {strides = array<i32>} : memref<128x32xf32, #tpu.memory_space<vmem>>, vector<1x16xf32>,
        %swap3A_332 = vector.shape_cast %swap3A_331 : vector<1x16xf32> to vector<16xf32>
        %swap3A_333 = vector.shape_cast %mul3A_326 : vector<16xf32> to vector<1x16xf32>
        tpu.vector_store %arg12[%swap3A_329, %swap3A_330], %swap3A_333 {strides = array<i32>} : memref<128x32xf32, #tpu.memory_space<vmem>>, vector<1x16xf32>,
        %slice3A_334 = vector.extract_strided_slice %get3A_144 {offsets = [6], sizes = [1], strides = [1]} : vector<16xf32> to vector<1xf32>
        %squeeze3A_335 = vector.extract %slice3A_334[0] : f32 from vector<1xf32>
        %add3A_336 = arith.constant 6 : i32
        %add3A_337 = arith.addi %add3A_140, %add3A_336 : i32
        %get3A_338 = arith.index_cast %add3A_337 : i32 to index
        %get3A_339 = arith.constant 0 : index
        %get3A_340 = tpu.vector_load %arg12[%get3A_338, %get3A_339] {strides = array<i32>} : memref<128x32xf32, #tpu.memory_space<vmem>>, vector<1x16xf32>,
        %get3A_341 = vector.shape_cast %get3A_340 : vector<1x16xf32> to vector<16xf32>
        %mul3A_342 = vector.broadcast %squeeze3A_335 : f32 to vector<16xf32>
        %mul3A_343 = arith.mulf %get3A_341, %mul3A_342 : vector<16xf32>
        %add3A_344 = arith.constant 6 : i32
        %add3A_345 = arith.addi %add3A_140, %add3A_344 : i32
        %swap3A_346 = arith.index_cast %add3A_345 : i32 to index
        %swap3A_347 = arith.constant 0 : index
        %swap3A_348 = tpu.vector_load %arg12[%swap3A_346, %swap3A_347] {strides = array<i32>} : memref<128x32xf32, #tpu.memory_space<vmem>>, vector<1x16xf32>,
        %swap3A_349 = vector.shape_cast %swap3A_348 : vector<1x16xf32> to vector<16xf32>
        %swap3A_350 = vector.shape_cast %mul3A_343 : vector<16xf32> to vector<1x16xf32>
        tpu.vector_store %arg12[%swap3A_346, %swap3A_347], %swap3A_350 {strides = array<i32>} : memref<128x32xf32, #tpu.memory_space<vmem>>, vector<1x16xf32>,
        %add3A_351 = arith.constant 6 : i32
        %add3A_352 = arith.addi %add3A_140, %add3A_351 : i32
        %get3A_353 = arith.index_cast %add3A_352 : i32 to index
        %get3A_354 = arith.constant 16 : index
        %get3A_355 = tpu.vector_load %arg12[%get3A_353, %get3A_354] {strides = array<i32>} : memref<128x32xf32, #tpu.memory_space<vmem>>, vector<1x16xf32>,
        %get3A_356 = vector.shape_cast %get3A_355 : vector<1x16xf32> to vector<16xf32>
        %mul3A_357 = vector.broadcast %squeeze3A_335 : f32 to vector<16xf32>
        %mul3A_358 = arith.mulf %get3A_356, %mul3A_357 : vector<16xf32>
        %add3A_359 = arith.constant 6 : i32
        %add3A_360 = arith.addi %add3A_140, %add3A_359 : i32
        %swap3A_361 = arith.index_cast %add3A_360 : i32 to index
        %swap3A_362 = arith.constant 16 : index
        %swap3A_363 = tpu.vector_load %arg12[%swap3A_361, %swap3A_362] {strides = array<i32>} : memref<128x32xf32, #tpu.memory_space<vmem>>, vector<1x16xf32>,
        %swap3A_364 = vector.shape_cast %swap3A_363 : vector<1x16xf32> to vector<16xf32>
        %swap3A_365 = vector.shape_cast %mul3A_358 : vector<16xf32> to vector<1x16xf32>
        tpu.vector_store %arg12[%swap3A_361, %swap3A_362], %swap3A_365 {strides = array<i32>} : memref<128x32xf32, #tpu.memory_space<vmem>>, vector<1x16xf32>,
        %slice3A_366 = vector.extract_strided_slice %get3A_144 {offsets = [7], sizes = [1], strides = [1]} : vector<16xf32> to vector<1xf32>
        %squeeze3A_367 = vector.extract %slice3A_366[0] : f32 from vector<1xf32>
        %add3A_368 = arith.constant 7 : i32
        %add3A_369 = arith.addi %add3A_140, %add3A_368 : i32
        %get3A_370 = arith.index_cast %add3A_369 : i32 to index
        %get3A_371 = arith.constant 0 : index
        %get3A_372 = tpu.vector_load %arg12[%get3A_370, %get3A_371] {strides = array<i32>} : memref<128x32xf32, #tpu.memory_space<vmem>>, vector<1x16xf32>,
        %get3A_373 = vector.shape_cast %get3A_372 : vector<1x16xf32> to vector<16xf32>
        %mul3A_374 = vector.broadcast %squeeze3A_367 : f32 to vector<16xf32>
        %mul3A_375 = arith.mulf %get3A_373, %mul3A_374 : vector<16xf32>
        %add3A_376 = arith.constant 7 : i32
        %add3A_377 = arith.addi %add3A_140, %add3A_376 : i32
        %swap3A_378 = arith.index_cast %add3A_377 : i32 to index
        %swap3A_379 = arith.constant 0 : index
        %swap3A_380 = tpu.vector_load %arg12[%swap3A_378, %swap3A_379] {strides = array<i32>} : memref<128x32xf32, #tpu.memory_space<vmem>>, vector<1x16xf32>,
        %swap3A_381 = vector.shape_cast %swap3A_380 : vector<1x16xf32> to vector<16xf32>
        %swap3A_382 = vector.shape_cast %mul3A_375 : vector<16xf32> to vector<1x16xf32>
        tpu.vector_store %arg12[%swap3A_378, %swap3A_379], %swap3A_382 {strides = array<i32>} : memref<128x32xf32, #tpu.memory_space<vmem>>, vector<1x16xf32>,
        %add3A_383 = arith.constant 7 : i32
        %add3A_384 = arith.addi %add3A_140, %add3A_383 : i32
        %get3A_385 = arith.index_cast %add3A_384 : i32 to index
        %get3A_386 = arith.constant 16 : index
        %get3A_387 = tpu.vector_load %arg12[%get3A_385, %get3A_386] {strides = array<i32>} : memref<128x32xf32, #tpu.memory_space<vmem>>, vector<1x16xf32>,
        %get3A_388 = vector.shape_cast %get3A_387 : vector<1x16xf32> to vector<16xf32>
        %mul3A_389 = vector.broadcast %squeeze3A_367 : f32 to vector<16xf32>
        %mul3A_390 = arith.mulf %get3A_388, %mul3A_389 : vector<16xf32>
        %add3A_391 = arith.constant 7 : i32
        %add3A_392 = arith.addi %add3A_140, %add3A_391 : i32
        %swap3A_393 = arith.index_cast %add3A_392 : i32 to index
        %swap3A_394 = arith.constant 16 : index
        %swap3A_395 = tpu.vector_load %arg12[%swap3A_393, %swap3A_394] {strides = array<i32>} : memref<128x32xf32, #tpu.memory_space<vmem>>, vector<1x16xf32>,
        %swap3A_396 = vector.shape_cast %swap3A_395 : vector<1x16xf32> to vector<16xf32>
        %swap3A_397 = vector.shape_cast %mul3A_390 : vector<16xf32> to vector<1x16xf32>
        tpu.vector_store %arg12[%swap3A_393, %swap3A_394], %swap3A_397 {strides = array<i32>} : memref<128x32xf32, #tpu.memory_space<vmem>>, vector<1x16xf32>,
        %slice3A_398 = vector.extract_strided_slice %get3A_144 {offsets = [8], sizes = [1], strides = [1]} : vector<16xf32> to vector<1xf32>
        %squeeze3A_399 = vector.extract %slice3A_398[0] : f32 from vector<1xf32>
        %add3A_400 = arith.constant 8 : i32
        %add3A_401 = arith.addi %add3A_140, %add3A_400 : i32
        %get3A_402 = arith.index_cast %add3A_401 : i32 to index
        %get3A_403 = arith.constant 0 : index
        %get3A_404 = tpu.vector_load %arg12[%get3A_402, %get3A_403] {strides = array<i32>} : memref<128x32xf32, #tpu.memory_space<vmem>>, vector<1x16xf32>,
        %get3A_405 = vector.shape_cast %get3A_404 : vector<1x16xf32> to vector<16xf32>
        %mul3A_406 = vector.broadcast %squeeze3A_399 : f32 to vector<16xf32>
        %mul3A_407 = arith.mulf %get3A_405, %mul3A_406 : vector<16xf32>
        %add3A_408 = arith.constant 8 : i32
        %add3A_409 = arith.addi %add3A_140, %add3A_408 : i32
        %swap3A_410 = arith.index_cast %add3A_409 : i32 to index
        %swap3A_411 = arith.constant 0 : index
        %swap3A_412 = tpu.vector_load %arg12[%swap3A_410, %swap3A_411] {strides = array<i32>} : memref<128x32xf32, #tpu.memory_space<vmem>>, vector<1x16xf32>,
        %swap3A_413 = vector.shape_cast %swap3A_412 : vector<1x16xf32> to vector<16xf32>
        %swap3A_414 = vector.shape_cast %mul3A_407 : vector<16xf32> to vector<1x16xf32>
        tpu.vector_store %arg12[%swap3A_410, %swap3A_411], %swap3A_414 {strides = array<i32>} : memref<128x32xf32, #tpu.memory_space<vmem>>, vector<1x16xf32>,
        %add3A_415 = arith.constant 8 : i32
        %add3A_416 = arith.addi %add3A_140, %add3A_415 : i32
        %get3A_417 = arith.index_cast %add3A_416 : i32 to index
        %get3A_418 = arith.constant 16 : index
        %get3A_419 = tpu.vector_load %arg12[%get3A_417, %get3A_418] {strides = array<i32>} : memref<128x32xf32, #tpu.memory_space<vmem>>, vector<1x16xf32>,
        %get3A_420 = vector.shape_cast %get3A_419 : vector<1x16xf32> to vector<16xf32>
        %mul3A_421 = vector.broadcast %squeeze3A_399 : f32 to vector<16xf32>
        %mul3A_422 = arith.mulf %get3A_420, %mul3A_421 : vector<16xf32>
        %add3A_423 = arith.constant 8 : i32
        %add3A_424 = arith.addi %add3A_140, %add3A_423 : i32
        %swap3A_425 = arith.index_cast %add3A_424 : i32 to index
        %swap3A_426 = arith.constant 16 : index
        %swap3A_427 = tpu.vector_load %arg12[%swap3A_425, %swap3A_426] {strides = array<i32>} : memref<128x32xf32, #tpu.memory_space<vmem>>, vector<1x16xf32>,
        %swap3A_428 = vector.shape_cast %swap3A_427 : vector<1x16xf32> to vector<16xf32>
        %swap3A_429 = vector.shape_cast %mul3A_422 : vector<16xf32> to vector<1x16xf32>
        tpu.vector_store %arg12[%swap3A_425, %swap3A_426], %swap3A_429 {strides = array<i32>} : memref<128x32xf32, #tpu.memory_space<vmem>>, vector<1x16xf32>,
        %slice3A_430 = vector.extract_strided_slice %get3A_144 {offsets = [9], sizes = [1], strides = [1]} : vector<16xf32> to vector<1xf32>
        %squeeze3A_431 = vector.extract %slice3A_430[0] : f32 from vector<1xf32>
        %add3A_432 = arith.constant 9 : i32
        %add3A_433 = arith.addi %add3A_140, %add3A_432 : i32
        %get3A_434 = arith.index_cast %add3A_433 : i32 to index
        %get3A_435 = arith.constant 0 : index
        %get3A_436 = tpu.vector_load %arg12[%get3A_434, %get3A_435] {strides = array<i32>} : memref<128x32xf32, #tpu.memory_space<vmem>>, vector<1x16xf32>,
        %get3A_437 = vector.shape_cast %get3A_436 : vector<1x16xf32> to vector<16xf32>
        %mul3A_438 = vector.broadcast %squeeze3A_431 : f32 to vector<16xf32>
        %mul3A_439 = arith.mulf %get3A_437, %mul3A_438 : vector<16xf32>
        %add3A_440 = arith.constant 9 : i32
        %add3A_441 = arith.addi %add3A_140, %add3A_440 : i32
        %swap3A_442 = arith.index_cast %add3A_441 : i32 to index
        %swap3A_443 = arith.constant 0 : index
        %swap3A_444 = tpu.vector_load %arg12[%swap3A_442, %swap3A_443] {strides = array<i32>} : memref<128x32xf32, #tpu.memory_space<vmem>>, vector<1x16xf32>,
        %swap3A_445 = vector.shape_cast %swap3A_444 : vector<1x16xf32> to vector<16xf32>
        %swap3A_446 = vector.shape_cast %mul3A_439 : vector<16xf32> to vector<1x16xf32>
        tpu.vector_store %arg12[%swap3A_442, %swap3A_443], %swap3A_446 {strides = array<i32>} : memref<128x32xf32, #tpu.memory_space<vmem>>, vector<1x16xf32>,
        %add3A_447 = arith.constant 9 : i32
        %add3A_448 = arith.addi %add3A_140, %add3A_447 : i32
        %get3A_449 = arith.index_cast %add3A_448 : i32 to index
        %get3A_450 = arith.constant 16 : index
        %get3A_451 = tpu.vector_load %arg12[%get3A_449, %get3A_450] {strides = array<i32>} : memref<128x32xf32, #tpu.memory_space<vmem>>, vector<1x16xf32>,
        %get3A_452 = vector.shape_cast %get3A_451 : vector<1x16xf32> to vector<16xf32>
        %mul3A_453 = vector.broadcast %squeeze3A_431 : f32 to vector<16xf32>
        %mul3A_454 = arith.mulf %get3A_452, %mul3A_453 : vector<16xf32>
        %add3A_455 = arith.constant 9 : i32
        %add3A_456 = arith.addi %add3A_140, %add3A_455 : i32
        %swap3A_457 = arith.index_cast %add3A_456 : i32 to index
        %swap3A_458 = arith.constant 16 : index
        %swap3A_459 = tpu.vector_load %arg12[%swap3A_457, %swap3A_458] {strides = array<i32>} : memref<128x32xf32, #tpu.memory_space<vmem>>, vector<1x16xf32>,
        %swap3A_460 = vector.shape_cast %swap3A_459 : vector<1x16xf32> to vector<16xf32>
        %swap3A_461 = vector.shape_cast %mul3A_454 : vector<16xf32> to vector<1x16xf32>
        tpu.vector_store %arg12[%swap3A_457, %swap3A_458], %swap3A_461 {strides = array<i32>} : memref<128x32xf32, #tpu.memory_space<vmem>>, vector<1x16xf32>,
        %slice3A_462 = vector.extract_strided_slice %get3A_144 {offsets = [10], sizes = [1], strides = [1]} : vector<16xf32> to vector<1xf32>
        %squeeze3A_463 = vector.extract %slice3A_462[0] : f32 from vector<1xf32>
        %add3A_464 = arith.constant 10 : i32
        %add3A_465 = arith.addi %add3A_140, %add3A_464 : i32
        %get3A_466 = arith.index_cast %add3A_465 : i32 to index
        %get3A_467 = arith.constant 0 : index
        %get3A_468 = tpu.vector_load %arg12[%get3A_466, %get3A_467] {strides = array<i32>} : memref<128x32xf32, #tpu.memory_space<vmem>>, vector<1x16xf32>,
        %get3A_469 = vector.shape_cast %get3A_468 : vector<1x16xf32> to vector<16xf32>
        %mul3A_470 = vector.broadcast %squeeze3A_463 : f32 to vector<16xf32>
        %mul3A_471 = arith.mulf %get3A_469, %mul3A_470 : vector<16xf32>
        %add3A_472 = arith.constant 10 : i32
        %add3A_473 = arith.addi %add3A_140, %add3A_472 : i32
        %swap3A_474 = arith.index_cast %add3A_473 : i32 to index
        %swap3A_475 = arith.constant 0 : index
        %swap3A_476 = tpu.vector_load %arg12[%swap3A_474, %swap3A_475] {strides = array<i32>} : memref<128x32xf32, #tpu.memory_space<vmem>>, vector<1x16xf32>,
        %swap3A_477 = vector.shape_cast %swap3A_476 : vector<1x16xf32> to vector<16xf32>
        %swap3A_478 = vector.shape_cast %mul3A_471 : vector<16xf32> to vector<1x16xf32>
        tpu.vector_store %arg12[%swap3A_474, %swap3A_475], %swap3A_478 {strides = array<i32>} : memref<128x32xf32, #tpu.memory_space<vmem>>, vector<1x16xf32>,
        %add3A_479 = arith.constant 10 : i32
        %add3A_480 = arith.addi %add3A_140, %add3A_479 : i32
        %get3A_481 = arith.index_cast %add3A_480 : i32 to index
        %get3A_482 = arith.constant 16 : index
        %get3A_483 = tpu.vector_load %arg12[%get3A_481, %get3A_482] {strides = array<i32>} : memref<128x32xf32, #tpu.memory_space<vmem>>, vector<1x16xf32>,
        %get3A_484 = vector.shape_cast %get3A_483 : vector<1x16xf32> to vector<16xf32>
        %mul3A_485 = vector.broadcast %squeeze3A_463 : f32 to vector<16xf32>
        %mul3A_486 = arith.mulf %get3A_484, %mul3A_485 : vector<16xf32>
        %add3A_487 = arith.constant 10 : i32
        %add3A_488 = arith.addi %add3A_140, %add3A_487 : i32
        %swap3A_489 = arith.index_cast %add3A_488 : i32 to index
        %swap3A_490 = arith.constant 16 : index
        %swap3A_491 = tpu.vector_load %arg12[%swap3A_489, %swap3A_490] {strides = array<i32>} : memref<128x32xf32, #tpu.memory_space<vmem>>, vector<1x16xf32>,
        %swap3A_492 = vector.shape_cast %swap3A_491 : vector<1x16xf32> to vector<16xf32>
        %swap3A_493 = vector.shape_cast %mul3A_486 : vector<16xf32> to vector<1x16xf32>
        tpu.vector_store %arg12[%swap3A_489, %swap3A_490], %swap3A_493 {strides = array<i32>} : memref<128x32xf32, #tpu.memory_space<vmem>>, vector<1x16xf32>,
        %slice3A_494 = vector.extract_strided_slice %get3A_144 {offsets = [11], sizes = [1], strides = [1]} : vector<16xf32> to vector<1xf32>
        %squeeze3A_495 = vector.extract %slice3A_494[0] : f32 from vector<1xf32>
        %add3A_496 = arith.constant 11 : i32
        %add3A_497 = arith.addi %add3A_140, %add3A_496 : i32
        %get3A_498 = arith.index_cast %add3A_497 : i32 to index
        %get3A_499 = arith.constant 0 : index
        %get3A_500 = tpu.vector_load %arg12[%get3A_498, %get3A_499] {strides = array<i32>} : memref<128x32xf32, #tpu.memory_space<vmem>>, vector<1x16xf32>,
        %get3A_501 = vector.shape_cast %get3A_500 : vector<1x16xf32> to vector<16xf32>
        %mul3A_502 = vector.broadcast %squeeze3A_495 : f32 to vector<16xf32>
        %mul3A_503 = arith.mulf %get3A_501, %mul3A_502 : vector<16xf32>
        %add3A_504 = arith.constant 11 : i32
        %add3A_505 = arith.addi %add3A_140, %add3A_504 : i32
        %swap3A_506 = arith.index_cast %add3A_505 : i32 to index
        %swap3A_507 = arith.constant 0 : index
        %swap3A_508 = tpu.vector_load %arg12[%swap3A_506, %swap3A_507] {strides = array<i32>} : memref<128x32xf32, #tpu.memory_space<vmem>>, vector<1x16xf32>,
        %swap3A_509 = vector.shape_cast %swap3A_508 : vector<1x16xf32> to vector<16xf32>
        %swap3A_510 = vector.shape_cast %mul3A_503 : vector<16xf32> to vector<1x16xf32>
        tpu.vector_store %arg12[%swap3A_506, %swap3A_507], %swap3A_510 {strides = array<i32>} : memref<128x32xf32, #tpu.memory_space<vmem>>, vector<1x16xf32>,
        %add3A_511 = arith.constant 11 : i32
        %add3A_512 = arith.addi %add3A_140, %add3A_511 : i32
        %get3A_513 = arith.index_cast %add3A_512 : i32 to index
        %get3A_514 = arith.constant 16 : index
        %get3A_515 = tpu.vector_load %arg12[%get3A_513, %get3A_514] {strides = array<i32>} : memref<128x32xf32, #tpu.memory_space<vmem>>, vector<1x16xf32>,
        %get3A_516 = vector.shape_cast %get3A_515 : vector<1x16xf32> to vector<16xf32>
        %mul3A_517 = vector.broadcast %squeeze3A_495 : f32 to vector<16xf32>
        %mul3A_518 = arith.mulf %get3A_516, %mul3A_517 : vector<16xf32>
        %add3A_519 = arith.constant 11 : i32
        %add3A_520 = arith.addi %add3A_140, %add3A_519 : i32
        %swap3A_521 = arith.index_cast %add3A_520 : i32 to index
        %swap3A_522 = arith.constant 16 : index
        %swap3A_523 = tpu.vector_load %arg12[%swap3A_521, %swap3A_522] {strides = array<i32>} : memref<128x32xf32, #tpu.memory_space<vmem>>, vector<1x16xf32>,
        %swap3A_524 = vector.shape_cast %swap3A_523 : vector<1x16xf32> to vector<16xf32>
        %swap3A_525 = vector.shape_cast %mul3A_518 : vector<16xf32> to vector<1x16xf32>
        tpu.vector_store %arg12[%swap3A_521, %swap3A_522], %swap3A_525 {strides = array<i32>} : memref<128x32xf32, #tpu.memory_space<vmem>>, vector<1x16xf32>,
        %slice3A_526 = vector.extract_strided_slice %get3A_144 {offsets = [12], sizes = [1], strides = [1]} : vector<16xf32> to vector<1xf32>
        %squeeze3A_527 = vector.extract %slice3A_526[0] : f32 from vector<1xf32>
        %add3A_528 = arith.constant 12 : i32
        %add3A_529 = arith.addi %add3A_140, %add3A_528 : i32
        %get3A_530 = arith.index_cast %add3A_529 : i32 to index
        %get3A_531 = arith.constant 0 : index
        %get3A_532 = tpu.vector_load %arg12[%get3A_530, %get3A_531] {strides = array<i32>} : memref<128x32xf32, #tpu.memory_space<vmem>>, vector<1x16xf32>,
        %get3A_533 = vector.shape_cast %get3A_532 : vector<1x16xf32> to vector<16xf32>
        %mul3A_534 = vector.broadcast %squeeze3A_527 : f32 to vector<16xf32>
        %mul3A_535 = arith.mulf %get3A_533, %mul3A_534 : vector<16xf32>
        %add3A_536 = arith.constant 12 : i32
        %add3A_537 = arith.addi %add3A_140, %add3A_536 : i32
        %swap3A_538 = arith.index_cast %add3A_537 : i32 to index
        %swap3A_539 = arith.constant 0 : index
        %swap3A_540 = tpu.vector_load %arg12[%swap3A_538, %swap3A_539] {strides = array<i32>} : memref<128x32xf32, #tpu.memory_space<vmem>>, vector<1x16xf32>,
        %swap3A_541 = vector.shape_cast %swap3A_540 : vector<1x16xf32> to vector<16xf32>
        %swap3A_542 = vector.shape_cast %mul3A_535 : vector<16xf32> to vector<1x16xf32>
        tpu.vector_store %arg12[%swap3A_538, %swap3A_539], %swap3A_542 {strides = array<i32>} : memref<128x32xf32, #tpu.memory_space<vmem>>, vector<1x16xf32>,
        %add3A_543 = arith.constant 12 : i32
        %add3A_544 = arith.addi %add3A_140, %add3A_543 : i32
        %get3A_545 = arith.index_cast %add3A_544 : i32 to index
        %get3A_546 = arith.constant 16 : index
        %get3A_547 = tpu.vector_load %arg12[%get3A_545, %get3A_546] {strides = array<i32>} : memref<128x32xf32, #tpu.memory_space<vmem>>, vector<1x16xf32>,
        %get3A_548 = vector.shape_cast %get3A_547 : vector<1x16xf32> to vector<16xf32>
        %mul3A_549 = vector.broadcast %squeeze3A_527 : f32 to vector<16xf32>
        %mul3A_550 = arith.mulf %get3A_548, %mul3A_549 : vector<16xf32>
        %add3A_551 = arith.constant 12 : i32
        %add3A_552 = arith.addi %add3A_140, %add3A_551 : i32
        %swap3A_553 = arith.index_cast %add3A_552 : i32 to index
        %swap3A_554 = arith.constant 16 : index
        %swap3A_555 = tpu.vector_load %arg12[%swap3A_553, %swap3A_554] {strides = array<i32>} : memref<128x32xf32, #tpu.memory_space<vmem>>, vector<1x16xf32>,
        %swap3A_556 = vector.shape_cast %swap3A_555 : vector<1x16xf32> to vector<16xf32>
        %swap3A_557 = vector.shape_cast %mul3A_550 : vector<16xf32> to vector<1x16xf32>
        tpu.vector_store %arg12[%swap3A_553, %swap3A_554], %swap3A_557 {strides = array<i32>} : memref<128x32xf32, #tpu.memory_space<vmem>>, vector<1x16xf32>,
        %slice3A_558 = vector.extract_strided_slice %get3A_144 {offsets = [13], sizes = [1], strides = [1]} : vector<16xf32> to vector<1xf32>
        %squeeze3A_559 = vector.extract %slice3A_558[0] : f32 from vector<1xf32>
        %add3A_560 = arith.constant 13 : i32
        %add3A_561 = arith.addi %add3A_140, %add3A_560 : i32
        %get3A_562 = arith.index_cast %add3A_561 : i32 to index
        %get3A_563 = arith.constant 0 : index
        %get3A_564 = tpu.vector_load %arg12[%get3A_562, %get3A_563] {strides = array<i32>} : memref<128x32xf32, #tpu.memory_space<vmem>>, vector<1x16xf32>,
        %get3A_565 = vector.shape_cast %get3A_564 : vector<1x16xf32> to vector<16xf32>
        %mul3A_566 = vector.broadcast %squeeze3A_559 : f32 to vector<16xf32>
        %mul3A_567 = arith.mulf %get3A_565, %mul3A_566 : vector<16xf32>
        %add3A_568 = arith.constant 13 : i32
        %add3A_569 = arith.addi %add3A_140, %add3A_568 : i32
        %swap3A_570 = arith.index_cast %add3A_569 : i32 to index
        %swap3A_571 = arith.constant 0 : index
        %swap3A_572 = tpu.vector_load %arg12[%swap3A_570, %swap3A_571] {strides = array<i32>} : memref<128x32xf32, #tpu.memory_space<vmem>>, vector<1x16xf32>,
        %swap3A_573 = vector.shape_cast %swap3A_572 : vector<1x16xf32> to vector<16xf32>
        %swap3A_574 = vector.shape_cast %mul3A_567 : vector<16xf32> to vector<1x16xf32>
        tpu.vector_store %arg12[%swap3A_570, %swap3A_571], %swap3A_574 {strides = array<i32>} : memref<128x32xf32, #tpu.memory_space<vmem>>, vector<1x16xf32>,
        %add3A_575 = arith.constant 13 : i32
        %add3A_576 = arith.addi %add3A_140, %add3A_575 : i32
        %get3A_577 = arith.index_cast %add3A_576 : i32 to index
        %get3A_578 = arith.constant 16 : index
        %get3A_579 = tpu.vector_load %arg12[%get3A_577, %get3A_578] {strides = array<i32>} : memref<128x32xf32, #tpu.memory_space<vmem>>, vector<1x16xf32>,
        %get3A_580 = vector.shape_cast %get3A_579 : vector<1x16xf32> to vector<16xf32>
        %mul3A_581 = vector.broadcast %squeeze3A_559 : f32 to vector<16xf32>
        %mul3A_582 = arith.mulf %get3A_580, %mul3A_581 : vector<16xf32>
        %add3A_583 = arith.constant 13 : i32
        %add3A_584 = arith.addi %add3A_140, %add3A_583 : i32
        %swap3A_585 = arith.index_cast %add3A_584 : i32 to index
        %swap3A_586 = arith.constant 16 : index
        %swap3A_587 = tpu.vector_load %arg12[%swap3A_585, %swap3A_586] {strides = array<i32>} : memref<128x32xf32, #tpu.memory_space<vmem>>, vector<1x16xf32>,
        %swap3A_588 = vector.shape_cast %swap3A_587 : vector<1x16xf32> to vector<16xf32>
        %swap3A_589 = vector.shape_cast %mul3A_582 : vector<16xf32> to vector<1x16xf32>
        tpu.vector_store %arg12[%swap3A_585, %swap3A_586], %swap3A_589 {strides = array<i32>} : memref<128x32xf32, #tpu.memory_space<vmem>>, vector<1x16xf32>,
        %slice3A_590 = vector.extract_strided_slice %get3A_144 {offsets = [14], sizes = [1], strides = [1]} : vector<16xf32> to vector<1xf32>
        %squeeze3A_591 = vector.extract %slice3A_590[0] : f32 from vector<1xf32>
        %add3A_592 = arith.constant 14 : i32
        %add3A_593 = arith.addi %add3A_140, %add3A_592 : i32
        %get3A_594 = arith.index_cast %add3A_593 : i32 to index
        %get3A_595 = arith.constant 0 : index
        %get3A_596 = tpu.vector_load %arg12[%get3A_594, %get3A_595] {strides = array<i32>} : memref<128x32xf32, #tpu.memory_space<vmem>>, vector<1x16xf32>,
        %get3A_597 = vector.shape_cast %get3A_596 : vector<1x16xf32> to vector<16xf32>
        %mul3A_598 = vector.broadcast %squeeze3A_591 : f32 to vector<16xf32>
        %mul3A_599 = arith.mulf %get3A_597, %mul3A_598 : vector<16xf32>
        %add3A_600 = arith.constant 14 : i32
        %add3A_601 = arith.addi %add3A_140, %add3A_600 : i32
        %swap3A_602 = arith.index_cast %add3A_601 : i32 to index
        %swap3A_603 = arith.constant 0 : index
        %swap3A_604 = tpu.vector_load %arg12[%swap3A_602, %swap3A_603] {strides = array<i32>} : memref<128x32xf32, #tpu.memory_space<vmem>>, vector<1x16xf32>,
        %swap3A_605 = vector.shape_cast %swap3A_604 : vector<1x16xf32> to vector<16xf32>
        %swap3A_606 = vector.shape_cast %mul3A_599 : vector<16xf32> to vector<1x16xf32>
        tpu.vector_store %arg12[%swap3A_602, %swap3A_603], %swap3A_606 {strides = array<i32>} : memref<128x32xf32, #tpu.memory_space<vmem>>, vector<1x16xf32>,
        %add3A_607 = arith.constant 14 : i32
        %add3A_608 = arith.addi %add3A_140, %add3A_607 : i32
        %get3A_609 = arith.index_cast %add3A_608 : i32 to index
        %get3A_610 = arith.constant 16 : index
        %get3A_611 = tpu.vector_load %arg12[%get3A_609, %get3A_610] {strides = array<i32>} : memref<128x32xf32, #tpu.memory_space<vmem>>, vector<1x16xf32>,
        %get3A_612 = vector.shape_cast %get3A_611 : vector<1x16xf32> to vector<16xf32>
        %mul3A_613 = vector.broadcast %squeeze3A_591 : f32 to vector<16xf32>
        %mul3A_614 = arith.mulf %get3A_612, %mul3A_613 : vector<16xf32>
        %add3A_615 = arith.constant 14 : i32
        %add3A_616 = arith.addi %add3A_140, %add3A_615 : i32
        %swap3A_617 = arith.index_cast %add3A_616 : i32 to index
        %swap3A_618 = arith.constant 16 : index
        %swap3A_619 = tpu.vector_load %arg12[%swap3A_617, %swap3A_618] {strides = array<i32>} : memref<128x32xf32, #tpu.memory_space<vmem>>, vector<1x16xf32>,
        %swap3A_620 = vector.shape_cast %swap3A_619 : vector<1x16xf32> to vector<16xf32>
        %swap3A_621 = vector.shape_cast %mul3A_614 : vector<16xf32> to vector<1x16xf32>
        tpu.vector_store %arg12[%swap3A_617, %swap3A_618], %swap3A_621 {strides = array<i32>} : memref<128x32xf32, #tpu.memory_space<vmem>>, vector<1x16xf32>,
        %slice3A_622 = vector.extract_strided_slice %get3A_144 {offsets = [15], sizes = [1], strides = [1]} : vector<16xf32> to vector<1xf32>
        %squeeze3A_623 = vector.extract %slice3A_622[0] : f32 from vector<1xf32>
        %add3A_624 = arith.constant 15 : i32
        %add3A_625 = arith.addi %add3A_140, %add3A_624 : i32
        %get3A_626 = arith.index_cast %add3A_625 : i32 to index
        %get3A_627 = arith.constant 0 : index
        %get3A_628 = tpu.vector_load %arg12[%get3A_626, %get3A_627] {strides = array<i32>} : memref<128x32xf32, #tpu.memory_space<vmem>>, vector<1x16xf32>,
        %get3A_629 = vector.shape_cast %get3A_628 : vector<1x16xf32> to vector<16xf32>
        %mul3A_630 = vector.broadcast %squeeze3A_623 : f32 to vector<16xf32>
        %mul3A_631 = arith.mulf %get3A_629, %mul3A_630 : vector<16xf32>
        %add3A_632 = arith.constant 15 : i32
        %add3A_633 = arith.addi %add3A_140, %add3A_632 : i32
        %swap3A_634 = arith.index_cast %add3A_633 : i32 to index
        %swap3A_635 = arith.constant 0 : index
        %swap3A_636 = tpu.vector_load %arg12[%swap3A_634, %swap3A_635] {strides = array<i32>} : memref<128x32xf32, #tpu.memory_space<vmem>>, vector<1x16xf32>,
        %swap3A_637 = vector.shape_cast %swap3A_636 : vector<1x16xf32> to vector<16xf32>
        %swap3A_638 = vector.shape_cast %mul3A_631 : vector<16xf32> to vector<1x16xf32>
        tpu.vector_store %arg12[%swap3A_634, %swap3A_635], %swap3A_638 {strides = array<i32>} : memref<128x32xf32, #tpu.memory_space<vmem>>, vector<1x16xf32>,
        %add3A_639 = arith.constant 15 : i32
        %add3A_640 = arith.addi %add3A_140, %add3A_639 : i32
        %get3A_641 = arith.index_cast %add3A_640 : i32 to index
        %get3A_642 = arith.constant 16 : index
        %get3A_643 = tpu.vector_load %arg12[%get3A_641, %get3A_642] {strides = array<i32>} : memref<128x32xf32, #tpu.memory_space<vmem>>, vector<1x16xf32>,
        %get3A_644 = vector.shape_cast %get3A_643 : vector<1x16xf32> to vector<16xf32>
        %mul3A_645 = vector.broadcast %squeeze3A_623 : f32 to vector<16xf32>
        %mul3A_646 = arith.mulf %get3A_644, %mul3A_645 : vector<16xf32>
        %add3A_647 = arith.constant 15 : i32
        %add3A_648 = arith.addi %add3A_140, %add3A_647 : i32
        %swap3A_649 = arith.index_cast %add3A_648 : i32 to index
        %swap3A_650 = arith.constant 16 : index
        %swap3A_651 = tpu.vector_load %arg12[%swap3A_649, %swap3A_650] {strides = array<i32>} : memref<128x32xf32, #tpu.memory_space<vmem>>, vector<1x16xf32>,
        %swap3A_652 = vector.shape_cast %swap3A_651 : vector<1x16xf32> to vector<16xf32>
        %swap3A_653 = vector.shape_cast %mul3A_646 : vector<16xf32> to vector<1x16xf32>
        tpu.vector_store %arg12[%swap3A_649, %swap3A_650], %swap3A_653 {strides = array<i32>} : memref<128x32xf32, #tpu.memory_space<vmem>>, vector<1x16xf32>,
      }
      %scan3A_134 = arith.constant 8 : i32
      %run_scoped3A_135 = arith.constant 78 : i32
      "tpu.region"() ({
        %run_scoped3A_136 = tpu.sem_alloc : memref<!tpu.dma_semaphore, #tpu.memory_space<semaphore_mem>>
        %dma_start3A_137 = arith.constant 0 : i32
        %dma_start3A_138 = tpu.memref_slice %arg10[%run_scoped3A_135, %dma_start3A_137] : memref<79x128xi32, #tpu.memory_space<vmem>> -> memref<1x128xi32, #tpu.memory_space<vmem>>
        %dma_start3A_139 = tpu.memref_squeeze %dma_start3A_138 : memref<1x128xi32, #tpu.memory_space<vmem>> -> memref<128xi32, #tpu.memory_space<vmem>>
        %dma_start3A_140 = arith.constant 0 : i32
        %dma_start3A_141 = arith.constant 0 : i32
        %dma_start3A_142 = tpu.memref_slice %arg7[%dma_start3A_140, %dma_start3A_141] : memref<10112x32xf32, #tpu.memory_space<vmem_shared>> -> memref<10112x32xf32, #tpu.memory_space<vmem_shared>>
        tpu.enqueue_indirect_dma source(%arg12 : memref<128x32xf32, #tpu.memory_space<vmem>>) target(%dma_start3A_142 : memref<10112x32xf32, #tpu.memory_space<vmem_shared>>) offsets(%dma_start3A_139 : memref<128xi32, #tpu.memory_space<vmem>>) semaphore(%run_scoped3A_136 : memref<!tpu.dma_semaphore, #tpu.memory_space<semaphore_mem>>) {add = true}
        %dma_wait3A_143 = arith.constant 0 : i32
        %dma_wait3A_144 = tpu.memref_slice %arg10[%run_scoped3A_135, %dma_wait3A_143] : memref<79x128xi32, #tpu.memory_space<vmem>> -> memref<1x128xi32, #tpu.memory_space<vmem>>
        %dma_wait3A_145 = tpu.memref_squeeze %dma_wait3A_144 : memref<1x128xi32, #tpu.memory_space<vmem>> -> memref<128xi32, #tpu.memory_space<vmem>>
        %dma_wait3A_146 = arith.constant 0 : i32
        %dma_wait3A_147 = arith.constant 0 : i32
        %dma_wait3A_148 = tpu.memref_slice %arg7[%dma_wait3A_146, %dma_wait3A_147] : memref<10112x32xf32, #tpu.memory_space<vmem_shared>> -> memref<10112x32xf32, #tpu.memory_space<vmem_shared>>
        tpu.wait_indirect_dma semaphore(%run_scoped3A_136 : memref<!tpu.dma_semaphore, #tpu.memory_space<semaphore_mem>>) src(%arg12 : memref<128x32xf32, #tpu.memory_space<vmem>>) dst(%dma_wait3A_148 : memref<10112x32xf32, #tpu.memory_space<vmem_shared>>)
        tpu.yield
      }) : () -> ()
    } else {
    }
    %barrier3A_125 = arith.constant 0 : index
    tpu.barrier barrier_id(%barrier3A_125)
    %mul3A_126 = arith.constant 632 : i32
    %mul3A_127 = arith.muli %arg1, %mul3A_126 : i32
    %mul3A_128 = arith.constant 632 : i32
    %mul3A_129 = arith.muli %arg1, %mul3A_128 : i32
    "tpu.region"() ({
      %run_scoped3A = tpu.sem_alloc : memref<!tpu.dma_semaphore, #tpu.memory_space<semaphore_mem>>
      %dma_start3A_130 = arith.constant 0 : i32
      %dma_start3A_131 = tpu.memref_slice %arg6[%arg0, %mul3A_129, %dma_start3A_130] : memref<2x10112x32xf32, #tpu.memory_space<hbm>> -> memref<1x632x32xf32, #tpu.memory_space<hbm>>
      %dma_start3A_132 = tpu.memref_squeeze %dma_start3A_131 : memref<1x632x32xf32, #tpu.memory_space<hbm>> -> memref<632x32xf32, #tpu.memory_space<hbm>>
      %dma_start3A_133 = arith.constant 0 : i32
      %dma_start3A_134 = tpu.memref_slice %arg7[%mul3A_127, %dma_start3A_133] : memref<10112x32xf32, #tpu.memory_space<vmem_shared>> -> memref<632x32xf32, #tpu.memory_space<vmem_shared>>
      tpu.enqueue_dma source(%dma_start3A_134 : memref<632x32xf32, #tpu.memory_space<vmem_shared>>) target(%dma_start3A_132 : memref<632x32xf32, #tpu.memory_space<hbm>>) target_semaphore(%run_scoped3A : memref<!tpu.dma_semaphore, #tpu.memory_space<semaphore_mem>>)
      %dma_wait3A_135 = arith.constant 0 : i32
      %dma_wait3A_136 = tpu.memref_slice %arg6[%arg0, %mul3A_129, %dma_wait3A_135] : memref<2x10112x32xf32, #tpu.memory_space<hbm>> -> memref<1x632x32xf32, #tpu.memory_space<hbm>>
      %dma_wait3A_137 = tpu.memref_squeeze %dma_wait3A_136 : memref<1x632x32xf32, #tpu.memory_space<hbm>> -> memref<632x32xf32, #tpu.memory_space<hbm>>
      %dma_wait3A_138 = arith.constant 0 : i32
      %dma_wait3A_139 = tpu.memref_slice %arg7[%mul3A_127, %dma_wait3A_138] : memref<10112x32xf32, #tpu.memory_space<vmem_shared>> -> memref<632x32xf32, #tpu.memory_space<vmem_shared>>
      tpu.wait_dma2 semaphore(%run_scoped3A : memref<!tpu.dma_semaphore, #tpu.memory_space<semaphore_mem>>) src(%dma_wait3A_139 : memref<632x32xf32, #tpu.memory_space<vmem_shared>>) dst(%dma_wait3A_137 : memref<632x32xf32, #tpu.memory_space<hbm>>)
      tpu.yield
    }) : () -> ()
    return
  }
}

#map = affine_map<(d0, d1) -> (0, 0)>
module attributes {stable_mosaic.version = 14 : i64} {
  func.func @deg_kernel(%arg0: i32, %arg1: i32, %arg2: memref<2500x128xi32, #tpu.memory_space<hbm>>, %arg3: memref<2500x128xf32, #tpu.memory_space<hbm>>, %arg4: memref<2x10112xf32, #tpu.memory_space<hbm>>, %arg5: memref<10112xf32, #tpu.memory_space<vmem_shared>>, %arg6: memref<79x128xi32, #tpu.memory_space<vmem>>, %arg7: memref<79x128xf32, #tpu.memory_space<vmem>>, %arg8: memref<632xf32, #tpu.memory_space<vmem>>, %arg9: memref<!tpu.dma_semaphore, #tpu.memory_space<semaphore_mem>>) attributes {dimension_semantics = [#tpu.dimension_semantics<core_parallel>, #tpu.dimension_semantics<subcore_parallel>], iteration_bounds = array<i64: 2, 16>, scalar_prefetch = 0 : i64, scratch_operands = 5 : i64, tpu.core_type = #tpu.core_type<sc_vector_subcore>, window_params = [{transform_indices = #map}, {transform_indices = #map}, {transform_indices = #map}]} {
    %mul3A = arith.constant 16 : i32
    %mul3A_0 = arith.muli %arg0, %mul3A : i32
    %add3A = arith.addi %mul3A_0, %arg1 : i32
    %scan3A = arith.constant 0 : i32
    %scan3A_1 = arith.constant 40 : i32
    %scan3A_2 = arith.addi %scan3A, %scan3A_1 : i32
    %scan3A_3 = arith.constant 1 : i32
    scf.for %scan3A_38 = %scan3A to %scan3A_2 step %scan3A_3  : i32 {
      %mul3A_39 = arith.constant 16 : i32
      %mul3A_40 = arith.muli %scan3A_38, %mul3A_39 : i32
      %add3A_41 = arith.constant 0 : i32
      %add3A_42 = arith.addi %add3A_41, %mul3A_40 : i32
      %broadcast_in_dim3A = arith.constant 0.000000e+00 : f32
      %broadcast_in_dim3A_43 = vector.broadcast %broadcast_in_dim3A : f32 to vector<16xf32>
      %swap3A = arith.index_cast %add3A_42 : i32 to index
      %swap3A_44 = tpu.vector_load %arg8[%swap3A] {strides = array<i32>} : memref<632xf32, #tpu.memory_space<vmem>>, vector<16xf32>,
      %swap3A_45 = vector.shape_cast %swap3A_44 : vector<16xf32> to vector<16xf32>
      %swap3A_46 = vector.shape_cast %broadcast_in_dim3A_43 : vector<16xf32> to vector<16xf32>
      tpu.vector_store %arg8[%swap3A], %swap3A_46 {strides = array<i32>} : memref<632xf32, #tpu.memory_space<vmem>>, vector<16xf32>,
    }
    %scan3A_4 = arith.constant 40 : i32
    %mul3A_5 = arith.constant 632 : i32
    %mul3A_6 = arith.muli %arg1, %mul3A_5 : i32
    "tpu.region"() ({
      %run_scoped3A = tpu.sem_alloc : memref<!tpu.dma_semaphore, #tpu.memory_space<semaphore_mem>>
      %dma_start3A = tpu.memref_slice %arg5[%mul3A_6] : memref<10112xf32, #tpu.memory_space<vmem_shared>> -> memref<632xf32, #tpu.memory_space<vmem_shared>>
      %dma_start3A_38 = tpu.memref_slice %arg5[%mul3A_6] : memref<10112xf32, #tpu.memory_space<vmem_shared>> -> memref<632xf32, #tpu.memory_space<vmem_shared>>
      tpu.enqueue_dma source(%arg8 : memref<632xf32, #tpu.memory_space<vmem>>) target(%dma_start3A_38 : memref<632xf32, #tpu.memory_space<vmem_shared>>) target_semaphore(%run_scoped3A : memref<!tpu.dma_semaphore, #tpu.memory_space<semaphore_mem>>)
      %dma_wait3A = tpu.memref_slice %arg5[%mul3A_6] : memref<10112xf32, #tpu.memory_space<vmem_shared>> -> memref<632xf32, #tpu.memory_space<vmem_shared>>
      %dma_wait3A_39 = tpu.memref_slice %arg5[%mul3A_6] : memref<10112xf32, #tpu.memory_space<vmem_shared>> -> memref<632xf32, #tpu.memory_space<vmem_shared>>
      tpu.wait_dma2 semaphore(%run_scoped3A : memref<!tpu.dma_semaphore, #tpu.memory_space<semaphore_mem>>) src(%arg8 : memref<632xf32, #tpu.memory_space<vmem>>) dst(%dma_wait3A_39 : memref<632xf32, #tpu.memory_space<vmem_shared>>)
      tpu.yield
    }) : () -> ()
    %mul3A_7 = arith.constant 78 : i32
    %mul3A_8 = arith.muli %add3A, %mul3A_7 : i32
    "tpu.region"() ({
      %run_scoped3A = tpu.sem_alloc : memref<!tpu.dma_semaphore, #tpu.memory_space<semaphore_mem>>
      %dma_start3A = arith.constant 0 : i32
      %dma_start3A_38 = arith.constant 0 : i32
      %dma_start3A_39 = tpu.memref_slice %arg7[%dma_start3A, %dma_start3A_38] : memref<79x128xf32, #tpu.memory_space<vmem>> -> memref<78x128xf32, #tpu.memory_space<vmem>>
      %dma_start3A_40 = arith.constant 0 : i32
      %dma_start3A_41 = tpu.memref_slice %arg3[%mul3A_8, %dma_start3A_40] : memref<2500x128xf32, #tpu.memory_space<hbm>> -> memref<78x128xf32, #tpu.memory_space<hbm>>
      %dma_start3A_42 = arith.constant 0 : i32
      %dma_start3A_43 = arith.constant 0 : i32
      %dma_start3A_44 = tpu.memref_slice %arg7[%dma_start3A_42, %dma_start3A_43] : memref<79x128xf32, #tpu.memory_space<vmem>> -> memref<78x128xf32, #tpu.memory_space<vmem>>
      %dma_start3A_45 = arith.constant 0 : i32
      %dma_start3A_46 = tpu.memref_slice %arg3[%mul3A_8, %dma_start3A_45] : memref<2500x128xf32, #tpu.memory_space<hbm>> -> memref<78x128xf32, #tpu.memory_space<hbm>>
      tpu.enqueue_dma source(%dma_start3A_46 : memref<78x128xf32, #tpu.memory_space<hbm>>) target(%dma_start3A_44 : memref<78x128xf32, #tpu.memory_space<vmem>>) target_semaphore(%run_scoped3A : memref<!tpu.dma_semaphore, #tpu.memory_space<semaphore_mem>>)
      %dma_wait3A = arith.constant 0 : i32
      %dma_wait3A_47 = arith.constant 0 : i32
      %dma_wait3A_48 = tpu.memref_slice %arg7[%dma_wait3A, %dma_wait3A_47] : memref<79x128xf32, #tpu.memory_space<vmem>> -> memref<78x128xf32, #tpu.memory_space<vmem>>
      %dma_wait3A_49 = arith.constant 0 : i32
      %dma_wait3A_50 = tpu.memref_slice %arg3[%mul3A_8, %dma_wait3A_49] : memref<2500x128xf32, #tpu.memory_space<hbm>> -> memref<78x128xf32, #tpu.memory_space<hbm>>
      %dma_wait3A_51 = arith.constant 0 : i32
      %dma_wait3A_52 = arith.constant 0 : i32
      %dma_wait3A_53 = tpu.memref_slice %arg7[%dma_wait3A_51, %dma_wait3A_52] : memref<79x128xf32, #tpu.memory_space<vmem>> -> memref<78x128xf32, #tpu.memory_space<vmem>>
      %dma_wait3A_54 = arith.constant 0 : i32
      %dma_wait3A_55 = tpu.memref_slice %arg3[%mul3A_8, %dma_wait3A_54] : memref<2500x128xf32, #tpu.memory_space<hbm>> -> memref<78x128xf32, #tpu.memory_space<hbm>>
      tpu.wait_dma2 semaphore(%run_scoped3A : memref<!tpu.dma_semaphore, #tpu.memory_space<semaphore_mem>>) src(%dma_wait3A_55 : memref<78x128xf32, #tpu.memory_space<hbm>>) dst(%dma_wait3A_53 : memref<78x128xf32, #tpu.memory_space<vmem>>)
      tpu.yield
    }) : () -> ()
    %mul3A_9 = arith.constant 78 : i32
    %mul3A_10 = arith.muli %add3A, %mul3A_9 : i32
    "tpu.region"() ({
      %run_scoped3A = tpu.sem_alloc : memref<!tpu.dma_semaphore, #tpu.memory_space<semaphore_mem>>
      %dma_start3A = arith.constant 0 : i32
      %dma_start3A_38 = arith.constant 0 : i32
      %dma_start3A_39 = tpu.memref_slice %arg6[%dma_start3A, %dma_start3A_38] : memref<79x128xi32, #tpu.memory_space<vmem>> -> memref<78x128xi32, #tpu.memory_space<vmem>>
      %dma_start3A_40 = arith.constant 0 : i32
      %dma_start3A_41 = tpu.memref_slice %arg2[%mul3A_10, %dma_start3A_40] : memref<2500x128xi32, #tpu.memory_space<hbm>> -> memref<78x128xi32, #tpu.memory_space<hbm>>
      %dma_start3A_42 = arith.constant 0 : i32
      %dma_start3A_43 = arith.constant 0 : i32
      %dma_start3A_44 = tpu.memref_slice %arg6[%dma_start3A_42, %dma_start3A_43] : memref<79x128xi32, #tpu.memory_space<vmem>> -> memref<78x128xi32, #tpu.memory_space<vmem>>
      %dma_start3A_45 = arith.constant 0 : i32
      %dma_start3A_46 = tpu.memref_slice %arg2[%mul3A_10, %dma_start3A_45] : memref<2500x128xi32, #tpu.memory_space<hbm>> -> memref<78x128xi32, #tpu.memory_space<hbm>>
      tpu.enqueue_dma source(%dma_start3A_46 : memref<78x128xi32, #tpu.memory_space<hbm>>) target(%dma_start3A_44 : memref<78x128xi32, #tpu.memory_space<vmem>>) target_semaphore(%run_scoped3A : memref<!tpu.dma_semaphore, #tpu.memory_space<semaphore_mem>>)
      %dma_wait3A = arith.constant 0 : i32
      %dma_wait3A_47 = arith.constant 0 : i32
      %dma_wait3A_48 = tpu.memref_slice %arg6[%dma_wait3A, %dma_wait3A_47] : memref<79x128xi32, #tpu.memory_space<vmem>> -> memref<78x128xi32, #tpu.memory_space<vmem>>
      %dma_wait3A_49 = arith.constant 0 : i32
      %dma_wait3A_50 = tpu.memref_slice %arg2[%mul3A_10, %dma_wait3A_49] : memref<2500x128xi32, #tpu.memory_space<hbm>> -> memref<78x128xi32, #tpu.memory_space<hbm>>
      %dma_wait3A_51 = arith.constant 0 : i32
      %dma_wait3A_52 = arith.constant 0 : i32
      %dma_wait3A_53 = tpu.memref_slice %arg6[%dma_wait3A_51, %dma_wait3A_52] : memref<79x128xi32, #tpu.memory_space<vmem>> -> memref<78x128xi32, #tpu.memory_space<vmem>>
      %dma_wait3A_54 = arith.constant 0 : i32
      %dma_wait3A_55 = tpu.memref_slice %arg2[%mul3A_10, %dma_wait3A_54] : memref<2500x128xi32, #tpu.memory_space<hbm>> -> memref<78x128xi32, #tpu.memory_space<hbm>>
      tpu.wait_dma2 semaphore(%run_scoped3A : memref<!tpu.dma_semaphore, #tpu.memory_space<semaphore_mem>>) src(%dma_wait3A_55 : memref<78x128xi32, #tpu.memory_space<hbm>>) dst(%dma_wait3A_53 : memref<78x128xi32, #tpu.memory_space<vmem>>)
      tpu.yield
    }) : () -> ()
    %lt3A = arith.constant 4 : i32
    %lt3A_11 = arith.cmpi slt, %add3A, %lt3A : i32
    %convert_element_type3A = arith.extui %lt3A_11 : i1 to i32
    %cond3A = arith.constant 0 : i32
    %cond3A_12 = arith.cmpi ne, %convert_element_type3A, %cond3A : i32
    scf.if %cond3A_12 {
      %add3A_38 = arith.constant 2496 : i32
      %add3A_39 = arith.addi %add3A_38, %add3A : i32
      "tpu.region"() ({
        %run_scoped3A = tpu.sem_alloc : memref<!tpu.dma_semaphore, #tpu.memory_space<semaphore_mem>>
        %dma_start3A = arith.constant 78 : i32
        %dma_start3A_42 = arith.constant 0 : i32
        %dma_start3A_43 = tpu.memref_slice %arg7[%dma_start3A, %dma_start3A_42] : memref<79x128xf32, #tpu.memory_space<vmem>> -> memref<1x128xf32, #tpu.memory_space<vmem>>
        %dma_start3A_44 = arith.constant 0 : i32
        %dma_start3A_45 = tpu.memref_slice %arg3[%add3A_39, %dma_start3A_44] : memref<2500x128xf32, #tpu.memory_space<hbm>> -> memref<1x128xf32, #tpu.memory_space<hbm>>
        %dma_start3A_46 = arith.constant 78 : i32
        %dma_start3A_47 = arith.constant 0 : i32
        %dma_start3A_48 = tpu.memref_slice %arg7[%dma_start3A_46, %dma_start3A_47] : memref<79x128xf32, #tpu.memory_space<vmem>> -> memref<1x128xf32, #tpu.memory_space<vmem>>
        %dma_start3A_49 = arith.constant 0 : i32
        %dma_start3A_50 = tpu.memref_slice %arg3[%add3A_39, %dma_start3A_49] : memref<2500x128xf32, #tpu.memory_space<hbm>> -> memref<1x128xf32, #tpu.memory_space<hbm>>
        tpu.enqueue_dma source(%dma_start3A_50 : memref<1x128xf32, #tpu.memory_space<hbm>>) target(%dma_start3A_48 : memref<1x128xf32, #tpu.memory_space<vmem>>) target_semaphore(%run_scoped3A : memref<!tpu.dma_semaphore, #tpu.memory_space<semaphore_mem>>)
        %dma_wait3A = arith.constant 78 : i32
        %dma_wait3A_51 = arith.constant 0 : i32
        %dma_wait3A_52 = tpu.memref_slice %arg7[%dma_wait3A, %dma_wait3A_51] : memref<79x128xf32, #tpu.memory_space<vmem>> -> memref<1x128xf32, #tpu.memory_space<vmem>>
        %dma_wait3A_53 = arith.constant 0 : i32
        %dma_wait3A_54 = tpu.memref_slice %arg3[%add3A_39, %dma_wait3A_53] : memref<2500x128xf32, #tpu.memory_space<hbm>> -> memref<1x128xf32, #tpu.memory_space<hbm>>
        %dma_wait3A_55 = arith.constant 78 : i32
        %dma_wait3A_56 = arith.constant 0 : i32
        %dma_wait3A_57 = tpu.memref_slice %arg7[%dma_wait3A_55, %dma_wait3A_56] : memref<79x128xf32, #tpu.memory_space<vmem>> -> memref<1x128xf32, #tpu.memory_space<vmem>>
        %dma_wait3A_58 = arith.constant 0 : i32
        %dma_wait3A_59 = tpu.memref_slice %arg3[%add3A_39, %dma_wait3A_58] : memref<2500x128xf32, #tpu.memory_space<hbm>> -> memref<1x128xf32, #tpu.memory_space<hbm>>
        tpu.wait_dma2 semaphore(%run_scoped3A : memref<!tpu.dma_semaphore, #tpu.memory_space<semaphore_mem>>) src(%dma_wait3A_59 : memref<1x128xf32, #tpu.memory_space<hbm>>) dst(%dma_wait3A_57 : memref<1x128xf32, #tpu.memory_space<vmem>>)
        tpu.yield
      }) : () -> ()
      %add3A_40 = arith.constant 2496 : i32
      %add3A_41 = arith.addi %add3A_40, %add3A : i32
      "tpu.region"() ({
        %run_scoped3A = tpu.sem_alloc : memref<!tpu.dma_semaphore, #tpu.memory_space<semaphore_mem>>
        %dma_start3A = arith.constant 78 : i32
        %dma_start3A_42 = arith.constant 0 : i32
        %dma_start3A_43 = tpu.memref_slice %arg6[%dma_start3A, %dma_start3A_42] : memref<79x128xi32, #tpu.memory_space<vmem>> -> memref<1x128xi32, #tpu.memory_space<vmem>>
        %dma_start3A_44 = arith.constant 0 : i32
        %dma_start3A_45 = tpu.memref_slice %arg2[%add3A_41, %dma_start3A_44] : memref<2500x128xi32, #tpu.memory_space<hbm>> -> memref<1x128xi32, #tpu.memory_space<hbm>>
        %dma_start3A_46 = arith.constant 78 : i32
        %dma_start3A_47 = arith.constant 0 : i32
        %dma_start3A_48 = tpu.memref_slice %arg6[%dma_start3A_46, %dma_start3A_47] : memref<79x128xi32, #tpu.memory_space<vmem>> -> memref<1x128xi32, #tpu.memory_space<vmem>>
        %dma_start3A_49 = arith.constant 0 : i32
        %dma_start3A_50 = tpu.memref_slice %arg2[%add3A_41, %dma_start3A_49] : memref<2500x128xi32, #tpu.memory_space<hbm>> -> memref<1x128xi32, #tpu.memory_space<hbm>>
        tpu.enqueue_dma source(%dma_start3A_50 : memref<1x128xi32, #tpu.memory_space<hbm>>) target(%dma_start3A_48 : memref<1x128xi32, #tpu.memory_space<vmem>>) target_semaphore(%run_scoped3A : memref<!tpu.dma_semaphore, #tpu.memory_space<semaphore_mem>>)
        %dma_wait3A = arith.constant 78 : i32
        %dma_wait3A_51 = arith.constant 0 : i32
        %dma_wait3A_52 = tpu.memref_slice %arg6[%dma_wait3A, %dma_wait3A_51] : memref<79x128xi32, #tpu.memory_space<vmem>> -> memref<1x128xi32, #tpu.memory_space<vmem>>
        %dma_wait3A_53 = arith.constant 0 : i32
        %dma_wait3A_54 = tpu.memref_slice %arg2[%add3A_41, %dma_wait3A_53] : memref<2500x128xi32, #tpu.memory_space<hbm>> -> memref<1x128xi32, #tpu.memory_space<hbm>>
        %dma_wait3A_55 = arith.constant 78 : i32
        %dma_wait3A_56 = arith.constant 0 : i32
        %dma_wait3A_57 = tpu.memref_slice %arg6[%dma_wait3A_55, %dma_wait3A_56] : memref<79x128xi32, #tpu.memory_space<vmem>> -> memref<1x128xi32, #tpu.memory_space<vmem>>
        %dma_wait3A_58 = arith.constant 0 : i32
        %dma_wait3A_59 = tpu.memref_slice %arg2[%add3A_41, %dma_wait3A_58] : memref<2500x128xi32, #tpu.memory_space<hbm>> -> memref<1x128xi32, #tpu.memory_space<hbm>>
        tpu.wait_dma2 semaphore(%run_scoped3A : memref<!tpu.dma_semaphore, #tpu.memory_space<semaphore_mem>>) src(%dma_wait3A_59 : memref<1x128xi32, #tpu.memory_space<hbm>>) dst(%dma_wait3A_57 : memref<1x128xi32, #tpu.memory_space<vmem>>)
        tpu.yield
      }) : () -> ()
    } else {
    }
    %barrier3A = arith.constant 0 : index
    tpu.barrier barrier_id(%barrier3A)
    %scan3A_13 = arith.constant 0 : i32
    %scan3A_14 = arith.constant 78 : i32
    %scan3A_15 = arith.addi %scan3A_13, %scan3A_14 : i32
    %scan3A_16 = arith.constant 1 : i32
    scf.for %scan3A_38 = %scan3A_13 to %scan3A_15 step %scan3A_16  : i32 {
      %mul3A_39 = arith.constant 1 : i32
      %mul3A_40 = arith.muli %scan3A_38, %mul3A_39 : i32
      %add3A_41 = arith.constant 0 : i32
      %add3A_42 = arith.addi %add3A_41, %mul3A_40 : i32
      %dma_start3A = arith.constant 0 : i32
      %dma_start3A_43 = tpu.memref_slice %arg7[%add3A_42, %dma_start3A] : memref<79x128xf32, #tpu.memory_space<vmem>> -> memref<1x128xf32, #tpu.memory_space<vmem>>
      %dma_start3A_44 = tpu.memref_squeeze %dma_start3A_43 : memref<1x128xf32, #tpu.memory_space<vmem>> -> memref<128xf32, #tpu.memory_space<vmem>>
      %dma_start3A_45 = arith.constant 0 : i32
      %dma_start3A_46 = tpu.memref_slice %arg6[%add3A_42, %dma_start3A_45] : memref<79x128xi32, #tpu.memory_space<vmem>> -> memref<1x128xi32, #tpu.memory_space<vmem>>
      %dma_start3A_47 = tpu.memref_squeeze %dma_start3A_46 : memref<1x128xi32, #tpu.memory_space<vmem>> -> memref<128xi32, #tpu.memory_space<vmem>>
      %dma_start3A_48 = arith.constant 0 : i32
      %dma_start3A_49 = tpu.memref_slice %arg5[%dma_start3A_48] : memref<10112xf32, #tpu.memory_space<vmem_shared>> -> memref<10112xf32, #tpu.memory_space<vmem_shared>>
      tpu.enqueue_indirect_dma source(%dma_start3A_44 : memref<128xf32, #tpu.memory_space<vmem>>) target(%dma_start3A_49 : memref<10112xf32, #tpu.memory_space<vmem_shared>>) offsets(%dma_start3A_47 : memref<128xi32, #tpu.memory_space<vmem>>) semaphore(%arg9 : memref<!tpu.dma_semaphore, #tpu.memory_space<semaphore_mem>>) {add = true}
    }
    %scan3A_17 = arith.constant 78 : i32
    %lt3A_18 = arith.constant 4 : i32
    %lt3A_19 = arith.cmpi slt, %add3A, %lt3A_18 : i32
    %convert_element_type3A_20 = arith.extui %lt3A_19 : i1 to i32
    %cond3A_21 = arith.constant 0 : i32
    %cond3A_22 = arith.cmpi ne, %convert_element_type3A_20, %cond3A_21 : i32
    scf.if %cond3A_22 {
      %dma_start3A = arith.constant 78 : i32
      %dma_start3A_38 = arith.constant 78 : i32
      %dma_start3A_39 = arith.constant 0 : i32
      %dma_start3A_40 = tpu.memref_slice %arg7[%dma_start3A, %dma_start3A_39] : memref<79x128xf32, #tpu.memory_space<vmem>> -> memref<1x128xf32, #tpu.memory_space<vmem>>
      %dma_start3A_41 = tpu.memref_squeeze %dma_start3A_40 : memref<1x128xf32, #tpu.memory_space<vmem>> -> memref<128xf32, #tpu.memory_space<vmem>>
      %dma_start3A_42 = arith.constant 0 : i32
      %dma_start3A_43 = tpu.memref_slice %arg6[%dma_start3A_38, %dma_start3A_42] : memref<79x128xi32, #tpu.memory_space<vmem>> -> memref<1x128xi32, #tpu.memory_space<vmem>>
      %dma_start3A_44 = tpu.memref_squeeze %dma_start3A_43 : memref<1x128xi32, #tpu.memory_space<vmem>> -> memref<128xi32, #tpu.memory_space<vmem>>
      %dma_start3A_45 = arith.constant 0 : i32
      %dma_start3A_46 = tpu.memref_slice %arg5[%dma_start3A_45] : memref<10112xf32, #tpu.memory_space<vmem_shared>> -> memref<10112xf32, #tpu.memory_space<vmem_shared>>
      tpu.enqueue_indirect_dma source(%dma_start3A_41 : memref<128xf32, #tpu.memory_space<vmem>>) target(%dma_start3A_46 : memref<10112xf32, #tpu.memory_space<vmem_shared>>) offsets(%dma_start3A_44 : memref<128xi32, #tpu.memory_space<vmem>>) semaphore(%arg9 : memref<!tpu.dma_semaphore, #tpu.memory_space<semaphore_mem>>) {add = true}
    } else {
    }
    %scan3A_23 = arith.constant 0 : i32
    %scan3A_24 = arith.constant 78 : i32
    %scan3A_25 = arith.addi %scan3A_23, %scan3A_24 : i32
    %scan3A_26 = arith.constant 1 : i32
    scf.for %scan3A_38 = %scan3A_23 to %scan3A_25 step %scan3A_26  : i32 {
      %mul3A_39 = arith.constant 1 : i32
      %mul3A_40 = arith.muli %scan3A_38, %mul3A_39 : i32
      %add3A_41 = arith.constant 0 : i32
      %add3A_42 = arith.addi %add3A_41, %mul3A_40 : i32
      %dma_wait3A = arith.constant 0 : i32
      %dma_wait3A_43 = tpu.memref_slice %arg7[%add3A_42, %dma_wait3A] : memref<79x128xf32, #tpu.memory_space<vmem>> -> memref<1x128xf32, #tpu.memory_space<vmem>>
      %dma_wait3A_44 = tpu.memref_squeeze %dma_wait3A_43 : memref<1x128xf32, #tpu.memory_space<vmem>> -> memref<128xf32, #tpu.memory_space<vmem>>
      %dma_wait3A_45 = arith.constant 0 : i32
      %dma_wait3A_46 = tpu.memref_slice %arg6[%add3A_42, %dma_wait3A_45] : memref<79x128xi32, #tpu.memory_space<vmem>> -> memref<1x128xi32, #tpu.memory_space<vmem>>
      %dma_wait3A_47 = tpu.memref_squeeze %dma_wait3A_46 : memref<1x128xi32, #tpu.memory_space<vmem>> -> memref<128xi32, #tpu.memory_space<vmem>>
      %dma_wait3A_48 = arith.constant 0 : i32
      %dma_wait3A_49 = tpu.memref_slice %arg5[%dma_wait3A_48] : memref<10112xf32, #tpu.memory_space<vmem_shared>> -> memref<10112xf32, #tpu.memory_space<vmem_shared>>
      tpu.wait_indirect_dma semaphore(%arg9 : memref<!tpu.dma_semaphore, #tpu.memory_space<semaphore_mem>>) src(%dma_wait3A_44 : memref<128xf32, #tpu.memory_space<vmem>>) dst(%dma_wait3A_49 : memref<10112xf32, #tpu.memory_space<vmem_shared>>)
    }
    %scan3A_27 = arith.constant 78 : i32
    %lt3A_28 = arith.constant 4 : i32
    %lt3A_29 = arith.cmpi slt, %add3A, %lt3A_28 : i32
    %convert_element_type3A_30 = arith.extui %lt3A_29 : i1 to i32
    %cond3A_31 = arith.constant 0 : i32
    %cond3A_32 = arith.cmpi ne, %convert_element_type3A_30, %cond3A_31 : i32
    scf.if %cond3A_32 {
      %dma_wait3A = arith.constant 78 : i32
      %dma_wait3A_38 = arith.constant 78 : i32
      %dma_wait3A_39 = arith.constant 0 : i32
      %dma_wait3A_40 = tpu.memref_slice %arg7[%dma_wait3A, %dma_wait3A_39] : memref<79x128xf32, #tpu.memory_space<vmem>> -> memref<1x128xf32, #tpu.memory_space<vmem>>
      %dma_wait3A_41 = tpu.memref_squeeze %dma_wait3A_40 : memref<1x128xf32, #tpu.memory_space<vmem>> -> memref<128xf32, #tpu.memory_space<vmem>>
      %dma_wait3A_42 = arith.constant 0 : i32
      %dma_wait3A_43 = tpu.memref_slice %arg6[%dma_wait3A_38, %dma_wait3A_42] : memref<79x128xi32, #tpu.memory_space<vmem>> -> memref<1x128xi32, #tpu.memory_space<vmem>>
      %dma_wait3A_44 = tpu.memref_squeeze %dma_wait3A_43 : memref<1x128xi32, #tpu.memory_space<vmem>> -> memref<128xi32, #tpu.memory_space<vmem>>
      %dma_wait3A_45 = arith.constant 0 : i32
      %dma_wait3A_46 = tpu.memref_slice %arg5[%dma_wait3A_45] : memref<10112xf32, #tpu.memory_space<vmem_shared>> -> memref<10112xf32, #tpu.memory_space<vmem_shared>>
      tpu.wait_indirect_dma semaphore(%arg9 : memref<!tpu.dma_semaphore, #tpu.memory_space<semaphore_mem>>) src(%dma_wait3A_41 : memref<128xf32, #tpu.memory_space<vmem>>) dst(%dma_wait3A_46 : memref<10112xf32, #tpu.memory_space<vmem_shared>>)
    } else {
    }
    %barrier3A_33 = arith.constant 0 : index
    tpu.barrier barrier_id(%barrier3A_33)
    %mul3A_34 = arith.constant 632 : i32
    %mul3A_35 = arith.muli %arg1, %mul3A_34 : i32
    %mul3A_36 = arith.constant 632 : i32
    %mul3A_37 = arith.muli %arg1, %mul3A_36 : i32
    "tpu.region"() ({
      %run_scoped3A = tpu.sem_alloc : memref<!tpu.dma_semaphore, #tpu.memory_space<semaphore_mem>>
      %dma_start3A = tpu.memref_slice %arg4[%arg0, %mul3A_37] : memref<2x10112xf32, #tpu.memory_space<hbm>> -> memref<1x632xf32, #tpu.memory_space<hbm>>
      %dma_start3A_38 = tpu.memref_squeeze %dma_start3A : memref<1x632xf32, #tpu.memory_space<hbm>> -> memref<632xf32, #tpu.memory_space<hbm>>
      %dma_start3A_39 = tpu.memref_slice %arg5[%mul3A_35] : memref<10112xf32, #tpu.memory_space<vmem_shared>> -> memref<632xf32, #tpu.memory_space<vmem_shared>>
      tpu.enqueue_dma source(%dma_start3A_39 : memref<632xf32, #tpu.memory_space<vmem_shared>>) target(%dma_start3A_38 : memref<632xf32, #tpu.memory_space<hbm>>) target_semaphore(%run_scoped3A : memref<!tpu.dma_semaphore, #tpu.memory_space<semaphore_mem>>)
      %dma_wait3A = tpu.memref_slice %arg4[%arg0, %mul3A_37] : memref<2x10112xf32, #tpu.memory_space<hbm>> -> memref<1x632xf32, #tpu.memory_space<hbm>>
      %dma_wait3A_40 = tpu.memref_squeeze %dma_wait3A : memref<1x632xf32, #tpu.memory_space<hbm>> -> memref<632xf32, #tpu.memory_space<hbm>>
      %dma_wait3A_41 = tpu.memref_slice %arg5[%mul3A_35] : memref<10112xf32, #tpu.memory_space<vmem_shared>> -> memref<632xf32, #tpu.memory_space<vmem_shared>>
      tpu.wait_dma2 semaphore(%run_scoped3A : memref<!tpu.dma_semaphore, #tpu.memory_space<semaphore_mem>>) src(%dma_wait3A_41 : memref<632xf32, #tpu.memory_space<vmem_shared>>) dst(%dma_wait3A_40 : memref<632xf32, #tpu.memory_space<hbm>>)
      tpu.yield
    }) : () -> ()
    return
  }
}

#map = affine_map<(d0, d1) -> (0, 0)>
#map1 = affine_map<(d0, d1) -> (0, 0, 0)>
module attributes {stable_mosaic.version = 14 : i64} {
  func.func @edge_kernel(%arg0: i32, %arg1: i32, %arg2: memref<10000x16xf32, #tpu.memory_space<hbm>>, %arg3: memref<2500x128xi32, #tpu.memory_space<hbm>>, %arg4: memref<2500x128xi32, #tpu.memory_space<hbm>>, %arg5: memref<2500x128xf32, #tpu.memory_space<hbm>>, %arg6: memref<2x10112x16xf32, #tpu.memory_space<hbm>>, %arg7: memref<10112x16xf32, #tpu.memory_space<vmem_shared>>, %arg8: memref<10000x16xf32, #tpu.memory_space<vmem_shared>>, %arg9: memref<79x128xi32, #tpu.memory_space<vmem>>, %arg10: memref<79x128xi32, #tpu.memory_space<vmem>>, %arg11: memref<79x128xf32, #tpu.memory_space<vmem>>, %arg12: memref<128x16xf32, #tpu.memory_space<vmem>>, %arg13: memref<128x16xf32, #tpu.memory_space<vmem>>, %arg14: memref<632x16xf32, #tpu.memory_space<vmem>>, %arg15: memref<!tpu.dma_semaphore, #tpu.memory_space<semaphore_mem>>, %arg16: memref<!tpu.dma_semaphore, #tpu.memory_space<semaphore_mem>>, %arg17: memref<!tpu.dma_semaphore, #tpu.memory_space<semaphore_mem>>, %arg18: memref<!tpu.dma_semaphore, #tpu.memory_space<semaphore_mem>>) attributes {dimension_semantics = [#tpu.dimension_semantics<core_parallel>, #tpu.dimension_semantics<subcore_parallel>], iteration_bounds = array<i64: 2, 16>, scalar_prefetch = 0 : i64, scratch_operands = 12 : i64, tpu.core_type = #tpu.core_type<sc_vector_subcore>, window_params = [{transform_indices = #map}, {transform_indices = #map}, {transform_indices = #map}, {transform_indices = #map}, {transform_indices = #map1}]} {
    %mul3A = arith.constant 16 : i32
    %mul3A_0 = arith.muli %arg0, %mul3A : i32
    %add3A = arith.addi %mul3A_0, %arg1 : i32
    %mul3A_1 = arith.constant 625 : i32
    %mul3A_2 = arith.muli %arg1, %mul3A_1 : i32
    %mul3A_3 = arith.constant 625 : i32
    %mul3A_4 = arith.muli %arg1, %mul3A_3 : i32
    %dma_start3A = arith.constant 0 : i32
    %dma_start3A_5 = tpu.memref_slice %arg8[%mul3A_4, %dma_start3A] : memref<10000x16xf32, #tpu.memory_space<vmem_shared>> -> memref<625x16xf32, #tpu.memory_space<vmem_shared>>
    %dma_start3A_6 = arith.constant 0 : i32
    %dma_start3A_7 = tpu.memref_slice %arg2[%mul3A_2, %dma_start3A_6] : memref<10000x16xf32, #tpu.memory_space<hbm>> -> memref<625x16xf32, #tpu.memory_space<hbm>>
    tpu.enqueue_dma source(%dma_start3A_7 : memref<625x16xf32, #tpu.memory_space<hbm>>) target(%dma_start3A_5 : memref<625x16xf32, #tpu.memory_space<vmem_shared>>) target_semaphore(%arg15 : memref<!tpu.dma_semaphore, #tpu.memory_space<semaphore_mem>>)
    %mul3A_8 = arith.constant 78 : i32
    %mul3A_9 = arith.muli %add3A, %mul3A_8 : i32
    %dma_start3A_10 = arith.constant 0 : i32
    %dma_start3A_11 = arith.constant 0 : i32
    %dma_start3A_12 = tpu.memref_slice %arg9[%dma_start3A_10, %dma_start3A_11] : memref<79x128xi32, #tpu.memory_space<vmem>> -> memref<78x128xi32, #tpu.memory_space<vmem>>
    %dma_start3A_13 = arith.constant 0 : i32
    %dma_start3A_14 = tpu.memref_slice %arg3[%mul3A_9, %dma_start3A_13] : memref<2500x128xi32, #tpu.memory_space<hbm>> -> memref<78x128xi32, #tpu.memory_space<hbm>>
    %dma_start3A_15 = arith.constant 0 : i32
    %dma_start3A_16 = arith.constant 0 : i32
    %dma_start3A_17 = tpu.memref_slice %arg9[%dma_start3A_15, %dma_start3A_16] : memref<79x128xi32, #tpu.memory_space<vmem>> -> memref<78x128xi32, #tpu.memory_space<vmem>>
    %dma_start3A_18 = arith.constant 0 : i32
    %dma_start3A_19 = tpu.memref_slice %arg3[%mul3A_9, %dma_start3A_18] : memref<2500x128xi32, #tpu.memory_space<hbm>> -> memref<78x128xi32, #tpu.memory_space<hbm>>
    tpu.enqueue_dma source(%dma_start3A_19 : memref<78x128xi32, #tpu.memory_space<hbm>>) target(%dma_start3A_17 : memref<78x128xi32, #tpu.memory_space<vmem>>) target_semaphore(%arg16 : memref<!tpu.dma_semaphore, #tpu.memory_space<semaphore_mem>>)
    %mul3A_20 = arith.constant 78 : i32
    %mul3A_21 = arith.muli %add3A, %mul3A_20 : i32
    %dma_start3A_22 = arith.constant 0 : i32
    %dma_start3A_23 = arith.constant 0 : i32
    %dma_start3A_24 = tpu.memref_slice %arg10[%dma_start3A_22, %dma_start3A_23] : memref<79x128xi32, #tpu.memory_space<vmem>> -> memref<78x128xi32, #tpu.memory_space<vmem>>
    %dma_start3A_25 = arith.constant 0 : i32
    %dma_start3A_26 = tpu.memref_slice %arg4[%mul3A_21, %dma_start3A_25] : memref<2500x128xi32, #tpu.memory_space<hbm>> -> memref<78x128xi32, #tpu.memory_space<hbm>>
    %dma_start3A_27 = arith.constant 0 : i32
    %dma_start3A_28 = arith.constant 0 : i32
    %dma_start3A_29 = tpu.memref_slice %arg10[%dma_start3A_27, %dma_start3A_28] : memref<79x128xi32, #tpu.memory_space<vmem>> -> memref<78x128xi32, #tpu.memory_space<vmem>>
    %dma_start3A_30 = arith.constant 0 : i32
    %dma_start3A_31 = tpu.memref_slice %arg4[%mul3A_21, %dma_start3A_30] : memref<2500x128xi32, #tpu.memory_space<hbm>> -> memref<78x128xi32, #tpu.memory_space<hbm>>
    tpu.enqueue_dma source(%dma_start3A_31 : memref<78x128xi32, #tpu.memory_space<hbm>>) target(%dma_start3A_29 : memref<78x128xi32, #tpu.memory_space<vmem>>) target_semaphore(%arg17 : memref<!tpu.dma_semaphore, #tpu.memory_space<semaphore_mem>>)
    %mul3A_32 = arith.constant 78 : i32
    %mul3A_33 = arith.muli %add3A, %mul3A_32 : i32
    %dma_start3A_34 = arith.constant 0 : i32
    %dma_start3A_35 = arith.constant 0 : i32
    %dma_start3A_36 = tpu.memref_slice %arg11[%dma_start3A_34, %dma_start3A_35] : memref<79x128xf32, #tpu.memory_space<vmem>> -> memref<78x128xf32, #tpu.memory_space<vmem>>
    %dma_start3A_37 = arith.constant 0 : i32
    %dma_start3A_38 = tpu.memref_slice %arg5[%mul3A_33, %dma_start3A_37] : memref<2500x128xf32, #tpu.memory_space<hbm>> -> memref<78x128xf32, #tpu.memory_space<hbm>>
    %dma_start3A_39 = arith.constant 0 : i32
    %dma_start3A_40 = arith.constant 0 : i32
    %dma_start3A_41 = tpu.memref_slice %arg11[%dma_start3A_39, %dma_start3A_40] : memref<79x128xf32, #tpu.memory_space<vmem>> -> memref<78x128xf32, #tpu.memory_space<vmem>>
    %dma_start3A_42 = arith.constant 0 : i32
    %dma_start3A_43 = tpu.memref_slice %arg5[%mul3A_33, %dma_start3A_42] : memref<2500x128xf32, #tpu.memory_space<hbm>> -> memref<78x128xf32, #tpu.memory_space<hbm>>
    tpu.enqueue_dma source(%dma_start3A_43 : memref<78x128xf32, #tpu.memory_space<hbm>>) target(%dma_start3A_41 : memref<78x128xf32, #tpu.memory_space<vmem>>) target_semaphore(%arg18 : memref<!tpu.dma_semaphore, #tpu.memory_space<semaphore_mem>>)
    %lt3A = arith.constant 4 : i32
    %lt3A_44 = arith.cmpi slt, %add3A, %lt3A : i32
    %convert_element_type3A = arith.extui %lt3A_44 : i1 to i32
    %cond3A = arith.constant 0 : i32
    %cond3A_45 = arith.cmpi ne, %convert_element_type3A, %cond3A : i32
    scf.if %cond3A_45 {
      %add3A_130 = arith.constant 2496 : i32
      %add3A_131 = arith.addi %add3A_130, %add3A : i32
      "tpu.region"() ({
        %run_scoped3A = tpu.sem_alloc : memref<!tpu.dma_semaphore, #tpu.memory_space<semaphore_mem>>
        %dma_start3A_136 = arith.constant 78 : i32
        %dma_start3A_137 = arith.constant 0 : i32
        %dma_start3A_138 = tpu.memref_slice %arg9[%dma_start3A_136, %dma_start3A_137] : memref<79x128xi32, #tpu.memory_space<vmem>> -> memref<1x128xi32, #tpu.memory_space<vmem>>
        %dma_start3A_139 = arith.constant 0 : i32
        %dma_start3A_140 = tpu.memref_slice %arg3[%add3A_131, %dma_start3A_139] : memref<2500x128xi32, #tpu.memory_space<hbm>> -> memref<1x128xi32, #tpu.memory_space<hbm>>
        %dma_start3A_141 = arith.constant 78 : i32
        %dma_start3A_142 = arith.constant 0 : i32
        %dma_start3A_143 = tpu.memref_slice %arg9[%dma_start3A_141, %dma_start3A_142] : memref<79x128xi32, #tpu.memory_space<vmem>> -> memref<1x128xi32, #tpu.memory_space<vmem>>
        %dma_start3A_144 = arith.constant 0 : i32
        %dma_start3A_145 = tpu.memref_slice %arg3[%add3A_131, %dma_start3A_144] : memref<2500x128xi32, #tpu.memory_space<hbm>> -> memref<1x128xi32, #tpu.memory_space<hbm>>
        tpu.enqueue_dma source(%dma_start3A_145 : memref<1x128xi32, #tpu.memory_space<hbm>>) target(%dma_start3A_143 : memref<1x128xi32, #tpu.memory_space<vmem>>) target_semaphore(%run_scoped3A : memref<!tpu.dma_semaphore, #tpu.memory_space<semaphore_mem>>)
        %dma_wait3A_146 = arith.constant 78 : i32
        %dma_wait3A_147 = arith.constant 0 : i32
        %dma_wait3A_148 = tpu.memref_slice %arg9[%dma_wait3A_146, %dma_wait3A_147] : memref<79x128xi32, #tpu.memory_space<vmem>> -> memref<1x128xi32, #tpu.memory_space<vmem>>
        %dma_wait3A_149 = arith.constant 0 : i32
        %dma_wait3A_150 = tpu.memref_slice %arg3[%add3A_131, %dma_wait3A_149] : memref<2500x128xi32, #tpu.memory_space<hbm>> -> memref<1x128xi32, #tpu.memory_space<hbm>>
        %dma_wait3A_151 = arith.constant 78 : i32
        %dma_wait3A_152 = arith.constant 0 : i32
        %dma_wait3A_153 = tpu.memref_slice %arg9[%dma_wait3A_151, %dma_wait3A_152] : memref<79x128xi32, #tpu.memory_space<vmem>> -> memref<1x128xi32, #tpu.memory_space<vmem>>
        %dma_wait3A_154 = arith.constant 0 : i32
        %dma_wait3A_155 = tpu.memref_slice %arg3[%add3A_131, %dma_wait3A_154] : memref<2500x128xi32, #tpu.memory_space<hbm>> -> memref<1x128xi32, #tpu.memory_space<hbm>>
        tpu.wait_dma2 semaphore(%run_scoped3A : memref<!tpu.dma_semaphore, #tpu.memory_space<semaphore_mem>>) src(%dma_wait3A_155 : memref<1x128xi32, #tpu.memory_space<hbm>>) dst(%dma_wait3A_153 : memref<1x128xi32, #tpu.memory_space<vmem>>)
        tpu.yield
      }) : () -> ()
      %add3A_132 = arith.constant 2496 : i32
      %add3A_133 = arith.addi %add3A_132, %add3A : i32
      "tpu.region"() ({
        %run_scoped3A = tpu.sem_alloc : memref<!tpu.dma_semaphore, #tpu.memory_space<semaphore_mem>>
        %dma_start3A_136 = arith.constant 78 : i32
        %dma_start3A_137 = arith.constant 0 : i32
        %dma_start3A_138 = tpu.memref_slice %arg10[%dma_start3A_136, %dma_start3A_137] : memref<79x128xi32, #tpu.memory_space<vmem>> -> memref<1x128xi32, #tpu.memory_space<vmem>>
        %dma_start3A_139 = arith.constant 0 : i32
        %dma_start3A_140 = tpu.memref_slice %arg4[%add3A_133, %dma_start3A_139] : memref<2500x128xi32, #tpu.memory_space<hbm>> -> memref<1x128xi32, #tpu.memory_space<hbm>>
        %dma_start3A_141 = arith.constant 78 : i32
        %dma_start3A_142 = arith.constant 0 : i32
        %dma_start3A_143 = tpu.memref_slice %arg10[%dma_start3A_141, %dma_start3A_142] : memref<79x128xi32, #tpu.memory_space<vmem>> -> memref<1x128xi32, #tpu.memory_space<vmem>>
        %dma_start3A_144 = arith.constant 0 : i32
        %dma_start3A_145 = tpu.memref_slice %arg4[%add3A_133, %dma_start3A_144] : memref<2500x128xi32, #tpu.memory_space<hbm>> -> memref<1x128xi32, #tpu.memory_space<hbm>>
        tpu.enqueue_dma source(%dma_start3A_145 : memref<1x128xi32, #tpu.memory_space<hbm>>) target(%dma_start3A_143 : memref<1x128xi32, #tpu.memory_space<vmem>>) target_semaphore(%run_scoped3A : memref<!tpu.dma_semaphore, #tpu.memory_space<semaphore_mem>>)
        %dma_wait3A_146 = arith.constant 78 : i32
        %dma_wait3A_147 = arith.constant 0 : i32
        %dma_wait3A_148 = tpu.memref_slice %arg10[%dma_wait3A_146, %dma_wait3A_147] : memref<79x128xi32, #tpu.memory_space<vmem>> -> memref<1x128xi32, #tpu.memory_space<vmem>>
        %dma_wait3A_149 = arith.constant 0 : i32
        %dma_wait3A_150 = tpu.memref_slice %arg4[%add3A_133, %dma_wait3A_149] : memref<2500x128xi32, #tpu.memory_space<hbm>> -> memref<1x128xi32, #tpu.memory_space<hbm>>
        %dma_wait3A_151 = arith.constant 78 : i32
        %dma_wait3A_152 = arith.constant 0 : i32
        %dma_wait3A_153 = tpu.memref_slice %arg10[%dma_wait3A_151, %dma_wait3A_152] : memref<79x128xi32, #tpu.memory_space<vmem>> -> memref<1x128xi32, #tpu.memory_space<vmem>>
        %dma_wait3A_154 = arith.constant 0 : i32
        %dma_wait3A_155 = tpu.memref_slice %arg4[%add3A_133, %dma_wait3A_154] : memref<2500x128xi32, #tpu.memory_space<hbm>> -> memref<1x128xi32, #tpu.memory_space<hbm>>
        tpu.wait_dma2 semaphore(%run_scoped3A : memref<!tpu.dma_semaphore, #tpu.memory_space<semaphore_mem>>) src(%dma_wait3A_155 : memref<1x128xi32, #tpu.memory_space<hbm>>) dst(%dma_wait3A_153 : memref<1x128xi32, #tpu.memory_space<vmem>>)
        tpu.yield
      }) : () -> ()
      %add3A_134 = arith.constant 2496 : i32
      %add3A_135 = arith.addi %add3A_134, %add3A : i32
      "tpu.region"() ({
        %run_scoped3A = tpu.sem_alloc : memref<!tpu.dma_semaphore, #tpu.memory_space<semaphore_mem>>
        %dma_start3A_136 = arith.constant 78 : i32
        %dma_start3A_137 = arith.constant 0 : i32
        %dma_start3A_138 = tpu.memref_slice %arg11[%dma_start3A_136, %dma_start3A_137] : memref<79x128xf32, #tpu.memory_space<vmem>> -> memref<1x128xf32, #tpu.memory_space<vmem>>
        %dma_start3A_139 = arith.constant 0 : i32
        %dma_start3A_140 = tpu.memref_slice %arg5[%add3A_135, %dma_start3A_139] : memref<2500x128xf32, #tpu.memory_space<hbm>> -> memref<1x128xf32, #tpu.memory_space<hbm>>
        %dma_start3A_141 = arith.constant 78 : i32
        %dma_start3A_142 = arith.constant 0 : i32
        %dma_start3A_143 = tpu.memref_slice %arg11[%dma_start3A_141, %dma_start3A_142] : memref<79x128xf32, #tpu.memory_space<vmem>> -> memref<1x128xf32, #tpu.memory_space<vmem>>
        %dma_start3A_144 = arith.constant 0 : i32
        %dma_start3A_145 = tpu.memref_slice %arg5[%add3A_135, %dma_start3A_144] : memref<2500x128xf32, #tpu.memory_space<hbm>> -> memref<1x128xf32, #tpu.memory_space<hbm>>
        tpu.enqueue_dma source(%dma_start3A_145 : memref<1x128xf32, #tpu.memory_space<hbm>>) target(%dma_start3A_143 : memref<1x128xf32, #tpu.memory_space<vmem>>) target_semaphore(%run_scoped3A : memref<!tpu.dma_semaphore, #tpu.memory_space<semaphore_mem>>)
        %dma_wait3A_146 = arith.constant 78 : i32
        %dma_wait3A_147 = arith.constant 0 : i32
        %dma_wait3A_148 = tpu.memref_slice %arg11[%dma_wait3A_146, %dma_wait3A_147] : memref<79x128xf32, #tpu.memory_space<vmem>> -> memref<1x128xf32, #tpu.memory_space<vmem>>
        %dma_wait3A_149 = arith.constant 0 : i32
        %dma_wait3A_150 = tpu.memref_slice %arg5[%add3A_135, %dma_wait3A_149] : memref<2500x128xf32, #tpu.memory_space<hbm>> -> memref<1x128xf32, #tpu.memory_space<hbm>>
        %dma_wait3A_151 = arith.constant 78 : i32
        %dma_wait3A_152 = arith.constant 0 : i32
        %dma_wait3A_153 = tpu.memref_slice %arg11[%dma_wait3A_151, %dma_wait3A_152] : memref<79x128xf32, #tpu.memory_space<vmem>> -> memref<1x128xf32, #tpu.memory_space<vmem>>
        %dma_wait3A_154 = arith.constant 0 : i32
        %dma_wait3A_155 = tpu.memref_slice %arg5[%add3A_135, %dma_wait3A_154] : memref<2500x128xf32, #tpu.memory_space<hbm>> -> memref<1x128xf32, #tpu.memory_space<hbm>>
        tpu.wait_dma2 semaphore(%run_scoped3A : memref<!tpu.dma_semaphore, #tpu.memory_space<semaphore_mem>>) src(%dma_wait3A_155 : memref<1x128xf32, #tpu.memory_space<hbm>>) dst(%dma_wait3A_153 : memref<1x128xf32, #tpu.memory_space<vmem>>)
        tpu.yield
      }) : () -> ()
    } else {
    }
    %broadcast_in_dim3A = arith.constant 0.000000e+00 : f32
    %broadcast_in_dim3A_46 = vector.broadcast %broadcast_in_dim3A : f32 to vector<16xf32>
    %scan3A = arith.constant 0 : i32
    %scan3A_47 = arith.constant 632 : i32
    %scan3A_48 = arith.addi %scan3A, %scan3A_47 : i32
    %scan3A_49 = arith.constant 1 : i32
    scf.for %scan3A_130 = %scan3A to %scan3A_48 step %scan3A_49  : i32 {
      %mul3A_131 = arith.constant 1 : i32
      %mul3A_132 = arith.muli %scan3A_130, %mul3A_131 : i32
      %add3A_133 = arith.constant 0 : i32
      %add3A_134 = arith.addi %add3A_133, %mul3A_132 : i32
      %swap3A = arith.index_cast %add3A_134 : i32 to index
      %swap3A_135 = arith.constant 0 : index
      %swap3A_136 = tpu.vector_load %arg14[%swap3A, %swap3A_135] {strides = array<i32>} : memref<632x16xf32, #tpu.memory_space<vmem>>, vector<1x16xf32>,
      %swap3A_137 = vector.shape_cast %swap3A_136 : vector<1x16xf32> to vector<16xf32>
      %swap3A_138 = vector.shape_cast %broadcast_in_dim3A_46 : vector<16xf32> to vector<1x16xf32>
      tpu.vector_store %arg14[%swap3A, %swap3A_135], %swap3A_138 {strides = array<i32>} : memref<632x16xf32, #tpu.memory_space<vmem>>, vector<1x16xf32>,
    }
    %scan3A_50 = arith.constant 632 : i32
    %mul3A_51 = arith.constant 632 : i32
    %mul3A_52 = arith.muli %arg1, %mul3A_51 : i32
    "tpu.region"() ({
      %run_scoped3A = tpu.sem_alloc : memref<!tpu.dma_semaphore, #tpu.memory_space<semaphore_mem>>
      %dma_start3A_130 = arith.constant 0 : i32
      %dma_start3A_131 = tpu.memref_slice %arg7[%mul3A_52, %dma_start3A_130] : memref<10112x16xf32, #tpu.memory_space<vmem_shared>> -> memref<632x16xf32, #tpu.memory_space<vmem_shared>>
      %dma_start3A_132 = arith.constant 0 : i32
      %dma_start3A_133 = tpu.memref_slice %arg7[%mul3A_52, %dma_start3A_132] : memref<10112x16xf32, #tpu.memory_space<vmem_shared>> -> memref<632x16xf32, #tpu.memory_space<vmem_shared>>
      tpu.enqueue_dma source(%arg14 : memref<632x16xf32, #tpu.memory_space<vmem>>) target(%dma_start3A_133 : memref<632x16xf32, #tpu.memory_space<vmem_shared>>) target_semaphore(%run_scoped3A : memref<!tpu.dma_semaphore, #tpu.memory_space<semaphore_mem>>)
      %dma_wait3A_134 = arith.constant 0 : i32
      %dma_wait3A_135 = tpu.memref_slice %arg7[%mul3A_52, %dma_wait3A_134] : memref<10112x16xf32, #tpu.memory_space<vmem_shared>> -> memref<632x16xf32, #tpu.memory_space<vmem_shared>>
      %dma_wait3A_136 = arith.constant 0 : i32
      %dma_wait3A_137 = tpu.memref_slice %arg7[%mul3A_52, %dma_wait3A_136] : memref<10112x16xf32, #tpu.memory_space<vmem_shared>> -> memref<632x16xf32, #tpu.memory_space<vmem_shared>>
      tpu.wait_dma2 semaphore(%run_scoped3A : memref<!tpu.dma_semaphore, #tpu.memory_space<semaphore_mem>>) src(%arg14 : memref<632x16xf32, #tpu.memory_space<vmem>>) dst(%dma_wait3A_137 : memref<632x16xf32, #tpu.memory_space<vmem_shared>>)
      tpu.yield
    }) : () -> ()
    %dma_wait3A = arith.constant 0 : i32
    %dma_wait3A_53 = arith.constant 0 : i32
    %dma_wait3A_54 = tpu.memref_slice %arg9[%dma_wait3A, %dma_wait3A_53] : memref<79x128xi32, #tpu.memory_space<vmem>> -> memref<78x128xi32, #tpu.memory_space<vmem>>
    %dma_wait3A_55 = arith.constant 0 : i32
    %dma_wait3A_56 = arith.constant 0 : i32
    %dma_wait3A_57 = tpu.memref_slice %arg3[%dma_wait3A_55, %dma_wait3A_56] : memref<2500x128xi32, #tpu.memory_space<hbm>> -> memref<78x128xi32, #tpu.memory_space<hbm>>
    %dma_wait3A_58 = arith.constant 0 : i32
    %dma_wait3A_59 = arith.constant 0 : i32
    %dma_wait3A_60 = tpu.memref_slice %arg9[%dma_wait3A_58, %dma_wait3A_59] : memref<79x128xi32, #tpu.memory_space<vmem>> -> memref<78x128xi32, #tpu.memory_space<vmem>>
    %dma_wait3A_61 = arith.constant 0 : i32
    %dma_wait3A_62 = arith.constant 0 : i32
    %dma_wait3A_63 = tpu.memref_slice %arg3[%dma_wait3A_61, %dma_wait3A_62] : memref<2500x128xi32, #tpu.memory_space<hbm>> -> memref<78x128xi32, #tpu.memory_space<hbm>>
    tpu.wait_dma2 semaphore(%arg16 : memref<!tpu.dma_semaphore, #tpu.memory_space<semaphore_mem>>) src(%dma_wait3A_63 : memref<78x128xi32, #tpu.memory_space<hbm>>) dst(%dma_wait3A_60 : memref<78x128xi32, #tpu.memory_space<vmem>>)
    %dma_wait3A_64 = arith.constant 0 : i32
    %dma_wait3A_65 = arith.constant 0 : i32
    %dma_wait3A_66 = tpu.memref_slice %arg10[%dma_wait3A_64, %dma_wait3A_65] : memref<79x128xi32, #tpu.memory_space<vmem>> -> memref<78x128xi32, #tpu.memory_space<vmem>>
    %dma_wait3A_67 = arith.constant 0 : i32
    %dma_wait3A_68 = arith.constant 0 : i32
    %dma_wait3A_69 = tpu.memref_slice %arg4[%dma_wait3A_67, %dma_wait3A_68] : memref<2500x128xi32, #tpu.memory_space<hbm>> -> memref<78x128xi32, #tpu.memory_space<hbm>>
    %dma_wait3A_70 = arith.constant 0 : i32
    %dma_wait3A_71 = arith.constant 0 : i32
    %dma_wait3A_72 = tpu.memref_slice %arg10[%dma_wait3A_70, %dma_wait3A_71] : memref<79x128xi32, #tpu.memory_space<vmem>> -> memref<78x128xi32, #tpu.memory_space<vmem>>
    %dma_wait3A_73 = arith.constant 0 : i32
    %dma_wait3A_74 = arith.constant 0 : i32
    %dma_wait3A_75 = tpu.memref_slice %arg4[%dma_wait3A_73, %dma_wait3A_74] : memref<2500x128xi32, #tpu.memory_space<hbm>> -> memref<78x128xi32, #tpu.memory_space<hbm>>
    tpu.wait_dma2 semaphore(%arg17 : memref<!tpu.dma_semaphore, #tpu.memory_space<semaphore_mem>>) src(%dma_wait3A_75 : memref<78x128xi32, #tpu.memory_space<hbm>>) dst(%dma_wait3A_72 : memref<78x128xi32, #tpu.memory_space<vmem>>)
    %dma_wait3A_76 = arith.constant 0 : i32
    %dma_wait3A_77 = arith.constant 0 : i32
    %dma_wait3A_78 = tpu.memref_slice %arg11[%dma_wait3A_76, %dma_wait3A_77] : memref<79x128xf32, #tpu.memory_space<vmem>> -> memref<78x128xf32, #tpu.memory_space<vmem>>
    %dma_wait3A_79 = arith.constant 0 : i32
    %dma_wait3A_80 = arith.constant 0 : i32
    %dma_wait3A_81 = tpu.memref_slice %arg5[%dma_wait3A_79, %dma_wait3A_80] : memref<2500x128xf32, #tpu.memory_space<hbm>> -> memref<78x128xf32, #tpu.memory_space<hbm>>
    %dma_wait3A_82 = arith.constant 0 : i32
    %dma_wait3A_83 = arith.constant 0 : i32
    %dma_wait3A_84 = tpu.memref_slice %arg11[%dma_wait3A_82, %dma_wait3A_83] : memref<79x128xf32, #tpu.memory_space<vmem>> -> memref<78x128xf32, #tpu.memory_space<vmem>>
    %dma_wait3A_85 = arith.constant 0 : i32
    %dma_wait3A_86 = arith.constant 0 : i32
    %dma_wait3A_87 = tpu.memref_slice %arg5[%dma_wait3A_85, %dma_wait3A_86] : memref<2500x128xf32, #tpu.memory_space<hbm>> -> memref<78x128xf32, #tpu.memory_space<hbm>>
    tpu.wait_dma2 semaphore(%arg18 : memref<!tpu.dma_semaphore, #tpu.memory_space<semaphore_mem>>) src(%dma_wait3A_87 : memref<78x128xf32, #tpu.memory_space<hbm>>) dst(%dma_wait3A_84 : memref<78x128xf32, #tpu.memory_space<vmem>>)
    %dma_wait3A_88 = arith.constant 0 : i32
    %dma_wait3A_89 = arith.constant 0 : i32
    %dma_wait3A_90 = tpu.memref_slice %arg8[%dma_wait3A_88, %dma_wait3A_89] : memref<10000x16xf32, #tpu.memory_space<vmem_shared>> -> memref<625x16xf32, #tpu.memory_space<vmem_shared>>
    %dma_wait3A_91 = arith.constant 0 : i32
    %dma_wait3A_92 = arith.constant 0 : i32
    %dma_wait3A_93 = tpu.memref_slice %arg2[%dma_wait3A_91, %dma_wait3A_92] : memref<10000x16xf32, #tpu.memory_space<hbm>> -> memref<625x16xf32, #tpu.memory_space<hbm>>
    tpu.wait_dma2 semaphore(%arg15 : memref<!tpu.dma_semaphore, #tpu.memory_space<semaphore_mem>>) src(%dma_wait3A_93 : memref<625x16xf32, #tpu.memory_space<hbm>>) dst(%dma_wait3A_90 : memref<625x16xf32, #tpu.memory_space<vmem_shared>>)
    %barrier3A = arith.constant 0 : index
    tpu.barrier barrier_id(%barrier3A)
    %dma_start3A_94 = arith.constant 0 : i32
    %dma_start3A_95 = arith.constant 0 : i32
    %dma_start3A_96 = tpu.memref_slice %arg9[%dma_start3A_94, %dma_start3A_95] : memref<79x128xi32, #tpu.memory_space<vmem>> -> memref<1x128xi32, #tpu.memory_space<vmem>>
    %dma_start3A_97 = tpu.memref_squeeze %dma_start3A_96 : memref<1x128xi32, #tpu.memory_space<vmem>> -> memref<128xi32, #tpu.memory_space<vmem>>
    %dma_start3A_98 = arith.constant 0 : i32
    %dma_start3A_99 = arith.constant 0 : i32
    %dma_start3A_100 = tpu.memref_slice %arg8[%dma_start3A_98, %dma_start3A_99] : memref<10000x16xf32, #tpu.memory_space<vmem_shared>> -> memref<10000x16xf32, #tpu.memory_space<vmem_shared>>
    tpu.enqueue_indirect_dma source(%dma_start3A_100 : memref<10000x16xf32, #tpu.memory_space<vmem_shared>>) target(%arg12 : memref<128x16xf32, #tpu.memory_space<vmem>>) offsets(%dma_start3A_97 : memref<128xi32, #tpu.memory_space<vmem>>) semaphore(%arg15 : memref<!tpu.dma_semaphore, #tpu.memory_space<semaphore_mem>>)
    %scan3A_101 = arith.constant 0 : i32
    %scan3A_102 = arith.constant 39 : i32
    %scan3A_103 = arith.addi %scan3A_101, %scan3A_102 : i32
    %scan3A_104 = arith.constant 1 : i32
    scf.for %scan3A_130 = %scan3A_101 to %scan3A_103 step %scan3A_104  : i32 {
      %mul3A_131 = arith.constant 2 : i32
      %mul3A_132 = arith.muli %scan3A_130, %mul3A_131 : i32
      %add3A_133 = arith.constant 0 : i32
      %add3A_134 = arith.addi %add3A_133, %mul3A_132 : i32
      %gt3A = arith.constant 0 : i32
      %gt3A_135 = arith.cmpi sgt, %add3A_134, %gt3A : i32
      %convert_element_type3A_136 = arith.extui %gt3A_135 : i1 to i32
      %cond3A_137 = arith.constant 0 : i32
      %cond3A_138 = arith.cmpi ne, %convert_element_type3A_136, %cond3A_137 : i32
      scf.if %cond3A_138 {
        %sub3A = arith.constant 1 : i32
        %sub3A_194 = arith.subi %add3A_134, %sub3A : i32
        %dma_wait3A_195 = arith.constant 0 : i32
        %dma_wait3A_196 = tpu.memref_slice %arg10[%sub3A_194, %dma_wait3A_195] : memref<79x128xi32, #tpu.memory_space<vmem>> -> memref<1x128xi32, #tpu.memory_space<vmem>>
        %dma_wait3A_197 = tpu.memref_squeeze %dma_wait3A_196 : memref<1x128xi32, #tpu.memory_space<vmem>> -> memref<128xi32, #tpu.memory_space<vmem>>
        %dma_wait3A_198 = arith.constant 0 : i32
        %dma_wait3A_199 = arith.constant 0 : i32
        %dma_wait3A_200 = tpu.memref_slice %arg7[%dma_wait3A_198, %dma_wait3A_199] : memref<10112x16xf32, #tpu.memory_space<vmem_shared>> -> memref<10112x16xf32, #tpu.memory_space<vmem_shared>>
        tpu.wait_indirect_dma semaphore(%arg18 : memref<!tpu.dma_semaphore, #tpu.memory_space<semaphore_mem>>) src(%arg13 : memref<128x16xf32, #tpu.memory_space<vmem>>) dst(%dma_wait3A_200 : memref<10112x16xf32, #tpu.memory_space<vmem_shared>>)
      } else {
      }
      %add3A_139 = arith.constant 1 : i32
      %add3A_140 = arith.addi %add3A_134, %add3A_139 : i32
      %dma_start3A_141 = arith.constant 0 : i32
      %dma_start3A_142 = tpu.memref_slice %arg9[%add3A_140, %dma_start3A_141] : memref<79x128xi32, #tpu.memory_space<vmem>> -> memref<1x128xi32, #tpu.memory_space<vmem>>
      %dma_start3A_143 = tpu.memref_squeeze %dma_start3A_142 : memref<1x128xi32, #tpu.memory_space<vmem>> -> memref<128xi32, #tpu.memory_space<vmem>>
      %dma_start3A_144 = arith.constant 0 : i32
      %dma_start3A_145 = arith.constant 0 : i32
      %dma_start3A_146 = tpu.memref_slice %arg8[%dma_start3A_144, %dma_start3A_145] : memref<10000x16xf32, #tpu.memory_space<vmem_shared>> -> memref<10000x16xf32, #tpu.memory_space<vmem_shared>>
      tpu.enqueue_indirect_dma source(%dma_start3A_146 : memref<10000x16xf32, #tpu.memory_space<vmem_shared>>) target(%arg13 : memref<128x16xf32, #tpu.memory_space<vmem>>) offsets(%dma_start3A_143 : memref<128xi32, #tpu.memory_space<vmem>>) semaphore(%arg16 : memref<!tpu.dma_semaphore, #tpu.memory_space<semaphore_mem>>)
      %dma_wait3A_147 = arith.constant 0 : i32
      %dma_wait3A_148 = tpu.memref_slice %arg9[%add3A_134, %dma_wait3A_147] : memref<79x128xi32, #tpu.memory_space<vmem>> -> memref<1x128xi32, #tpu.memory_space<vmem>>
      %dma_wait3A_149 = tpu.memref_squeeze %dma_wait3A_148 : memref<1x128xi32, #tpu.memory_space<vmem>> -> memref<128xi32, #tpu.memory_space<vmem>>
      %dma_wait3A_150 = arith.constant 0 : i32
      %dma_wait3A_151 = arith.constant 0 : i32
      %dma_wait3A_152 = tpu.memref_slice %arg8[%dma_wait3A_150, %dma_wait3A_151] : memref<10000x16xf32, #tpu.memory_space<vmem_shared>> -> memref<10000x16xf32, #tpu.memory_space<vmem_shared>>
      tpu.wait_indirect_dma semaphore(%arg15 : memref<!tpu.dma_semaphore, #tpu.memory_space<semaphore_mem>>) src(%dma_wait3A_152 : memref<10000x16xf32, #tpu.memory_space<vmem_shared>>) dst(%arg12 : memref<128x16xf32, #tpu.memory_space<vmem>>)
      %scan3A_153 = arith.constant 0 : i32
      %scan3A_154 = arith.constant 8 : i32
      %scan3A_155 = arith.addi %scan3A_153, %scan3A_154 : i32
      %scan3A_156 = arith.constant 1 : i32
      scf.for %scan3A_194 = %scan3A_153 to %scan3A_155 step %scan3A_156  : i32 {
        %mul3A_195 = arith.constant 16 : i32
        %mul3A_196 = arith.muli %scan3A_194, %mul3A_195 : i32
        %add3A_197 = arith.constant 0 : i32
        %add3A_198 = arith.addi %add3A_197, %mul3A_196 : i32
        %get3A = arith.index_cast %add3A_134 : i32 to index
        %get3A_199 = arith.index_cast %add3A_198 : i32 to index
        %get3A_200 = tpu.vector_load %arg11[%get3A, %get3A_199] {strides = array<i32>} : memref<79x128xf32, #tpu.memory_space<vmem>>, vector<1x16xf32>,
        %get3A_201 = vector.shape_cast %get3A_200 : vector<1x16xf32> to vector<16xf32>
        %slice3A = vector.extract_strided_slice %get3A_201 {offsets = [0], sizes = [1], strides = [1]} : vector<16xf32> to vector<1xf32>
        %squeeze3A = vector.extract %slice3A[0] : f32 from vector<1xf32>
        %add3A_202 = arith.constant 0 : i32
        %add3A_203 = arith.addi %add3A_198, %add3A_202 : i32
        %get3A_204 = arith.index_cast %add3A_203 : i32 to index
        %get3A_205 = arith.constant 0 : index
        %get3A_206 = tpu.vector_load %arg12[%get3A_204, %get3A_205] {strides = array<i32>} : memref<128x16xf32, #tpu.memory_space<vmem>>, vector<1x16xf32>,
        %get3A_207 = vector.shape_cast %get3A_206 : vector<1x16xf32> to vector<16xf32>
        %mul3A_208 = vector.broadcast %squeeze3A : f32 to vector<16xf32>
        %mul3A_209 = arith.mulf %get3A_207, %mul3A_208 : vector<16xf32>
        %add3A_210 = arith.constant 0 : i32
        %add3A_211 = arith.addi %add3A_198, %add3A_210 : i32
        %swap3A = arith.index_cast %add3A_211 : i32 to index
        %swap3A_212 = arith.constant 0 : index
        %swap3A_213 = tpu.vector_load %arg12[%swap3A, %swap3A_212] {strides = array<i32>} : memref<128x16xf32, #tpu.memory_space<vmem>>, vector<1x16xf32>,
        %swap3A_214 = vector.shape_cast %swap3A_213 : vector<1x16xf32> to vector<16xf32>
        %swap3A_215 = vector.shape_cast %mul3A_209 : vector<16xf32> to vector<1x16xf32>
        tpu.vector_store %arg12[%swap3A, %swap3A_212], %swap3A_215 {strides = array<i32>} : memref<128x16xf32, #tpu.memory_space<vmem>>, vector<1x16xf32>,
        %slice3A_216 = vector.extract_strided_slice %get3A_201 {offsets = [1], sizes = [1], strides = [1]} : vector<16xf32> to vector<1xf32>
        %squeeze3A_217 = vector.extract %slice3A_216[0] : f32 from vector<1xf32>
        %add3A_218 = arith.constant 1 : i32
        %add3A_219 = arith.addi %add3A_198, %add3A_218 : i32
        %get3A_220 = arith.index_cast %add3A_219 : i32 to index
        %get3A_221 = arith.constant 0 : index
        %get3A_222 = tpu.vector_load %arg12[%get3A_220, %get3A_221] {strides = array<i32>} : memref<128x16xf32, #tpu.memory_space<vmem>>, vector<1x16xf32>,
        %get3A_223 = vector.shape_cast %get3A_222 : vector<1x16xf32> to vector<16xf32>
        %mul3A_224 = vector.broadcast %squeeze3A_217 : f32 to vector<16xf32>
        %mul3A_225 = arith.mulf %get3A_223, %mul3A_224 : vector<16xf32>
        %add3A_226 = arith.constant 1 : i32
        %add3A_227 = arith.addi %add3A_198, %add3A_226 : i32
        %swap3A_228 = arith.index_cast %add3A_227 : i32 to index
        %swap3A_229 = arith.constant 0 : index
        %swap3A_230 = tpu.vector_load %arg12[%swap3A_228, %swap3A_229] {strides = array<i32>} : memref<128x16xf32, #tpu.memory_space<vmem>>, vector<1x16xf32>,
        %swap3A_231 = vector.shape_cast %swap3A_230 : vector<1x16xf32> to vector<16xf32>
        %swap3A_232 = vector.shape_cast %mul3A_225 : vector<16xf32> to vector<1x16xf32>
        tpu.vector_store %arg12[%swap3A_228, %swap3A_229], %swap3A_232 {strides = array<i32>} : memref<128x16xf32, #tpu.memory_space<vmem>>, vector<1x16xf32>,
        %slice3A_233 = vector.extract_strided_slice %get3A_201 {offsets = [2], sizes = [1], strides = [1]} : vector<16xf32> to vector<1xf32>
        %squeeze3A_234 = vector.extract %slice3A_233[0] : f32 from vector<1xf32>
        %add3A_235 = arith.constant 2 : i32
        %add3A_236 = arith.addi %add3A_198, %add3A_235 : i32
        %get3A_237 = arith.index_cast %add3A_236 : i32 to index
        %get3A_238 = arith.constant 0 : index
        %get3A_239 = tpu.vector_load %arg12[%get3A_237, %get3A_238] {strides = array<i32>} : memref<128x16xf32, #tpu.memory_space<vmem>>, vector<1x16xf32>,
        %get3A_240 = vector.shape_cast %get3A_239 : vector<1x16xf32> to vector<16xf32>
        %mul3A_241 = vector.broadcast %squeeze3A_234 : f32 to vector<16xf32>
        %mul3A_242 = arith.mulf %get3A_240, %mul3A_241 : vector<16xf32>
        %add3A_243 = arith.constant 2 : i32
        %add3A_244 = arith.addi %add3A_198, %add3A_243 : i32
        %swap3A_245 = arith.index_cast %add3A_244 : i32 to index
        %swap3A_246 = arith.constant 0 : index
        %swap3A_247 = tpu.vector_load %arg12[%swap3A_245, %swap3A_246] {strides = array<i32>} : memref<128x16xf32, #tpu.memory_space<vmem>>, vector<1x16xf32>,
        %swap3A_248 = vector.shape_cast %swap3A_247 : vector<1x16xf32> to vector<16xf32>
        %swap3A_249 = vector.shape_cast %mul3A_242 : vector<16xf32> to vector<1x16xf32>
        tpu.vector_store %arg12[%swap3A_245, %swap3A_246], %swap3A_249 {strides = array<i32>} : memref<128x16xf32, #tpu.memory_space<vmem>>, vector<1x16xf32>,
        %slice3A_250 = vector.extract_strided_slice %get3A_201 {offsets = [3], sizes = [1], strides = [1]} : vector<16xf32> to vector<1xf32>
        %squeeze3A_251 = vector.extract %slice3A_250[0] : f32 from vector<1xf32>
        %add3A_252 = arith.constant 3 : i32
        %add3A_253 = arith.addi %add3A_198, %add3A_252 : i32
        %get3A_254 = arith.index_cast %add3A_253 : i32 to index
        %get3A_255 = arith.constant 0 : index
        %get3A_256 = tpu.vector_load %arg12[%get3A_254, %get3A_255] {strides = array<i32>} : memref<128x16xf32, #tpu.memory_space<vmem>>, vector<1x16xf32>,
        %get3A_257 = vector.shape_cast %get3A_256 : vector<1x16xf32> to vector<16xf32>
        %mul3A_258 = vector.broadcast %squeeze3A_251 : f32 to vector<16xf32>
        %mul3A_259 = arith.mulf %get3A_257, %mul3A_258 : vector<16xf32>
        %add3A_260 = arith.constant 3 : i32
        %add3A_261 = arith.addi %add3A_198, %add3A_260 : i32
        %swap3A_262 = arith.index_cast %add3A_261 : i32 to index
        %swap3A_263 = arith.constant 0 : index
        %swap3A_264 = tpu.vector_load %arg12[%swap3A_262, %swap3A_263] {strides = array<i32>} : memref<128x16xf32, #tpu.memory_space<vmem>>, vector<1x16xf32>,
        %swap3A_265 = vector.shape_cast %swap3A_264 : vector<1x16xf32> to vector<16xf32>
        %swap3A_266 = vector.shape_cast %mul3A_259 : vector<16xf32> to vector<1x16xf32>
        tpu.vector_store %arg12[%swap3A_262, %swap3A_263], %swap3A_266 {strides = array<i32>} : memref<128x16xf32, #tpu.memory_space<vmem>>, vector<1x16xf32>,
        %slice3A_267 = vector.extract_strided_slice %get3A_201 {offsets = [4], sizes = [1], strides = [1]} : vector<16xf32> to vector<1xf32>
        %squeeze3A_268 = vector.extract %slice3A_267[0] : f32 from vector<1xf32>
        %add3A_269 = arith.constant 4 : i32
        %add3A_270 = arith.addi %add3A_198, %add3A_269 : i32
        %get3A_271 = arith.index_cast %add3A_270 : i32 to index
        %get3A_272 = arith.constant 0 : index
        %get3A_273 = tpu.vector_load %arg12[%get3A_271, %get3A_272] {strides = array<i32>} : memref<128x16xf32, #tpu.memory_space<vmem>>, vector<1x16xf32>,
        %get3A_274 = vector.shape_cast %get3A_273 : vector<1x16xf32> to vector<16xf32>
        %mul3A_275 = vector.broadcast %squeeze3A_268 : f32 to vector<16xf32>
        %mul3A_276 = arith.mulf %get3A_274, %mul3A_275 : vector<16xf32>
        %add3A_277 = arith.constant 4 : i32
        %add3A_278 = arith.addi %add3A_198, %add3A_277 : i32
        %swap3A_279 = arith.index_cast %add3A_278 : i32 to index
        %swap3A_280 = arith.constant 0 : index
        %swap3A_281 = tpu.vector_load %arg12[%swap3A_279, %swap3A_280] {strides = array<i32>} : memref<128x16xf32, #tpu.memory_space<vmem>>, vector<1x16xf32>,
        %swap3A_282 = vector.shape_cast %swap3A_281 : vector<1x16xf32> to vector<16xf32>
        %swap3A_283 = vector.shape_cast %mul3A_276 : vector<16xf32> to vector<1x16xf32>
        tpu.vector_store %arg12[%swap3A_279, %swap3A_280], %swap3A_283 {strides = array<i32>} : memref<128x16xf32, #tpu.memory_space<vmem>>, vector<1x16xf32>,
        %slice3A_284 = vector.extract_strided_slice %get3A_201 {offsets = [5], sizes = [1], strides = [1]} : vector<16xf32> to vector<1xf32>
        %squeeze3A_285 = vector.extract %slice3A_284[0] : f32 from vector<1xf32>
        %add3A_286 = arith.constant 5 : i32
        %add3A_287 = arith.addi %add3A_198, %add3A_286 : i32
        %get3A_288 = arith.index_cast %add3A_287 : i32 to index
        %get3A_289 = arith.constant 0 : index
        %get3A_290 = tpu.vector_load %arg12[%get3A_288, %get3A_289] {strides = array<i32>} : memref<128x16xf32, #tpu.memory_space<vmem>>, vector<1x16xf32>,
        %get3A_291 = vector.shape_cast %get3A_290 : vector<1x16xf32> to vector<16xf32>
        %mul3A_292 = vector.broadcast %squeeze3A_285 : f32 to vector<16xf32>
        %mul3A_293 = arith.mulf %get3A_291, %mul3A_292 : vector<16xf32>
        %add3A_294 = arith.constant 5 : i32
        %add3A_295 = arith.addi %add3A_198, %add3A_294 : i32
        %swap3A_296 = arith.index_cast %add3A_295 : i32 to index
        %swap3A_297 = arith.constant 0 : index
        %swap3A_298 = tpu.vector_load %arg12[%swap3A_296, %swap3A_297] {strides = array<i32>} : memref<128x16xf32, #tpu.memory_space<vmem>>, vector<1x16xf32>,
        %swap3A_299 = vector.shape_cast %swap3A_298 : vector<1x16xf32> to vector<16xf32>
        %swap3A_300 = vector.shape_cast %mul3A_293 : vector<16xf32> to vector<1x16xf32>
        tpu.vector_store %arg12[%swap3A_296, %swap3A_297], %swap3A_300 {strides = array<i32>} : memref<128x16xf32, #tpu.memory_space<vmem>>, vector<1x16xf32>,
        %slice3A_301 = vector.extract_strided_slice %get3A_201 {offsets = [6], sizes = [1], strides = [1]} : vector<16xf32> to vector<1xf32>
        %squeeze3A_302 = vector.extract %slice3A_301[0] : f32 from vector<1xf32>
        %add3A_303 = arith.constant 6 : i32
        %add3A_304 = arith.addi %add3A_198, %add3A_303 : i32
        %get3A_305 = arith.index_cast %add3A_304 : i32 to index
        %get3A_306 = arith.constant 0 : index
        %get3A_307 = tpu.vector_load %arg12[%get3A_305, %get3A_306] {strides = array<i32>} : memref<128x16xf32, #tpu.memory_space<vmem>>, vector<1x16xf32>,
        %get3A_308 = vector.shape_cast %get3A_307 : vector<1x16xf32> to vector<16xf32>
        %mul3A_309 = vector.broadcast %squeeze3A_302 : f32 to vector<16xf32>
        %mul3A_310 = arith.mulf %get3A_308, %mul3A_309 : vector<16xf32>
        %add3A_311 = arith.constant 6 : i32
        %add3A_312 = arith.addi %add3A_198, %add3A_311 : i32
        %swap3A_313 = arith.index_cast %add3A_312 : i32 to index
        %swap3A_314 = arith.constant 0 : index
        %swap3A_315 = tpu.vector_load %arg12[%swap3A_313, %swap3A_314] {strides = array<i32>} : memref<128x16xf32, #tpu.memory_space<vmem>>, vector<1x16xf32>,
        %swap3A_316 = vector.shape_cast %swap3A_315 : vector<1x16xf32> to vector<16xf32>
        %swap3A_317 = vector.shape_cast %mul3A_310 : vector<16xf32> to vector<1x16xf32>
        tpu.vector_store %arg12[%swap3A_313, %swap3A_314], %swap3A_317 {strides = array<i32>} : memref<128x16xf32, #tpu.memory_space<vmem>>, vector<1x16xf32>,
        %slice3A_318 = vector.extract_strided_slice %get3A_201 {offsets = [7], sizes = [1], strides = [1]} : vector<16xf32> to vector<1xf32>
        %squeeze3A_319 = vector.extract %slice3A_318[0] : f32 from vector<1xf32>
        %add3A_320 = arith.constant 7 : i32
        %add3A_321 = arith.addi %add3A_198, %add3A_320 : i32
        %get3A_322 = arith.index_cast %add3A_321 : i32 to index
        %get3A_323 = arith.constant 0 : index
        %get3A_324 = tpu.vector_load %arg12[%get3A_322, %get3A_323] {strides = array<i32>} : memref<128x16xf32, #tpu.memory_space<vmem>>, vector<1x16xf32>,
        %get3A_325 = vector.shape_cast %get3A_324 : vector<1x16xf32> to vector<16xf32>
        %mul3A_326 = vector.broadcast %squeeze3A_319 : f32 to vector<16xf32>
        %mul3A_327 = arith.mulf %get3A_325, %mul3A_326 : vector<16xf32>
        %add3A_328 = arith.constant 7 : i32
        %add3A_329 = arith.addi %add3A_198, %add3A_328 : i32
        %swap3A_330 = arith.index_cast %add3A_329 : i32 to index
        %swap3A_331 = arith.constant 0 : index
        %swap3A_332 = tpu.vector_load %arg12[%swap3A_330, %swap3A_331] {strides = array<i32>} : memref<128x16xf32, #tpu.memory_space<vmem>>, vector<1x16xf32>,
        %swap3A_333 = vector.shape_cast %swap3A_332 : vector<1x16xf32> to vector<16xf32>
        %swap3A_334 = vector.shape_cast %mul3A_327 : vector<16xf32> to vector<1x16xf32>
        tpu.vector_store %arg12[%swap3A_330, %swap3A_331], %swap3A_334 {strides = array<i32>} : memref<128x16xf32, #tpu.memory_space<vmem>>, vector<1x16xf32>,
        %slice3A_335 = vector.extract_strided_slice %get3A_201 {offsets = [8], sizes = [1], strides = [1]} : vector<16xf32> to vector<1xf32>
        %squeeze3A_336 = vector.extract %slice3A_335[0] : f32 from vector<1xf32>
        %add3A_337 = arith.constant 8 : i32
        %add3A_338 = arith.addi %add3A_198, %add3A_337 : i32
        %get3A_339 = arith.index_cast %add3A_338 : i32 to index
        %get3A_340 = arith.constant 0 : index
        %get3A_341 = tpu.vector_load %arg12[%get3A_339, %get3A_340] {strides = array<i32>} : memref<128x16xf32, #tpu.memory_space<vmem>>, vector<1x16xf32>,
        %get3A_342 = vector.shape_cast %get3A_341 : vector<1x16xf32> to vector<16xf32>
        %mul3A_343 = vector.broadcast %squeeze3A_336 : f32 to vector<16xf32>
        %mul3A_344 = arith.mulf %get3A_342, %mul3A_343 : vector<16xf32>
        %add3A_345 = arith.constant 8 : i32
        %add3A_346 = arith.addi %add3A_198, %add3A_345 : i32
        %swap3A_347 = arith.index_cast %add3A_346 : i32 to index
        %swap3A_348 = arith.constant 0 : index
        %swap3A_349 = tpu.vector_load %arg12[%swap3A_347, %swap3A_348] {strides = array<i32>} : memref<128x16xf32, #tpu.memory_space<vmem>>, vector<1x16xf32>,
        %swap3A_350 = vector.shape_cast %swap3A_349 : vector<1x16xf32> to vector<16xf32>
        %swap3A_351 = vector.shape_cast %mul3A_344 : vector<16xf32> to vector<1x16xf32>
        tpu.vector_store %arg12[%swap3A_347, %swap3A_348], %swap3A_351 {strides = array<i32>} : memref<128x16xf32, #tpu.memory_space<vmem>>, vector<1x16xf32>,
        %slice3A_352 = vector.extract_strided_slice %get3A_201 {offsets = [9], sizes = [1], strides = [1]} : vector<16xf32> to vector<1xf32>
        %squeeze3A_353 = vector.extract %slice3A_352[0] : f32 from vector<1xf32>
        %add3A_354 = arith.constant 9 : i32
        %add3A_355 = arith.addi %add3A_198, %add3A_354 : i32
        %get3A_356 = arith.index_cast %add3A_355 : i32 to index
        %get3A_357 = arith.constant 0 : index
        %get3A_358 = tpu.vector_load %arg12[%get3A_356, %get3A_357] {strides = array<i32>} : memref<128x16xf32, #tpu.memory_space<vmem>>, vector<1x16xf32>,
        %get3A_359 = vector.shape_cast %get3A_358 : vector<1x16xf32> to vector<16xf32>
        %mul3A_360 = vector.broadcast %squeeze3A_353 : f32 to vector<16xf32>
        %mul3A_361 = arith.mulf %get3A_359, %mul3A_360 : vector<16xf32>
        %add3A_362 = arith.constant 9 : i32
        %add3A_363 = arith.addi %add3A_198, %add3A_362 : i32
        %swap3A_364 = arith.index_cast %add3A_363 : i32 to index
        %swap3A_365 = arith.constant 0 : index
        %swap3A_366 = tpu.vector_load %arg12[%swap3A_364, %swap3A_365] {strides = array<i32>} : memref<128x16xf32, #tpu.memory_space<vmem>>, vector<1x16xf32>,
        %swap3A_367 = vector.shape_cast %swap3A_366 : vector<1x16xf32> to vector<16xf32>
        %swap3A_368 = vector.shape_cast %mul3A_361 : vector<16xf32> to vector<1x16xf32>
        tpu.vector_store %arg12[%swap3A_364, %swap3A_365], %swap3A_368 {strides = array<i32>} : memref<128x16xf32, #tpu.memory_space<vmem>>, vector<1x16xf32>,
        %slice3A_369 = vector.extract_strided_slice %get3A_201 {offsets = [10], sizes = [1], strides = [1]} : vector<16xf32> to vector<1xf32>
        %squeeze3A_370 = vector.extract %slice3A_369[0] : f32 from vector<1xf32>
        %add3A_371 = arith.constant 10 : i32
        %add3A_372 = arith.addi %add3A_198, %add3A_371 : i32
        %get3A_373 = arith.index_cast %add3A_372 : i32 to index
        %get3A_374 = arith.constant 0 : index
        %get3A_375 = tpu.vector_load %arg12[%get3A_373, %get3A_374] {strides = array<i32>} : memref<128x16xf32, #tpu.memory_space<vmem>>, vector<1x16xf32>,
        %get3A_376 = vector.shape_cast %get3A_375 : vector<1x16xf32> to vector<16xf32>
        %mul3A_377 = vector.broadcast %squeeze3A_370 : f32 to vector<16xf32>
        %mul3A_378 = arith.mulf %get3A_376, %mul3A_377 : vector<16xf32>
        %add3A_379 = arith.constant 10 : i32
        %add3A_380 = arith.addi %add3A_198, %add3A_379 : i32
        %swap3A_381 = arith.index_cast %add3A_380 : i32 to index
        %swap3A_382 = arith.constant 0 : index
        %swap3A_383 = tpu.vector_load %arg12[%swap3A_381, %swap3A_382] {strides = array<i32>} : memref<128x16xf32, #tpu.memory_space<vmem>>, vector<1x16xf32>,
        %swap3A_384 = vector.shape_cast %swap3A_383 : vector<1x16xf32> to vector<16xf32>
        %swap3A_385 = vector.shape_cast %mul3A_378 : vector<16xf32> to vector<1x16xf32>
        tpu.vector_store %arg12[%swap3A_381, %swap3A_382], %swap3A_385 {strides = array<i32>} : memref<128x16xf32, #tpu.memory_space<vmem>>, vector<1x16xf32>,
        %slice3A_386 = vector.extract_strided_slice %get3A_201 {offsets = [11], sizes = [1], strides = [1]} : vector<16xf32> to vector<1xf32>
        %squeeze3A_387 = vector.extract %slice3A_386[0] : f32 from vector<1xf32>
        %add3A_388 = arith.constant 11 : i32
        %add3A_389 = arith.addi %add3A_198, %add3A_388 : i32
        %get3A_390 = arith.index_cast %add3A_389 : i32 to index
        %get3A_391 = arith.constant 0 : index
        %get3A_392 = tpu.vector_load %arg12[%get3A_390, %get3A_391] {strides = array<i32>} : memref<128x16xf32, #tpu.memory_space<vmem>>, vector<1x16xf32>,
        %get3A_393 = vector.shape_cast %get3A_392 : vector<1x16xf32> to vector<16xf32>
        %mul3A_394 = vector.broadcast %squeeze3A_387 : f32 to vector<16xf32>
        %mul3A_395 = arith.mulf %get3A_393, %mul3A_394 : vector<16xf32>
        %add3A_396 = arith.constant 11 : i32
        %add3A_397 = arith.addi %add3A_198, %add3A_396 : i32
        %swap3A_398 = arith.index_cast %add3A_397 : i32 to index
        %swap3A_399 = arith.constant 0 : index
        %swap3A_400 = tpu.vector_load %arg12[%swap3A_398, %swap3A_399] {strides = array<i32>} : memref<128x16xf32, #tpu.memory_space<vmem>>, vector<1x16xf32>,
        %swap3A_401 = vector.shape_cast %swap3A_400 : vector<1x16xf32> to vector<16xf32>
        %swap3A_402 = vector.shape_cast %mul3A_395 : vector<16xf32> to vector<1x16xf32>
        tpu.vector_store %arg12[%swap3A_398, %swap3A_399], %swap3A_402 {strides = array<i32>} : memref<128x16xf32, #tpu.memory_space<vmem>>, vector<1x16xf32>,
        %slice3A_403 = vector.extract_strided_slice %get3A_201 {offsets = [12], sizes = [1], strides = [1]} : vector<16xf32> to vector<1xf32>
        %squeeze3A_404 = vector.extract %slice3A_403[0] : f32 from vector<1xf32>
        %add3A_405 = arith.constant 12 : i32
        %add3A_406 = arith.addi %add3A_198, %add3A_405 : i32
        %get3A_407 = arith.index_cast %add3A_406 : i32 to index
        %get3A_408 = arith.constant 0 : index
        %get3A_409 = tpu.vector_load %arg12[%get3A_407, %get3A_408] {strides = array<i32>} : memref<128x16xf32, #tpu.memory_space<vmem>>, vector<1x16xf32>,
        %get3A_410 = vector.shape_cast %get3A_409 : vector<1x16xf32> to vector<16xf32>
        %mul3A_411 = vector.broadcast %squeeze3A_404 : f32 to vector<16xf32>
        %mul3A_412 = arith.mulf %get3A_410, %mul3A_411 : vector<16xf32>
        %add3A_413 = arith.constant 12 : i32
        %add3A_414 = arith.addi %add3A_198, %add3A_413 : i32
        %swap3A_415 = arith.index_cast %add3A_414 : i32 to index
        %swap3A_416 = arith.constant 0 : index
        %swap3A_417 = tpu.vector_load %arg12[%swap3A_415, %swap3A_416] {strides = array<i32>} : memref<128x16xf32, #tpu.memory_space<vmem>>, vector<1x16xf32>,
        %swap3A_418 = vector.shape_cast %swap3A_417 : vector<1x16xf32> to vector<16xf32>
        %swap3A_419 = vector.shape_cast %mul3A_412 : vector<16xf32> to vector<1x16xf32>
        tpu.vector_store %arg12[%swap3A_415, %swap3A_416], %swap3A_419 {strides = array<i32>} : memref<128x16xf32, #tpu.memory_space<vmem>>, vector<1x16xf32>,
        %slice3A_420 = vector.extract_strided_slice %get3A_201 {offsets = [13], sizes = [1], strides = [1]} : vector<16xf32> to vector<1xf32>
        %squeeze3A_421 = vector.extract %slice3A_420[0] : f32 from vector<1xf32>
        %add3A_422 = arith.constant 13 : i32
        %add3A_423 = arith.addi %add3A_198, %add3A_422 : i32
        %get3A_424 = arith.index_cast %add3A_423 : i32 to index
        %get3A_425 = arith.constant 0 : index
        %get3A_426 = tpu.vector_load %arg12[%get3A_424, %get3A_425] {strides = array<i32>} : memref<128x16xf32, #tpu.memory_space<vmem>>, vector<1x16xf32>,
        %get3A_427 = vector.shape_cast %get3A_426 : vector<1x16xf32> to vector<16xf32>
        %mul3A_428 = vector.broadcast %squeeze3A_421 : f32 to vector<16xf32>
        %mul3A_429 = arith.mulf %get3A_427, %mul3A_428 : vector<16xf32>
        %add3A_430 = arith.constant 13 : i32
        %add3A_431 = arith.addi %add3A_198, %add3A_430 : i32
        %swap3A_432 = arith.index_cast %add3A_431 : i32 to index
        %swap3A_433 = arith.constant 0 : index
        %swap3A_434 = tpu.vector_load %arg12[%swap3A_432, %swap3A_433] {strides = array<i32>} : memref<128x16xf32, #tpu.memory_space<vmem>>, vector<1x16xf32>,
        %swap3A_435 = vector.shape_cast %swap3A_434 : vector<1x16xf32> to vector<16xf32>
        %swap3A_436 = vector.shape_cast %mul3A_429 : vector<16xf32> to vector<1x16xf32>
        tpu.vector_store %arg12[%swap3A_432, %swap3A_433], %swap3A_436 {strides = array<i32>} : memref<128x16xf32, #tpu.memory_space<vmem>>, vector<1x16xf32>,
        %slice3A_437 = vector.extract_strided_slice %get3A_201 {offsets = [14], sizes = [1], strides = [1]} : vector<16xf32> to vector<1xf32>
        %squeeze3A_438 = vector.extract %slice3A_437[0] : f32 from vector<1xf32>
        %add3A_439 = arith.constant 14 : i32
        %add3A_440 = arith.addi %add3A_198, %add3A_439 : i32
        %get3A_441 = arith.index_cast %add3A_440 : i32 to index
        %get3A_442 = arith.constant 0 : index
        %get3A_443 = tpu.vector_load %arg12[%get3A_441, %get3A_442] {strides = array<i32>} : memref<128x16xf32, #tpu.memory_space<vmem>>, vector<1x16xf32>,
        %get3A_444 = vector.shape_cast %get3A_443 : vector<1x16xf32> to vector<16xf32>
        %mul3A_445 = vector.broadcast %squeeze3A_438 : f32 to vector<16xf32>
        %mul3A_446 = arith.mulf %get3A_444, %mul3A_445 : vector<16xf32>
        %add3A_447 = arith.constant 14 : i32
        %add3A_448 = arith.addi %add3A_198, %add3A_447 : i32
        %swap3A_449 = arith.index_cast %add3A_448 : i32 to index
        %swap3A_450 = arith.constant 0 : index
        %swap3A_451 = tpu.vector_load %arg12[%swap3A_449, %swap3A_450] {strides = array<i32>} : memref<128x16xf32, #tpu.memory_space<vmem>>, vector<1x16xf32>,
        %swap3A_452 = vector.shape_cast %swap3A_451 : vector<1x16xf32> to vector<16xf32>
        %swap3A_453 = vector.shape_cast %mul3A_446 : vector<16xf32> to vector<1x16xf32>
        tpu.vector_store %arg12[%swap3A_449, %swap3A_450], %swap3A_453 {strides = array<i32>} : memref<128x16xf32, #tpu.memory_space<vmem>>, vector<1x16xf32>,
        %slice3A_454 = vector.extract_strided_slice %get3A_201 {offsets = [15], sizes = [1], strides = [1]} : vector<16xf32> to vector<1xf32>
        %squeeze3A_455 = vector.extract %slice3A_454[0] : f32 from vector<1xf32>
        %add3A_456 = arith.constant 15 : i32
        %add3A_457 = arith.addi %add3A_198, %add3A_456 : i32
        %get3A_458 = arith.index_cast %add3A_457 : i32 to index
        %get3A_459 = arith.constant 0 : index
        %get3A_460 = tpu.vector_load %arg12[%get3A_458, %get3A_459] {strides = array<i32>} : memref<128x16xf32, #tpu.memory_space<vmem>>, vector<1x16xf32>,
        %get3A_461 = vector.shape_cast %get3A_460 : vector<1x16xf32> to vector<16xf32>
        %mul3A_462 = vector.broadcast %squeeze3A_455 : f32 to vector<16xf32>
        %mul3A_463 = arith.mulf %get3A_461, %mul3A_462 : vector<16xf32>
        %add3A_464 = arith.constant 15 : i32
        %add3A_465 = arith.addi %add3A_198, %add3A_464 : i32
        %swap3A_466 = arith.index_cast %add3A_465 : i32 to index
        %swap3A_467 = arith.constant 0 : index
        %swap3A_468 = tpu.vector_load %arg12[%swap3A_466, %swap3A_467] {strides = array<i32>} : memref<128x16xf32, #tpu.memory_space<vmem>>, vector<1x16xf32>,
        %swap3A_469 = vector.shape_cast %swap3A_468 : vector<1x16xf32> to vector<16xf32>
        %swap3A_470 = vector.shape_cast %mul3A_463 : vector<16xf32> to vector<1x16xf32>
        tpu.vector_store %arg12[%swap3A_466, %swap3A_467], %swap3A_470 {strides = array<i32>} : memref<128x16xf32, #tpu.memory_space<vmem>>, vector<1x16xf32>,
      }
      %scan3A_157 = arith.constant 8 : i32
      %dma_start3A_158 = arith.constant 0 : i32
      %dma_start3A_159 = tpu.memref_slice %arg10[%add3A_134, %dma_start3A_158] : memref<79x128xi32, #tpu.memory_space<vmem>> -> memref<1x128xi32, #tpu.memory_space<vmem>>
      %dma_start3A_160 = tpu.memref_squeeze %dma_start3A_159 : memref<1x128xi32, #tpu.memory_space<vmem>> -> memref<128xi32, #tpu.memory_space<vmem>>
      %dma_start3A_161 = arith.constant 0 : i32
      %dma_start3A_162 = arith.constant 0 : i32
      %dma_start3A_163 = tpu.memref_slice %arg7[%dma_start3A_161, %dma_start3A_162] : memref<10112x16xf32, #tpu.memory_space<vmem_shared>> -> memref<10112x16xf32, #tpu.memory_space<vmem_shared>>
      tpu.enqueue_indirect_dma source(%arg12 : memref<128x16xf32, #tpu.memory_space<vmem>>) target(%dma_start3A_163 : memref<10112x16xf32, #tpu.memory_space<vmem_shared>>) offsets(%dma_start3A_160 : memref<128xi32, #tpu.memory_space<vmem>>) semaphore(%arg17 : memref<!tpu.dma_semaphore, #tpu.memory_space<semaphore_mem>>) {add = true}
      %add3A_164 = arith.constant 2 : i32
      %add3A_165 = arith.addi %add3A_134, %add3A_164 : i32
      %lt3A_166 = arith.constant 78 : i32
      %lt3A_167 = arith.cmpi slt, %add3A_165, %lt3A_166 : i32
      %convert_element_type3A_168 = arith.extui %lt3A_167 : i1 to i32
      %cond3A_169 = arith.constant 0 : i32
      %cond3A_170 = arith.cmpi ne, %convert_element_type3A_168, %cond3A_169 : i32
      scf.if %cond3A_170 {
        %dma_wait3A_194 = arith.constant 0 : i32
        %dma_wait3A_195 = tpu.memref_slice %arg10[%add3A_134, %dma_wait3A_194] : memref<79x128xi32, #tpu.memory_space<vmem>> -> memref<1x128xi32, #tpu.memory_space<vmem>>
        %dma_wait3A_196 = tpu.memref_squeeze %dma_wait3A_195 : memref<1x128xi32, #tpu.memory_space<vmem>> -> memref<128xi32, #tpu.memory_space<vmem>>
        %dma_wait3A_197 = arith.constant 0 : i32
        %dma_wait3A_198 = arith.constant 0 : i32
        %dma_wait3A_199 = tpu.memref_slice %arg7[%dma_wait3A_197, %dma_wait3A_198] : memref<10112x16xf32, #tpu.memory_space<vmem_shared>> -> memref<10112x16xf32, #tpu.memory_space<vmem_shared>>
        tpu.wait_indirect_dma semaphore(%arg17 : memref<!tpu.dma_semaphore, #tpu.memory_space<semaphore_mem>>) src(%arg12 : memref<128x16xf32, #tpu.memory_space<vmem>>) dst(%dma_wait3A_199 : memref<10112x16xf32, #tpu.memory_space<vmem_shared>>)
        %add3A_200 = arith.constant 2 : i32
        %add3A_201 = arith.addi %add3A_134, %add3A_200 : i32
        %dma_start3A_202 = arith.constant 0 : i32
        %dma_start3A_203 = tpu.memref_slice %arg9[%add3A_201, %dma_start3A_202] : memref<79x128xi32, #tpu.memory_space<vmem>> -> memref<1x128xi32, #tpu.memory_space<vmem>>
        %dma_start3A_204 = tpu.memref_squeeze %dma_start3A_203 : memref<1x128xi32, #tpu.memory_space<vmem>> -> memref<128xi32, #tpu.memory_space<vmem>>
        %dma_start3A_205 = arith.constant 0 : i32
        %dma_start3A_206 = arith.constant 0 : i32
        %dma_start3A_207 = tpu.memref_slice %arg8[%dma_start3A_205, %dma_start3A_206] : memref<10000x16xf32, #tpu.memory_space<vmem_shared>> -> memref<10000x16xf32, #tpu.memory_space<vmem_shared>>
        tpu.enqueue_indirect_dma source(%dma_start3A_207 : memref<10000x16xf32, #tpu.memory_space<vmem_shared>>) target(%arg12 : memref<128x16xf32, #tpu.memory_space<vmem>>) offsets(%dma_start3A_204 : memref<128xi32, #tpu.memory_space<vmem>>) semaphore(%arg15 : memref<!tpu.dma_semaphore, #tpu.memory_space<semaphore_mem>>)
      } else {
      }
      %add3A_171 = arith.constant 1 : i32
      %add3A_172 = arith.addi %add3A_134, %add3A_171 : i32
      %dma_wait3A_173 = arith.constant 0 : i32
      %dma_wait3A_174 = tpu.memref_slice %arg9[%add3A_172, %dma_wait3A_173] : memref<79x128xi32, #tpu.memory_space<vmem>> -> memref<1x128xi32, #tpu.memory_space<vmem>>
      %dma_wait3A_175 = tpu.memref_squeeze %dma_wait3A_174 : memref<1x128xi32, #tpu.memory_space<vmem>> -> memref<128xi32, #tpu.memory_space<vmem>>
      %dma_wait3A_176 = arith.constant 0 : i32
      %dma_wait3A_177 = arith.constant 0 : i32
      %dma_wait3A_178 = tpu.memref_slice %arg8[%dma_wait3A_176, %dma_wait3A_177] : memref<10000x16xf32, #tpu.memory_space<vmem_shared>> -> memref<10000x16xf32, #tpu.memory_space<vmem_shared>>
      tpu.wait_indirect_dma semaphore(%arg16 : memref<!tpu.dma_semaphore, #tpu.memory_space<semaphore_mem>>) src(%dma_wait3A_178 : memref<10000x16xf32, #tpu.memory_space<vmem_shared>>) dst(%arg13 : memref<128x16xf32, #tpu.memory_space<vmem>>)
      %add3A_179 = arith.constant 1 : i32
      %add3A_180 = arith.addi %add3A_134, %add3A_179 : i32
      %scan3A_181 = arith.constant 0 : i32
      %scan3A_182 = arith.constant 8 : i32
      %scan3A_183 = arith.addi %scan3A_181, %scan3A_182 : i32
      %scan3A_184 = arith.constant 1 : i32
      scf.for %scan3A_194 = %scan3A_181 to %scan3A_183 step %scan3A_184  : i32 {
        %mul3A_195 = arith.constant 16 : i32
        %mul3A_196 = arith.muli %scan3A_194, %mul3A_195 : i32
        %add3A_197 = arith.constant 0 : i32
        %add3A_198 = arith.addi %add3A_197, %mul3A_196 : i32
        %get3A = arith.index_cast %add3A_180 : i32 to index
        %get3A_199 = arith.index_cast %add3A_198 : i32 to index
        %get3A_200 = tpu.vector_load %arg11[%get3A, %get3A_199] {strides = array<i32>} : memref<79x128xf32, #tpu.memory_space<vmem>>, vector<1x16xf32>,
        %get3A_201 = vector.shape_cast %get3A_200 : vector<1x16xf32> to vector<16xf32>
        %slice3A = vector.extract_strided_slice %get3A_201 {offsets = [0], sizes = [1], strides = [1]} : vector<16xf32> to vector<1xf32>
        %squeeze3A = vector.extract %slice3A[0] : f32 from vector<1xf32>
        %add3A_202 = arith.constant 0 : i32
        %add3A_203 = arith.addi %add3A_198, %add3A_202 : i32
        %get3A_204 = arith.index_cast %add3A_203 : i32 to index
        %get3A_205 = arith.constant 0 : index
        %get3A_206 = tpu.vector_load %arg13[%get3A_204, %get3A_205] {strides = array<i32>} : memref<128x16xf32, #tpu.memory_space<vmem>>, vector<1x16xf32>,
        %get3A_207 = vector.shape_cast %get3A_206 : vector<1x16xf32> to vector<16xf32>
        %mul3A_208 = vector.broadcast %squeeze3A : f32 to vector<16xf32>
        %mul3A_209 = arith.mulf %get3A_207, %mul3A_208 : vector<16xf32>
        %add3A_210 = arith.constant 0 : i32
        %add3A_211 = arith.addi %add3A_198, %add3A_210 : i32
        %swap3A = arith.index_cast %add3A_211 : i32 to index
        %swap3A_212 = arith.constant 0 : index
        %swap3A_213 = tpu.vector_load %arg13[%swap3A, %swap3A_212] {strides = array<i32>} : memref<128x16xf32, #tpu.memory_space<vmem>>, vector<1x16xf32>,
        %swap3A_214 = vector.shape_cast %swap3A_213 : vector<1x16xf32> to vector<16xf32>
        %swap3A_215 = vector.shape_cast %mul3A_209 : vector<16xf32> to vector<1x16xf32>
        tpu.vector_store %arg13[%swap3A, %swap3A_212], %swap3A_215 {strides = array<i32>} : memref<128x16xf32, #tpu.memory_space<vmem>>, vector<1x16xf32>,
        %slice3A_216 = vector.extract_strided_slice %get3A_201 {offsets = [1], sizes = [1], strides = [1]} : vector<16xf32> to vector<1xf32>
        %squeeze3A_217 = vector.extract %slice3A_216[0] : f32 from vector<1xf32>
        %add3A_218 = arith.constant 1 : i32
        %add3A_219 = arith.addi %add3A_198, %add3A_218 : i32
        %get3A_220 = arith.index_cast %add3A_219 : i32 to index
        %get3A_221 = arith.constant 0 : index
        %get3A_222 = tpu.vector_load %arg13[%get3A_220, %get3A_221] {strides = array<i32>} : memref<128x16xf32, #tpu.memory_space<vmem>>, vector<1x16xf32>,
        %get3A_223 = vector.shape_cast %get3A_222 : vector<1x16xf32> to vector<16xf32>
        %mul3A_224 = vector.broadcast %squeeze3A_217 : f32 to vector<16xf32>
        %mul3A_225 = arith.mulf %get3A_223, %mul3A_224 : vector<16xf32>
        %add3A_226 = arith.constant 1 : i32
        %add3A_227 = arith.addi %add3A_198, %add3A_226 : i32
        %swap3A_228 = arith.index_cast %add3A_227 : i32 to index
        %swap3A_229 = arith.constant 0 : index
        %swap3A_230 = tpu.vector_load %arg13[%swap3A_228, %swap3A_229] {strides = array<i32>} : memref<128x16xf32, #tpu.memory_space<vmem>>, vector<1x16xf32>,
        %swap3A_231 = vector.shape_cast %swap3A_230 : vector<1x16xf32> to vector<16xf32>
        %swap3A_232 = vector.shape_cast %mul3A_225 : vector<16xf32> to vector<1x16xf32>
        tpu.vector_store %arg13[%swap3A_228, %swap3A_229], %swap3A_232 {strides = array<i32>} : memref<128x16xf32, #tpu.memory_space<vmem>>, vector<1x16xf32>,
        %slice3A_233 = vector.extract_strided_slice %get3A_201 {offsets = [2], sizes = [1], strides = [1]} : vector<16xf32> to vector<1xf32>
        %squeeze3A_234 = vector.extract %slice3A_233[0] : f32 from vector<1xf32>
        %add3A_235 = arith.constant 2 : i32
        %add3A_236 = arith.addi %add3A_198, %add3A_235 : i32
        %get3A_237 = arith.index_cast %add3A_236 : i32 to index
        %get3A_238 = arith.constant 0 : index
        %get3A_239 = tpu.vector_load %arg13[%get3A_237, %get3A_238] {strides = array<i32>} : memref<128x16xf32, #tpu.memory_space<vmem>>, vector<1x16xf32>,
        %get3A_240 = vector.shape_cast %get3A_239 : vector<1x16xf32> to vector<16xf32>
        %mul3A_241 = vector.broadcast %squeeze3A_234 : f32 to vector<16xf32>
        %mul3A_242 = arith.mulf %get3A_240, %mul3A_241 : vector<16xf32>
        %add3A_243 = arith.constant 2 : i32
        %add3A_244 = arith.addi %add3A_198, %add3A_243 : i32
        %swap3A_245 = arith.index_cast %add3A_244 : i32 to index
        %swap3A_246 = arith.constant 0 : index
        %swap3A_247 = tpu.vector_load %arg13[%swap3A_245, %swap3A_246] {strides = array<i32>} : memref<128x16xf32, #tpu.memory_space<vmem>>, vector<1x16xf32>,
        %swap3A_248 = vector.shape_cast %swap3A_247 : vector<1x16xf32> to vector<16xf32>
        %swap3A_249 = vector.shape_cast %mul3A_242 : vector<16xf32> to vector<1x16xf32>
        tpu.vector_store %arg13[%swap3A_245, %swap3A_246], %swap3A_249 {strides = array<i32>} : memref<128x16xf32, #tpu.memory_space<vmem>>, vector<1x16xf32>,
        %slice3A_250 = vector.extract_strided_slice %get3A_201 {offsets = [3], sizes = [1], strides = [1]} : vector<16xf32> to vector<1xf32>
        %squeeze3A_251 = vector.extract %slice3A_250[0] : f32 from vector<1xf32>
        %add3A_252 = arith.constant 3 : i32
        %add3A_253 = arith.addi %add3A_198, %add3A_252 : i32
        %get3A_254 = arith.index_cast %add3A_253 : i32 to index
        %get3A_255 = arith.constant 0 : index
        %get3A_256 = tpu.vector_load %arg13[%get3A_254, %get3A_255] {strides = array<i32>} : memref<128x16xf32, #tpu.memory_space<vmem>>, vector<1x16xf32>,
        %get3A_257 = vector.shape_cast %get3A_256 : vector<1x16xf32> to vector<16xf32>
        %mul3A_258 = vector.broadcast %squeeze3A_251 : f32 to vector<16xf32>
        %mul3A_259 = arith.mulf %get3A_257, %mul3A_258 : vector<16xf32>
        %add3A_260 = arith.constant 3 : i32
        %add3A_261 = arith.addi %add3A_198, %add3A_260 : i32
        %swap3A_262 = arith.index_cast %add3A_261 : i32 to index
        %swap3A_263 = arith.constant 0 : index
        %swap3A_264 = tpu.vector_load %arg13[%swap3A_262, %swap3A_263] {strides = array<i32>} : memref<128x16xf32, #tpu.memory_space<vmem>>, vector<1x16xf32>,
        %swap3A_265 = vector.shape_cast %swap3A_264 : vector<1x16xf32> to vector<16xf32>
        %swap3A_266 = vector.shape_cast %mul3A_259 : vector<16xf32> to vector<1x16xf32>
        tpu.vector_store %arg13[%swap3A_262, %swap3A_263], %swap3A_266 {strides = array<i32>} : memref<128x16xf32, #tpu.memory_space<vmem>>, vector<1x16xf32>,
        %slice3A_267 = vector.extract_strided_slice %get3A_201 {offsets = [4], sizes = [1], strides = [1]} : vector<16xf32> to vector<1xf32>
        %squeeze3A_268 = vector.extract %slice3A_267[0] : f32 from vector<1xf32>
        %add3A_269 = arith.constant 4 : i32
        %add3A_270 = arith.addi %add3A_198, %add3A_269 : i32
        %get3A_271 = arith.index_cast %add3A_270 : i32 to index
        %get3A_272 = arith.constant 0 : index
        %get3A_273 = tpu.vector_load %arg13[%get3A_271, %get3A_272] {strides = array<i32>} : memref<128x16xf32, #tpu.memory_space<vmem>>, vector<1x16xf32>,
        %get3A_274 = vector.shape_cast %get3A_273 : vector<1x16xf32> to vector<16xf32>
        %mul3A_275 = vector.broadcast %squeeze3A_268 : f32 to vector<16xf32>
        %mul3A_276 = arith.mulf %get3A_274, %mul3A_275 : vector<16xf32>
        %add3A_277 = arith.constant 4 : i32
        %add3A_278 = arith.addi %add3A_198, %add3A_277 : i32
        %swap3A_279 = arith.index_cast %add3A_278 : i32 to index
        %swap3A_280 = arith.constant 0 : index
        %swap3A_281 = tpu.vector_load %arg13[%swap3A_279, %swap3A_280] {strides = array<i32>} : memref<128x16xf32, #tpu.memory_space<vmem>>, vector<1x16xf32>,
        %swap3A_282 = vector.shape_cast %swap3A_281 : vector<1x16xf32> to vector<16xf32>
        %swap3A_283 = vector.shape_cast %mul3A_276 : vector<16xf32> to vector<1x16xf32>
        tpu.vector_store %arg13[%swap3A_279, %swap3A_280], %swap3A_283 {strides = array<i32>} : memref<128x16xf32, #tpu.memory_space<vmem>>, vector<1x16xf32>,
        %slice3A_284 = vector.extract_strided_slice %get3A_201 {offsets = [5], sizes = [1], strides = [1]} : vector<16xf32> to vector<1xf32>
        %squeeze3A_285 = vector.extract %slice3A_284[0] : f32 from vector<1xf32>
        %add3A_286 = arith.constant 5 : i32
        %add3A_287 = arith.addi %add3A_198, %add3A_286 : i32
        %get3A_288 = arith.index_cast %add3A_287 : i32 to index
        %get3A_289 = arith.constant 0 : index
        %get3A_290 = tpu.vector_load %arg13[%get3A_288, %get3A_289] {strides = array<i32>} : memref<128x16xf32, #tpu.memory_space<vmem>>, vector<1x16xf32>,
        %get3A_291 = vector.shape_cast %get3A_290 : vector<1x16xf32> to vector<16xf32>
        %mul3A_292 = vector.broadcast %squeeze3A_285 : f32 to vector<16xf32>
        %mul3A_293 = arith.mulf %get3A_291, %mul3A_292 : vector<16xf32>
        %add3A_294 = arith.constant 5 : i32
        %add3A_295 = arith.addi %add3A_198, %add3A_294 : i32
        %swap3A_296 = arith.index_cast %add3A_295 : i32 to index
        %swap3A_297 = arith.constant 0 : index
        %swap3A_298 = tpu.vector_load %arg13[%swap3A_296, %swap3A_297] {strides = array<i32>} : memref<128x16xf32, #tpu.memory_space<vmem>>, vector<1x16xf32>,
        %swap3A_299 = vector.shape_cast %swap3A_298 : vector<1x16xf32> to vector<16xf32>
        %swap3A_300 = vector.shape_cast %mul3A_293 : vector<16xf32> to vector<1x16xf32>
        tpu.vector_store %arg13[%swap3A_296, %swap3A_297], %swap3A_300 {strides = array<i32>} : memref<128x16xf32, #tpu.memory_space<vmem>>, vector<1x16xf32>,
        %slice3A_301 = vector.extract_strided_slice %get3A_201 {offsets = [6], sizes = [1], strides = [1]} : vector<16xf32> to vector<1xf32>
        %squeeze3A_302 = vector.extract %slice3A_301[0] : f32 from vector<1xf32>
        %add3A_303 = arith.constant 6 : i32
        %add3A_304 = arith.addi %add3A_198, %add3A_303 : i32
        %get3A_305 = arith.index_cast %add3A_304 : i32 to index
        %get3A_306 = arith.constant 0 : index
        %get3A_307 = tpu.vector_load %arg13[%get3A_305, %get3A_306] {strides = array<i32>} : memref<128x16xf32, #tpu.memory_space<vmem>>, vector<1x16xf32>,
        %get3A_308 = vector.shape_cast %get3A_307 : vector<1x16xf32> to vector<16xf32>
        %mul3A_309 = vector.broadcast %squeeze3A_302 : f32 to vector<16xf32>
        %mul3A_310 = arith.mulf %get3A_308, %mul3A_309 : vector<16xf32>
        %add3A_311 = arith.constant 6 : i32
        %add3A_312 = arith.addi %add3A_198, %add3A_311 : i32
        %swap3A_313 = arith.index_cast %add3A_312 : i32 to index
        %swap3A_314 = arith.constant 0 : index
        %swap3A_315 = tpu.vector_load %arg13[%swap3A_313, %swap3A_314] {strides = array<i32>} : memref<128x16xf32, #tpu.memory_space<vmem>>, vector<1x16xf32>,
        %swap3A_316 = vector.shape_cast %swap3A_315 : vector<1x16xf32> to vector<16xf32>
        %swap3A_317 = vector.shape_cast %mul3A_310 : vector<16xf32> to vector<1x16xf32>
        tpu.vector_store %arg13[%swap3A_313, %swap3A_314], %swap3A_317 {strides = array<i32>} : memref<128x16xf32, #tpu.memory_space<vmem>>, vector<1x16xf32>,
        %slice3A_318 = vector.extract_strided_slice %get3A_201 {offsets = [7], sizes = [1], strides = [1]} : vector<16xf32> to vector<1xf32>
        %squeeze3A_319 = vector.extract %slice3A_318[0] : f32 from vector<1xf32>
        %add3A_320 = arith.constant 7 : i32
        %add3A_321 = arith.addi %add3A_198, %add3A_320 : i32
        %get3A_322 = arith.index_cast %add3A_321 : i32 to index
        %get3A_323 = arith.constant 0 : index
        %get3A_324 = tpu.vector_load %arg13[%get3A_322, %get3A_323] {strides = array<i32>} : memref<128x16xf32, #tpu.memory_space<vmem>>, vector<1x16xf32>,
        %get3A_325 = vector.shape_cast %get3A_324 : vector<1x16xf32> to vector<16xf32>
        %mul3A_326 = vector.broadcast %squeeze3A_319 : f32 to vector<16xf32>
        %mul3A_327 = arith.mulf %get3A_325, %mul3A_326 : vector<16xf32>
        %add3A_328 = arith.constant 7 : i32
        %add3A_329 = arith.addi %add3A_198, %add3A_328 : i32
        %swap3A_330 = arith.index_cast %add3A_329 : i32 to index
        %swap3A_331 = arith.constant 0 : index
        %swap3A_332 = tpu.vector_load %arg13[%swap3A_330, %swap3A_331] {strides = array<i32>} : memref<128x16xf32, #tpu.memory_space<vmem>>, vector<1x16xf32>,
        %swap3A_333 = vector.shape_cast %swap3A_332 : vector<1x16xf32> to vector<16xf32>
        %swap3A_334 = vector.shape_cast %mul3A_327 : vector<16xf32> to vector<1x16xf32>
        tpu.vector_store %arg13[%swap3A_330, %swap3A_331], %swap3A_334 {strides = array<i32>} : memref<128x16xf32, #tpu.memory_space<vmem>>, vector<1x16xf32>,
        %slice3A_335 = vector.extract_strided_slice %get3A_201 {offsets = [8], sizes = [1], strides = [1]} : vector<16xf32> to vector<1xf32>
        %squeeze3A_336 = vector.extract %slice3A_335[0] : f32 from vector<1xf32>
        %add3A_337 = arith.constant 8 : i32
        %add3A_338 = arith.addi %add3A_198, %add3A_337 : i32
        %get3A_339 = arith.index_cast %add3A_338 : i32 to index
        %get3A_340 = arith.constant 0 : index
        %get3A_341 = tpu.vector_load %arg13[%get3A_339, %get3A_340] {strides = array<i32>} : memref<128x16xf32, #tpu.memory_space<vmem>>, vector<1x16xf32>,
        %get3A_342 = vector.shape_cast %get3A_341 : vector<1x16xf32> to vector<16xf32>
        %mul3A_343 = vector.broadcast %squeeze3A_336 : f32 to vector<16xf32>
        %mul3A_344 = arith.mulf %get3A_342, %mul3A_343 : vector<16xf32>
        %add3A_345 = arith.constant 8 : i32
        %add3A_346 = arith.addi %add3A_198, %add3A_345 : i32
        %swap3A_347 = arith.index_cast %add3A_346 : i32 to index
        %swap3A_348 = arith.constant 0 : index
        %swap3A_349 = tpu.vector_load %arg13[%swap3A_347, %swap3A_348] {strides = array<i32>} : memref<128x16xf32, #tpu.memory_space<vmem>>, vector<1x16xf32>,
        %swap3A_350 = vector.shape_cast %swap3A_349 : vector<1x16xf32> to vector<16xf32>
        %swap3A_351 = vector.shape_cast %mul3A_344 : vector<16xf32> to vector<1x16xf32>
        tpu.vector_store %arg13[%swap3A_347, %swap3A_348], %swap3A_351 {strides = array<i32>} : memref<128x16xf32, #tpu.memory_space<vmem>>, vector<1x16xf32>,
        %slice3A_352 = vector.extract_strided_slice %get3A_201 {offsets = [9], sizes = [1], strides = [1]} : vector<16xf32> to vector<1xf32>
        %squeeze3A_353 = vector.extract %slice3A_352[0] : f32 from vector<1xf32>
        %add3A_354 = arith.constant 9 : i32
        %add3A_355 = arith.addi %add3A_198, %add3A_354 : i32
        %get3A_356 = arith.index_cast %add3A_355 : i32 to index
        %get3A_357 = arith.constant 0 : index
        %get3A_358 = tpu.vector_load %arg13[%get3A_356, %get3A_357] {strides = array<i32>} : memref<128x16xf32, #tpu.memory_space<vmem>>, vector<1x16xf32>,
        %get3A_359 = vector.shape_cast %get3A_358 : vector<1x16xf32> to vector<16xf32>
        %mul3A_360 = vector.broadcast %squeeze3A_353 : f32 to vector<16xf32>
        %mul3A_361 = arith.mulf %get3A_359, %mul3A_360 : vector<16xf32>
        %add3A_362 = arith.constant 9 : i32
        %add3A_363 = arith.addi %add3A_198, %add3A_362 : i32
        %swap3A_364 = arith.index_cast %add3A_363 : i32 to index
        %swap3A_365 = arith.constant 0 : index
        %swap3A_366 = tpu.vector_load %arg13[%swap3A_364, %swap3A_365] {strides = array<i32>} : memref<128x16xf32, #tpu.memory_space<vmem>>, vector<1x16xf32>,
        %swap3A_367 = vector.shape_cast %swap3A_366 : vector<1x16xf32> to vector<16xf32>
        %swap3A_368 = vector.shape_cast %mul3A_361 : vector<16xf32> to vector<1x16xf32>
        tpu.vector_store %arg13[%swap3A_364, %swap3A_365], %swap3A_368 {strides = array<i32>} : memref<128x16xf32, #tpu.memory_space<vmem>>, vector<1x16xf32>,
        %slice3A_369 = vector.extract_strided_slice %get3A_201 {offsets = [10], sizes = [1], strides = [1]} : vector<16xf32> to vector<1xf32>
        %squeeze3A_370 = vector.extract %slice3A_369[0] : f32 from vector<1xf32>
        %add3A_371 = arith.constant 10 : i32
        %add3A_372 = arith.addi %add3A_198, %add3A_371 : i32
        %get3A_373 = arith.index_cast %add3A_372 : i32 to index
        %get3A_374 = arith.constant 0 : index
        %get3A_375 = tpu.vector_load %arg13[%get3A_373, %get3A_374] {strides = array<i32>} : memref<128x16xf32, #tpu.memory_space<vmem>>, vector<1x16xf32>,
        %get3A_376 = vector.shape_cast %get3A_375 : vector<1x16xf32> to vector<16xf32>
        %mul3A_377 = vector.broadcast %squeeze3A_370 : f32 to vector<16xf32>
        %mul3A_378 = arith.mulf %get3A_376, %mul3A_377 : vector<16xf32>
        %add3A_379 = arith.constant 10 : i32
        %add3A_380 = arith.addi %add3A_198, %add3A_379 : i32
        %swap3A_381 = arith.index_cast %add3A_380 : i32 to index
        %swap3A_382 = arith.constant 0 : index
        %swap3A_383 = tpu.vector_load %arg13[%swap3A_381, %swap3A_382] {strides = array<i32>} : memref<128x16xf32, #tpu.memory_space<vmem>>, vector<1x16xf32>,
        %swap3A_384 = vector.shape_cast %swap3A_383 : vector<1x16xf32> to vector<16xf32>
        %swap3A_385 = vector.shape_cast %mul3A_378 : vector<16xf32> to vector<1x16xf32>
        tpu.vector_store %arg13[%swap3A_381, %swap3A_382], %swap3A_385 {strides = array<i32>} : memref<128x16xf32, #tpu.memory_space<vmem>>, vector<1x16xf32>,
        %slice3A_386 = vector.extract_strided_slice %get3A_201 {offsets = [11], sizes = [1], strides = [1]} : vector<16xf32> to vector<1xf32>
        %squeeze3A_387 = vector.extract %slice3A_386[0] : f32 from vector<1xf32>
        %add3A_388 = arith.constant 11 : i32
        %add3A_389 = arith.addi %add3A_198, %add3A_388 : i32
        %get3A_390 = arith.index_cast %add3A_389 : i32 to index
        %get3A_391 = arith.constant 0 : index
        %get3A_392 = tpu.vector_load %arg13[%get3A_390, %get3A_391] {strides = array<i32>} : memref<128x16xf32, #tpu.memory_space<vmem>>, vector<1x16xf32>,
        %get3A_393 = vector.shape_cast %get3A_392 : vector<1x16xf32> to vector<16xf32>
        %mul3A_394 = vector.broadcast %squeeze3A_387 : f32 to vector<16xf32>
        %mul3A_395 = arith.mulf %get3A_393, %mul3A_394 : vector<16xf32>
        %add3A_396 = arith.constant 11 : i32
        %add3A_397 = arith.addi %add3A_198, %add3A_396 : i32
        %swap3A_398 = arith.index_cast %add3A_397 : i32 to index
        %swap3A_399 = arith.constant 0 : index
        %swap3A_400 = tpu.vector_load %arg13[%swap3A_398, %swap3A_399] {strides = array<i32>} : memref<128x16xf32, #tpu.memory_space<vmem>>, vector<1x16xf32>,
        %swap3A_401 = vector.shape_cast %swap3A_400 : vector<1x16xf32> to vector<16xf32>
        %swap3A_402 = vector.shape_cast %mul3A_395 : vector<16xf32> to vector<1x16xf32>
        tpu.vector_store %arg13[%swap3A_398, %swap3A_399], %swap3A_402 {strides = array<i32>} : memref<128x16xf32, #tpu.memory_space<vmem>>, vector<1x16xf32>,
        %slice3A_403 = vector.extract_strided_slice %get3A_201 {offsets = [12], sizes = [1], strides = [1]} : vector<16xf32> to vector<1xf32>
        %squeeze3A_404 = vector.extract %slice3A_403[0] : f32 from vector<1xf32>
        %add3A_405 = arith.constant 12 : i32
        %add3A_406 = arith.addi %add3A_198, %add3A_405 : i32
        %get3A_407 = arith.index_cast %add3A_406 : i32 to index
        %get3A_408 = arith.constant 0 : index
        %get3A_409 = tpu.vector_load %arg13[%get3A_407, %get3A_408] {strides = array<i32>} : memref<128x16xf32, #tpu.memory_space<vmem>>, vector<1x16xf32>,
        %get3A_410 = vector.shape_cast %get3A_409 : vector<1x16xf32> to vector<16xf32>
        %mul3A_411 = vector.broadcast %squeeze3A_404 : f32 to vector<16xf32>
        %mul3A_412 = arith.mulf %get3A_410, %mul3A_411 : vector<16xf32>
        %add3A_413 = arith.constant 12 : i32
        %add3A_414 = arith.addi %add3A_198, %add3A_413 : i32
        %swap3A_415 = arith.index_cast %add3A_414 : i32 to index
        %swap3A_416 = arith.constant 0 : index
        %swap3A_417 = tpu.vector_load %arg13[%swap3A_415, %swap3A_416] {strides = array<i32>} : memref<128x16xf32, #tpu.memory_space<vmem>>, vector<1x16xf32>,
        %swap3A_418 = vector.shape_cast %swap3A_417 : vector<1x16xf32> to vector<16xf32>
        %swap3A_419 = vector.shape_cast %mul3A_412 : vector<16xf32> to vector<1x16xf32>
        tpu.vector_store %arg13[%swap3A_415, %swap3A_416], %swap3A_419 {strides = array<i32>} : memref<128x16xf32, #tpu.memory_space<vmem>>, vector<1x16xf32>,
        %slice3A_420 = vector.extract_strided_slice %get3A_201 {offsets = [13], sizes = [1], strides = [1]} : vector<16xf32> to vector<1xf32>
        %squeeze3A_421 = vector.extract %slice3A_420[0] : f32 from vector<1xf32>
        %add3A_422 = arith.constant 13 : i32
        %add3A_423 = arith.addi %add3A_198, %add3A_422 : i32
        %get3A_424 = arith.index_cast %add3A_423 : i32 to index
        %get3A_425 = arith.constant 0 : index
        %get3A_426 = tpu.vector_load %arg13[%get3A_424, %get3A_425] {strides = array<i32>} : memref<128x16xf32, #tpu.memory_space<vmem>>, vector<1x16xf32>,
        %get3A_427 = vector.shape_cast %get3A_426 : vector<1x16xf32> to vector<16xf32>
        %mul3A_428 = vector.broadcast %squeeze3A_421 : f32 to vector<16xf32>
        %mul3A_429 = arith.mulf %get3A_427, %mul3A_428 : vector<16xf32>
        %add3A_430 = arith.constant 13 : i32
        %add3A_431 = arith.addi %add3A_198, %add3A_430 : i32
        %swap3A_432 = arith.index_cast %add3A_431 : i32 to index
        %swap3A_433 = arith.constant 0 : index
        %swap3A_434 = tpu.vector_load %arg13[%swap3A_432, %swap3A_433] {strides = array<i32>} : memref<128x16xf32, #tpu.memory_space<vmem>>, vector<1x16xf32>,
        %swap3A_435 = vector.shape_cast %swap3A_434 : vector<1x16xf32> to vector<16xf32>
        %swap3A_436 = vector.shape_cast %mul3A_429 : vector<16xf32> to vector<1x16xf32>
        tpu.vector_store %arg13[%swap3A_432, %swap3A_433], %swap3A_436 {strides = array<i32>} : memref<128x16xf32, #tpu.memory_space<vmem>>, vector<1x16xf32>,
        %slice3A_437 = vector.extract_strided_slice %get3A_201 {offsets = [14], sizes = [1], strides = [1]} : vector<16xf32> to vector<1xf32>
        %squeeze3A_438 = vector.extract %slice3A_437[0] : f32 from vector<1xf32>
        %add3A_439 = arith.constant 14 : i32
        %add3A_440 = arith.addi %add3A_198, %add3A_439 : i32
        %get3A_441 = arith.index_cast %add3A_440 : i32 to index
        %get3A_442 = arith.constant 0 : index
        %get3A_443 = tpu.vector_load %arg13[%get3A_441, %get3A_442] {strides = array<i32>} : memref<128x16xf32, #tpu.memory_space<vmem>>, vector<1x16xf32>,
        %get3A_444 = vector.shape_cast %get3A_443 : vector<1x16xf32> to vector<16xf32>
        %mul3A_445 = vector.broadcast %squeeze3A_438 : f32 to vector<16xf32>
        %mul3A_446 = arith.mulf %get3A_444, %mul3A_445 : vector<16xf32>
        %add3A_447 = arith.constant 14 : i32
        %add3A_448 = arith.addi %add3A_198, %add3A_447 : i32
        %swap3A_449 = arith.index_cast %add3A_448 : i32 to index
        %swap3A_450 = arith.constant 0 : index
        %swap3A_451 = tpu.vector_load %arg13[%swap3A_449, %swap3A_450] {strides = array<i32>} : memref<128x16xf32, #tpu.memory_space<vmem>>, vector<1x16xf32>,
        %swap3A_452 = vector.shape_cast %swap3A_451 : vector<1x16xf32> to vector<16xf32>
        %swap3A_453 = vector.shape_cast %mul3A_446 : vector<16xf32> to vector<1x16xf32>
        tpu.vector_store %arg13[%swap3A_449, %swap3A_450], %swap3A_453 {strides = array<i32>} : memref<128x16xf32, #tpu.memory_space<vmem>>, vector<1x16xf32>,
        %slice3A_454 = vector.extract_strided_slice %get3A_201 {offsets = [15], sizes = [1], strides = [1]} : vector<16xf32> to vector<1xf32>
        %squeeze3A_455 = vector.extract %slice3A_454[0] : f32 from vector<1xf32>
        %add3A_456 = arith.constant 15 : i32
        %add3A_457 = arith.addi %add3A_198, %add3A_456 : i32
        %get3A_458 = arith.index_cast %add3A_457 : i32 to index
        %get3A_459 = arith.constant 0 : index
        %get3A_460 = tpu.vector_load %arg13[%get3A_458, %get3A_459] {strides = array<i32>} : memref<128x16xf32, #tpu.memory_space<vmem>>, vector<1x16xf32>,
        %get3A_461 = vector.shape_cast %get3A_460 : vector<1x16xf32> to vector<16xf32>
        %mul3A_462 = vector.broadcast %squeeze3A_455 : f32 to vector<16xf32>
        %mul3A_463 = arith.mulf %get3A_461, %mul3A_462 : vector<16xf32>
        %add3A_464 = arith.constant 15 : i32
        %add3A_465 = arith.addi %add3A_198, %add3A_464 : i32
        %swap3A_466 = arith.index_cast %add3A_465 : i32 to index
        %swap3A_467 = arith.constant 0 : index
        %swap3A_468 = tpu.vector_load %arg13[%swap3A_466, %swap3A_467] {strides = array<i32>} : memref<128x16xf32, #tpu.memory_space<vmem>>, vector<1x16xf32>,
        %swap3A_469 = vector.shape_cast %swap3A_468 : vector<1x16xf32> to vector<16xf32>
        %swap3A_470 = vector.shape_cast %mul3A_463 : vector<16xf32> to vector<1x16xf32>
        tpu.vector_store %arg13[%swap3A_466, %swap3A_467], %swap3A_470 {strides = array<i32>} : memref<128x16xf32, #tpu.memory_space<vmem>>, vector<1x16xf32>,
      }
      %scan3A_185 = arith.constant 8 : i32
      %add3A_186 = arith.constant 1 : i32
      %add3A_187 = arith.addi %add3A_134, %add3A_186 : i32
      %dma_start3A_188 = arith.constant 0 : i32
      %dma_start3A_189 = tpu.memref_slice %arg10[%add3A_187, %dma_start3A_188] : memref<79x128xi32, #tpu.memory_space<vmem>> -> memref<1x128xi32, #tpu.memory_space<vmem>>
      %dma_start3A_190 = tpu.memref_squeeze %dma_start3A_189 : memref<1x128xi32, #tpu.memory_space<vmem>> -> memref<128xi32, #tpu.memory_space<vmem>>
      %dma_start3A_191 = arith.constant 0 : i32
      %dma_start3A_192 = arith.constant 0 : i32
      %dma_start3A_193 = tpu.memref_slice %arg7[%dma_start3A_191, %dma_start3A_192] : memref<10112x16xf32, #tpu.memory_space<vmem_shared>> -> memref<10112x16xf32, #tpu.memory_space<vmem_shared>>
      tpu.enqueue_indirect_dma source(%arg13 : memref<128x16xf32, #tpu.memory_space<vmem>>) target(%dma_start3A_193 : memref<10112x16xf32, #tpu.memory_space<vmem_shared>>) offsets(%dma_start3A_190 : memref<128xi32, #tpu.memory_space<vmem>>) semaphore(%arg18 : memref<!tpu.dma_semaphore, #tpu.memory_space<semaphore_mem>>) {add = true}
    }
    %scan3A_105 = arith.constant 39 : i32
    %dma_wait3A_106 = arith.constant 76 : i32
    %dma_wait3A_107 = arith.constant 0 : i32
    %dma_wait3A_108 = tpu.memref_slice %arg10[%dma_wait3A_106, %dma_wait3A_107] : memref<79x128xi32, #tpu.memory_space<vmem>> -> memref<1x128xi32, #tpu.memory_space<vmem>>
    %dma_wait3A_109 = tpu.memref_squeeze %dma_wait3A_108 : memref<1x128xi32, #tpu.memory_space<vmem>> -> memref<128xi32, #tpu.memory_space<vmem>>
    %dma_wait3A_110 = arith.constant 0 : i32
    %dma_wait3A_111 = arith.constant 0 : i32
    %dma_wait3A_112 = tpu.memref_slice %arg7[%dma_wait3A_110, %dma_wait3A_111] : memref<10112x16xf32, #tpu.memory_space<vmem_shared>> -> memref<10112x16xf32, #tpu.memory_space<vmem_shared>>
    tpu.wait_indirect_dma semaphore(%arg17 : memref<!tpu.dma_semaphore, #tpu.memory_space<semaphore_mem>>) src(%arg12 : memref<128x16xf32, #tpu.memory_space<vmem>>) dst(%dma_wait3A_112 : memref<10112x16xf32, #tpu.memory_space<vmem_shared>>)
    %dma_wait3A_113 = arith.constant 77 : i32
    %dma_wait3A_114 = arith.constant 0 : i32
    %dma_wait3A_115 = tpu.memref_slice %arg10[%dma_wait3A_113, %dma_wait3A_114] : memref<79x128xi32, #tpu.memory_space<vmem>> -> memref<1x128xi32, #tpu.memory_space<vmem>>
    %dma_wait3A_116 = tpu.memref_squeeze %dma_wait3A_115 : memref<1x128xi32, #tpu.memory_space<vmem>> -> memref<128xi32, #tpu.memory_space<vmem>>
    %dma_wait3A_117 = arith.constant 0 : i32
    %dma_wait3A_118 = arith.constant 0 : i32
    %dma_wait3A_119 = tpu.memref_slice %arg7[%dma_wait3A_117, %dma_wait3A_118] : memref<10112x16xf32, #tpu.memory_space<vmem_shared>> -> memref<10112x16xf32, #tpu.memory_space<vmem_shared>>
    tpu.wait_indirect_dma semaphore(%arg18 : memref<!tpu.dma_semaphore, #tpu.memory_space<semaphore_mem>>) src(%arg13 : memref<128x16xf32, #tpu.memory_space<vmem>>) dst(%dma_wait3A_119 : memref<10112x16xf32, #tpu.memory_space<vmem_shared>>)
    %lt3A_120 = arith.constant 4 : i32
    %lt3A_121 = arith.cmpi slt, %add3A, %lt3A_120 : i32
    %convert_element_type3A_122 = arith.extui %lt3A_121 : i1 to i32
    %cond3A_123 = arith.constant 0 : i32
    %cond3A_124 = arith.cmpi ne, %convert_element_type3A_122, %cond3A_123 : i32
    scf.if %cond3A_124 {
      %run_scoped3A = arith.constant 78 : i32
      "tpu.region"() ({
        %run_scoped3A_136 = tpu.sem_alloc : memref<!tpu.dma_semaphore, #tpu.memory_space<semaphore_mem>>
        %dma_start3A_137 = arith.constant 0 : i32
        %dma_start3A_138 = tpu.memref_slice %arg9[%run_scoped3A, %dma_start3A_137] : memref<79x128xi32, #tpu.memory_space<vmem>> -> memref<1x128xi32, #tpu.memory_space<vmem>>
        %dma_start3A_139 = tpu.memref_squeeze %dma_start3A_138 : memref<1x128xi32, #tpu.memory_space<vmem>> -> memref<128xi32, #tpu.memory_space<vmem>>
        %dma_start3A_140 = arith.constant 0 : i32
        %dma_start3A_141 = arith.constant 0 : i32
        %dma_start3A_142 = tpu.memref_slice %arg8[%dma_start3A_140, %dma_start3A_141] : memref<10000x16xf32, #tpu.memory_space<vmem_shared>> -> memref<10000x16xf32, #tpu.memory_space<vmem_shared>>
        tpu.enqueue_indirect_dma source(%dma_start3A_142 : memref<10000x16xf32, #tpu.memory_space<vmem_shared>>) target(%arg12 : memref<128x16xf32, #tpu.memory_space<vmem>>) offsets(%dma_start3A_139 : memref<128xi32, #tpu.memory_space<vmem>>) semaphore(%run_scoped3A_136 : memref<!tpu.dma_semaphore, #tpu.memory_space<semaphore_mem>>)
        %dma_wait3A_143 = arith.constant 0 : i32
        %dma_wait3A_144 = tpu.memref_slice %arg9[%run_scoped3A, %dma_wait3A_143] : memref<79x128xi32, #tpu.memory_space<vmem>> -> memref<1x128xi32, #tpu.memory_space<vmem>>
        %dma_wait3A_145 = tpu.memref_squeeze %dma_wait3A_144 : memref<1x128xi32, #tpu.memory_space<vmem>> -> memref<128xi32, #tpu.memory_space<vmem>>
        %dma_wait3A_146 = arith.constant 0 : i32
        %dma_wait3A_147 = arith.constant 0 : i32
        %dma_wait3A_148 = tpu.memref_slice %arg8[%dma_wait3A_146, %dma_wait3A_147] : memref<10000x16xf32, #tpu.memory_space<vmem_shared>> -> memref<10000x16xf32, #tpu.memory_space<vmem_shared>>
        tpu.wait_indirect_dma semaphore(%run_scoped3A_136 : memref<!tpu.dma_semaphore, #tpu.memory_space<semaphore_mem>>) src(%dma_wait3A_148 : memref<10000x16xf32, #tpu.memory_space<vmem_shared>>) dst(%arg12 : memref<128x16xf32, #tpu.memory_space<vmem>>)
        tpu.yield
      }) : () -> ()
      %scan3A_130 = arith.constant 0 : i32
      %scan3A_131 = arith.constant 8 : i32
      %scan3A_132 = arith.addi %scan3A_130, %scan3A_131 : i32
      %scan3A_133 = arith.constant 1 : i32
      scf.for %scan3A_136 = %scan3A_130 to %scan3A_132 step %scan3A_133  : i32 {
        %mul3A_137 = arith.constant 16 : i32
        %mul3A_138 = arith.muli %scan3A_136, %mul3A_137 : i32
        %add3A_139 = arith.constant 0 : i32
        %add3A_140 = arith.addi %add3A_139, %mul3A_138 : i32
        %get3A = arith.constant 78 : i32
        %get3A_141 = arith.index_cast %get3A : i32 to index
        %get3A_142 = arith.index_cast %add3A_140 : i32 to index
        %get3A_143 = tpu.vector_load %arg11[%get3A_141, %get3A_142] {strides = array<i32>} : memref<79x128xf32, #tpu.memory_space<vmem>>, vector<1x16xf32>,
        %get3A_144 = vector.shape_cast %get3A_143 : vector<1x16xf32> to vector<16xf32>
        %slice3A = vector.extract_strided_slice %get3A_144 {offsets = [0], sizes = [1], strides = [1]} : vector<16xf32> to vector<1xf32>
        %squeeze3A = vector.extract %slice3A[0] : f32 from vector<1xf32>
        %add3A_145 = arith.constant 0 : i32
        %add3A_146 = arith.addi %add3A_140, %add3A_145 : i32
        %get3A_147 = arith.index_cast %add3A_146 : i32 to index
        %get3A_148 = arith.constant 0 : index
        %get3A_149 = tpu.vector_load %arg12[%get3A_147, %get3A_148] {strides = array<i32>} : memref<128x16xf32, #tpu.memory_space<vmem>>, vector<1x16xf32>,
        %get3A_150 = vector.shape_cast %get3A_149 : vector<1x16xf32> to vector<16xf32>
        %mul3A_151 = vector.broadcast %squeeze3A : f32 to vector<16xf32>
        %mul3A_152 = arith.mulf %get3A_150, %mul3A_151 : vector<16xf32>
        %add3A_153 = arith.constant 0 : i32
        %add3A_154 = arith.addi %add3A_140, %add3A_153 : i32
        %swap3A = arith.index_cast %add3A_154 : i32 to index
        %swap3A_155 = arith.constant 0 : index
        %swap3A_156 = tpu.vector_load %arg12[%swap3A, %swap3A_155] {strides = array<i32>} : memref<128x16xf32, #tpu.memory_space<vmem>>, vector<1x16xf32>,
        %swap3A_157 = vector.shape_cast %swap3A_156 : vector<1x16xf32> to vector<16xf32>
        %swap3A_158 = vector.shape_cast %mul3A_152 : vector<16xf32> to vector<1x16xf32>
        tpu.vector_store %arg12[%swap3A, %swap3A_155], %swap3A_158 {strides = array<i32>} : memref<128x16xf32, #tpu.memory_space<vmem>>, vector<1x16xf32>,
        %slice3A_159 = vector.extract_strided_slice %get3A_144 {offsets = [1], sizes = [1], strides = [1]} : vector<16xf32> to vector<1xf32>
        %squeeze3A_160 = vector.extract %slice3A_159[0] : f32 from vector<1xf32>
        %add3A_161 = arith.constant 1 : i32
        %add3A_162 = arith.addi %add3A_140, %add3A_161 : i32
        %get3A_163 = arith.index_cast %add3A_162 : i32 to index
        %get3A_164 = arith.constant 0 : index
        %get3A_165 = tpu.vector_load %arg12[%get3A_163, %get3A_164] {strides = array<i32>} : memref<128x16xf32, #tpu.memory_space<vmem>>, vector<1x16xf32>,
        %get3A_166 = vector.shape_cast %get3A_165 : vector<1x16xf32> to vector<16xf32>
        %mul3A_167 = vector.broadcast %squeeze3A_160 : f32 to vector<16xf32>
        %mul3A_168 = arith.mulf %get3A_166, %mul3A_167 : vector<16xf32>
        %add3A_169 = arith.constant 1 : i32
        %add3A_170 = arith.addi %add3A_140, %add3A_169 : i32
        %swap3A_171 = arith.index_cast %add3A_170 : i32 to index
        %swap3A_172 = arith.constant 0 : index
        %swap3A_173 = tpu.vector_load %arg12[%swap3A_171, %swap3A_172] {strides = array<i32>} : memref<128x16xf32, #tpu.memory_space<vmem>>, vector<1x16xf32>,
        %swap3A_174 = vector.shape_cast %swap3A_173 : vector<1x16xf32> to vector<16xf32>
        %swap3A_175 = vector.shape_cast %mul3A_168 : vector<16xf32> to vector<1x16xf32>
        tpu.vector_store %arg12[%swap3A_171, %swap3A_172], %swap3A_175 {strides = array<i32>} : memref<128x16xf32, #tpu.memory_space<vmem>>, vector<1x16xf32>,
        %slice3A_176 = vector.extract_strided_slice %get3A_144 {offsets = [2], sizes = [1], strides = [1]} : vector<16xf32> to vector<1xf32>
        %squeeze3A_177 = vector.extract %slice3A_176[0] : f32 from vector<1xf32>
        %add3A_178 = arith.constant 2 : i32
        %add3A_179 = arith.addi %add3A_140, %add3A_178 : i32
        %get3A_180 = arith.index_cast %add3A_179 : i32 to index
        %get3A_181 = arith.constant 0 : index
        %get3A_182 = tpu.vector_load %arg12[%get3A_180, %get3A_181] {strides = array<i32>} : memref<128x16xf32, #tpu.memory_space<vmem>>, vector<1x16xf32>,
        %get3A_183 = vector.shape_cast %get3A_182 : vector<1x16xf32> to vector<16xf32>
        %mul3A_184 = vector.broadcast %squeeze3A_177 : f32 to vector<16xf32>
        %mul3A_185 = arith.mulf %get3A_183, %mul3A_184 : vector<16xf32>
        %add3A_186 = arith.constant 2 : i32
        %add3A_187 = arith.addi %add3A_140, %add3A_186 : i32
        %swap3A_188 = arith.index_cast %add3A_187 : i32 to index
        %swap3A_189 = arith.constant 0 : index
        %swap3A_190 = tpu.vector_load %arg12[%swap3A_188, %swap3A_189] {strides = array<i32>} : memref<128x16xf32, #tpu.memory_space<vmem>>, vector<1x16xf32>,
        %swap3A_191 = vector.shape_cast %swap3A_190 : vector<1x16xf32> to vector<16xf32>
        %swap3A_192 = vector.shape_cast %mul3A_185 : vector<16xf32> to vector<1x16xf32>
        tpu.vector_store %arg12[%swap3A_188, %swap3A_189], %swap3A_192 {strides = array<i32>} : memref<128x16xf32, #tpu.memory_space<vmem>>, vector<1x16xf32>,
        %slice3A_193 = vector.extract_strided_slice %get3A_144 {offsets = [3], sizes = [1], strides = [1]} : vector<16xf32> to vector<1xf32>
        %squeeze3A_194 = vector.extract %slice3A_193[0] : f32 from vector<1xf32>
        %add3A_195 = arith.constant 3 : i32
        %add3A_196 = arith.addi %add3A_140, %add3A_195 : i32
        %get3A_197 = arith.index_cast %add3A_196 : i32 to index
        %get3A_198 = arith.constant 0 : index
        %get3A_199 = tpu.vector_load %arg12[%get3A_197, %get3A_198] {strides = array<i32>} : memref<128x16xf32, #tpu.memory_space<vmem>>, vector<1x16xf32>,
        %get3A_200 = vector.shape_cast %get3A_199 : vector<1x16xf32> to vector<16xf32>
        %mul3A_201 = vector.broadcast %squeeze3A_194 : f32 to vector<16xf32>
        %mul3A_202 = arith.mulf %get3A_200, %mul3A_201 : vector<16xf32>
        %add3A_203 = arith.constant 3 : i32
        %add3A_204 = arith.addi %add3A_140, %add3A_203 : i32
        %swap3A_205 = arith.index_cast %add3A_204 : i32 to index
        %swap3A_206 = arith.constant 0 : index
        %swap3A_207 = tpu.vector_load %arg12[%swap3A_205, %swap3A_206] {strides = array<i32>} : memref<128x16xf32, #tpu.memory_space<vmem>>, vector<1x16xf32>,
        %swap3A_208 = vector.shape_cast %swap3A_207 : vector<1x16xf32> to vector<16xf32>
        %swap3A_209 = vector.shape_cast %mul3A_202 : vector<16xf32> to vector<1x16xf32>
        tpu.vector_store %arg12[%swap3A_205, %swap3A_206], %swap3A_209 {strides = array<i32>} : memref<128x16xf32, #tpu.memory_space<vmem>>, vector<1x16xf32>,
        %slice3A_210 = vector.extract_strided_slice %get3A_144 {offsets = [4], sizes = [1], strides = [1]} : vector<16xf32> to vector<1xf32>
        %squeeze3A_211 = vector.extract %slice3A_210[0] : f32 from vector<1xf32>
        %add3A_212 = arith.constant 4 : i32
        %add3A_213 = arith.addi %add3A_140, %add3A_212 : i32
        %get3A_214 = arith.index_cast %add3A_213 : i32 to index
        %get3A_215 = arith.constant 0 : index
        %get3A_216 = tpu.vector_load %arg12[%get3A_214, %get3A_215] {strides = array<i32>} : memref<128x16xf32, #tpu.memory_space<vmem>>, vector<1x16xf32>,
        %get3A_217 = vector.shape_cast %get3A_216 : vector<1x16xf32> to vector<16xf32>
        %mul3A_218 = vector.broadcast %squeeze3A_211 : f32 to vector<16xf32>
        %mul3A_219 = arith.mulf %get3A_217, %mul3A_218 : vector<16xf32>
        %add3A_220 = arith.constant 4 : i32
        %add3A_221 = arith.addi %add3A_140, %add3A_220 : i32
        %swap3A_222 = arith.index_cast %add3A_221 : i32 to index
        %swap3A_223 = arith.constant 0 : index
        %swap3A_224 = tpu.vector_load %arg12[%swap3A_222, %swap3A_223] {strides = array<i32>} : memref<128x16xf32, #tpu.memory_space<vmem>>, vector<1x16xf32>,
        %swap3A_225 = vector.shape_cast %swap3A_224 : vector<1x16xf32> to vector<16xf32>
        %swap3A_226 = vector.shape_cast %mul3A_219 : vector<16xf32> to vector<1x16xf32>
        tpu.vector_store %arg12[%swap3A_222, %swap3A_223], %swap3A_226 {strides = array<i32>} : memref<128x16xf32, #tpu.memory_space<vmem>>, vector<1x16xf32>,
        %slice3A_227 = vector.extract_strided_slice %get3A_144 {offsets = [5], sizes = [1], strides = [1]} : vector<16xf32> to vector<1xf32>
        %squeeze3A_228 = vector.extract %slice3A_227[0] : f32 from vector<1xf32>
        %add3A_229 = arith.constant 5 : i32
        %add3A_230 = arith.addi %add3A_140, %add3A_229 : i32
        %get3A_231 = arith.index_cast %add3A_230 : i32 to index
        %get3A_232 = arith.constant 0 : index
        %get3A_233 = tpu.vector_load %arg12[%get3A_231, %get3A_232] {strides = array<i32>} : memref<128x16xf32, #tpu.memory_space<vmem>>, vector<1x16xf32>,
        %get3A_234 = vector.shape_cast %get3A_233 : vector<1x16xf32> to vector<16xf32>
        %mul3A_235 = vector.broadcast %squeeze3A_228 : f32 to vector<16xf32>
        %mul3A_236 = arith.mulf %get3A_234, %mul3A_235 : vector<16xf32>
        %add3A_237 = arith.constant 5 : i32
        %add3A_238 = arith.addi %add3A_140, %add3A_237 : i32
        %swap3A_239 = arith.index_cast %add3A_238 : i32 to index
        %swap3A_240 = arith.constant 0 : index
        %swap3A_241 = tpu.vector_load %arg12[%swap3A_239, %swap3A_240] {strides = array<i32>} : memref<128x16xf32, #tpu.memory_space<vmem>>, vector<1x16xf32>,
        %swap3A_242 = vector.shape_cast %swap3A_241 : vector<1x16xf32> to vector<16xf32>
        %swap3A_243 = vector.shape_cast %mul3A_236 : vector<16xf32> to vector<1x16xf32>
        tpu.vector_store %arg12[%swap3A_239, %swap3A_240], %swap3A_243 {strides = array<i32>} : memref<128x16xf32, #tpu.memory_space<vmem>>, vector<1x16xf32>,
        %slice3A_244 = vector.extract_strided_slice %get3A_144 {offsets = [6], sizes = [1], strides = [1]} : vector<16xf32> to vector<1xf32>
        %squeeze3A_245 = vector.extract %slice3A_244[0] : f32 from vector<1xf32>
        %add3A_246 = arith.constant 6 : i32
        %add3A_247 = arith.addi %add3A_140, %add3A_246 : i32
        %get3A_248 = arith.index_cast %add3A_247 : i32 to index
        %get3A_249 = arith.constant 0 : index
        %get3A_250 = tpu.vector_load %arg12[%get3A_248, %get3A_249] {strides = array<i32>} : memref<128x16xf32, #tpu.memory_space<vmem>>, vector<1x16xf32>,
        %get3A_251 = vector.shape_cast %get3A_250 : vector<1x16xf32> to vector<16xf32>
        %mul3A_252 = vector.broadcast %squeeze3A_245 : f32 to vector<16xf32>
        %mul3A_253 = arith.mulf %get3A_251, %mul3A_252 : vector<16xf32>
        %add3A_254 = arith.constant 6 : i32
        %add3A_255 = arith.addi %add3A_140, %add3A_254 : i32
        %swap3A_256 = arith.index_cast %add3A_255 : i32 to index
        %swap3A_257 = arith.constant 0 : index
        %swap3A_258 = tpu.vector_load %arg12[%swap3A_256, %swap3A_257] {strides = array<i32>} : memref<128x16xf32, #tpu.memory_space<vmem>>, vector<1x16xf32>,
        %swap3A_259 = vector.shape_cast %swap3A_258 : vector<1x16xf32> to vector<16xf32>
        %swap3A_260 = vector.shape_cast %mul3A_253 : vector<16xf32> to vector<1x16xf32>
        tpu.vector_store %arg12[%swap3A_256, %swap3A_257], %swap3A_260 {strides = array<i32>} : memref<128x16xf32, #tpu.memory_space<vmem>>, vector<1x16xf32>,
        %slice3A_261 = vector.extract_strided_slice %get3A_144 {offsets = [7], sizes = [1], strides = [1]} : vector<16xf32> to vector<1xf32>
        %squeeze3A_262 = vector.extract %slice3A_261[0] : f32 from vector<1xf32>
        %add3A_263 = arith.constant 7 : i32
        %add3A_264 = arith.addi %add3A_140, %add3A_263 : i32
        %get3A_265 = arith.index_cast %add3A_264 : i32 to index
        %get3A_266 = arith.constant 0 : index
        %get3A_267 = tpu.vector_load %arg12[%get3A_265, %get3A_266] {strides = array<i32>} : memref<128x16xf32, #tpu.memory_space<vmem>>, vector<1x16xf32>,
        %get3A_268 = vector.shape_cast %get3A_267 : vector<1x16xf32> to vector<16xf32>
        %mul3A_269 = vector.broadcast %squeeze3A_262 : f32 to vector<16xf32>
        %mul3A_270 = arith.mulf %get3A_268, %mul3A_269 : vector<16xf32>
        %add3A_271 = arith.constant 7 : i32
        %add3A_272 = arith.addi %add3A_140, %add3A_271 : i32
        %swap3A_273 = arith.index_cast %add3A_272 : i32 to index
        %swap3A_274 = arith.constant 0 : index
        %swap3A_275 = tpu.vector_load %arg12[%swap3A_273, %swap3A_274] {strides = array<i32>} : memref<128x16xf32, #tpu.memory_space<vmem>>, vector<1x16xf32>,
        %swap3A_276 = vector.shape_cast %swap3A_275 : vector<1x16xf32> to vector<16xf32>
        %swap3A_277 = vector.shape_cast %mul3A_270 : vector<16xf32> to vector<1x16xf32>
        tpu.vector_store %arg12[%swap3A_273, %swap3A_274], %swap3A_277 {strides = array<i32>} : memref<128x16xf32, #tpu.memory_space<vmem>>, vector<1x16xf32>,
        %slice3A_278 = vector.extract_strided_slice %get3A_144 {offsets = [8], sizes = [1], strides = [1]} : vector<16xf32> to vector<1xf32>
        %squeeze3A_279 = vector.extract %slice3A_278[0] : f32 from vector<1xf32>
        %add3A_280 = arith.constant 8 : i32
        %add3A_281 = arith.addi %add3A_140, %add3A_280 : i32
        %get3A_282 = arith.index_cast %add3A_281 : i32 to index
        %get3A_283 = arith.constant 0 : index
        %get3A_284 = tpu.vector_load %arg12[%get3A_282, %get3A_283] {strides = array<i32>} : memref<128x16xf32, #tpu.memory_space<vmem>>, vector<1x16xf32>,
        %get3A_285 = vector.shape_cast %get3A_284 : vector<1x16xf32> to vector<16xf32>
        %mul3A_286 = vector.broadcast %squeeze3A_279 : f32 to vector<16xf32>
        %mul3A_287 = arith.mulf %get3A_285, %mul3A_286 : vector<16xf32>
        %add3A_288 = arith.constant 8 : i32
        %add3A_289 = arith.addi %add3A_140, %add3A_288 : i32
        %swap3A_290 = arith.index_cast %add3A_289 : i32 to index
        %swap3A_291 = arith.constant 0 : index
        %swap3A_292 = tpu.vector_load %arg12[%swap3A_290, %swap3A_291] {strides = array<i32>} : memref<128x16xf32, #tpu.memory_space<vmem>>, vector<1x16xf32>,
        %swap3A_293 = vector.shape_cast %swap3A_292 : vector<1x16xf32> to vector<16xf32>
        %swap3A_294 = vector.shape_cast %mul3A_287 : vector<16xf32> to vector<1x16xf32>
        tpu.vector_store %arg12[%swap3A_290, %swap3A_291], %swap3A_294 {strides = array<i32>} : memref<128x16xf32, #tpu.memory_space<vmem>>, vector<1x16xf32>,
        %slice3A_295 = vector.extract_strided_slice %get3A_144 {offsets = [9], sizes = [1], strides = [1]} : vector<16xf32> to vector<1xf32>
        %squeeze3A_296 = vector.extract %slice3A_295[0] : f32 from vector<1xf32>
        %add3A_297 = arith.constant 9 : i32
        %add3A_298 = arith.addi %add3A_140, %add3A_297 : i32
        %get3A_299 = arith.index_cast %add3A_298 : i32 to index
        %get3A_300 = arith.constant 0 : index
        %get3A_301 = tpu.vector_load %arg12[%get3A_299, %get3A_300] {strides = array<i32>} : memref<128x16xf32, #tpu.memory_space<vmem>>, vector<1x16xf32>,
        %get3A_302 = vector.shape_cast %get3A_301 : vector<1x16xf32> to vector<16xf32>
        %mul3A_303 = vector.broadcast %squeeze3A_296 : f32 to vector<16xf32>
        %mul3A_304 = arith.mulf %get3A_302, %mul3A_303 : vector<16xf32>
        %add3A_305 = arith.constant 9 : i32
        %add3A_306 = arith.addi %add3A_140, %add3A_305 : i32
        %swap3A_307 = arith.index_cast %add3A_306 : i32 to index
        %swap3A_308 = arith.constant 0 : index
        %swap3A_309 = tpu.vector_load %arg12[%swap3A_307, %swap3A_308] {strides = array<i32>} : memref<128x16xf32, #tpu.memory_space<vmem>>, vector<1x16xf32>,
        %swap3A_310 = vector.shape_cast %swap3A_309 : vector<1x16xf32> to vector<16xf32>
        %swap3A_311 = vector.shape_cast %mul3A_304 : vector<16xf32> to vector<1x16xf32>
        tpu.vector_store %arg12[%swap3A_307, %swap3A_308], %swap3A_311 {strides = array<i32>} : memref<128x16xf32, #tpu.memory_space<vmem>>, vector<1x16xf32>,
        %slice3A_312 = vector.extract_strided_slice %get3A_144 {offsets = [10], sizes = [1], strides = [1]} : vector<16xf32> to vector<1xf32>
        %squeeze3A_313 = vector.extract %slice3A_312[0] : f32 from vector<1xf32>
        %add3A_314 = arith.constant 10 : i32
        %add3A_315 = arith.addi %add3A_140, %add3A_314 : i32
        %get3A_316 = arith.index_cast %add3A_315 : i32 to index
        %get3A_317 = arith.constant 0 : index
        %get3A_318 = tpu.vector_load %arg12[%get3A_316, %get3A_317] {strides = array<i32>} : memref<128x16xf32, #tpu.memory_space<vmem>>, vector<1x16xf32>,
        %get3A_319 = vector.shape_cast %get3A_318 : vector<1x16xf32> to vector<16xf32>
        %mul3A_320 = vector.broadcast %squeeze3A_313 : f32 to vector<16xf32>
        %mul3A_321 = arith.mulf %get3A_319, %mul3A_320 : vector<16xf32>
        %add3A_322 = arith.constant 10 : i32
        %add3A_323 = arith.addi %add3A_140, %add3A_322 : i32
        %swap3A_324 = arith.index_cast %add3A_323 : i32 to index
        %swap3A_325 = arith.constant 0 : index
        %swap3A_326 = tpu.vector_load %arg12[%swap3A_324, %swap3A_325] {strides = array<i32>} : memref<128x16xf32, #tpu.memory_space<vmem>>, vector<1x16xf32>,
        %swap3A_327 = vector.shape_cast %swap3A_326 : vector<1x16xf32> to vector<16xf32>
        %swap3A_328 = vector.shape_cast %mul3A_321 : vector<16xf32> to vector<1x16xf32>
        tpu.vector_store %arg12[%swap3A_324, %swap3A_325], %swap3A_328 {strides = array<i32>} : memref<128x16xf32, #tpu.memory_space<vmem>>, vector<1x16xf32>,
        %slice3A_329 = vector.extract_strided_slice %get3A_144 {offsets = [11], sizes = [1], strides = [1]} : vector<16xf32> to vector<1xf32>
        %squeeze3A_330 = vector.extract %slice3A_329[0] : f32 from vector<1xf32>
        %add3A_331 = arith.constant 11 : i32
        %add3A_332 = arith.addi %add3A_140, %add3A_331 : i32
        %get3A_333 = arith.index_cast %add3A_332 : i32 to index
        %get3A_334 = arith.constant 0 : index
        %get3A_335 = tpu.vector_load %arg12[%get3A_333, %get3A_334] {strides = array<i32>} : memref<128x16xf32, #tpu.memory_space<vmem>>, vector<1x16xf32>,
        %get3A_336 = vector.shape_cast %get3A_335 : vector<1x16xf32> to vector<16xf32>
        %mul3A_337 = vector.broadcast %squeeze3A_330 : f32 to vector<16xf32>
        %mul3A_338 = arith.mulf %get3A_336, %mul3A_337 : vector<16xf32>
        %add3A_339 = arith.constant 11 : i32
        %add3A_340 = arith.addi %add3A_140, %add3A_339 : i32
        %swap3A_341 = arith.index_cast %add3A_340 : i32 to index
        %swap3A_342 = arith.constant 0 : index
        %swap3A_343 = tpu.vector_load %arg12[%swap3A_341, %swap3A_342] {strides = array<i32>} : memref<128x16xf32, #tpu.memory_space<vmem>>, vector<1x16xf32>,
        %swap3A_344 = vector.shape_cast %swap3A_343 : vector<1x16xf32> to vector<16xf32>
        %swap3A_345 = vector.shape_cast %mul3A_338 : vector<16xf32> to vector<1x16xf32>
        tpu.vector_store %arg12[%swap3A_341, %swap3A_342], %swap3A_345 {strides = array<i32>} : memref<128x16xf32, #tpu.memory_space<vmem>>, vector<1x16xf32>,
        %slice3A_346 = vector.extract_strided_slice %get3A_144 {offsets = [12], sizes = [1], strides = [1]} : vector<16xf32> to vector<1xf32>
        %squeeze3A_347 = vector.extract %slice3A_346[0] : f32 from vector<1xf32>
        %add3A_348 = arith.constant 12 : i32
        %add3A_349 = arith.addi %add3A_140, %add3A_348 : i32
        %get3A_350 = arith.index_cast %add3A_349 : i32 to index
        %get3A_351 = arith.constant 0 : index
        %get3A_352 = tpu.vector_load %arg12[%get3A_350, %get3A_351] {strides = array<i32>} : memref<128x16xf32, #tpu.memory_space<vmem>>, vector<1x16xf32>,
        %get3A_353 = vector.shape_cast %get3A_352 : vector<1x16xf32> to vector<16xf32>
        %mul3A_354 = vector.broadcast %squeeze3A_347 : f32 to vector<16xf32>
        %mul3A_355 = arith.mulf %get3A_353, %mul3A_354 : vector<16xf32>
        %add3A_356 = arith.constant 12 : i32
        %add3A_357 = arith.addi %add3A_140, %add3A_356 : i32
        %swap3A_358 = arith.index_cast %add3A_357 : i32 to index
        %swap3A_359 = arith.constant 0 : index
        %swap3A_360 = tpu.vector_load %arg12[%swap3A_358, %swap3A_359] {strides = array<i32>} : memref<128x16xf32, #tpu.memory_space<vmem>>, vector<1x16xf32>,
        %swap3A_361 = vector.shape_cast %swap3A_360 : vector<1x16xf32> to vector<16xf32>
        %swap3A_362 = vector.shape_cast %mul3A_355 : vector<16xf32> to vector<1x16xf32>
        tpu.vector_store %arg12[%swap3A_358, %swap3A_359], %swap3A_362 {strides = array<i32>} : memref<128x16xf32, #tpu.memory_space<vmem>>, vector<1x16xf32>,
        %slice3A_363 = vector.extract_strided_slice %get3A_144 {offsets = [13], sizes = [1], strides = [1]} : vector<16xf32> to vector<1xf32>
        %squeeze3A_364 = vector.extract %slice3A_363[0] : f32 from vector<1xf32>
        %add3A_365 = arith.constant 13 : i32
        %add3A_366 = arith.addi %add3A_140, %add3A_365 : i32
        %get3A_367 = arith.index_cast %add3A_366 : i32 to index
        %get3A_368 = arith.constant 0 : index
        %get3A_369 = tpu.vector_load %arg12[%get3A_367, %get3A_368] {strides = array<i32>} : memref<128x16xf32, #tpu.memory_space<vmem>>, vector<1x16xf32>,
        %get3A_370 = vector.shape_cast %get3A_369 : vector<1x16xf32> to vector<16xf32>
        %mul3A_371 = vector.broadcast %squeeze3A_364 : f32 to vector<16xf32>
        %mul3A_372 = arith.mulf %get3A_370, %mul3A_371 : vector<16xf32>
        %add3A_373 = arith.constant 13 : i32
        %add3A_374 = arith.addi %add3A_140, %add3A_373 : i32
        %swap3A_375 = arith.index_cast %add3A_374 : i32 to index
        %swap3A_376 = arith.constant 0 : index
        %swap3A_377 = tpu.vector_load %arg12[%swap3A_375, %swap3A_376] {strides = array<i32>} : memref<128x16xf32, #tpu.memory_space<vmem>>, vector<1x16xf32>,
        %swap3A_378 = vector.shape_cast %swap3A_377 : vector<1x16xf32> to vector<16xf32>
        %swap3A_379 = vector.shape_cast %mul3A_372 : vector<16xf32> to vector<1x16xf32>
        tpu.vector_store %arg12[%swap3A_375, %swap3A_376], %swap3A_379 {strides = array<i32>} : memref<128x16xf32, #tpu.memory_space<vmem>>, vector<1x16xf32>,
        %slice3A_380 = vector.extract_strided_slice %get3A_144 {offsets = [14], sizes = [1], strides = [1]} : vector<16xf32> to vector<1xf32>
        %squeeze3A_381 = vector.extract %slice3A_380[0] : f32 from vector<1xf32>
        %add3A_382 = arith.constant 14 : i32
        %add3A_383 = arith.addi %add3A_140, %add3A_382 : i32
        %get3A_384 = arith.index_cast %add3A_383 : i32 to index
        %get3A_385 = arith.constant 0 : index
        %get3A_386 = tpu.vector_load %arg12[%get3A_384, %get3A_385] {strides = array<i32>} : memref<128x16xf32, #tpu.memory_space<vmem>>, vector<1x16xf32>,
        %get3A_387 = vector.shape_cast %get3A_386 : vector<1x16xf32> to vector<16xf32>
        %mul3A_388 = vector.broadcast %squeeze3A_381 : f32 to vector<16xf32>
        %mul3A_389 = arith.mulf %get3A_387, %mul3A_388 : vector<16xf32>
        %add3A_390 = arith.constant 14 : i32
        %add3A_391 = arith.addi %add3A_140, %add3A_390 : i32
        %swap3A_392 = arith.index_cast %add3A_391 : i32 to index
        %swap3A_393 = arith.constant 0 : index
        %swap3A_394 = tpu.vector_load %arg12[%swap3A_392, %swap3A_393] {strides = array<i32>} : memref<128x16xf32, #tpu.memory_space<vmem>>, vector<1x16xf32>,
        %swap3A_395 = vector.shape_cast %swap3A_394 : vector<1x16xf32> to vector<16xf32>
        %swap3A_396 = vector.shape_cast %mul3A_389 : vector<16xf32> to vector<1x16xf32>
        tpu.vector_store %arg12[%swap3A_392, %swap3A_393], %swap3A_396 {strides = array<i32>} : memref<128x16xf32, #tpu.memory_space<vmem>>, vector<1x16xf32>,
        %slice3A_397 = vector.extract_strided_slice %get3A_144 {offsets = [15], sizes = [1], strides = [1]} : vector<16xf32> to vector<1xf32>
        %squeeze3A_398 = vector.extract %slice3A_397[0] : f32 from vector<1xf32>
        %add3A_399 = arith.constant 15 : i32
        %add3A_400 = arith.addi %add3A_140, %add3A_399 : i32
        %get3A_401 = arith.index_cast %add3A_400 : i32 to index
        %get3A_402 = arith.constant 0 : index
        %get3A_403 = tpu.vector_load %arg12[%get3A_401, %get3A_402] {strides = array<i32>} : memref<128x16xf32, #tpu.memory_space<vmem>>, vector<1x16xf32>,
        %get3A_404 = vector.shape_cast %get3A_403 : vector<1x16xf32> to vector<16xf32>
        %mul3A_405 = vector.broadcast %squeeze3A_398 : f32 to vector<16xf32>
        %mul3A_406 = arith.mulf %get3A_404, %mul3A_405 : vector<16xf32>
        %add3A_407 = arith.constant 15 : i32
        %add3A_408 = arith.addi %add3A_140, %add3A_407 : i32
        %swap3A_409 = arith.index_cast %add3A_408 : i32 to index
        %swap3A_410 = arith.constant 0 : index
        %swap3A_411 = tpu.vector_load %arg12[%swap3A_409, %swap3A_410] {strides = array<i32>} : memref<128x16xf32, #tpu.memory_space<vmem>>, vector<1x16xf32>,
        %swap3A_412 = vector.shape_cast %swap3A_411 : vector<1x16xf32> to vector<16xf32>
        %swap3A_413 = vector.shape_cast %mul3A_406 : vector<16xf32> to vector<1x16xf32>
        tpu.vector_store %arg12[%swap3A_409, %swap3A_410], %swap3A_413 {strides = array<i32>} : memref<128x16xf32, #tpu.memory_space<vmem>>, vector<1x16xf32>,
      }
      %scan3A_134 = arith.constant 8 : i32
      %run_scoped3A_135 = arith.constant 78 : i32
      "tpu.region"() ({
        %run_scoped3A_136 = tpu.sem_alloc : memref<!tpu.dma_semaphore, #tpu.memory_space<semaphore_mem>>
        %dma_start3A_137 = arith.constant 0 : i32
        %dma_start3A_138 = tpu.memref_slice %arg10[%run_scoped3A_135, %dma_start3A_137] : memref<79x128xi32, #tpu.memory_space<vmem>> -> memref<1x128xi32, #tpu.memory_space<vmem>>
        %dma_start3A_139 = tpu.memref_squeeze %dma_start3A_138 : memref<1x128xi32, #tpu.memory_space<vmem>> -> memref<128xi32, #tpu.memory_space<vmem>>
        %dma_start3A_140 = arith.constant 0 : i32
        %dma_start3A_141 = arith.constant 0 : i32
        %dma_start3A_142 = tpu.memref_slice %arg7[%dma_start3A_140, %dma_start3A_141] : memref<10112x16xf32, #tpu.memory_space<vmem_shared>> -> memref<10112x16xf32, #tpu.memory_space<vmem_shared>>
        tpu.enqueue_indirect_dma source(%arg12 : memref<128x16xf32, #tpu.memory_space<vmem>>) target(%dma_start3A_142 : memref<10112x16xf32, #tpu.memory_space<vmem_shared>>) offsets(%dma_start3A_139 : memref<128xi32, #tpu.memory_space<vmem>>) semaphore(%run_scoped3A_136 : memref<!tpu.dma_semaphore, #tpu.memory_space<semaphore_mem>>) {add = true}
        %dma_wait3A_143 = arith.constant 0 : i32
        %dma_wait3A_144 = tpu.memref_slice %arg10[%run_scoped3A_135, %dma_wait3A_143] : memref<79x128xi32, #tpu.memory_space<vmem>> -> memref<1x128xi32, #tpu.memory_space<vmem>>
        %dma_wait3A_145 = tpu.memref_squeeze %dma_wait3A_144 : memref<1x128xi32, #tpu.memory_space<vmem>> -> memref<128xi32, #tpu.memory_space<vmem>>
        %dma_wait3A_146 = arith.constant 0 : i32
        %dma_wait3A_147 = arith.constant 0 : i32
        %dma_wait3A_148 = tpu.memref_slice %arg7[%dma_wait3A_146, %dma_wait3A_147] : memref<10112x16xf32, #tpu.memory_space<vmem_shared>> -> memref<10112x16xf32, #tpu.memory_space<vmem_shared>>
        tpu.wait_indirect_dma semaphore(%run_scoped3A_136 : memref<!tpu.dma_semaphore, #tpu.memory_space<semaphore_mem>>) src(%arg12 : memref<128x16xf32, #tpu.memory_space<vmem>>) dst(%dma_wait3A_148 : memref<10112x16xf32, #tpu.memory_space<vmem_shared>>)
        tpu.yield
      }) : () -> ()
    } else {
    }
    %barrier3A_125 = arith.constant 0 : index
    tpu.barrier barrier_id(%barrier3A_125)
    %mul3A_126 = arith.constant 632 : i32
    %mul3A_127 = arith.muli %arg1, %mul3A_126 : i32
    %mul3A_128 = arith.constant 632 : i32
    %mul3A_129 = arith.muli %arg1, %mul3A_128 : i32
    "tpu.region"() ({
      %run_scoped3A = tpu.sem_alloc : memref<!tpu.dma_semaphore, #tpu.memory_space<semaphore_mem>>
      %dma_start3A_130 = arith.constant 0 : i32
      %dma_start3A_131 = tpu.memref_slice %arg6[%arg0, %mul3A_129, %dma_start3A_130] : memref<2x10112x16xf32, #tpu.memory_space<hbm>> -> memref<1x632x16xf32, #tpu.memory_space<hbm>>
      %dma_start3A_132 = tpu.memref_squeeze %dma_start3A_131 : memref<1x632x16xf32, #tpu.memory_space<hbm>> -> memref<632x16xf32, #tpu.memory_space<hbm>>
      %dma_start3A_133 = arith.constant 0 : i32
      %dma_start3A_134 = tpu.memref_slice %arg7[%mul3A_127, %dma_start3A_133] : memref<10112x16xf32, #tpu.memory_space<vmem_shared>> -> memref<632x16xf32, #tpu.memory_space<vmem_shared>>
      tpu.enqueue_dma source(%dma_start3A_134 : memref<632x16xf32, #tpu.memory_space<vmem_shared>>) target(%dma_start3A_132 : memref<632x16xf32, #tpu.memory_space<hbm>>) target_semaphore(%run_scoped3A : memref<!tpu.dma_semaphore, #tpu.memory_space<semaphore_mem>>)
      %dma_wait3A_135 = arith.constant 0 : i32
      %dma_wait3A_136 = tpu.memref_slice %arg6[%arg0, %mul3A_129, %dma_wait3A_135] : memref<2x10112x16xf32, #tpu.memory_space<hbm>> -> memref<1x632x16xf32, #tpu.memory_space<hbm>>
      %dma_wait3A_137 = tpu.memref_squeeze %dma_wait3A_136 : memref<1x632x16xf32, #tpu.memory_space<hbm>> -> memref<632x16xf32, #tpu.memory_space<hbm>>
      %dma_wait3A_138 = arith.constant 0 : i32
      %dma_wait3A_139 = tpu.memref_slice %arg7[%mul3A_127, %dma_wait3A_138] : memref<10112x16xf32, #tpu.memory_space<vmem_shared>> -> memref<632x16xf32, #tpu.memory_space<vmem_shared>>
      tpu.wait_dma2 semaphore(%run_scoped3A : memref<!tpu.dma_semaphore, #tpu.memory_space<semaphore_mem>>) src(%dma_wait3A_139 : memref<632x16xf32, #tpu.memory_space<vmem_shared>>) dst(%dma_wait3A_137 : memref<632x16xf32, #tpu.memory_space<hbm>>)
      tpu.yield
    }) : () -> ()
    return
  }
}

module attributes {stable_mosaic.version = 14 : i64} {
  func.func @body(%arg0: memref<2x10112xf32, #tpu.memory_space<vmem>>, %arg1: memref<10000x32xf32, #tpu.memory_space<vmem>>, %arg2: memref<10000x32xf32, #tpu.memory_space<vmem>>) attributes {dimension_semantics = [], scalar_prefetch = 0 : i64, scratch_operands = 0 : i64, tpu.core_type = #tpu.core_type<tc>} {
    %get3A = arith.constant 0 : index
    %get3A_0 = arith.constant 0 : index
    %get3A_1 = vector.load %arg1[%get3A, %get3A_0] : memref<10000x32xf32, #tpu.memory_space<vmem>>, vector<10000x32xf32>
    %get3A_2 = arith.constant 0 : index
    %get3A_3 = arith.constant 0 : index
    %get3A_4 = vector.load %arg0[%get3A_2, %get3A_3] : memref<2x10112xf32, #tpu.memory_space<vmem>>, vector<1x10112xf32>
    %get3A_5 = vector.shape_cast %get3A_4 : vector<1x10112xf32> to vector<10112xf32>
    %get3A_6 = arith.constant 1 : index
    %get3A_7 = arith.constant 0 : index
    %get3A_8 = vector.load %arg0[%get3A_6, %get3A_7] : memref<2x10112xf32, #tpu.memory_space<vmem>>, vector<1x10112xf32>
    %get3A_9 = vector.shape_cast %get3A_8 : vector<1x10112xf32> to vector<10112xf32>
    %add3A = arith.addf %get3A_5, %get3A_9 : vector<10112xf32>
    %slice3A = vector.extract_strided_slice %add3A {offsets = [0], sizes = [10000], strides = [1]} : vector<10112xf32> to vector<10000xf32>
    %reshape3A = vector.shape_cast %slice3A : vector<10000xf32> to vector<10000x1xf32>
    %add3A_10 = arith.constant 1.000000e+00 : f32
    %add3A_11 = vector.broadcast %add3A_10 : f32 to vector<10000x1xf32>
    %add3A_12 = arith.addf %reshape3A, %add3A_11 : vector<10000x1xf32>
    %rsqrt3A = math.rsqrt %add3A_12 : vector<10000x1xf32>
    %mul3A = vector.broadcast %rsqrt3A : vector<10000x1xf32> to vector<10000x32xf32>
    %mul3A_13 = arith.mulf %get3A_1, %mul3A : vector<10000x32xf32>
    %swap3A = arith.constant 0 : index
    %swap3A_14 = arith.constant 0 : index
    %swap3A_15 = vector.load %arg2[%swap3A, %swap3A_14] : memref<10000x32xf32, #tpu.memory_space<vmem>>, vector<10000x32xf32>
    tpu.vector_store %arg2[%swap3A, %swap3A_14], %mul3A_13 {strides = array<i32>} : memref<10000x32xf32, #tpu.memory_space<vmem>>, vector<10000x32xf32>,
    return
  }
}

module attributes {stable_mosaic.version = 14 : i64} {
  func.func @body(%arg0: memref<10000x128xf32, #tpu.memory_space<vmem>>, %arg1: memref<128x32xf32, #tpu.memory_space<vmem>>, %arg2: memref<10000x32xf32, #tpu.memory_space<vmem>>) attributes {dimension_semantics = [], scalar_prefetch = 0 : i64, scratch_operands = 0 : i64, tpu.core_type = #tpu.core_type<tc>} {
    %get3A = arith.constant 0 : index
    %get3A_0 = arith.constant 0 : index
    %get3A_1 = vector.load %arg0[%get3A, %get3A_0] : memref<10000x128xf32, #tpu.memory_space<vmem>>, vector<10000x128xf32>
    %get3A_2 = arith.constant 0 : index
    %get3A_3 = arith.constant 0 : index
    %get3A_4 = vector.load %arg1[%get3A_2, %get3A_3] : memref<128x32xf32, #tpu.memory_space<vmem>>, vector<128x32xf32>
    %dot_general3A = arith.constant dense<0.000000e+00> : vector<10000x32xf32>
    %dot_general3A_5 = tpu.matmul %get3A_1, %get3A_4, %dot_general3A {dimension_numbers = #tpu.dot_dimension_numbers<[1], [0], [0], [1], [0, 0, 1, 1], [], []>, transpose_lhs_hint = false} : vector<10000x128xf32>, vector<128x32xf32>, vector<10000x32xf32> -> vector<10000x32xf32>
    %swap3A = arith.constant 0 : index
    %swap3A_6 = arith.constant 0 : index
    %swap3A_7 = vector.load %arg2[%swap3A, %swap3A_6] : memref<10000x32xf32, #tpu.memory_space<vmem>>, vector<10000x32xf32>
    tpu.vector_store %arg2[%swap3A, %swap3A_6], %dot_general3A_5 {strides = array<i32>} : memref<10000x32xf32, #tpu.memory_space<vmem>>, vector<10000x32xf32>,
    return
  }
}

module attributes {stable_mosaic.version = 14 : i64} {
  func.func @body(%arg0: memref<2x10112x32xf32, #tpu.memory_space<vmem>>, %arg1: memref<10000x32xf32, #tpu.memory_space<vmem>>, %arg2: memref<2x10112xf32, #tpu.memory_space<vmem>>, %arg3: memref<32xf32, #tpu.memory_space<vmem>>, %arg4: memref<32x16xf32, #tpu.memory_space<vmem>>, %arg5: memref<10000x16xf32, #tpu.memory_space<vmem>>) attributes {dimension_semantics = [], scalar_prefetch = 0 : i64, scratch_operands = 0 : i64, tpu.core_type = #tpu.core_type<tc>} {
    %get3A = arith.constant 0 : index
    %get3A_0 = arith.constant 0 : index
    %get3A_1 = vector.load %arg2[%get3A, %get3A_0] : memref<2x10112xf32, #tpu.memory_space<vmem>>, vector<1x10112xf32>
    %get3A_2 = vector.shape_cast %get3A_1 : vector<1x10112xf32> to vector<10112xf32>
    %get3A_3 = arith.constant 1 : index
    %get3A_4 = arith.constant 0 : index
    %get3A_5 = vector.load %arg2[%get3A_3, %get3A_4] : memref<2x10112xf32, #tpu.memory_space<vmem>>, vector<1x10112xf32>
    %get3A_6 = vector.shape_cast %get3A_5 : vector<1x10112xf32> to vector<10112xf32>
    %add3A = arith.addf %get3A_2, %get3A_6 : vector<10112xf32>
    %slice3A = vector.extract_strided_slice %add3A {offsets = [0], sizes = [10000], strides = [1]} : vector<10112xf32> to vector<10000xf32>
    %reshape3A = vector.shape_cast %slice3A : vector<10000xf32> to vector<10000x1xf32>
    %add3A_7 = arith.constant 1.000000e+00 : f32
    %add3A_8 = vector.broadcast %add3A_7 : f32 to vector<10000x1xf32>
    %add3A_9 = arith.addf %reshape3A, %add3A_8 : vector<10000x1xf32>
    %rsqrt3A = math.rsqrt %add3A_9 : vector<10000x1xf32>
    %get3A_10 = arith.constant 0 : index
    %get3A_11 = arith.constant 0 : index
    %get3A_12 = arith.constant 0 : index
    %get3A_13 = vector.load %arg0[%get3A_10, %get3A_11, %get3A_12] : memref<2x10112x32xf32, #tpu.memory_space<vmem>>, vector<1x10000x32xf32>
    %get3A_14 = vector.shape_cast %get3A_13 : vector<1x10000x32xf32> to vector<10000x32xf32>
    %get3A_15 = arith.constant 1 : index
    %get3A_16 = arith.constant 0 : index
    %get3A_17 = arith.constant 0 : index
    %get3A_18 = vector.load %arg0[%get3A_15, %get3A_16, %get3A_17] : memref<2x10112x32xf32, #tpu.memory_space<vmem>>, vector<1x10000x32xf32>
    %get3A_19 = vector.shape_cast %get3A_18 : vector<1x10000x32xf32> to vector<10000x32xf32>
    %add3A_20 = arith.addf %get3A_14, %get3A_19 : vector<10000x32xf32>
    %get3A_21 = arith.constant 0 : index
    %get3A_22 = arith.constant 0 : index
    %get3A_23 = vector.load %arg1[%get3A_21, %get3A_22] : memref<10000x32xf32, #tpu.memory_space<vmem>>, vector<10000x32xf32>
    %add3A_24 = arith.addf %add3A_20, %get3A_23 : vector<10000x32xf32>
    %mul3A = vector.broadcast %rsqrt3A : vector<10000x1xf32> to vector<10000x32xf32>
    %mul3A_25 = arith.mulf %mul3A, %add3A_24 : vector<10000x32xf32>
    %get3A_26 = arith.constant 0 : index
    %get3A_27 = vector.load %arg3[%get3A_26] : memref<32xf32, #tpu.memory_space<vmem>>, vector<32xf32>
    %broadcast_in_dim3A = vector.shape_cast %get3A_27 : vector<32xf32> to vector<1x32xf32>
    %add3A_28 = vector.broadcast %broadcast_in_dim3A : vector<1x32xf32> to vector<10000x32xf32>
    %add3A_29 = arith.addf %mul3A_25, %add3A_28 : vector<10000x32xf32>
    %ge3A = arith.constant 0.000000e+00 : f32
    %ge3A_30 = vector.broadcast %ge3A : f32 to vector<10000x32xf32>
    %ge3A_31 = arith.cmpf oge, %add3A_29, %ge3A_30 : vector<10000x32xf32>
    %mul3A_32 = arith.constant 0.00999999977 : f32
    %mul3A_33 = vector.broadcast %mul3A_32 : f32 to vector<10000x32xf32>
    %mul3A_34 = arith.mulf %mul3A_33, %add3A_29 : vector<10000x32xf32>
    %select_n3A = arith.select %ge3A_31, %add3A_29, %mul3A_34 : vector<10000x32xi1>, vector<10000x32xf32>
    %get3A_35 = arith.constant 0 : index
    %get3A_36 = arith.constant 0 : index
    %get3A_37 = vector.load %arg4[%get3A_35, %get3A_36] : memref<32x16xf32, #tpu.memory_space<vmem>>, vector<32x16xf32>
    %dot_general3A = arith.constant dense<0.000000e+00> : vector<10000x16xf32>
    %dot_general3A_38 = tpu.matmul %select_n3A, %get3A_37, %dot_general3A {dimension_numbers = #tpu.dot_dimension_numbers<[1], [0], [0], [1], [0, 0, 1, 1], [], []>, transpose_lhs_hint = false} : vector<10000x32xf32>, vector<32x16xf32>, vector<10000x16xf32> -> vector<10000x16xf32>
    %mul3A_39 = vector.broadcast %rsqrt3A : vector<10000x1xf32> to vector<10000x16xf32>
    %mul3A_40 = arith.mulf %dot_general3A_38, %mul3A_39 : vector<10000x16xf32>
    %swap3A = arith.constant 0 : index
    %swap3A_41 = arith.constant 0 : index
    %swap3A_42 = vector.load %arg5[%swap3A, %swap3A_41] : memref<10000x16xf32, #tpu.memory_space<vmem>>, vector<10000x16xf32>
    tpu.vector_store %arg5[%swap3A, %swap3A_41], %mul3A_40 {strides = array<i32>} : memref<10000x16xf32, #tpu.memory_space<vmem>>, vector<10000x16xf32>,
    return
  }
}

module attributes {stable_mosaic.version = 14 : i64} {
  func.func @body(%arg0: memref<2x10112x16xf32, #tpu.memory_space<vmem>>, %arg1: memref<10000x16xf32, #tpu.memory_space<vmem>>, %arg2: memref<2x10112xf32, #tpu.memory_space<vmem>>, %arg3: memref<16xf32, #tpu.memory_space<vmem>>, %arg4: memref<16x1xf32, #tpu.memory_space<vmem>>, %arg5: memref<1xf32, #tpu.memory_space<vmem>>, %arg6: memref<10000x1xf32, #tpu.memory_space<vmem>>) attributes {dimension_semantics = [], scalar_prefetch = 0 : i64, scratch_operands = 0 : i64, tpu.core_type = #tpu.core_type<tc>} {
    %get3A = arith.constant 0 : index
    %get3A_0 = arith.constant 0 : index
    %get3A_1 = vector.load %arg2[%get3A, %get3A_0] : memref<2x10112xf32, #tpu.memory_space<vmem>>, vector<1x10112xf32>
    %get3A_2 = vector.shape_cast %get3A_1 : vector<1x10112xf32> to vector<10112xf32>
    %get3A_3 = arith.constant 1 : index
    %get3A_4 = arith.constant 0 : index
    %get3A_5 = vector.load %arg2[%get3A_3, %get3A_4] : memref<2x10112xf32, #tpu.memory_space<vmem>>, vector<1x10112xf32>
    %get3A_6 = vector.shape_cast %get3A_5 : vector<1x10112xf32> to vector<10112xf32>
    %add3A = arith.addf %get3A_2, %get3A_6 : vector<10112xf32>
    %slice3A = vector.extract_strided_slice %add3A {offsets = [0], sizes = [10000], strides = [1]} : vector<10112xf32> to vector<10000xf32>
    %reshape3A = vector.shape_cast %slice3A : vector<10000xf32> to vector<10000x1xf32>
    %add3A_7 = arith.constant 1.000000e+00 : f32
    %add3A_8 = vector.broadcast %add3A_7 : f32 to vector<10000x1xf32>
    %add3A_9 = arith.addf %reshape3A, %add3A_8 : vector<10000x1xf32>
    %rsqrt3A = math.rsqrt %add3A_9 : vector<10000x1xf32>
    %get3A_10 = arith.constant 0 : index
    %get3A_11 = arith.constant 0 : index
    %get3A_12 = arith.constant 0 : index
    %get3A_13 = vector.load %arg0[%get3A_10, %get3A_11, %get3A_12] : memref<2x10112x16xf32, #tpu.memory_space<vmem>>, vector<1x10000x16xf32>
    %get3A_14 = vector.shape_cast %get3A_13 : vector<1x10000x16xf32> to vector<10000x16xf32>
    %get3A_15 = arith.constant 1 : index
    %get3A_16 = arith.constant 0 : index
    %get3A_17 = arith.constant 0 : index
    %get3A_18 = vector.load %arg0[%get3A_15, %get3A_16, %get3A_17] : memref<2x10112x16xf32, #tpu.memory_space<vmem>>, vector<1x10000x16xf32>
    %get3A_19 = vector.shape_cast %get3A_18 : vector<1x10000x16xf32> to vector<10000x16xf32>
    %add3A_20 = arith.addf %get3A_14, %get3A_19 : vector<10000x16xf32>
    %get3A_21 = arith.constant 0 : index
    %get3A_22 = arith.constant 0 : index
    %get3A_23 = vector.load %arg1[%get3A_21, %get3A_22] : memref<10000x16xf32, #tpu.memory_space<vmem>>, vector<10000x16xf32>
    %add3A_24 = arith.addf %add3A_20, %get3A_23 : vector<10000x16xf32>
    %mul3A = vector.broadcast %rsqrt3A : vector<10000x1xf32> to vector<10000x16xf32>
    %mul3A_25 = arith.mulf %mul3A, %add3A_24 : vector<10000x16xf32>
    %get3A_26 = arith.constant 0 : index
    %get3A_27 = vector.load %arg3[%get3A_26] : memref<16xf32, #tpu.memory_space<vmem>>, vector<16xf32>
    %broadcast_in_dim3A = vector.shape_cast %get3A_27 : vector<16xf32> to vector<1x16xf32>
    %add3A_28 = vector.broadcast %broadcast_in_dim3A : vector<1x16xf32> to vector<10000x16xf32>
    %add3A_29 = arith.addf %mul3A_25, %add3A_28 : vector<10000x16xf32>
    %ge3A = arith.constant 0.000000e+00 : f32
    %ge3A_30 = vector.broadcast %ge3A : f32 to vector<10000x16xf32>
    %ge3A_31 = arith.cmpf oge, %add3A_29, %ge3A_30 : vector<10000x16xf32>
    %mul3A_32 = arith.constant 0.00999999977 : f32
    %mul3A_33 = vector.broadcast %mul3A_32 : f32 to vector<10000x16xf32>
    %mul3A_34 = arith.mulf %mul3A_33, %add3A_29 : vector<10000x16xf32>
    %select_n3A = arith.select %ge3A_31, %add3A_29, %mul3A_34 : vector<10000x16xi1>, vector<10000x16xf32>
    %get3A_35 = arith.constant 0 : index
    %get3A_36 = arith.constant 0 : index
    %get3A_37 = vector.load %arg4[%get3A_35, %get3A_36] : memref<16x1xf32, #tpu.memory_space<vmem>>, vector<16x1xf32>
    %dot_general3A = arith.constant dense<0.000000e+00> : vector<10000x1xf32>
    %dot_general3A_38 = tpu.matmul %select_n3A, %get3A_37, %dot_general3A {dimension_numbers = #tpu.dot_dimension_numbers<[1], [0], [0], [1], [0, 0, 1, 1], [], []>, transpose_lhs_hint = false} : vector<10000x16xf32>, vector<16x1xf32>, vector<10000x1xf32> -> vector<10000x1xf32>
    %get3A_39 = arith.constant 0 : index
    %get3A_40 = vector.load %arg5[%get3A_39] : memref<1xf32, #tpu.memory_space<vmem>>, vector<1xf32>
    %broadcast_in_dim3A_41 = vector.shape_cast %get3A_40 : vector<1xf32> to vector<1x1xf32>
    %add3A_42 = vector.broadcast %broadcast_in_dim3A_41 : vector<1x1xf32> to vector<10000x1xf32>
    %add3A_43 = arith.addf %dot_general3A_38, %add3A_42 : vector<10000x1xf32>
    %swap3A = arith.constant 0 : index
    %swap3A_44 = arith.constant 0 : index
    %swap3A_45 = vector.load %arg6[%swap3A, %swap3A_44] : memref<10000x1xf32, #tpu.memory_space<vmem>>, vector<10000x1xf32>
    tpu.vector_store %arg6[%swap3A, %swap3A_44], %add3A_43 {strides = array<i32>} : memref<10000x1xf32, #tpu.memory_space<vmem>>, vector<10000x1xf32>,
    return
  }
}

</mosaic_0001>

<sc_bundles>
// kernel: kernel.12.cloned.1.call-start
scs
__scs_entry_jumppad:
0x0: {  	(pc) =	sbr.rel $0x88, $3  }
0x1: {  	(tag) =	ssettag $0x0;
	lr =	simm.s32 $0x1  }
0x2: {  	[smem:$0x3F98] =	sst lr;
	_ =	strace $0xD0000000  }
0x3: {  	_ = 	snop  }
0x4: {  	_ = 	snop  }
0x5: {  	_ = 	snop  }
0x6: {  	_ = 	snop  }
0x7: {  	_ = 	snop  }
__scs_overlays_trampoline_lowered:
0x8: {  	[smem:$0x3FA7] =	sst s0  }
0x9: {  	[smem:$0x3FA8] =	sst s1  }
0xa: {  	[smem:$0x3FA9] =	sst s2  }
0xb: {  	[smem:$0x3FAA] =	sst s3  }
0xc: {  	[smem:$0x3FAB] =	sst s4  }
0xd: {  	[smem:$0x3FAC] =	sst s5  }
0xe: {  	[smem:$0x3FAD] =	sst s6  }
0xf: {  	[smem:$0x3FAE] =	sst s7  }
0x10: {  	[smem:$0x3FAF] =	sst s8  }
0x11: {  	[smem:$0x3FB0] =	sst s9;
	s0 =	simm.s32 @!p0 $0x0  }
0x12: {  	s1 =	sld [smem:$0x3F96];
	s0 =	simm.s32 @p0 $0x1  }
0x13: {  	[smem:$0x3FB1] =	sst s0;
	s0 =	simm.s32 @!p1 $0x0  }
0x14: {  	s2 =	sld [smem:$0x3F95];
	s0 =	simm.s32 @p1 $0x1  }
0x15: {  	[smem:$0x3FB2] =	sst s0;
	s0 =	simm.s32 @!p2 $0x0  }
0x16: {  	s3 =	sld [smem:$0x3FDB];
	s0 =	simm.s32 @p2 $0x1  }
0x17: {  	s4 =	simm.s32 $0x1BF5;
	[smem:$0x3FB4] =	sst s0  }
0x18: {  	s0 =	sld [smem:$0x3F97];
	_ =	swait.ge [sflag:s4], $0x0  }
0x19: {  	s7 =	sld [smem:$0x3F98]  }
0x1a: {  	s8 =	sadd.s32 $0xFFFFE003, lr  }
0x1b: {  	s9 =	sadd.s32 $0xFFFFFEF7, lr;
	s5 =	simm.s32 $0xFFFFFFFF;
	p2 =	slt.u32 s8, $0xFFFFF086  }
0x1c: {  	p1 =	slt.u32 s9, $0xF7A;
	s5 =	simm.s32 @!p2 $0x0  }
0x1d: {  	s5 =	simm.s32 @p1 $0x1;
	p0 =	seq.s32 s7, s2  }
0x1e: {  	s7 =	smul.u32 @!p0 $0xF7A, s2;
	p2 =	seq.s32 @!p0 s5, $0x0  }
0x1f: {  	s9 =	smul.u32 $0xF7A, s1;
	s8 =	simm.s32 @!p0 $0x1BF5;
	p2 =	por !p2, p0  }
0x20: {  	[sflag:s8] =	ssyncset.s32 @!p0 $0xFFFFF086;
	s6 =	sadd.s32 @!p0 s3, s7;
	s7 =	simm.s32 @!p0 $0x108  }
0x21: {  	s3 =	sadd.s32 s3, s9;
	s6 =	sadd.s32 @!p0 $0x88, s6;
	s7 =	simm.s32 @p2 $0x1082  }
0x22: {  	[simem:s7], [sflag:s8] =	dma.local @!p0 [hbm:s6], $0xF7A  }
0x23: {  	s9 =	sor.u32 $0xD0000000, s2;
	s6 =	simm.s32 $0x108;
	_ =	swait.ge @!p0 [sflag:s8], $0x0  }
0x24: {  	s3 =	sadd.s32 $0x88, s3;
	s6 =	simm.s32 @!p1 $0x1082;
	[sflag:s4] =	ssyncset.s32 $0xFFFFF086  }
0x25: {  	[simem:s6], [sflag:s4] =	dma.local [hbm:s3], $0xF7A  }
0x26: {  	[smem:$0x3F98] =	sst s1;
	(tag) =	ssettag s2;
	_ =	strace s9  }
0x27: {  	s1 =	sld [smem:$0x3FA8]  }
0x28: {  	s2 =	sld [smem:$0x3FA9]  }
0x29: {  	s4 =	sld [smem:$0x3FAB]  }
0x2a: {  	p0 =	seq.s32 s5, $0x0;
	s5 =	sld [smem:$0x3FAC]  }
0x2b: {  	s6 =	sld [smem:$0x3FAD]  }
0x2c: {  	s7 =	sld [smem:$0x3FAE]  }
0x2d: {  	s3 =	simm.s32 $0x108;
	s8 =	sld [smem:$0x3FAF]  }
0x2e: {  	s3 =	simm.s32 @!p0 $0x1082;
	s9 =	sld [smem:$0x3FB0]  }
0x2f: {  	lr =	sadd.s32 s0, s3;
	s0 =	sld [smem:$0x3FA7]  }
0x30: {  	s3 =	sld [smem:$0x3FAA]  }
0x31: {  	[smem:$0x3FB3] =	sst s10  }
0x32: {  	s10 =	sld [smem:$0x3FB1];
	_ =	sdelay $0x3  }
0x33: {  	p0 =	seq.s32 s10, $0x1;
	s10 =	sld [smem:$0x3FB3];
	_ =	sdelay $0x3  }
0x34: {  	[smem:$0x3FB3] =	sst s10  }
0x35: {  	s10 =	sld [smem:$0x3FB2];
	_ =	sdelay $0x3  }
0x36: {  	p1 =	seq.s32 s10, $0x1;
	s10 =	sld [smem:$0x3FB3];
	_ =	sdelay $0x3  }
0x37: {  	[smem:$0x3FB3] =	sst s10  }
0x38: {  	s10 =	sld [smem:$0x3FB4]  }
0x39: {  	_ = 	snop;
	(pc) =	sbr.ind lr, $3  }
0x3a: {  	_ = 	snop  }
0x3b: {  	_ = 	snop  }
0x3c: {  	p2 =	seq.s32 s10, $0x1;
	s10 =	sld [smem:$0x3FB3]  }
0x3d: {  	_ =	shalt  }
0x3e: {  	_ =	shalt  }
0x3f: {  	_ =	shalt  }
0x40: {  	_ =	shalt  }
0x41: {  	_ =	shalt  }
0x42: {  	_ =	shalt  }
0x43: {  	_ =	shalt  }
0x44: {  	_ =	shalt  }
0x45: {  	_ =	shalt  }
0x46: {  	_ =	shalt  }
0x47: {  	_ =	shalt  }
0x48: {  	_ =	shalt  }
0x49: {  	_ =	shalt  }
0x4a: {  	_ =	shalt  }
0x4b: {  	_ =	shalt  }
0x4c: {  	_ =	shalt  }
0x4d: {  	_ =	shalt  }
0x4e: {  	_ =	shalt  }
0x4f: {  	_ =	shalt  }
0x50: {  	_ =	shalt  }
0x51: {  	_ =	shalt  }
0x52: {  	_ =	shalt  }
0x53: {  	_ =	shalt  }
0x54: {  	_ =	shalt  }
0x55: {  	_ =	shalt  }
0x56: {  	_ =	shalt  }
0x57: {  	_ =	shalt  }
0x58: {  	_ =	shalt  }
0x59: {  	_ =	shalt  }
0x5a: {  	_ =	shalt  }
0x5b: {  	_ =	shalt  }
0x5c: {  	_ =	shalt  }
0x5d: {  	_ =	shalt  }
0x5e: {  	_ =	shalt  }
0x5f: {  	_ =	shalt  }
0x60: {  	_ =	shalt  }
0x61: {  	_ =	shalt  }
0x62: {  	_ =	shalt  }
0x63: {  	_ =	shalt  }
0x64: {  	_ =	shalt  }
0x65: {  	_ =	shalt  }
0x66: {  	_ =	shalt  }
0x67: {  	_ =	shalt  }
0x68: {  	_ =	shalt  }
0x69: {  	_ =	shalt  }
0x6a: {  	_ =	shalt  }
0x6b: {  	_ =	shalt  }
0x6c: {  	_ =	shalt  }
0x6d: {  	_ =	shalt  }
0x6e: {  	_ =	shalt  }
0x6f: {  	_ =	shalt  }
0x70: {  	_ =	shalt  }
0x71: {  	_ =	shalt  }
0x72: {  	_ =	shalt  }
0x73: {  	_ =	shalt  }
0x74: {  	_ =	shalt  }
0x75: {  	_ =	shalt  }
0x76: {  	_ =	shalt  }
0x77: {  	_ =	shalt  }
0x78: {  	_ =	shalt  }
0x79: {  	_ =	shalt  }
0x7a: {  	_ =	shalt  }
0x7b: {  	_ =	shalt  }
0x7c: {  	_ =	shalt  }
0x7d: {  	_ =	shalt  }
0x7e: {  	_ =	shalt  }
0x7f: {  	_ =	shalt  }
0x80: {  	_ =	shalt  }
0x81: {  	_ =	shalt  }
0x82: {  	_ =	shalt  }
0x83: {  	_ =	shalt  }
0x84: {  	_ =	shalt  }
0x85: {  	_ =	shalt  }
0x86: {  	_ =	shalt  }
0x87: {  	_ =	shalt  }
.Lfunc_end0:
.L_simem_size_0:
called_computation.1_lowered:
.L_overlay_start_0:
0x88: {  	s2 =	sld [smem:$0x3FD9]  }
0x89: {  	s3 =	sld [smem:$0x3FFE];
	_ =	sdelay $0x1  }
0x8a: {  	s1 =	srdreg.scid  }
0x8b: {  	s0 =	sand.u32 $0x1, s1  }
0x8c: {  	s17 =	sshll.u32 s0, $0xA;
	s2 =	sadd.s32 s3, s2  }
0x8d: {  	s2 =	sadd.s32 s2, s17  }
0x8e: {  	[smem:$0x3FBF] =	sst s2  }
0x8f: {  	_ = 	snop  }
0x90: {  	s2 =	sld [smem:$0x3FC7];
	(tm) =	ssettm $0x1  }
0x91: {  	s18 =	sld [smem:$0x3FFB];
	_ =	sdelay $0x3  }
0x92: {  	_ =	strace s18  }
0x93: {  	s3 =	sld [smem:$0x3FFC];
	_ =	sdelay $0x3  }
0x94: {  	_ =	strace s3  }
0x95: {  	s3 =	sld [smem:$0x3FFD];
	_ =	sdelay $0x3  }
0x96: {  	_ =	strace s3  }
0x97: {  	_ =	strace $0x8FFFFFFF  }
0x98: {  	s19 =	sld [smem:$0x3FDB];
	_ =	sdelay $0x1  }
0x99: {  	s4 =	simm.s32 $_scs_section_size  }
0x9a: {  	s5 =	simm.s32 $_size__tile_overlayer_lowered;
	s6 =	simm.s32 $_tile_overlayer_lowered  }
0x9b: {  	s22 =	simm.s32 $0x1BFF;
	s21 =	sshll.u32 s6, $0x1;
	s3 =	sadd.s32 s4, s19  }
0x9c: {  	s7 =	simm.s32 $0x0;
	s20 =	sshll.u32 s5, $0x1;
	s5 =	sadd.s32 s21, s3  }
0x9d: {  	[timem:s7], [sflag:s22] =	dma.local [hbm:s5], s20  }
0x9e: {  	_ =	swait.ge [sflag:s22], s20  }
0x9f: {  	s4 =	ssub.s32 $0x0, s20;
	[sflag:s22] =	ssyncset.done $0x0  }
0xa0: {  	[sflag:s22] =	ssyncadd.s32 s4;
	_ =	sdelay $0x1  }
0xa1: {  	s23 =	simm.s32 $0x1B8B  }
0xa2: {  	_ =	swait.ge [sflag:s23], $0x1  }
0xa3: {  	[sflag:s23] =	ssyncset.done $0x0  }
0xa4: {  	s25 =	simm.s32 $0x1B8E;
	s24 =	sld [smem:$0x3FFE];
	[sflag:s23] =	ssyncadd.s32 $0xFFFFFFFF  }
0xa5: {  	s26 =	simm.s32 $execute0_lowered;
	[smem:$0x3FD2] =	sst s25  }
0xa6: {  	s5 =	sshll.u32 s26, $0x1;
	_ =	strace $0x80000049;
	[dreg:$0x1] =	wrdreg $0xFFFFFFFF  }
0xa7: {  	s28 =	simm.s32 $_size_execute0_lowered;
	s3 =	sadd.s32 s3, s5;
	[dreg:$0x0] =	wrdreg $0x0  }
0xa8: {  	s5 =	sshll.u32 s28, $0x1;
	[dreg:$0x2] =	wrdreg s3  }
0xa9: {  	[dreg:$0x3] =	wrdreg s5  }
0xaa: {  	[dreg:$0x4] =	wrdreg $0xC0  }
0xab: {  	_ =	task [dreg:s7], $0x5FFFF  }
0xac: {  	[dreg:$0x1] =	wrdreg $0xFFFFFFFF  }
0xad: {  	[dreg:$0x0] =	wrdreg $0x60  }
0xae: {  	[dreg:$0x2] =	wrdreg s24  }
0xaf: {  	[dreg:$0x3] =	wrdreg s2  }
0xb0: {  	[dreg:$0x4] =	wrdreg $0x4F000  }
0xb1: {  	[dreg:$0x5] =	wrdreg $0x0  }
0xb2: {  	[dreg:$0x6] =	wrdreg $0x9  }
0xb3: {  	_ =	task.clear_ibuf [dreg:s7], $0x7FFFF;
	_ =	strace $0x90000049  }
0xb4: {  	s29 =	simm.s32 $0x9;
	_ =	strace $0x8000004B  }
0xb5: {  	_ =	swait.ge [sflag:s29], $0x1  }
0xb6: {  	[sflag:s29] =	ssyncadd.s32 $0xFFFFFFFF  }
0xb7: {  	_ =	strace $0x9000004B  }
0xb8: {  	_ =	sfence  }
0xb9: {  	s30 =	sld [smem:$0x0];
	_ =	sdelay $0x2  }
0xba: {  	s31 =	sshll.u32 s1, $0xD;
	s1 =	sshrl.u32 s1, $0x2  }
0xbb: {  	s3 =	sand.u32 $0x4000, s31;
	s1 =	sadd.s32 s1, s30  }
0xbc: {  	s0 =	sor.u32 s3, s0;
	s1 =	sshll.u32 s1, $0x11  }
0xbd: {  	s0 =	sor.u32 s1, s0  }
0xbe: {  	s0 =	sadd.s32 $0x8F2B, s0  }
0xbf: {  	[sflag:s0] =	ssyncadd.remote.s32 $0x1  }
0xc0: {  	_ =	sfence.sel $0xFFFF  }
0xc1: {  	[dreg:$0x0] =	wrdreg $0xFFFFFFFF;
	(pc) =	sbr.abs _section_cstart, $3  }
0xc2: {  	[dreg:$0x1] =	wrdreg $0xFFFFFFFF  }
0xc3: {  	_ =	task.clear_ibuf [dreg:s7], $0x2FFFF;
	_ =	strace $0x9FFFFFFF  }
0xc4: {  	(tm) =	ssettm $0x7FFFFFFF  }
0xc5: {  	_ =	shalt  }
tec
execute0_lowered:
.L_overlay_start_1:
0x0: {  	(tag) =	ssettag $0x1  }
0x1: {  	s0 =	rddreg [dreg:$0x0]  }
0x2: {  	s1 =	rddreg [dreg:$0x1]  }
0x3: {  	s2 =	rddreg [dreg:$0x2]  }
0x4: {  	s3 =	rddreg [dreg:$0x3]  }
0x5: {  	s14 =	stileid.u32;
	s6 =	srdreg.scid  }
0x6: {  	s4 =	simm.s32 $0x0;
	s22 =	simm.s32 $0x5;
	s23 =	simm.s32 $0x2  }
0x7: {  	s28 =	simm.s32 $0x80;
	s29 =	simm.s32 $0x113A0;
	s5 =	smul.u32 $0x4E20, s14  }
0x8: {  	s30 =	simm.s32 $0x123A0;
	s6 =	sand.u32 $0x1, s6;
	s7 =	smul.u32 $0x4F00, s14  }
0x9: {  	[smem:$0x7FF] =	sst s4;
	s11 =	sadd.s32 $0x1600, s0;
	s12 =	sadd.s32 $0xB400, s0  }
0xa: {  	s26 =	sshll.u32 s14, $0x4;
	s9 =	smul.u32 $0x4F000, s6;
	_ =	strace $0x8000004A  }
0xb: {  	s10 =	ssub.s32 $0x2, s6;
	s6 =	sshll.u32 s6, $0x4;
	s8 =	sshrl.u32 s5, $0x3  }
0xc: {  	s13 =	sshrl.u32 s10, $0x1;
	s6 =	sor.u32 s14, s6;
	s17 =	sadd.s32 s5, s2  }
0xd: {  	s5 =	sshll.u32 s14, $0x6;
	s14 =	sadd.s32 s7, s3;
	s8 =	sadd.s32 s8, s0  }
0xe: {  	s9 =	sadd.s32 s7, s9;
	s16 =	ssub.s32 s10, s13;
	s24 =	smul.u32 $0x4E0, s6  }
0xf: {  	s25 =	sor.u32 $0x1C01, s5;
	p0 =	sgt.u32 s6, $0x3;
	s17 =	sshrl.u32 s17, $0x3  }
0x10: {  	s9 =	sshrl.u32 s9, $0x3;
	s8 =	sadd.s32 $0x15200, s8;
	[dreg:$0x6] =	wrdreg s25  }
0x11: {  	s16 =	smax.u32 s16, $0x1;
	s25 =	simm.s32 $0x4;
	s0 =	sadd.s32 s9, s0  }
.Ltmp0:
0x12: {  	[dreg:$0x5] =	wrdreg s8;
	s31 =	sadd.s32 s11, s24;
	(pc) =	sbr.rel .LBB2_1-.Ltmp0, $4  }
0x13: {  	s9 =	sadd.s32 s12, s24;
	s8 =	sor.u32 $0x9C00, s26;
	s10 =	sadd.s32 s1, s24  }
0x14: {  	s24 =	simm.s32 $0x3;
	s26 =	simm.s32 $0x1;
	[dreg:$0x7] =	wrdreg s31  }
0x15: {  	s11 =	sadd.s32 s11, s8;
	s12 =	sadd.s32 s12, s8;
	s13 =	sadd.s32 s1, s8  }
0x16: {  	v0 =	vimm.f32 $0.0e+00;
	s15 =	sadd.s32 $0x1F000, s0;
	s8 =	simm.s32 $0x9D20;
	s1 =	simm.s32 $0x0  }
.LBB2_13:
0x17: {  	s1 =	sadd.s32 $0x1, s1  }
0x18: {  	[bflag:$0x0] =	sbarrier.arrive $0xFFFF;
	p1 =	sne.s32 s1, s16  }
.Ltmp1:
0x19: {  	s0 =	sor.u32 $0x1C05, s5;
	s6 =	sshrl.u32 s14, $0x3;
	(pc) =	sbr.rel @!p1 .LBB2_14-.Ltmp1, $4  }
0x1a: {  	[hbm:s15], [sflag:s0] =	dma.local [spmem:s6], $0x9E0  }
0x1b: {  	_ =	swait.ge [sflag:s22], $0x9E0  }
0x1c: {  	[sflag:s22] =	ssyncset.done $0x0  }
0x1d: {  	s8 =	simm.s32 $0x9D20;
	[sflag:s22] =	ssyncadd.s32 $0xFFFFF620  }
.LBB2_1:
0x1e: {  	s0 =	rddreg [dreg:$0x5]  }
0x1f: {  	s6 =	rddreg [dreg:$0x6]  }
0x20: {  	[spmem:s17], [sflag:s6] =	dma.local [hbm:s0], $0x9C4  }
0x21: {  	s0 =	rddreg [dreg:$0x7]  }
0x22: {  	[tilespmem:s8], [sflag:$0x2] =	stream.linear.gather [hbm4b:s0+s4], $0x2700, $0x38;
	[tilespmem:$0x182A0] =	vst v63  }
0x23: {  	s21 =	simm.s32 $0xC4A0  }
0x24: {  	[tilespmem:s21], [sflag:$0x3] =	stream.linear.gather [hbm4b:s9+s4], $0x2700, $0x38;
	[tilespmem:$0x182A0] =	vst v63  }
0x25: {  	s31 =	simm.s32 $0xEC20  }
0x26: {  	[tilespmem:s31], [sflag:$0x4] =	stream.linear.gather [hbm4b:s10+s4], $0x2700, $0x38;
	[tilespmem:$0x182A0] =	vst v63  }
0x27: {  	s6 =	simm.s32 @!p0 $0xC420;
	s0 =	simm.s32 @!p0 $0x0  }
0x28: {  	[tilespmem:s6], [sflag:$0x5] =	stream.linear.gather @!p0 [hbm4b:s11+s0], $0x80, $0x38;
	[tilespmem:$0x182A0] =	vst v63  }
0x29: {  	s6 =	simm.s32 @!p0 $0x5  }
0x2a: {  	_ =	swait.ge @!p0 [sflag:s6], $0x80  }
0x2b: {  	[sflag:s6] =	ssyncset.done @!p0 $0x0  }
0x2c: {  	s7 =	simm.s32 @!p0 $0xEBA0;
	[sflag:s6] =	ssyncadd.s32 @!p0 $0xFFFFFF80  }
0x2d: {  	[tilespmem:s7], [sflag:$0x5] =	stream.linear.gather @!p0 [hbm4b:s12+s0], $0x80, $0x38;
	[tilespmem:$0x182A0] =	vst v63  }
0x2e: {  	_ =	swait.ge @!p0 [sflag:s6], $0x80  }
0x2f: {  	[sflag:s6] =	ssyncset.done @!p0 $0x0  }
0x30: {  	s7 =	simm.s32 @!p0 $0x11320;
	[sflag:s6] =	ssyncadd.s32 @!p0 $0xFFFFFF80  }
0x31: {  	[tilespmem:s7], [sflag:$0x5] =	stream.linear.gather @!p0 [hbm4b:s13+s0], $0x80, $0x38;
	[tilespmem:$0x182A0] =	vst v63  }
0x32: {  	_ =	swait.ge @!p0 [sflag:s6], $0x80  }
0x33: {  	[sflag:s6] =	ssyncset.done @!p0 $0x0  }
0x34: {  	s0 =	simm.s32 $0x80;
	[sflag:s6] =	ssyncadd.s32 @!p0 $0xFFFFFF80;
	s6 =	simm.s32 $0x0  }
.LBB2_2:
0x35: {  	p1 =	sne.s32 s0, $0x13B80;
	[tilespmem:s6+$0x133A0] =	vst v0;
	s7 =	smov.u32 s0;
	s0 =	sadd.s32 $0x80, s0  }
.Ltmp2:
0x36: {  	[tilespmem:s6+$0x133B0] =	vst v0;
	(pc) =	sbr.rel @p1 .LBB2_2-.Ltmp2, $2  }
0x37: {  	_ =	sdelay $0x2  }
0x38: {  	s6 =	sshra.s32 s7, $0x2  }
0x39: {  	[tilespmem:s6+$0x133A0] =	vst v0  }
0x3a: {  	[tilespmem:s6+$0x133B0] =	vst v0;
	s0 =	simm.s32 $0x133A0  }
0x3b: {  	[spmem:s14] =	stream.linear.scatter [tilespmem:s0], [sflag:$0x5], $0x4F00, $0x38;
	[tilespmem:$0x182A0] =	vst v63  }
0x3c: {  	_ =	swait.ge [sflag:s22], $0x4F00  }
0x3d: {  	[sflag:s22] =	ssyncset.done $0x0  }
0x3e: {  	[sflag:s22] =	ssyncadd.s32 $0xFFFFB100  }
0x3f: {  	_ =	swait.ge [sflag:s23], $0x2700  }
0x40: {  	[sflag:s23] =	ssyncset.done $0x0  }
0x41: {  	[sflag:s23] =	ssyncadd.s32 $0xFFFFD900  }
0x42: {  	_ =	swait.ge [sflag:s24], $0x2700  }
0x43: {  	[sflag:s24] =	ssyncset.done $0x0  }
0x44: {  	[sflag:s24] =	ssyncadd.s32 $0xFFFFD900  }
0x45: {  	_ =	swait.ge [sflag:s25], $0x2700  }
0x46: {  	[sflag:s25] =	ssyncset.done $0x0  }
0x47: {  	[sflag:s25] =	ssyncadd.s32 $0xFFFFD900  }
0x48: {  	_ =	swait.ge [sflag:s26], $0x9C4  }
0x49: {  	[sflag:s26] =	ssyncset.done $0x0  }
0x4a: {  	s31 =	simm.s32 $0x0;
	[sflag:s26] =	ssyncadd.s32 $0xFFFFF63C  }
0x4b: {  	s19 =	simm.s32 $0xECA0;
	s0 =	simm.s32 $0xEC20;
	[bflag:$0x0] =	sbarrier.arrive $0xFFFF  }
0x4c: {  	[tilespmem:s29], [sflag:$0x1] =	stream.indirect.gather [spmem:s2], $0x20, s8, s28, $0xb8;
	[tilespmem:$0x182A0] =	vst v63  }
.LBB2_4:
0x4d: {  	p1 =	seq.s32 s31, $0x0  }
0x4e: {  	s6 =	simm.s32 @!p1 $0x4  }
0x4f: {  	_ =	swait.ge @!p1 [sflag:s6], $0x1000  }
0x50: {  	s7 =	sshll.u32 s31, $0x8;
	[sflag:s6] =	ssyncset.done @!p1 $0x0  }
0x51: {  	s18 =	sadd.s32 $0x9DA0, s7;
	[sflag:s6] =	ssyncadd.s32 @!p1 $0xFFFFF000  }
0x52: {  	[tilespmem:s30], [sflag:$0x2] =	stream.indirect.gather [spmem:s2], $0x20, s18, s28, $0xb8;
	[tilespmem:$0x182A0] =	vst v63  }
0x53: {  	_ =	swait.ge [sflag:s26], $0x1000  }
0x54: {  	[sflag:s26] =	ssyncset.done $0x0  }
0x55: {  	s21 =	simm.s32 $0x114A0;
	[sflag:s26] =	ssyncadd.s32 $0xFFFFF000  }
0x56: {  	v7 =	vld [tilespmem:s21+$0xFFFFFFA0]  }
0x57: {  	v4 =	vld [tilespmem:s21+$0xFFFFFFF0]  }
0x58: {  	v1 =	vld [tilespmem:s21+$0xFFFFFF60]  }
0x59: {  	v5 =	vmov s0;
	v8 =	vld [tilespmem:s21+$0xFFFFFFD0]  }
0x5a: {  	v9 =	vld [tilespmem:s21+$0x80]  }
0x5b: {  	v12 =	vld [tilespmem:s21+$0xFFFFFF10]  }
0x5c: {  	v16 =	vld [tilespmem:s21+$0xE0]  }
0x5d: {  	s20 =	simm.s32 $0x0;
	v11 =	vld [tilespmem:s21+$0xFFFFFF40]  }
0x5e: {  	v2 =	vld.idx.msk [tilespmem:v5+s20+$0x0 ss:$0x1], $0xffff  }
0x5f: {  	v3 =	vld [tilespmem:s21+$0xFFFFFF90]  }
0x60: {  	v10 =	vld [tilespmem:s21+$0xFFFFFFC0]  }
0x61: {  	v13 =	vld [tilespmem:s21+$0xFFFFFF00]  }
0x62: {  	v14 =	vld [tilespmem:s21+$0xD0]  }
0x63: {  	v23 =	vld [tilespmem:s21+$0xC0]  }
0x64: {  	v21 =	vld [tilespmem:s21+$0x90];
	v19 =	vbroadcast v2, $0x0;
	v6 =	vbroadcast v2, $0xF  }
0x65: {  	v22 =	vld [tilespmem:s21+$0xFFFFFF50];
	v20 =	vbroadcast v2, $0x2;
	v17 =	vbroadcast v2, $0xE  }
0x66: {  	s6 =	simm.s32 $0x40;
	v18 =	vld [tilespmem:s21+$0xB0];
	v15 =	vbroadcast v2, $0xC;
	v25 =	vmul.f32 v19, v13  }
0x67: {  	s18 =	sshll.u32 s31, $0xA;
	s20 =	sor.u32 $0x80, s7;
	s7 =	simm.s32 $0x114A0;
	v13 =	vbroadcast v2, $0xD;
	v24 =	vmul.f32 v11, v20;
	v11 =	vld [tilespmem:s21+$0x60]  }
.LBB2_5:
0x68: {  	p1 =	sne.s32 s6, $0x1C0  }
0x69: {  	[tilespmem:s21+$0xFFFFFF00] =	vst v25;
	v25 =	vld [tilespmem:s21+$0xFFFFFFB0];
	v23 =	vmul.f32 v23, v17;
	v16 =	vmul.f32 v16, v6;
	s7 =	sadd.s32 $0x200, s7;
	s8 =	smov.u32 s6;
	s6 =	sadd.s32 $0x40, s6  }
0x6a: {  	[tilespmem:s21+$0xFFFFFF40] =	vst v24;
	v24 =	vbroadcast v2, $0xA;
	v21 =	vmul.f32 v21, v15;
	v26 =	vld [tilespmem:s21+$0xA0]  }
0x6b: {  	v12 =	vmul.f32 v12, v19;
	v19 =	vmul.f32 v22, v20;
	v20 =	vld [tilespmem:s21+$0x70];
	[tilespmem:s21+$0xE0] =	vst v16  }
0x6c: {  	v16 =	vbroadcast v2, $0x5;
	v22 =	vld [tilespmem:s21+$0xFFFFFFE0];
	v18 =	vmul.f32 v18, v13;
	[tilespmem:s21+$0xC0] =	vst v23  }
0x6d: {  	v14 =	vmul.f32 v14, v17;
	[tilespmem:s21+$0xFFFFFF10] =	vst v12;
	v12 =	vbroadcast v2, $0x6;
	v23 =	vld [tilespmem:s21+$0x40]  }
0x6e: {  	v27 =	vbroadcast v2, $0xB;
	v7 =	vmul.f32 v7, v16;
	v17 =	vld [tilespmem:s21+$0xFFFFFF20];
	[tilespmem:s21+$0x90] =	vst v21  }
0x6f: {  	v21 =	vbroadcast v2, $0x9;
	[tilespmem:s21+$0xFFFFFF50] =	vst v19;
	v19 =	vld [tilespmem:s21+$0x20];
	v13 =	vmul.f32 v26, v13  }
0x70: {  	v16 =	vmul.f32 v25, v16;
	v25 =	vld [tilespmem:s21+$0x50];
	v20 =	vmul.f32 v20, v27;
	[tilespmem:s21+$0xD0] =	vst v14  }
0x71: {  	v9 =	vmul.f32 v9, v15;
	v14 =	vbroadcast v2, $0x7;
	v26 =	vld [tilespmem:s21+$0x30];
	[tilespmem:s21+$0xA0] =	vst v13  }
0x72: {  	v10 =	vmul.f32 v10, v12;
	v13 =	vbroadcast v2, $0x3;
	v15 =	vld [tilespmem:s21+$0x0];
	[tilespmem:s21+$0x70] =	vst v20  }
0x73: {  	v11 =	vmul.f32 v11, v27;
	v8 =	vmul.f32 v8, v12;
	v12 =	vld [tilespmem:s21+$0x10];
	[tilespmem:s21+$0x80] =	vst v9  }
0x74: {  	v20 =	vbroadcast v2, $0x8;
	v23 =	vmul.f32 v23, v24;
	v9 =	vld [tilespmem:s21+$0xFFFFFF30];
	[tilespmem:s21+$0xB0] =	vst v18  }
0x75: {  	v18 =	vbroadcast v2, $0x1;
	v27 =	vld [tilespmem:s21+$0xFFFFFF70];
	[tilespmem:s21+$0xFFFFFFD0] =	vst v8;
	v24 =	vmul.f32 v25, v24  }
0x76: {  	v4 =	vmul.f32 v4, v14;
	v8 =	vmul.f32 v22, v14;
	[tilespmem:s21+$0xFFFFFFC0] =	vst v10;
	v10 =	vld [tilespmem:s21+$0xF0]  }
0x77: {  	v22 =	vmul.f32 v26, v21;
	v14 =	vld [tilespmem:s21+$0xFFFFFF80];
	[tilespmem:s21+$0xFFFFFFA0] =	vst v7;
	v15 =	vmul.f32 v15, v20  }
0x78: {  	v7 =	vld [tilespmem:s7+$0xFFFFFFA0];
	[tilespmem:s21+$0xFFFFFFF0] =	vst v4;
	v20 =	vmul.f32 v12, v20;
	v12 =	vmul.f32 v19, v21  }
0x79: {  	v4 =	vmul.f32 v17, v18;
	v17 =	vmul.f32 v9, v18;
	[tilespmem:s21+$0x60] =	vst v11  }
0x7a: {  	v1 =	vmul.f32 v1, v13;
	v9 =	vmul.f32 v27, v13;
	[tilespmem:s21+$0xFFFFFFB0] =	vst v16  }
0x7b: {  	v2 =	vbroadcast v2, $0x4;
	[tilespmem:s21+$0xFFFFFF20] =	vst v4;
	v4 =	vmul.f32 v10, v6  }
0x7c: {  	[tilespmem:s21+$0xFFFFFF60] =	vst v1  }
0x7d: {  	v6 =	vmul.f32 v14, v2;
	v1 =	vmul.f32 v3, v2;
	[tilespmem:s21+$0x40] =	vst v23  }
0x7e: {  	[tilespmem:s21+$0xFFFFFFE0] =	vst v8  }
0x7f: {  	[tilespmem:s21+$0xF0] =	vst v4  }
0x80: {  	[tilespmem:s21+$0xFFFFFF90] =	vst v1  }
0x81: {  	[tilespmem:s21+$0xFFFFFF70] =	vst v9  }
0x82: {  	v4 =	vld [tilespmem:s7+$0xFFFFFFF0];
	[tilespmem:s21+$0x20] =	vst v12  }
0x83: {  	v1 =	vld [tilespmem:s7+$0xFFFFFF60];
	[tilespmem:s21+$0x30] =	vst v22  }
0x84: {  	v8 =	vld [tilespmem:s7+$0xFFFFFFD0];
	[tilespmem:s21+$0xFFFFFF80] =	vst v6  }
0x85: {  	v9 =	vld [tilespmem:s7+$0x80];
	[tilespmem:s21+$0x50] =	vst v24  }
0x86: {  	v12 =	vld [tilespmem:s7+$0xFFFFFF10];
	[tilespmem:s21+$0x0] =	vst v15  }
0x87: {  	v16 =	vld [tilespmem:s7+$0xE0];
	[tilespmem:s21+$0xFFFFFF30] =	vst v17  }
0x88: {  	s8 =	sshra.s32 s8, $0x2;
	v11 =	vld [tilespmem:s7+$0xFFFFFF40];
	[tilespmem:s21+$0x10] =	vst v20;
	s21 =	smov.u32 s7  }
0x89: {  	v2 =	vld.idx.msk [tilespmem:v5+s8+$0x0 ss:$0x1], $0xffff  }
0x8a: {  	v3 =	vld [tilespmem:s7+$0xFFFFFF90]  }
0x8b: {  	v10 =	vld [tilespmem:s7+$0xFFFFFFC0]  }
0x8c: {  	v13 =	vld [tilespmem:s7+$0xFFFFFF00]  }
0x8d: {  	v14 =	vld [tilespmem:s7+$0xD0]  }
.Ltmp3:
0x8e: {  	v23 =	vld [tilespmem:s7+$0xC0];
	(pc) =	sbr.rel @p1 .LBB2_5-.Ltmp3, $4  }
0x8f: {  	v19 =	vbroadcast v2, $0x0;
	v6 =	vbroadcast v2, $0xF;
	v21 =	vld [tilespmem:s7+$0x90]  }
0x90: {  	v20 =	vbroadcast v2, $0x2;
	v17 =	vbroadcast v2, $0xE;
	v22 =	vld [tilespmem:s7+$0xFFFFFF50]  }
0x91: {  	v25 =	vmul.f32 v19, v13;
	v13 =	vbroadcast v2, $0xD;
	v18 =	vld [tilespmem:s7+$0xB0]  }
0x92: {  	v15 =	vbroadcast v2, $0xC;
	v24 =	vmul.f32 v11, v20;
	v11 =	vld [tilespmem:s7+$0x60]  }
0x93: {  	[tilespmem:s21+$0xFFFFFF00] =	vst v25;
	v5 =	vmul.f32 v16, v6  }
0x94: {  	v16 =	vmul.f32 v23, v17;
	[tilespmem:s21+$0xFFFFFF40] =	vst v24  }
0x95: {  	v12 =	vmul.f32 v12, v19;
	[tilespmem:s21+$0xE0] =	vst v5  }
0x96: {  	v23 =	vld [tilespmem:s21+$0xA0];
	v9 =	vmul.f32 v9, v15;
	[tilespmem:s21+$0xC0] =	vst v16  }
0x97: {  	v19 =	vld [tilespmem:s21+$0x70];
	v5 =	vmul.f32 v21, v15;
	v20 =	vmul.f32 v22, v20;
	[tilespmem:s21+$0xFFFFFF10] =	vst v12  }
0x98: {  	v12 =	vmul.f32 v14, v17;
	v17 =	vbroadcast v2, $0xB;
	[tilespmem:s21+$0x80] =	vst v9  }
0x99: {  	[tilespmem:s21+$0x90] =	vst v5  }
0x9a: {  	[tilespmem:s21+$0xFFFFFF50] =	vst v20;
	v11 =	vmul.f32 v11, v17  }
0x9b: {  	[tilespmem:s21+$0xD0] =	vst v12;
	v20 =	vmul.f32 v23, v13  }
0x9c: {  	v9 =	vbroadcast v2, $0x7;
	v19 =	vmul.f32 v19, v17;
	[tilespmem:s21+$0x60] =	vst v11  }
0x9d: {  	v14 =	vld [tilespmem:s21+$0xFFFFFF20];
	v12 =	vbroadcast v2, $0x6;
	v13 =	vmul.f32 v18, v13;
	[tilespmem:s21+$0xA0] =	vst v20  }
0x9e: {  	v16 =	vld [tilespmem:s21+$0xFFFFFFB0];
	v4 =	vmul.f32 v4, v9;
	[tilespmem:s21+$0x70] =	vst v19  }
0x9f: {  	v5 =	vld [tilespmem:s21+$0xFFFFFFE0];
	v18 =	vbroadcast v2, $0x5;
	v8 =	vmul.f32 v8, v12;
	[tilespmem:s21+$0xB0] =	vst v13  }
0xa0: {  	v17 =	vbroadcast v2, $0x1;
	v10 =	vmul.f32 v10, v12;
	[tilespmem:s21+$0xFFFFFFF0] =	vst v4  }
0xa1: {  	v21 =	vld [tilespmem:s21+$0x40];
	v7 =	vmul.f32 v7, v18;
	[tilespmem:s21+$0xFFFFFFD0] =	vst v8  }
0xa2: {  	v14 =	vmul.f32 v14, v17;
	[tilespmem:s21+$0xFFFFFFC0] =	vst v10  }
0xa3: {  	v13 =	vld [tilespmem:s21+$0xFFFFFF70];
	[tilespmem:s21+$0xFFFFFFA0] =	vst v7;
	v7 =	vmul.f32 v16, v18;
	v16 =	vbroadcast v2, $0x3  }
0xa4: {  	v4 =	vbroadcast v2, $0xA;
	v18 =	vld [tilespmem:s21+$0xF0];
	[tilespmem:s21+$0xFFFFFF20] =	vst v14;
	v5 =	vmul.f32 v5, v9  }
0xa5: {  	v8 =	vld [tilespmem:s21+$0xFFFFFF80];
	v9 =	vbroadcast v2, $0x4;
	v1 =	vmul.f32 v1, v16;
	[tilespmem:s21+$0xFFFFFFB0] =	vst v7  }
0xa6: {  	v15 =	vld [tilespmem:s21+$0x20];
	v7 =	vmul.f32 v21, v4;
	[tilespmem:s21+$0xFFFFFFE0] =	vst v5  }
0xa7: {  	v19 =	vld [tilespmem:s21+$0x30];
	v3 =	vmul.f32 v3, v9;
	[tilespmem:s21+$0xFFFFFF60] =	vst v1  }
0xa8: {  	v22 =	vld [tilespmem:s21+$0x50];
	v5 =	vmul.f32 v13, v16;
	[tilespmem:s21+$0x40] =	vst v7  }
0xa9: {  	v12 =	vld [tilespmem:s21+$0x0];
	[tilespmem:s21+$0xFFFFFF90] =	vst v3;
	v1 =	vmul.f32 v18, v6;
	v6 =	vbroadcast v2, $0x9  }
0xaa: {  	v11 =	vld [tilespmem:s21+$0xFFFFFF30];
	[tilespmem:s21+$0xFFFFFF70] =	vst v5;
	v5 =	vmul.f32 v8, v9  }
0xab: {  	v10 =	vld [tilespmem:s21+$0x10];
	[tilespmem:s21+$0xF0] =	vst v1;
	v1 =	vmul.f32 v15, v6  }
0xac: {  	v2 =	vbroadcast v2, $0x8;
	v3 =	vmul.f32 v19, v6;
	[tilespmem:s21+$0xFFFFFF80] =	vst v5  }
0xad: {  	[tilespmem:s21+$0x20] =	vst v1;
	v1 =	vmul.f32 v22, v4  }
0xae: {  	[tilespmem:s21+$0x30] =	vst v3;
	v3 =	vmul.f32 v12, v2  }
0xaf: {  	v4 =	vmul.f32 v11, v17;
	[tilespmem:s21+$0x50] =	vst v1  }
0xb0: {  	v1 =	vmul.f32 v10, v2;
	[tilespmem:s21+$0x0] =	vst v3  }
0xb1: {  	s6 =	sshrl.u32 s18, $0x2;
	[tilespmem:s21+$0xFFFFFF30] =	vst v4  }
0xb2: {  	p1 =	seq.s32 s31, $0x26;
	s6 =	sadd.s32 $0xC4A0, s6;
	[tilespmem:s21+$0x10] =	vst v1  }
0xb3: {  	[spmem:s3] =	stream.indirect.scatter.add.f32 [tilespmem:s29], [sflag:$0x3], $0x20, s6, s28, $0xb8;
	[tilespmem:$0x182A0] =	vst v63  }
0xb4: {  	s6 =	simm.s32 @!p1 $0x3  }
0xb5: {  	_ =	swait.ge @!p1 [sflag:s6], $0x1000  }
0xb6: {  	[sflag:s6] =	ssyncset.done @!p1 $0x0  }
0xb7: {  	[sflag:s6] =	ssyncadd.s32 @!p1 $0xFFFFF000;
	s6 =	sshrl.u32 @!p1 s18, $0x2  }
0xb8: {  	s7 =	simm.s32 @!p1 $0x80;
	s8 =	simm.s32 @!p1 $0x113A0;
	s6 =	sadd.s32 @!p1 $0x9E20, s6  }
0xb9: {  	[tilespmem:s8], [sflag:$0x1] =	stream.indirect.gather @!p1 [spmem:s2], $0x20, s6, s7, $0xb8;
	[tilespmem:$0x182A0] =	vst v63  }
0xba: {  	_ =	swait.ge [sflag:s23], $0x1000  }
0xbb: {  	[sflag:s23] =	ssyncset.done $0x0  }
0xbc: {  	s21 =	simm.s32 $0x124A0;
	[sflag:s23] =	ssyncadd.s32 $0xFFFFF000  }
0xbd: {  	v7 =	vld [tilespmem:s21+$0xFFFFFFA0]  }
0xbe: {  	v4 =	vld [tilespmem:s21+$0xFFFFFFF0]  }
0xbf: {  	v1 =	vld [tilespmem:s21+$0xFFFFFF60]  }
0xc0: {  	v5 =	vmov s19;
	v8 =	vld [tilespmem:s21+$0xFFFFFFD0]  }
0xc1: {  	v9 =	vld [tilespmem:s21+$0x80]  }
0xc2: {  	v12 =	vld [tilespmem:s21+$0xFFFFFF10]  }
0xc3: {  	v16 =	vld [tilespmem:s21+$0xE0]  }
0xc4: {  	s18 =	simm.s32 $0x0;
	v11 =	vld [tilespmem:s21+$0xFFFFFF40]  }
0xc5: {  	v2 =	vld.idx.msk [tilespmem:v5+s18+$0x0 ss:$0x1], $0xffff  }
0xc6: {  	v3 =	vld [tilespmem:s21+$0xFFFFFF90]  }
0xc7: {  	v10 =	vld [tilespmem:s21+$0xFFFFFFC0]  }
0xc8: {  	v13 =	vld [tilespmem:s21+$0xFFFFFF00]  }
0xc9: {  	v14 =	vld [tilespmem:s21+$0xD0]  }
0xca: {  	v23 =	vld [tilespmem:s21+$0xC0]  }
0xcb: {  	v21 =	vld [tilespmem:s21+$0x90];
	v19 =	vbroadcast v2, $0x0;
	v6 =	vbroadcast v2, $0xF  }
0xcc: {  	v22 =	vld [tilespmem:s21+$0xFFFFFF50];
	v20 =	vbroadcast v2, $0x2;
	v18 =	vbroadcast v2, $0xE  }
0xcd: {  	v17 =	vld [tilespmem:s21+$0xB0];
	v15 =	vbroadcast v2, $0xC;
	v25 =	vmul.f32 v19, v13  }
0xce: {  	s6 =	simm.s32 $0x40;
	s7 =	simm.s32 $0x124A0;
	v13 =	vbroadcast v2, $0xD;
	v24 =	vmul.f32 v11, v20;
	v11 =	vld [tilespmem:s21+$0x60]  }
.LBB2_7:
0xcf: {  	p1 =	sne.s32 s6, $0x1C0  }
0xd0: {  	[tilespmem:s21+$0xFFFFFF00] =	vst v25;
	v25 =	vld [tilespmem:s21+$0xFFFFFFB0];
	v23 =	vmul.f32 v23, v18;
	v16 =	vmul.f32 v16, v6;
	s7 =	sadd.s32 $0x200, s7;
	s8 =	smov.u32 s6;
	s6 =	sadd.s32 $0x40, s6  }
0xd1: {  	[tilespmem:s21+$0xFFFFFF40] =	vst v24;
	v24 =	vbroadcast v2, $0xA;
	v21 =	vmul.f32 v21, v15;
	v26 =	vld [tilespmem:s21+$0xA0]  }
0xd2: {  	v12 =	vmul.f32 v12, v19;
	v19 =	vmul.f32 v22, v20;
	v20 =	vld [tilespmem:s21+$0x70];
	[tilespmem:s21+$0xE0] =	vst v16  }
0xd3: {  	v16 =	vbroadcast v2, $0x5;
	v22 =	vld [tilespmem:s21+$0xFFFFFFE0];
	v17 =	vmul.f32 v17, v13;
	[tilespmem:s21+$0xC0] =	vst v23  }
0xd4: {  	v14 =	vmul.f32 v14, v18;
	[tilespmem:s21+$0xFFFFFF10] =	vst v12;
	v12 =	vbroadcast v2, $0x6;
	v23 =	vld [tilespmem:s21+$0x40]  }
0xd5: {  	v27 =	vbroadcast v2, $0xB;
	v7 =	vmul.f32 v7, v16;
	v18 =	vld [tilespmem:s21+$0xFFFFFF20];
	[tilespmem:s21+$0x90] =	vst v21  }
0xd6: {  	v21 =	vbroadcast v2, $0x9;
	[tilespmem:s21+$0xFFFFFF50] =	vst v19;
	v19 =	vld [tilespmem:s21+$0x20];
	v13 =	vmul.f32 v26, v13  }
0xd7: {  	v16 =	vmul.f32 v25, v16;
	v25 =	vld [tilespmem:s21+$0x50];
	v20 =	vmul.f32 v20, v27;
	[tilespmem:s21+$0xD0] =	vst v14  }
0xd8: {  	v9 =	vmul.f32 v9, v15;
	v14 =	vbroadcast v2, $0x7;
	v26 =	vld [tilespmem:s21+$0x30];
	[tilespmem:s21+$0xA0] =	vst v13  }
0xd9: {  	v10 =	vmul.f32 v10, v12;
	v13 =	vbroadcast v2, $0x3;
	v15 =	vld [tilespmem:s21+$0x0];
	[tilespmem:s21+$0x70] =	vst v20  }
0xda: {  	v11 =	vmul.f32 v11, v27;
	v8 =	vmul.f32 v8, v12;
	v12 =	vld [tilespmem:s21+$0x10];
	[tilespmem:s21+$0x80] =	vst v9  }
0xdb: {  	v20 =	vbroadcast v2, $0x8;
	v23 =	vmul.f32 v23, v24;
	v9 =	vld [tilespmem:s21+$0xFFFFFF30];
	[tilespmem:s21+$0xB0] =	vst v17  }
0xdc: {  	v17 =	vbroadcast v2, $0x1;
	v27 =	vld [tilespmem:s21+$0xFFFFFF70];
	[tilespmem:s21+$0xFFFFFFD0] =	vst v8;
	v24 =	vmul.f32 v25, v24  }
0xdd: {  	v4 =	vmul.f32 v4, v14;
	v8 =	vmul.f32 v22, v14;
	[tilespmem:s21+$0xFFFFFFC0] =	vst v10;
	v10 =	vld [tilespmem:s21+$0xF0]  }
0xde: {  	v22 =	vmul.f32 v26, v21;
	v14 =	vld [tilespmem:s21+$0xFFFFFF80];
	[tilespmem:s21+$0xFFFFFFA0] =	vst v7;
	v15 =	vmul.f32 v15, v20  }
0xdf: {  	v7 =	vld [tilespmem:s7+$0xFFFFFFA0];
	[tilespmem:s21+$0xFFFFFFF0] =	vst v4;
	v20 =	vmul.f32 v12, v20;
	v12 =	vmul.f32 v19, v21  }
0xe0: {  	v4 =	vmul.f32 v18, v17;
	v17 =	vmul.f32 v9, v17;
	[tilespmem:s21+$0x60] =	vst v11  }
0xe1: {  	v1 =	vmul.f32 v1, v13;
	v9 =	vmul.f32 v27, v13;
	[tilespmem:s21+$0xFFFFFFB0] =	vst v16  }
0xe2: {  	v2 =	vbroadcast v2, $0x4;
	[tilespmem:s21+$0xFFFFFF20] =	vst v4;
	v4 =	vmul.f32 v10, v6  }
0xe3: {  	[tilespmem:s21+$0xFFFFFF60] =	vst v1  }
0xe4: {  	v6 =	vmul.f32 v14, v2;
	v1 =	vmul.f32 v3, v2;
	[tilespmem:s21+$0x40] =	vst v23  }
0xe5: {  	[tilespmem:s21+$0xFFFFFFE0] =	vst v8  }
0xe6: {  	[tilespmem:s21+$0xF0] =	vst v4  }
0xe7: {  	[tilespmem:s21+$0xFFFFFF90] =	vst v1  }
0xe8: {  	[tilespmem:s21+$0xFFFFFF70] =	vst v9  }
0xe9: {  	v4 =	vld [tilespmem:s7+$0xFFFFFFF0];
	[tilespmem:s21+$0x20] =	vst v12  }
0xea: {  	v1 =	vld [tilespmem:s7+$0xFFFFFF60];
	[tilespmem:s21+$0x30] =	vst v22  }
0xeb: {  	v8 =	vld [tilespmem:s7+$0xFFFFFFD0];
	[tilespmem:s21+$0xFFFFFF80] =	vst v6  }
0xec: {  	v9 =	vld [tilespmem:s7+$0x80];
	[tilespmem:s21+$0x50] =	vst v24  }
0xed: {  	v12 =	vld [tilespmem:s7+$0xFFFFFF10];
	[tilespmem:s21+$0x0] =	vst v15  }
0xee: {  	v16 =	vld [tilespmem:s7+$0xE0];
	[tilespmem:s21+$0xFFFFFF30] =	vst v17  }
0xef: {  	s8 =	sshra.s32 s8, $0x2;
	v11 =	vld [tilespmem:s7+$0xFFFFFF40];
	[tilespmem:s21+$0x10] =	vst v20;
	s21 =	smov.u32 s7  }
0xf0: {  	v2 =	vld.idx.msk [tilespmem:v5+s8+$0x0 ss:$0x1], $0xffff  }
0xf1: {  	v3 =	vld [tilespmem:s7+$0xFFFFFF90]  }
0xf2: {  	v10 =	vld [tilespmem:s7+$0xFFFFFFC0]  }
0xf3: {  	v13 =	vld [tilespmem:s7+$0xFFFFFF00]  }
0xf4: {  	v14 =	vld [tilespmem:s7+$0xD0]  }
.Ltmp4:
0xf5: {  	v23 =	vld [tilespmem:s7+$0xC0];
	(pc) =	sbr.rel @p1 .LBB2_7-.Ltmp4, $4  }
0xf6: {  	v19 =	vbroadcast v2, $0x0;
	v6 =	vbroadcast v2, $0xF;
	v21 =	vld [tilespmem:s7+$0x90]  }
0xf7: {  	v20 =	vbroadcast v2, $0x2;
	v18 =	vbroadcast v2, $0xE;
	v22 =	vld [tilespmem:s7+$0xFFFFFF50]  }
0xf8: {  	v25 =	vmul.f32 v19, v13;
	v13 =	vbroadcast v2, $0xD;
	v17 =	vld [tilespmem:s7+$0xB0]  }
0xf9: {  	v15 =	vbroadcast v2, $0xC;
	v24 =	vmul.f32 v11, v20;
	v11 =	vld [tilespmem:s7+$0x60]  }
0xfa: {  	[tilespmem:s21+$0xFFFFFF00] =	vst v25;
	v5 =	vmul.f32 v16, v6  }
0xfb: {  	v30 =	vmul.f32 v23, v18;
	[tilespmem:s21+$0xFFFFFF40] =	vst v24  }
0xfc: {  	v12 =	vmul.f32 v12, v19;
	[tilespmem:s21+$0xE0] =	vst v5  }
0xfd: {  	v35 =	vmul.f32 v14, v18;
	[tilespmem:s21+$0xC0] =	vst v30  }
0xfe: {  	v33 =	vmul.f32 v21, v15;
	[tilespmem:s21+$0xFFFFFF10] =	vst v12  }
0xff: {  	v41 =	vbroadcast v2, $0x6;
	v9 =	vmul.f32 v9, v15;
	[tilespmem:s21+$0xD0] =	vst v35  }
0x100: {  	v20 =	vmul.f32 v22, v20;
	[tilespmem:s21+$0x90] =	vst v33  }
0x101: {  	v45 =	vbroadcast v2, $0x5;
	v8 =	vmul.f32 v8, v41;
	[tilespmem:s21+$0x80] =	vst v9  }
0x102: {  	v47 =	vbroadcast v2, $0x7;
	v10 =	vmul.f32 v10, v41;
	[tilespmem:s21+$0xFFFFFF50] =	vst v20  }
0x103: {  	v54 =	vbroadcast v2, $0x3;
	v7 =	vmul.f32 v7, v45;
	[tilespmem:s21+$0xFFFFFFD0] =	vst v8  }
0x104: {  	v31 =	vld [tilespmem:s21+$0xA0];
	v59 =	vbroadcast v2, $0x4;
	v4 =	vmul.f32 v4, v47;
	[tilespmem:s21+$0xFFFFFFC0] =	vst v10  }
0x105: {  	v32 =	vld [tilespmem:s21+$0x70];
	v1 =	vmul.f32 v1, v54;
	[tilespmem:s21+$0xFFFFFFA0] =	vst v7  }
0x106: {  	v34 =	vld [tilespmem:s21+$0xFFFFFFB0];
	v37 =	vbroadcast v2, $0xB;
	v3 =	vmul.f32 v3, v59;
	[tilespmem:s21+$0xFFFFFFF0] =	vst v4  }
0x107: {  	v36 =	vld [tilespmem:s21+$0xFFFFFF20];
	v43 =	vmul.f32 v17, v13;
	[tilespmem:s21+$0xFFFFFF60] =	vst v1  }
0x108: {  	v40 =	vld [tilespmem:s21+$0x40];
	v11 =	vmul.f32 v11, v37;
	[tilespmem:s21+$0xFFFFFF90] =	vst v3  }
0x109: {  	v38 =	vld [tilespmem:s21+$0xFFFFFFE0];
	v39 =	vmul.f32 v31, v13;
	[tilespmem:s21+$0xB0] =	vst v43  }
0x10a: {  	v52 =	vbroadcast v2, $0x1;
	v55 =	vld [tilespmem:s21+$0xF0];
	v19 =	vmul.f32 v32, v37;
	[tilespmem:s21+$0x60] =	vst v11  }
0x10b: {  	v49 =	vld [tilespmem:s21+$0xFFFFFF70];
	v56 =	vbroadcast v2, $0xA;
	v53 =	vmul.f32 v34, v45;
	[tilespmem:s21+$0xA0] =	vst v39  }
0x10c: {  	v46 =	vld [tilespmem:s21+$0x30];
	v14 =	vmul.f32 v36, v52;
	[tilespmem:s21+$0x70] =	vst v19  }
0x10d: {  	v50 =	vld [tilespmem:s21+$0xFFFFFF80];
	v58 =	vmul.f32 v40, v56;
	[tilespmem:s21+$0xFFFFFFB0] =	vst v53  }
0x10e: {  	v44 =	vld [tilespmem:s21+$0x20];
	v5 =	vmul.f32 v38, v47;
	[tilespmem:s21+$0xFFFFFF20] =	vst v14  }
0x10f: {  	v57 =	vld [tilespmem:s21+$0xFFFFFF30];
	v60 =	vbroadcast v2, $0x9;
	v1 =	vmul.f32 v55, v6;
	[tilespmem:s21+$0x40] =	vst v58  }
0x110: {  	v42 =	vld [tilespmem:s21+$0x50];
	v61 =	vmul.f32 v49, v54;
	[tilespmem:s21+$0xFFFFFFE0] =	vst v5  }
0x111: {  	v48 =	vld [tilespmem:s21+$0x0];
	v3 =	vmul.f32 v46, v60;
	[tilespmem:s21+$0xF0] =	vst v1  }
0x112: {  	v51 =	vld [tilespmem:s21+$0x10];
	v62 =	vmul.f32 v50, v59;
	[tilespmem:s21+$0xFFFFFF70] =	vst v61  }
0x113: {  	v1 =	vmul.f32 v44, v60;
	[tilespmem:s21+$0x30] =	vst v3  }
0x114: {  	v2 =	vbroadcast v2, $0x8;
	s31 =	sadd.s32 $0x1, s31;
	v63 =	vmul.f32 v57, v52;
	[tilespmem:s21+$0xFFFFFF80] =	vst v62  }
0x115: {  	p1 =	sne.s32 s31, $0x27;
	[tilespmem:s21+$0x20] =	vst v1;
	v1 =	vmul.f32 v42, v56  }
.Ltmp5:
0x116: {  	v3 =	vmul.f32 v48, v2;
	[tilespmem:s21+$0xFFFFFF30] =	vst v63;
	(pc) =	sbr.rel @p1 .LBB2_4-.Ltmp5, $4  }
0x117: {  	[tilespmem:s21+$0x50] =	vst v1;
	v1 =	vmul.f32 v51, v2  }
0x118: {  	[tilespmem:s21+$0x0] =	vst v3  }
0x119: {  	s6 =	sadd.s32 $0xC4A0, s20;
	s0 =	sadd.s32 $0x100, s0;
	s19 =	sadd.s32 $0x100, s19;
	[tilespmem:s21+$0x10] =	vst v1  }
0x11a: {  	[spmem:s3] =	stream.indirect.scatter.add.f32 [tilespmem:s30], [sflag:$0x4], $0x20, s6, s28, $0xb8;
	[tilespmem:$0x182A0] =	vst v63  }
0x11b: {  	_ =	swait.ge [sflag:s24], $0x1000  }
.Ltmp6:
0x11c: {  	[sflag:s24] =	ssyncset.done $0x0;
	(pc) =	sbr.rel @p0 .LBB2_13-.Ltmp6, $4  }
0x11d: {  	[sflag:s24] =	ssyncadd.s32 $0xFFFFF000  }
0x11e: {  	_ =	swait.ge [sflag:s25], $0x1000  }
0x11f: {  	[sflag:s25] =	ssyncset.done $0x0  }
0x120: {  	[sflag:s25] =	ssyncadd.s32 $0xFFFFF000  }
0x121: {  	s0 =	simm.s32 $0xC420  }
0x122: {  	[tilespmem:s29], [sflag:$0x5] =	stream.indirect.gather [spmem:s2], $0x20, s0, s28, $0xb8;
	[tilespmem:$0x182A0] =	vst v63  }
0x123: {  	_ =	swait.ge [sflag:s22], $0x1000  }
0x124: {  	[sflag:s22] =	ssyncset.done $0x0  }
0x125: {  	s0 =	simm.s32 $0x114A0;
	[sflag:s22] =	ssyncadd.s32 $0xFFFFF000  }
0x126: {  	v6 =	vld [tilespmem:s0+$0xFFFFFFA0]  }
0x127: {  	v4 =	vld [tilespmem:s0+$0xFFFFFFF0]  }
0x128: {  	v1 =	vld [tilespmem:s0+$0xFFFFFF60]  }
0x129: {  	v7 =	vld [tilespmem:s0+$0xFFFFFFD0]  }
0x12a: {  	v8 =	vld [tilespmem:s0+$0x80]  }
0x12b: {  	v11 =	vld [tilespmem:s0+$0xFFFFFF10]  }
0x12c: {  	v15 =	vld [tilespmem:s0+$0xE0]  }
0x12d: {  	v10 =	vld [tilespmem:s0+$0xFFFFFF40]  }
0x12e: {  	s6 =	simm.s32 $0x0;
	v2 =	vld [tilespmem:s0+$0xFFFFFF90]  }
0x12f: {  	v3 =	vld [tilespmem:s6+$0x11320]  }
0x130: {  	v9 =	vld [tilespmem:s0+$0xFFFFFFC0]  }
0x131: {  	v12 =	vld [tilespmem:s0+$0xFFFFFF00]  }
0x132: {  	v13 =	vld [tilespmem:s0+$0xD0]  }
0x133: {  	v22 =	vld [tilespmem:s0+$0xC0]  }
0x134: {  	v20 =	vld [tilespmem:s0+$0x90];
	v18 =	vbroadcast v3, $0x0;
	v5 =	vbroadcast v3, $0xF  }
0x135: {  	v21 =	vld [tilespmem:s0+$0xFFFFFF50];
	v19 =	vbroadcast v3, $0x2;
	v17 =	vbroadcast v3, $0xE  }
0x136: {  	v16 =	vld [tilespmem:s0+$0xB0];
	v14 =	vbroadcast v3, $0xC;
	v24 =	vmul.f32 v18, v12  }
0x137: {  	s7 =	simm.s32 $0x114A0;
	s6 =	simm.s32 $0x40;
	v12 =	vbroadcast v3, $0xD;
	v23 =	vmul.f32 v10, v19;
	v10 =	vld [tilespmem:s0+$0x60]  }
.LBB2_11:
0x138: {  	p1 =	sne.s32 s6, $0x1C0  }
0x139: {  	[tilespmem:s0+$0xFFFFFF00] =	vst v24;
	v24 =	vld [tilespmem:s0+$0xFFFFFFB0];
	v22 =	vmul.f32 v22, v17;
	v15 =	vmul.f32 v15, v5;
	s7 =	sadd.s32 $0x200, s7;
	s18 =	smov.u32 s6;
	s6 =	sadd.s32 $0x40, s6  }
0x13a: {  	[tilespmem:s0+$0xFFFFFF40] =	vst v23;
	v23 =	vbroadcast v3, $0xA;
	v20 =	vmul.f32 v20, v14;
	v25 =	vld [tilespmem:s0+$0xA0]  }
0x13b: {  	v11 =	vmul.f32 v11, v18;
	v18 =	vmul.f32 v21, v19;
	v19 =	vld [tilespmem:s0+$0x70];
	[tilespmem:s0+$0xE0] =	vst v15  }
0x13c: {  	v15 =	vbroadcast v3, $0x5;
	v21 =	vld [tilespmem:s0+$0xFFFFFFE0];
	v16 =	vmul.f32 v16, v12;
	[tilespmem:s0+$0xC0] =	vst v22  }
0x13d: {  	v13 =	vmul.f32 v13, v17;
	[tilespmem:s0+$0xFFFFFF10] =	vst v11;
	v11 =	vbroadcast v3, $0x6;
	v22 =	vld [tilespmem:s0+$0x40]  }
0x13e: {  	v26 =	vbroadcast v3, $0xB;
	v6 =	vmul.f32 v6, v15;
	v17 =	vld [tilespmem:s0+$0xFFFFFF20];
	[tilespmem:s0+$0x90] =	vst v20  }
0x13f: {  	v20 =	vbroadcast v3, $0x9;
	[tilespmem:s0+$0xFFFFFF50] =	vst v18;
	v18 =	vld [tilespmem:s0+$0x20];
	v12 =	vmul.f32 v25, v12  }
0x140: {  	v15 =	vmul.f32 v24, v15;
	v24 =	vld [tilespmem:s0+$0x50];
	v19 =	vmul.f32 v19, v26;
	[tilespmem:s0+$0xD0] =	vst v13  }
0x141: {  	v8 =	vmul.f32 v8, v14;
	v13 =	vbroadcast v3, $0x7;
	v25 =	vld [tilespmem:s0+$0x30];
	[tilespmem:s0+$0xA0] =	vst v12  }
0x142: {  	v9 =	vmul.f32 v9, v11;
	v12 =	vbroadcast v3, $0x3;
	v14 =	vld [tilespmem:s0+$0x0];
	[tilespmem:s0+$0x70] =	vst v19  }
0x143: {  	v10 =	vmul.f32 v10, v26;
	v7 =	vmul.f32 v7, v11;
	v11 =	vld [tilespmem:s0+$0x10];
	[tilespmem:s0+$0x80] =	vst v8  }
0x144: {  	v19 =	vbroadcast v3, $0x8;
	v22 =	vmul.f32 v22, v23;
	v8 =	vld [tilespmem:s0+$0xFFFFFF30];
	[tilespmem:s0+$0xB0] =	vst v16  }
0x145: {  	v16 =	vbroadcast v3, $0x1;
	v26 =	vld [tilespmem:s0+$0xFFFFFF70];
	[tilespmem:s0+$0xFFFFFFD0] =	vst v7;
	v23 =	vmul.f32 v24, v23  }
0x146: {  	v4 =	vmul.f32 v4, v13;
	v7 =	vmul.f32 v21, v13;
	[tilespmem:s0+$0xFFFFFFC0] =	vst v9;
	v9 =	vld [tilespmem:s0+$0xF0]  }
0x147: {  	v21 =	vmul.f32 v25, v20;
	v13 =	vld [tilespmem:s0+$0xFFFFFF80];
	[tilespmem:s0+$0xFFFFFFA0] =	vst v6;
	v14 =	vmul.f32 v14, v19  }
0x148: {  	v6 =	vld [tilespmem:s7+$0xFFFFFFA0];
	[tilespmem:s0+$0xFFFFFFF0] =	vst v4;
	v19 =	vmul.f32 v11, v19;
	v11 =	vmul.f32 v18, v20  }
0x149: {  	v4 =	vmul.f32 v17, v16;
	v16 =	vmul.f32 v8, v16;
	[tilespmem:s0+$0x60] =	vst v10  }
0x14a: {  	v1 =	vmul.f32 v1, v12;
	v8 =	vmul.f32 v26, v12;
	[tilespmem:s0+$0xFFFFFFB0] =	vst v15  }
0x14b: {  	v3 =	vbroadcast v3, $0x4;
	[tilespmem:s0+$0xFFFFFF20] =	vst v4;
	v4 =	vmul.f32 v9, v5  }
0x14c: {  	[tilespmem:s0+$0xFFFFFF60] =	vst v1  }
0x14d: {  	v5 =	vmul.f32 v13, v3;
	v1 =	vmul.f32 v2, v3;
	[tilespmem:s0+$0x40] =	vst v22  }
0x14e: {  	[tilespmem:s0+$0xFFFFFFE0] =	vst v7  }
0x14f: {  	[tilespmem:s0+$0xF0] =	vst v4  }
0x150: {  	[tilespmem:s0+$0xFFFFFF90] =	vst v1  }
0x151: {  	v4 =	vld [tilespmem:s7+$0xFFFFFFF0];
	[tilespmem:s0+$0xFFFFFF70] =	vst v8  }
0x152: {  	v1 =	vld [tilespmem:s7+$0xFFFFFF60];
	[tilespmem:s0+$0x20] =	vst v11  }
0x153: {  	v7 =	vld [tilespmem:s7+$0xFFFFFFD0];
	[tilespmem:s0+$0x30] =	vst v21  }
0x154: {  	v8 =	vld [tilespmem:s7+$0x80];
	[tilespmem:s0+$0xFFFFFF80] =	vst v5  }
0x155: {  	v11 =	vld [tilespmem:s7+$0xFFFFFF10];
	[tilespmem:s0+$0x50] =	vst v23  }
0x156: {  	v15 =	vld [tilespmem:s7+$0xE0];
	[tilespmem:s0+$0x0] =	vst v14  }
0x157: {  	v10 =	vld [tilespmem:s7+$0xFFFFFF40];
	[tilespmem:s0+$0xFFFFFF30] =	vst v16  }
0x158: {  	s8 =	sshra.s32 s18, $0x2;
	v2 =	vld [tilespmem:s7+$0xFFFFFF90];
	[tilespmem:s0+$0x10] =	vst v19;
	s0 =	smov.u32 s7  }
0x159: {  	v3 =	vld [tilespmem:s8+$0x11320]  }
0x15a: {  	v9 =	vld [tilespmem:s7+$0xFFFFFFC0]  }
0x15b: {  	v12 =	vld [tilespmem:s7+$0xFFFFFF00]  }
0x15c: {  	v13 =	vld [tilespmem:s7+$0xD0]  }
.Ltmp7:
0x15d: {  	v22 =	vld [tilespmem:s7+$0xC0];
	(pc) =	sbr.rel @p1 .LBB2_11-.Ltmp7, $4  }
0x15e: {  	v18 =	vbroadcast v3, $0x0;
	v20 =	vld [tilespmem:s7+$0x90];
	v5 =	vbroadcast v3, $0xF  }
0x15f: {  	v19 =	vbroadcast v3, $0x2;
	v17 =	vbroadcast v3, $0xE;
	v21 =	vld [tilespmem:s7+$0xFFFFFF50]  }
0x160: {  	v24 =	vmul.f32 v18, v12;
	v12 =	vbroadcast v3, $0xD;
	v16 =	vld [tilespmem:s7+$0xB0]  }
0x161: {  	v14 =	vbroadcast v3, $0xC;
	v23 =	vmul.f32 v10, v19;
	v10 =	vld [tilespmem:s7+$0x60]  }
0x162: {  	[tilespmem:s0+$0xFFFFFF00] =	vst v24;
	v15 =	vmul.f32 v15, v5  }
0x163: {  	v22 =	vmul.f32 v22, v17;
	[tilespmem:s0+$0xFFFFFF40] =	vst v23  }
0x164: {  	v11 =	vmul.f32 v11, v18;
	[tilespmem:s0+$0xE0] =	vst v15  }
0x165: {  	v35 =	vmul.f32 v13, v17;
	[tilespmem:s0+$0xC0] =	vst v22  }
0x166: {  	v33 =	vmul.f32 v20, v14;
	[tilespmem:s0+$0xFFFFFF10] =	vst v11  }
0x167: {  	v41 =	vbroadcast v3, $0x6;
	v8 =	vmul.f32 v8, v14;
	[tilespmem:s0+$0xD0] =	vst v35  }
0x168: {  	v19 =	vmul.f32 v21, v19;
	[tilespmem:s0+$0x90] =	vst v33  }
0x169: {  	v45 =	vbroadcast v3, $0x5;
	v7 =	vmul.f32 v7, v41;
	[tilespmem:s0+$0x80] =	vst v8  }
0x16a: {  	v47 =	vbroadcast v3, $0x7;
	v9 =	vmul.f32 v9, v41;
	[tilespmem:s0+$0xFFFFFF50] =	vst v19  }
0x16b: {  	v54 =	vbroadcast v3, $0x3;
	v6 =	vmul.f32 v6, v45;
	[tilespmem:s0+$0xFFFFFFD0] =	vst v7  }
0x16c: {  	v31 =	vld [tilespmem:s0+$0xA0];
	v59 =	vbroadcast v3, $0x4;
	v4 =	vmul.f32 v4, v47;
	[tilespmem:s0+$0xFFFFFFC0] =	vst v9  }
0x16d: {  	v32 =	vld [tilespmem:s0+$0x70];
	v1 =	vmul.f32 v1, v54;
	[tilespmem:s0+$0xFFFFFFA0] =	vst v6  }
0x16e: {  	v34 =	vld [tilespmem:s0+$0xFFFFFFB0];
	v37 =	vbroadcast v3, $0xB;
	v2 =	vmul.f32 v2, v59;
	[tilespmem:s0+$0xFFFFFFF0] =	vst v4  }
0x16f: {  	v36 =	vld [tilespmem:s0+$0xFFFFFF20];
	v43 =	vmul.f32 v16, v12;
	[tilespmem:s0+$0xFFFFFF60] =	vst v1  }
0x170: {  	v40 =	vld [tilespmem:s0+$0x40];
	v10 =	vmul.f32 v10, v37;
	[tilespmem:s0+$0xFFFFFF90] =	vst v2  }
0x171: {  	v38 =	vld [tilespmem:s0+$0xFFFFFFE0];
	v39 =	vmul.f32 v31, v12;
	[tilespmem:s0+$0xB0] =	vst v43  }
0x172: {  	v52 =	vbroadcast v3, $0x1;
	v55 =	vld [tilespmem:s0+$0xF0];
	v18 =	vmul.f32 v32, v37;
	[tilespmem:s0+$0x60] =	vst v10  }
0x173: {  	v49 =	vld [tilespmem:s0+$0xFFFFFF70];
	v56 =	vbroadcast v3, $0xA;
	v53 =	vmul.f32 v34, v45;
	[tilespmem:s0+$0xA0] =	vst v39  }
0x174: {  	v46 =	vld [tilespmem:s0+$0x30];
	v13 =	vmul.f32 v36, v52;
	[tilespmem:s0+$0x70] =	vst v18  }
0x175: {  	v50 =	vld [tilespmem:s0+$0xFFFFFF80];
	v58 =	vmul.f32 v40, v56;
	[tilespmem:s0+$0xFFFFFFB0] =	vst v53  }
0x176: {  	v44 =	vld [tilespmem:s0+$0x20];
	v8 =	vmul.f32 v38, v47;
	[tilespmem:s0+$0xFFFFFF20] =	vst v13  }
0x177: {  	v57 =	vld [tilespmem:s0+$0xFFFFFF30];
	v60 =	vbroadcast v3, $0x9;
	v1 =	vmul.f32 v55, v5;
	[tilespmem:s0+$0x40] =	vst v58  }
0x178: {  	v42 =	vld [tilespmem:s0+$0x50];
	v61 =	vmul.f32 v49, v54;
	[tilespmem:s0+$0xFFFFFFE0] =	vst v8  }
0x179: {  	v48 =	vld [tilespmem:s0+$0x0];
	v2 =	vmul.f32 v46, v60;
	[tilespmem:s0+$0xF0] =	vst v1  }
0x17a: {  	v51 =	vld [tilespmem:s0+$0x10];
	v62 =	vmul.f32 v50, v59;
	[tilespmem:s0+$0xFFFFFF70] =	vst v61  }
0x17b: {  	v1 =	vmul.f32 v44, v60;
	[tilespmem:s0+$0x30] =	vst v2  }
0x17c: {  	v3 =	vbroadcast v3, $0x8;
	v63 =	vmul.f32 v57, v52;
	[tilespmem:s0+$0xFFFFFF80] =	vst v62  }
0x17d: {  	[tilespmem:s0+$0x20] =	vst v1;
	v1 =	vmul.f32 v42, v56  }
0x17e: {  	v2 =	vmul.f32 v48, v3;
	[tilespmem:s0+$0xFFFFFF30] =	vst v63  }
0x17f: {  	[tilespmem:s0+$0x50] =	vst v1;
	v1 =	vmul.f32 v51, v3  }
0x180: {  	[tilespmem:s0+$0x0] =	vst v2  }
.Ltmp8:
0x181: {  	s31 =	simm.s32 $0xEBA0;
	[tilespmem:s0+$0x10] =	vst v1;
	(pc) =	sbr.rel .LBB2_13-.Ltmp8, $4  }
0x182: {  	[spmem:s3] =	stream.indirect.scatter.add.f32 [tilespmem:s29], [sflag:$0x5], $0x20, s31, s28, $0xb8;
	[tilespmem:$0x182A0] =	vst v63  }
0x183: {  	_ =	swait.ge [sflag:s22], $0x1000  }
0x184: {  	[sflag:s22] =	ssyncset.done $0x0  }
0x185: {  	[sflag:s22] =	ssyncadd.s32 $0xFFFFF000  }
.LBB2_14:
0x186: {  	_ =	sfence.sel $0x180000  }
0x187: {  	[bflag:$0x0] =	sbarrier.arrive $0xFFFF  }
0x188: {  	_ =	strace $0x9000004A  }
0x189: {  	s0 =	stileid.u32;
	[bflag:$0x2] =	sbarrier.arrive $0xFFFF  }
0x18a: {  	p0 =	sne.s32 s0, $0x0;
	s0 =	rddreg [dreg:$0x4]  }
0x18b: {  	s0 =	sadd.s32 @!p0 $0x100000, s0  }
0x18c: {  	[sflag:s0] =	ssyncadd.tile.s32 @!p0 $0x1;
	_ =	shalt  }
.Lfunc_end2:
_tile_overlayer_lowered:
.L_overlay_start_2:
0x18d: {  	(tag) =	ssettag $0x2  }
0x18e: {  	s0 =	rddreg [dreg:$0x0];
	s2 =	stileid.u32  }
0x18f: {  	s1 =	rddreg [dreg:$0x1];
	p0 =	sne.s32 s2, $0x0  }
0x190: {  	s3 =	rddreg [dreg:$0x2];
	[bflag:$0x3] =	sbarrier.arrive $0xFFFF;
	s2 =	simm.s32 @!p0 $0x1C05  }
0x191: {  	[timem:s3], [sflag:s2] =	dma.local @!p0 [hbm:s0], s1  }
0x192: {  	s0 =	simm.s32 @!p0 $0x5  }
0x193: {  	_ =	swait.ge @!p0 [sflag:s0], s1  }
0x194: {  	s1 =	ssub.s32 @!p0 $0x0, s1;
	[sflag:s0] =	ssyncset.done @!p0 $0x0  }
0x195: {  	[sflag:s0] =	ssyncadd.s32 @!p0 s1  }
0x196: {  	[bflag:$0x3] =	sbarrier.arrive $0xFFFF  }
0x197: {  	_ =	shalt  }

// kernel: kernel.15.cloned.1.call-start
scs
__scs_entry_jumppad:
0x0: {  	(pc) =	sbr.rel $0x88, $3  }
0x1: {  	(tag) =	ssettag $0x0;
	lr =	simm.s32 $0x1  }
0x2: {  	[smem:$0x3F98] =	sst lr;
	_ =	strace $0xD0000000  }
0x3: {  	_ = 	snop  }
0x4: {  	_ = 	snop  }
0x5: {  	_ = 	snop  }
0x6: {  	_ = 	snop  }
0x7: {  	_ = 	snop  }
__scs_overlays_trampoline_lowered:
0x8: {  	[smem:$0x3FA7] =	sst s0  }
0x9: {  	[smem:$0x3FA8] =	sst s1  }
0xa: {  	[smem:$0x3FA9] =	sst s2  }
0xb: {  	[smem:$0x3FAA] =	sst s3  }
0xc: {  	[smem:$0x3FAB] =	sst s4  }
0xd: {  	[smem:$0x3FAC] =	sst s5  }
0xe: {  	[smem:$0x3FAD] =	sst s6  }
0xf: {  	[smem:$0x3FAE] =	sst s7  }
0x10: {  	[smem:$0x3FAF] =	sst s8  }
0x11: {  	[smem:$0x3FB0] =	sst s9;
	s0 =	simm.s32 @!p0 $0x0  }
0x12: {  	s1 =	sld [smem:$0x3F96];
	s0 =	simm.s32 @p0 $0x1  }
0x13: {  	[smem:$0x3FB1] =	sst s0;
	s0 =	simm.s32 @!p1 $0x0  }
0x14: {  	s2 =	sld [smem:$0x3F95];
	s0 =	simm.s32 @p1 $0x1  }
0x15: {  	[smem:$0x3FB2] =	sst s0;
	s0 =	simm.s32 @!p2 $0x0  }
0x16: {  	s3 =	sld [smem:$0x3FDB];
	s0 =	simm.s32 @p2 $0x1  }
0x17: {  	s4 =	simm.s32 $0x1BF5;
	[smem:$0x3FB4] =	sst s0  }
0x18: {  	s0 =	sld [smem:$0x3F97];
	_ =	swait.ge [sflag:s4], $0x0  }
0x19: {  	s7 =	sld [smem:$0x3F98]  }
0x1a: {  	s8 =	sadd.s32 $0xFFFFE003, lr  }
0x1b: {  	s9 =	sadd.s32 $0xFFFFFEF7, lr;
	s5 =	simm.s32 $0xFFFFFFFF;
	p2 =	slt.u32 s8, $0xFFFFF086  }
0x1c: {  	p1 =	slt.u32 s9, $0xF7A;
	s5 =	simm.s32 @!p2 $0x0  }
0x1d: {  	s5 =	simm.s32 @p1 $0x1;
	p0 =	seq.s32 s7, s2  }
0x1e: {  	s7 =	smul.u32 @!p0 $0xF7A, s2;
	p2 =	seq.s32 @!p0 s5, $0x0  }
0x1f: {  	s9 =	smul.u32 $0xF7A, s1;
	s8 =	simm.s32 @!p0 $0x1BF5;
	p2 =	por !p2, p0  }
0x20: {  	[sflag:s8] =	ssyncset.s32 @!p0 $0xFFFFF086;
	s6 =	sadd.s32 @!p0 s3, s7;
	s7 =	simm.s32 @!p0 $0x108  }
0x21: {  	s3 =	sadd.s32 s3, s9;
	s6 =	sadd.s32 @!p0 $0x88, s6;
	s7 =	simm.s32 @p2 $0x1082  }
0x22: {  	[simem:s7], [sflag:s8] =	dma.local @!p0 [hbm:s6], $0xF7A  }
0x23: {  	s9 =	sor.u32 $0xD0000000, s2;
	s6 =	simm.s32 $0x108;
	_ =	swait.ge @!p0 [sflag:s8], $0x0  }
0x24: {  	s3 =	sadd.s32 $0x88, s3;
	s6 =	simm.s32 @!p1 $0x1082;
	[sflag:s4] =	ssyncset.s32 $0xFFFFF086  }
0x25: {  	[simem:s6], [sflag:s4] =	dma.local [hbm:s3], $0xF7A  }
0x26: {  	[smem:$0x3F98] =	sst s1;
	(tag) =	ssettag s2;
	_ =	strace s9  }
0x27: {  	s1 =	sld [smem:$0x3FA8]  }
0x28: {  	s2 =	sld [smem:$0x3FA9]  }
0x29: {  	s4 =	sld [smem:$0x3FAB]  }
0x2a: {  	p0 =	seq.s32 s5, $0x0;
	s5 =	sld [smem:$0x3FAC]  }
0x2b: {  	s6 =	sld [smem:$0x3FAD]  }
0x2c: {  	s7 =	sld [smem:$0x3FAE]  }
0x2d: {  	s3 =	simm.s32 $0x108;
	s8 =	sld [smem:$0x3FAF]  }
0x2e: {  	s3 =	simm.s32 @!p0 $0x1082;
	s9 =	sld [smem:$0x3FB0]  }
0x2f: {  	lr =	sadd.s32 s0, s3;
	s0 =	sld [smem:$0x3FA7]  }
0x30: {  	s3 =	sld [smem:$0x3FAA]  }
0x31: {  	[smem:$0x3FB3] =	sst s10  }
0x32: {  	s10 =	sld [smem:$0x3FB1];
	_ =	sdelay $0x3  }
0x33: {  	p0 =	seq.s32 s10, $0x1;
	s10 =	sld [smem:$0x3FB3];
	_ =	sdelay $0x3  }
0x34: {  	[smem:$0x3FB3] =	sst s10  }
0x35: {  	s10 =	sld [smem:$0x3FB2];
	_ =	sdelay $0x3  }
0x36: {  	p1 =	seq.s32 s10, $0x1;
	s10 =	sld [smem:$0x3FB3];
	_ =	sdelay $0x3  }
0x37: {  	[smem:$0x3FB3] =	sst s10  }
0x38: {  	s10 =	sld [smem:$0x3FB4]  }
0x39: {  	_ = 	snop;
	(pc) =	sbr.ind lr, $3  }
0x3a: {  	_ = 	snop  }
0x3b: {  	_ = 	snop  }
0x3c: {  	p2 =	seq.s32 s10, $0x1;
	s10 =	sld [smem:$0x3FB3]  }
0x3d: {  	_ =	shalt  }
0x3e: {  	_ =	shalt  }
0x3f: {  	_ =	shalt  }
0x40: {  	_ =	shalt  }
0x41: {  	_ =	shalt  }
0x42: {  	_ =	shalt  }
0x43: {  	_ =	shalt  }
0x44: {  	_ =	shalt  }
0x45: {  	_ =	shalt  }
0x46: {  	_ =	shalt  }
0x47: {  	_ =	shalt  }
0x48: {  	_ =	shalt  }
0x49: {  	_ =	shalt  }
0x4a: {  	_ =	shalt  }
0x4b: {  	_ =	shalt  }
0x4c: {  	_ =	shalt  }
0x4d: {  	_ =	shalt  }
0x4e: {  	_ =	shalt  }
0x4f: {  	_ =	shalt  }
0x50: {  	_ =	shalt  }
0x51: {  	_ =	shalt  }
0x52: {  	_ =	shalt  }
0x53: {  	_ =	shalt  }
0x54: {  	_ =	shalt  }
0x55: {  	_ =	shalt  }
0x56: {  	_ =	shalt  }
0x57: {  	_ =	shalt  }
0x58: {  	_ =	shalt  }
0x59: {  	_ =	shalt  }
0x5a: {  	_ =	shalt  }
0x5b: {  	_ =	shalt  }
0x5c: {  	_ =	shalt  }
0x5d: {  	_ =	shalt  }
0x5e: {  	_ =	shalt  }
0x5f: {  	_ =	shalt  }
0x60: {  	_ =	shalt  }
0x61: {  	_ =	shalt  }
0x62: {  	_ =	shalt  }
0x63: {  	_ =	shalt  }
0x64: {  	_ =	shalt  }
0x65: {  	_ =	shalt  }
0x66: {  	_ =	shalt  }
0x67: {  	_ =	shalt  }
0x68: {  	_ =	shalt  }
0x69: {  	_ =	shalt  }
0x6a: {  	_ =	shalt  }
0x6b: {  	_ =	shalt  }
0x6c: {  	_ =	shalt  }
0x6d: {  	_ =	shalt  }
0x6e: {  	_ =	shalt  }
0x6f: {  	_ =	shalt  }
0x70: {  	_ =	shalt  }
0x71: {  	_ =	shalt  }
0x72: {  	_ =	shalt  }
0x73: {  	_ =	shalt  }
0x74: {  	_ =	shalt  }
0x75: {  	_ =	shalt  }
0x76: {  	_ =	shalt  }
0x77: {  	_ =	shalt  }
0x78: {  	_ =	shalt  }
0x79: {  	_ =	shalt  }
0x7a: {  	_ =	shalt  }
0x7b: {  	_ =	shalt  }
0x7c: {  	_ =	shalt  }
0x7d: {  	_ =	shalt  }
0x7e: {  	_ =	shalt  }
0x7f: {  	_ =	shalt  }
0x80: {  	_ =	shalt  }
0x81: {  	_ =	shalt  }
0x82: {  	_ =	shalt  }
0x83: {  	_ =	shalt  }
0x84: {  	_ =	shalt  }
0x85: {  	_ =	shalt  }
0x86: {  	_ =	shalt  }
0x87: {  	_ =	shalt  }
.Lfunc_end0:
.L_simem_size_0:
called_computation.2_lowered:
.L_overlay_start_0:
0x88: {  	s2 =	sld [smem:$0x3FD9]  }
0x89: {  	s3 =	sld [smem:$0x3FFE];
	_ =	sdelay $0x1  }
0x8a: {  	s1 =	srdreg.scid  }
0x8b: {  	s0 =	sand.u32 $0x1, s1  }
0x8c: {  	s17 =	sshll.u32 s0, $0xA;
	s2 =	sadd.s32 s3, s2  }
0x8d: {  	s2 =	sadd.s32 s2, s17  }
0x8e: {  	[smem:$0x3FBF] =	sst s2  }
0x8f: {  	_ = 	snop  }
0x90: {  	s2 =	sld [smem:$0x3FC7];
	(tm) =	ssettm $0x1  }
0x91: {  	s18 =	sld [smem:$0x3FFB];
	_ =	sdelay $0x3  }
0x92: {  	_ =	strace s18  }
0x93: {  	s3 =	sld [smem:$0x3FFC];
	_ =	sdelay $0x3  }
0x94: {  	_ =	strace s3  }
0x95: {  	s3 =	sld [smem:$0x3FFD];
	_ =	sdelay $0x3  }
0x96: {  	_ =	strace s3  }
0x97: {  	_ =	strace $0x8FFFFFFF  }
0x98: {  	s19 =	sld [smem:$0x3FDB];
	_ =	sdelay $0x1  }
0x99: {  	s4 =	simm.s32 $_scs_section_size  }
0x9a: {  	s5 =	simm.s32 $_size__tile_overlayer_lowered;
	s6 =	simm.s32 $_tile_overlayer_lowered  }
0x9b: {  	s22 =	simm.s32 $0x1BFF;
	s21 =	sshll.u32 s6, $0x1;
	s3 =	sadd.s32 s4, s19  }
0x9c: {  	s7 =	simm.s32 $0x0;
	s20 =	sshll.u32 s5, $0x1;
	s5 =	sadd.s32 s21, s3  }
0x9d: {  	[timem:s7], [sflag:s22] =	dma.local [hbm:s5], s20  }
0x9e: {  	_ =	swait.ge [sflag:s22], s20  }
0x9f: {  	s4 =	ssub.s32 $0x0, s20;
	[sflag:s22] =	ssyncset.done $0x0  }
0xa0: {  	[sflag:s22] =	ssyncadd.s32 s4;
	_ =	sdelay $0x1  }
0xa1: {  	s23 =	simm.s32 $0x1B8B  }
0xa2: {  	_ =	swait.ge [sflag:s23], $0x1  }
0xa3: {  	[sflag:s23] =	ssyncset.done $0x0  }
0xa4: {  	s25 =	simm.s32 $0x1B8E;
	s24 =	sld [smem:$0x3FFE];
	[sflag:s23] =	ssyncadd.s32 $0xFFFFFFFF  }
0xa5: {  	s26 =	simm.s32 $execute0_lowered;
	[smem:$0x3FD2] =	sst s25  }
0xa6: {  	s5 =	sshll.u32 s26, $0x1;
	_ =	strace $0x8000004C;
	[dreg:$0x1] =	wrdreg $0xFFFFFFFF  }
0xa7: {  	s28 =	simm.s32 $_size_execute0_lowered;
	s3 =	sadd.s32 s3, s5;
	[dreg:$0x0] =	wrdreg $0x0  }
0xa8: {  	s5 =	sshll.u32 s28, $0x1;
	[dreg:$0x2] =	wrdreg s3  }
0xa9: {  	[dreg:$0x3] =	wrdreg s5  }
0xaa: {  	[dreg:$0x4] =	wrdreg $0xC0  }
0xab: {  	_ =	task [dreg:s7], $0x5FFFF  }
0xac: {  	[dreg:$0x1] =	wrdreg $0xFFFFFFFF  }
0xad: {  	[dreg:$0x0] =	wrdreg $0x60  }
0xae: {  	[dreg:$0x2] =	wrdreg s24  }
0xaf: {  	[dreg:$0x3] =	wrdreg s2  }
0xb0: {  	[dreg:$0x4] =	wrdreg $0x27800  }
0xb1: {  	[dreg:$0x5] =	wrdreg $0x0  }
0xb2: {  	[dreg:$0x6] =	wrdreg $0x9  }
0xb3: {  	_ =	task.clear_ibuf [dreg:s7], $0x7FFFF;
	_ =	strace $0x9000004C  }
0xb4: {  	s29 =	simm.s32 $0x9;
	_ =	strace $0x8000004E  }
0xb5: {  	_ =	swait.ge [sflag:s29], $0x1  }
0xb6: {  	[sflag:s29] =	ssyncadd.s32 $0xFFFFFFFF  }
0xb7: {  	_ =	strace $0x9000004E  }
0xb8: {  	_ =	sfence  }
0xb9: {  	s30 =	sld [smem:$0x0];
	_ =	sdelay $0x2  }
0xba: {  	s31 =	sshll.u32 s1, $0xD;
	s1 =	sshrl.u32 s1, $0x2  }
0xbb: {  	s3 =	sand.u32 $0x4000, s31;
	s1 =	sadd.s32 s1, s30  }
0xbc: {  	s0 =	sor.u32 s3, s0;
	s1 =	sshll.u32 s1, $0x11  }
0xbd: {  	s0 =	sor.u32 s1, s0  }
0xbe: {  	s0 =	sadd.s32 $0x8F2B, s0  }
0xbf: {  	[sflag:s0] =	ssyncadd.remote.s32 $0x1  }
0xc0: {  	_ =	sfence.sel $0xFFFF  }
0xc1: {  	[dreg:$0x0] =	wrdreg $0xFFFFFFFF;
	(pc) =	sbr.abs _section_cstart, $3  }
0xc2: {  	[dreg:$0x1] =	wrdreg $0xFFFFFFFF  }
0xc3: {  	_ =	task.clear_ibuf [dreg:s7], $0x2FFFF;
	_ =	strace $0x9FFFFFFF  }
0xc4: {  	(tm) =	ssettm $0x7FFFFFFF  }
0xc5: {  	_ =	shalt  }
tec
execute0_lowered:
.L_overlay_start_1:
0x0: {  	(tag) =	ssettag $0x1  }
0x1: {  	s0 =	rddreg [dreg:$0x0]  }
0x2: {  	s1 =	rddreg [dreg:$0x1]  }
0x3: {  	s2 =	rddreg [dreg:$0x2]  }
0x4: {  	s3 =	rddreg [dreg:$0x3];
	s14 =	stileid.u32  }
0x5: {  	s6 =	srdreg.scid;
	s4 =	simm.s32 $0x0;
	s18 =	simm.s32 $0x4E90  }
0x6: {  	s22 =	simm.s32 $0x5;
	s23 =	simm.s32 $0x2;
	s24 =	simm.s32 $0x3  }
0x7: {  	s28 =	simm.s32 $0x80;
	s29 =	simm.s32 $0xC510;
	s5 =	smul.u32 $0x2710, s14  }
0x8: {  	s30 =	simm.s32 $0xCD10;
	s6 =	sand.u32 $0x1, s6;
	s7 =	smul.u32 $0x2780, s14  }
0x9: {  	[smem:$0x7FF] =	sst s4;
	s11 =	sadd.s32 $0x1600, s0;
	s12 =	sadd.s32 $0xB400, s0  }
0xa: {  	s31 =	sshll.u32 s14, $0x4;
	s9 =	smul.u32 $0x27800, s6;
	_ =	strace $0x8000004D  }
0xb: {  	s10 =	ssub.s32 $0x2, s6;
	s6 =	sshll.u32 s6, $0x4;
	s8 =	sshrl.u32 s5, $0x3  }
0xc: {  	s13 =	sshrl.u32 s10, $0x1;
	s6 =	sor.u32 s14, s6;
	s17 =	sadd.s32 s5, s2  }
0xd: {  	s5 =	sshll.u32 s14, $0x6;
	s14 =	sadd.s32 s7, s3;
	s8 =	sadd.s32 s8, s0  }
0xe: {  	s9 =	sadd.s32 s7, s9;
	s16 =	ssub.s32 s10, s13;
	s25 =	smul.u32 $0x4E0, s6  }
0xf: {  	s26 =	sor.u32 $0x1C01, s5;
	s13 =	sor.u32 $0x9C00, s31;
	p0 =	sgt.u32 s6, $0x3  }
0x10: {  	s17 =	sshrl.u32 s17, $0x3;
	s9 =	sshrl.u32 s9, $0x3;
	s8 =	sadd.s32 $0x15200, s8  }
.Ltmp0:
0x11: {  	[dreg:$0x6] =	wrdreg s26;
	s16 =	smax.u32 s16, $0x1;
	(pc) =	sbr.rel .LBB2_1-.Ltmp0, $4  }
0x12: {  	s26 =	simm.s32 $0x1;
	s0 =	sadd.s32 s9, s0;
	[dreg:$0x5] =	wrdreg s8  }
0x13: {  	s8 =	sadd.s32 s11, s25;
	s9 =	sadd.s32 s12, s25;
	s10 =	sadd.s32 s1, s25  }
0x14: {  	s11 =	sadd.s32 s11, s13;
	s12 =	sadd.s32 s12, s13;
	s13 =	sadd.s32 s1, s13  }
0x15: {  	v0 =	vimm.f32 $0.0e+00;
	s25 =	simm.s32 $0x4;
	s1 =	simm.s32 $0x0;
	s15 =	sadd.s32 $0x1A200, s0  }
.LBB2_13:
0x16: {  	s1 =	sadd.s32 $0x1, s1  }
0x17: {  	[bflag:$0x0] =	sbarrier.arrive $0xFFFF;
	p1 =	sne.s32 s1, s16  }
.Ltmp1:
0x18: {  	s0 =	sor.u32 $0x1C05, s5;
	s6 =	sshrl.u32 s14, $0x3;
	(pc) =	sbr.rel @!p1 .LBB2_14-.Ltmp1, $4  }
0x19: {  	[hbm:s15], [sflag:s0] =	dma.local [spmem:s6], $0x4F0  }
0x1a: {  	_ =	swait.ge [sflag:s22], $0x4F0  }
0x1b: {  	[sflag:s22] =	ssyncset.done $0x0  }
0x1c: {  	s18 =	simm.s32 $0x4E90;
	[sflag:s22] =	ssyncadd.s32 $0xFFFFFB10  }
.LBB2_1:
0x1d: {  	s0 =	rddreg [dreg:$0x5]  }
0x1e: {  	s6 =	rddreg [dreg:$0x6]  }
0x1f: {  	[spmem:s17], [sflag:s6] =	dma.local [hbm:s0], $0x4E2  }
0x20: {  	[tilespmem:s18], [sflag:$0x2] =	stream.linear.gather [hbm4b:s8+s4], $0x2700, $0x38;
	[tilespmem:$0xFC90] =	vst v63  }
0x21: {  	s21 =	simm.s32 $0x7610  }
0x22: {  	[tilespmem:s21], [sflag:$0x3] =	stream.linear.gather [hbm4b:s9+s4], $0x2700, $0x38;
	[tilespmem:$0xFC90] =	vst v63  }
0x23: {  	s31 =	simm.s32 $0x9D90  }
0x24: {  	[tilespmem:s31], [sflag:$0x4] =	stream.linear.gather [hbm4b:s10+s4], $0x2700, $0x38;
	[tilespmem:$0xFC90] =	vst v63  }
0x25: {  	s0 =	simm.s32 @!p0 $0x0;
	s6 =	simm.s32 @!p0 $0x7590  }
0x26: {  	[tilespmem:s6], [sflag:$0x5] =	stream.linear.gather @!p0 [hbm4b:s11+s0], $0x80, $0x38;
	[tilespmem:$0xFC90] =	vst v63  }
0x27: {  	s6 =	simm.s32 @!p0 $0x5  }
0x28: {  	_ =	swait.ge @!p0 [sflag:s6], $0x80  }
0x29: {  	[sflag:s6] =	ssyncset.done @!p0 $0x0  }
0x2a: {  	s7 =	simm.s32 @!p0 $0x9D10;
	[sflag:s6] =	ssyncadd.s32 @!p0 $0xFFFFFF80  }
0x2b: {  	[tilespmem:s7], [sflag:$0x5] =	stream.linear.gather @!p0 [hbm4b:s12+s0], $0x80, $0x38;
	[tilespmem:$0xFC90] =	vst v63  }
0x2c: {  	_ =	swait.ge @!p0 [sflag:s6], $0x80  }
0x2d: {  	[sflag:s6] =	ssyncset.done @!p0 $0x0  }
0x2e: {  	s7 =	simm.s32 @!p0 $0xC490;
	[sflag:s6] =	ssyncadd.s32 @!p0 $0xFFFFFF80  }
0x2f: {  	[tilespmem:s7], [sflag:$0x5] =	stream.linear.gather @!p0 [hbm4b:s13+s0], $0x80, $0x38;
	[tilespmem:$0xFC90] =	vst v63  }
0x30: {  	_ =	swait.ge @!p0 [sflag:s6], $0x80  }
0x31: {  	[sflag:s6] =	ssyncset.done @!p0 $0x0  }
0x32: {  	s0 =	simm.s32 $0x40;
	[sflag:s6] =	ssyncadd.s32 @!p0 $0xFFFFFF80;
	s6 =	simm.s32 $0x0  }
.LBB2_2:
0x33: {  	p1 =	sne.s32 s0, $0x9DC0;
	[tilespmem:s6+$0xD510] =	vst v0;
	s6 =	smov.u32 s0;
	s0 =	sadd.s32 $0x40, s0  }
.Ltmp2:
0x34: {  	(pc) =	sbr.rel @p1 .LBB2_2-.Ltmp2, $2  }
0x35: {  	_ =	sdelay $0x2  }
0x36: {  	s6 =	sshra.s32 s6, $0x2  }
0x37: {  	[tilespmem:s6+$0xD510] =	vst v0;
	s0 =	simm.s32 $0xD510  }
0x38: {  	[spmem:s14] =	stream.linear.scatter [tilespmem:s0], [sflag:$0x5], $0x2780, $0x38;
	[tilespmem:$0xFC90] =	vst v63  }
0x39: {  	_ =	swait.ge [sflag:s22], $0x2780  }
0x3a: {  	[sflag:s22] =	ssyncset.done $0x0  }
0x3b: {  	[sflag:s22] =	ssyncadd.s32 $0xFFFFD880  }
0x3c: {  	_ =	swait.ge [sflag:s23], $0x2700  }
0x3d: {  	[sflag:s23] =	ssyncset.done $0x0  }
0x3e: {  	[sflag:s23] =	ssyncadd.s32 $0xFFFFD900  }
0x3f: {  	_ =	swait.ge [sflag:s24], $0x2700  }
0x40: {  	[sflag:s24] =	ssyncset.done $0x0  }
0x41: {  	[sflag:s24] =	ssyncadd.s32 $0xFFFFD900  }
0x42: {  	_ =	swait.ge [sflag:s25], $0x2700  }
0x43: {  	[sflag:s25] =	ssyncset.done $0x0  }
0x44: {  	[sflag:s25] =	ssyncadd.s32 $0xFFFFD900  }
0x45: {  	_ =	swait.ge [sflag:s26], $0x4E2  }
0x46: {  	[sflag:s26] =	ssyncset.done $0x0  }
0x47: {  	s31 =	simm.s32 $0x0;
	[sflag:s26] =	ssyncadd.s32 $0xFFFFFB1E  }
0x48: {  	s19 =	simm.s32 $0x9E10;
	s0 =	simm.s32 $0x9D90;
	[bflag:$0x0] =	sbarrier.arrive $0xFFFF  }
0x49: {  	[tilespmem:s29], [sflag:$0x1] =	stream.indirect.gather [spmem:s2], $0x10, s18, s28, $0xb8;
	[tilespmem:$0xFC90] =	vst v63  }
.LBB2_4:
0x4a: {  	p1 =	seq.s32 s31, $0x0  }
0x4b: {  	s6 =	simm.s32 @!p1 $0x4  }
0x4c: {  	_ =	swait.ge @!p1 [sflag:s6], $0x800  }
0x4d: {  	s7 =	sshll.u32 s31, $0x8;
	[sflag:s6] =	ssyncset.done @!p1 $0x0  }
0x4e: {  	v1 =	vmov s0;
	s20 =	sadd.s32 $0x4F10, s7;
	[sflag:s6] =	ssyncadd.s32 @!p1 $0xFFFFF800  }
0x4f: {  	[tilespmem:s30], [sflag:$0x2] =	stream.indirect.gather [spmem:s2], $0x10, s20, s28, $0xb8;
	[tilespmem:$0xFC90] =	vst v63  }
0x50: {  	_ =	swait.ge [sflag:s26], $0x800  }
0x51: {  	[sflag:s26] =	ssyncset.done $0x0  }
0x52: {  	s21 =	simm.s32 $0x0;
	[sflag:s26] =	ssyncadd.s32 $0xFFFFF800  }
0x53: {  	v2 =	vld.idx.msk [tilespmem:v1+s21+$0x0 ss:$0x1], $0xffff  }
0x54: {  	s6 =	simm.s32 $0xC590  }
0x55: {  	v3 =	vld [tilespmem:s6+$0xFFFFFF80]  }
0x56: {  	v4 =	vld [tilespmem:s6+$0xFFFFFF90]  }
0x57: {  	v5 =	vld [tilespmem:s6+$0xFFFFFFA0]  }
0x58: {  	v6 =	vld [tilespmem:s6+$0xFFFFFFB0];
	v7 =	vbroadcast v2, $0x0  }
0x59: {  	v10 =	vld [tilespmem:s6+$0xFFFFFFD0];
	v8 =	vbroadcast v2, $0x1  }
0x5a: {  	v46 =	vld [tilespmem:s6+$0xFFFFFFE0];
	v11 =	vbroadcast v2, $0x2;
	v3 =	vmul.f32 v7, v3  }
0x5b: {  	v9 =	vld [tilespmem:s6+$0xFFFFFFC0];
	v45 =	vbroadcast v2, $0x3;
	v4 =	vmul.f32 v4, v8  }
0x5c: {  	v49 =	vld [tilespmem:s6+$0x10];
	v47 =	vbroadcast v2, $0x5;
	v5 =	vmul.f32 v5, v11;
	[tilespmem:s6+$0xFFFFFF80] =	vst v3  }
0x5d: {  	v59 =	vld [tilespmem:s6+$0x60];
	v13 =	vbroadcast v2, $0x6;
	v6 =	vmul.f32 v6, v45;
	[tilespmem:s6+$0xFFFFFF90] =	vst v4  }
0x5e: {  	v12 =	vld [tilespmem:s6+$0xFFFFFFF0];
	v7 =	vmul.f32 v10, v47;
	v3 =	vbroadcast v2, $0x4;
	[tilespmem:s6+$0xFFFFFFA0] =	vst v5  }
0x5f: {  	v48 =	vld [tilespmem:s6+$0x0];
	v53 =	vbroadcast v2, $0x9;
	v8 =	vmul.f32 v46, v13;
	[tilespmem:s6+$0xFFFFFFB0] =	vst v6  }
0x60: {  	v52 =	vld [tilespmem:s6+$0x30];
	v62 =	vbroadcast v2, $0xE;
	[tilespmem:s6+$0xFFFFFFD0] =	vst v7;
	v3 =	vmul.f32 v9, v3  }
0x61: {  	v55 =	vld [tilespmem:s6+$0x50];
	v50 =	vbroadcast v2, $0x7;
	v58 =	vmul.f32 v49, v53;
	[tilespmem:s6+$0xFFFFFFE0] =	vst v8  }
0x62: {  	v51 =	vld [tilespmem:s6+$0x20];
	v63 =	vmul.f32 v59, v62;
	[tilespmem:s6+$0xFFFFFFC0] =	vst v3;
	v3 =	vbroadcast v2, $0x8  }
0x63: {  	v54 =	vld [tilespmem:s6+$0x40];
	v57 =	vbroadcast v2, $0xB;
	v5 =	vmul.f32 v12, v50;
	[tilespmem:s6+$0x10] =	vst v58  }
0x64: {  	v60 =	vld [tilespmem:s6+$0x70];
	v61 =	vbroadcast v2, $0xD;
	[tilespmem:s6+$0x60] =	vst v63;
	v3 =	vmul.f32 v48, v3  }
0x65: {  	v56 =	vbroadcast v2, $0xA;
	v4 =	vmul.f32 v52, v57;
	[tilespmem:s6+$0xFFFFFFF0] =	vst v5  }
0x66: {  	v6 =	vmul.f32 v55, v61;
	[tilespmem:s6+$0x0] =	vst v3;
	v3 =	vbroadcast v2, $0xC  }
0x67: {  	v9 =	vmul.f32 v51, v56;
	[tilespmem:s6+$0x30] =	vst v4;
	v2 =	vbroadcast v2, $0xF  }
0x68: {  	[tilespmem:s6+$0x50] =	vst v6;
	v3 =	vmul.f32 v54, v3  }
0x69: {  	[tilespmem:s6+$0x20] =	vst v9;
	v2 =	vmul.f32 v60, v2  }
0x6a: {  	s18 =	simm.s32 $0x10;
	[tilespmem:s6+$0x40] =	vst v3  }
0x6b: {  	s20 =	sor.u32 $0x80, s7;
	s7 =	simm.s32 $0x80;
	s21 =	sshll.u32 s31, $0xA;
	[tilespmem:s6+$0x70] =	vst v2  }
.LBB2_5:
0x6c: {  	p1 =	sne.s32 s7, $0x1C0;
	v2 =	vld.idx.msk [tilespmem:v1+s18+$0x0 ss:$0x1], $0xffff;
	s6 =	sadd.s32 $0x100, s6  }
0x6d: {  	v3 =	vld [tilespmem:s6+$0xFFFFFFB0]  }
0x6e: {  	v4 =	vld [tilespmem:s6+$0xFFFFFF90]  }
0x6f: {  	v5 =	vld [tilespmem:s6+$0xFFFFFF80]  }
0x70: {  	v6 =	vld [tilespmem:s6+$0xFFFFFFA0]  }
0x71: {  	v7 =	vld [tilespmem:s6+$0xFFFFFFF0]  }
0x72: {  	v8 =	vbroadcast v2, $0x0;
	v9 =	vbroadcast v2, $0x1;
	v10 =	vld [tilespmem:s6+$0xFFFFFFD0]  }
0x73: {  	v11 =	vbroadcast v2, $0x2;
	v12 =	vbroadcast v2, $0x3;
	v13 =	vld [tilespmem:s6+$0xFFFFFFC0]  }
0x74: {  	v4 =	vmul.f32 v4, v9;
	v5 =	vmul.f32 v8, v5;
	v8 =	vld [tilespmem:s6+$0xFFFFFFE0]  }
0x75: {  	v3 =	vmul.f32 v3, v12;
	v6 =	vmul.f32 v6, v11;
	v9 =	vld [tilespmem:s6+$0x30]  }
0x76: {  	v11 =	vbroadcast v2, $0x5;
	[tilespmem:s6+$0xFFFFFF80] =	vst v5;
	v5 =	vbroadcast v2, $0x4;
	v12 =	vld [tilespmem:s6+$0x10]  }
0x77: {  	v14 =	vbroadcast v2, $0x7;
	[tilespmem:s6+$0xFFFFFF90] =	vst v4;
	v4 =	vbroadcast v2, $0x6;
	v15 =	vld [tilespmem:s6+$0x0]  }
0x78: {  	[tilespmem:s6+$0xFFFFFFA0] =	vst v6;
	v5 =	vmul.f32 v13, v5;
	v6 =	vmul.f32 v10, v11;
	v10 =	vld [tilespmem:s6+$0x20]  }
0x79: {  	[tilespmem:s6+$0xFFFFFFB0] =	vst v3;
	v3 =	vmul.f32 v8, v4;
	v4 =	vmul.f32 v7, v14;
	v7 =	vld [tilespmem:s6+$0x70]  }
0x7a: {  	v8 =	vbroadcast v2, $0x9;
	[tilespmem:s6+$0xFFFFFFC0] =	vst v5;
	v5 =	vbroadcast v2, $0x8;
	v11 =	vld [tilespmem:s6+$0x50]  }
0x7b: {  	v13 =	vbroadcast v2, $0xB;
	[tilespmem:s6+$0xFFFFFFD0] =	vst v6;
	v6 =	vbroadcast v2, $0xA;
	v14 =	vld [tilespmem:s6+$0x40]  }
0x7c: {  	[tilespmem:s6+$0xFFFFFFE0] =	vst v3;
	v3 =	vmul.f32 v15, v5;
	v5 =	vmul.f32 v12, v8;
	v8 =	vld [tilespmem:s6+$0x60]  }
0x7d: {  	[tilespmem:s6+$0xFFFFFFF0] =	vst v4;
	v4 =	vmul.f32 v10, v6;
	v6 =	vmul.f32 v9, v13  }
0x7e: {  	v9 =	vbroadcast v2, $0xD;
	[tilespmem:s6+$0x0] =	vst v3;
	v3 =	vbroadcast v2, $0xC  }
0x7f: {  	[tilespmem:s6+$0x10] =	vst v5;
	v5 =	vbroadcast v2, $0xE;
	v2 =	vbroadcast v2, $0xF  }
0x80: {  	[tilespmem:s6+$0x20] =	vst v4;
	v3 =	vmul.f32 v14, v3;
	v4 =	vmul.f32 v11, v9  }
.Ltmp3:
0x81: {  	[tilespmem:s6+$0x30] =	vst v6;
	v5 =	vmul.f32 v8, v5;
	v2 =	vmul.f32 v7, v2;
	(pc) =	sbr.rel @p1 .LBB2_5-.Ltmp3, $4  }
0x82: {  	[tilespmem:s6+$0x40] =	vst v3  }
0x83: {  	[tilespmem:s6+$0x50] =	vst v4  }
0x84: {  	[tilespmem:s6+$0x60] =	vst v5  }
0x85: {  	s18 =	sshra.s32 s7, $0x2;
	s7 =	sadd.s32 $0x40, s7;
	[tilespmem:s6+$0x70] =	vst v2  }
0x86: {  	_ =	sdelay $0x3  }
0x87: {  	v1 =	vld.idx.msk [tilespmem:v1+s18+$0x0 ss:$0x1], $0xffff  }
0x88: {  	s6 =	sadd.s32 $0x100, s6  }
0x89: {  	v2 =	vld [tilespmem:s6+$0xFFFFFF80]  }
0x8a: {  	v3 =	vld [tilespmem:s6+$0xFFFFFF90]  }
0x8b: {  	v4 =	vld [tilespmem:s6+$0xFFFFFFA0]  }
0x8c: {  	v5 =	vld [tilespmem:s6+$0xFFFFFFB0];
	v6 =	vbroadcast v1, $0x0  }
0x8d: {  	v9 =	vld [tilespmem:s6+$0xFFFFFFD0];
	v7 =	vbroadcast v1, $0x1  }
0x8e: {  	v8 =	vld [tilespmem:s6+$0xFFFFFFC0];
	v10 =	vbroadcast v1, $0x2;
	v2 =	vmul.f32 v6, v2  }
0x8f: {  	v21 =	vld [tilespmem:s6+$0xFFFFFFE0];
	v20 =	vbroadcast v1, $0x3;
	v3 =	vmul.f32 v3, v7  }
0x90: {  	v23 =	vld [tilespmem:s6+$0x10];
	v22 =	vbroadcast v1, $0x5;
	v4 =	vmul.f32 v4, v10;
	[tilespmem:s6+$0xFFFFFF80] =	vst v2  }
0x91: {  	v11 =	vld [tilespmem:s6+$0xFFFFFFF0];
	v5 =	vmul.f32 v5, v20;
	v2 =	vbroadcast v1, $0x4;
	[tilespmem:s6+$0xFFFFFF90] =	vst v3  }
0x92: {  	v12 =	vbroadcast v1, $0x6;
	v6 =	vmul.f32 v9, v22;
	v3 =	vld [tilespmem:s6+$0x0];
	[tilespmem:s6+$0xFFFFFFA0] =	vst v4  }
0x93: {  	v29 =	vld [tilespmem:s6+$0x50];
	v27 =	vbroadcast v1, $0x9;
	[tilespmem:s6+$0xFFFFFFB0] =	vst v5;
	v2 =	vmul.f32 v8, v2  }
0x94: {  	v25 =	vld [tilespmem:s6+$0x20];
	v24 =	vbroadcast v1, $0x7;
	v7 =	vmul.f32 v21, v12;
	[tilespmem:s6+$0xFFFFFFD0] =	vst v6  }
0x95: {  	v26 =	vld [tilespmem:s6+$0x30];
	v31 =	vmul.f32 v23, v27;
	[tilespmem:s6+$0xFFFFFFC0] =	vst v2;
	v2 =	vbroadcast v1, $0x8  }
0x96: {  	v28 =	vld [tilespmem:s6+$0x40];
	v34 =	vbroadcast v1, $0xD;
	v4 =	vmul.f32 v11, v24;
	[tilespmem:s6+$0xFFFFFFE0] =	vst v7  }
0x97: {  	v32 =	vld [tilespmem:s6+$0x60];
	v30 =	vbroadcast v1, $0xA;
	[tilespmem:s6+$0x10] =	vst v31;
	v2 =	vmul.f32 v3, v2  }
0x98: {  	v33 =	vld [tilespmem:s6+$0x70];
	v5 =	vmul.f32 v29, v34;
	[tilespmem:s6+$0xFFFFFFF0] =	vst v4;
	v3 =	vbroadcast v1, $0xB  }
0x99: {  	v8 =	vmul.f32 v25, v30;
	[tilespmem:s6+$0x0] =	vst v2;
	v2 =	vbroadcast v1, $0xC  }
0x9a: {  	v35 =	vbroadcast v1, $0xE;
	[tilespmem:s6+$0x50] =	vst v5;
	v3 =	vmul.f32 v26, v3  }
0x9b: {  	[tilespmem:s6+$0x20] =	vst v8;
	v1 =	vbroadcast v1, $0xF;
	v2 =	vmul.f32 v28, v2  }
0x9c: {  	[tilespmem:s6+$0x30] =	vst v3;
	v3 =	vmul.f32 v32, v35  }
0x9d: {  	v1 =	vmul.f32 v33, v1;
	[tilespmem:s6+$0x40] =	vst v2  }
0x9e: {  	s7 =	sshrl.u32 s21, $0x2;
	p1 =	seq.s32 s31, $0x26;
	[tilespmem:s6+$0x60] =	vst v3  }
0x9f: {  	s18 =	sadd.s32 $0x7610, s7;
	[tilespmem:s6+$0x70] =	vst v1;
	s6 =	simm.s32 @!p1 $0x3  }
0xa0: {  	[spmem:s3] =	stream.indirect.scatter.add.f32 [tilespmem:s29], [sflag:$0x3], $0x10, s18, s28, $0xb8;
	[tilespmem:$0xFC90] =	vst v63  }
0xa1: {  	_ =	swait.ge @!p1 [sflag:s6], $0x800  }
0xa2: {  	[sflag:s6] =	ssyncset.done @!p1 $0x0  }
0xa3: {  	[sflag:s6] =	ssyncadd.s32 @!p1 $0xFFFFF800;
	s6 =	sshrl.u32 @!p1 s21, $0x2  }
0xa4: {  	s7 =	simm.s32 @!p1 $0x80;
	v1 =	vmov s19;
	s18 =	simm.s32 @!p1 $0xC510;
	s6 =	sadd.s32 @!p1 $0x4F90, s6  }
0xa5: {  	[tilespmem:s18], [sflag:$0x1] =	stream.indirect.gather @!p1 [spmem:s2], $0x10, s6, s7, $0xb8;
	[tilespmem:$0xFC90] =	vst v63  }
0xa6: {  	_ =	swait.ge [sflag:s23], $0x800  }
0xa7: {  	[sflag:s23] =	ssyncset.done $0x0  }
0xa8: {  	s21 =	simm.s32 $0x0;
	[sflag:s23] =	ssyncadd.s32 $0xFFFFF800  }
0xa9: {  	v2 =	vld.idx.msk [tilespmem:v1+s21+$0x0 ss:$0x1], $0xffff  }
0xaa: {  	s6 =	simm.s32 $0xCD90  }
0xab: {  	v3 =	vld [tilespmem:s6+$0xFFFFFF80]  }
0xac: {  	v36 =	vld [tilespmem:s6+$0xFFFFFF90]  }
0xad: {  	v37 =	vld [tilespmem:s6+$0xFFFFFFA0]  }
0xae: {  	v38 =	vld [tilespmem:s6+$0xFFFFFFB0];
	v39 =	vbroadcast v2, $0x0  }
0xaf: {  	v42 =	vld [tilespmem:s6+$0xFFFFFFD0];
	v40 =	vbroadcast v2, $0x1  }
0xb0: {  	v45 =	vld [tilespmem:s6+$0xFFFFFFE0];
	v43 =	vbroadcast v2, $0x2;
	v3 =	vmul.f32 v39, v3  }
0xb1: {  	v41 =	vld [tilespmem:s6+$0xFFFFFFC0];
	v44 =	vbroadcast v2, $0x3;
	v4 =	vmul.f32 v36, v40  }
0xb2: {  	v49 =	vld [tilespmem:s6+$0x10];
	v47 =	vbroadcast v2, $0x5;
	v5 =	vmul.f32 v37, v43;
	[tilespmem:s6+$0xFFFFFF80] =	vst v3  }
0xb3: {  	v51 =	vld [tilespmem:s6+$0x20];
	v13 =	vbroadcast v2, $0x6;
	v6 =	vmul.f32 v38, v44;
	[tilespmem:s6+$0xFFFFFF90] =	vst v4  }
0xb4: {  	v59 =	vld [tilespmem:s6+$0x60];
	v7 =	vmul.f32 v42, v47;
	v3 =	vbroadcast v2, $0x4;
	[tilespmem:s6+$0xFFFFFFA0] =	vst v5  }
0xb5: {  	v48 =	vld [tilespmem:s6+$0x0];
	v53 =	vbroadcast v2, $0x9;
	v8 =	vmul.f32 v45, v13;
	[tilespmem:s6+$0xFFFFFFB0] =	vst v6  }
0xb6: {  	v46 =	vld [tilespmem:s6+$0xFFFFFFF0];
	v56 =	vbroadcast v2, $0xA;
	[tilespmem:s6+$0xFFFFFFD0] =	vst v7;
	v3 =	vmul.f32 v41, v3  }
0xb7: {  	v52 =	vld [tilespmem:s6+$0x30];
	v62 =	vbroadcast v2, $0xE;
	v58 =	vmul.f32 v49, v53;
	[tilespmem:s6+$0xFFFFFFE0] =	vst v8  }
0xb8: {  	v55 =	vld [tilespmem:s6+$0x50];
	v9 =	vmul.f32 v51, v56;
	[tilespmem:s6+$0xFFFFFFC0] =	vst v3;
	v3 =	vbroadcast v2, $0x8  }
0xb9: {  	v54 =	vld [tilespmem:s6+$0x40];
	v50 =	vbroadcast v2, $0x7;
	v63 =	vmul.f32 v59, v62;
	[tilespmem:s6+$0x10] =	vst v58  }
0xba: {  	v60 =	vld [tilespmem:s6+$0x70];
	v57 =	vbroadcast v2, $0xB;
	[tilespmem:s6+$0x20] =	vst v9;
	v3 =	vmul.f32 v48, v3  }
0xbb: {  	v61 =	vbroadcast v2, $0xD;
	v5 =	vmul.f32 v46, v50;
	[tilespmem:s6+$0x60] =	vst v63  }
0xbc: {  	v4 =	vmul.f32 v52, v57;
	[tilespmem:s6+$0x0] =	vst v3;
	v3 =	vbroadcast v2, $0xC  }
0xbd: {  	v6 =	vmul.f32 v55, v61;
	[tilespmem:s6+$0xFFFFFFF0] =	vst v5;
	v2 =	vbroadcast v2, $0xF  }
0xbe: {  	[tilespmem:s6+$0x30] =	vst v4;
	v3 =	vmul.f32 v54, v3  }
0xbf: {  	[tilespmem:s6+$0x50] =	vst v6;
	v2 =	vmul.f32 v60, v2  }
0xc0: {  	[tilespmem:s6+$0x40] =	vst v3  }
0xc1: {  	s18 =	simm.s32 $0x10;
	s7 =	simm.s32 $0x80;
	[tilespmem:s6+$0x70] =	vst v2  }
.LBB2_7:
0xc2: {  	p1 =	sne.s32 s7, $0x1C0;
	v2 =	vld.idx.msk [tilespmem:v1+s18+$0x0 ss:$0x1], $0xffff;
	s6 =	sadd.s32 $0x100, s6  }
0xc3: {  	v3 =	vld [tilespmem:s6+$0xFFFFFFB0]  }
0xc4: {  	v4 =	vld [tilespmem:s6+$0xFFFFFF90]  }
0xc5: {  	v5 =	vld [tilespmem:s6+$0xFFFFFF80]  }
0xc6: {  	v6 =	vld [tilespmem:s6+$0xFFFFFFA0]  }
0xc7: {  	v7 =	vld [tilespmem:s6+$0xFFFFFFF0]  }
0xc8: {  	v8 =	vbroadcast v2, $0x0;
	v9 =	vbroadcast v2, $0x1;
	v10 =	vld [tilespmem:s6+$0xFFFFFFD0]  }
0xc9: {  	v11 =	vbroadcast v2, $0x2;
	v12 =	vbroadcast v2, $0x3;
	v13 =	vld [tilespmem:s6+$0xFFFFFFC0]  }
0xca: {  	v4 =	vmul.f32 v4, v9;
	v5 =	vmul.f32 v8, v5;
	v8 =	vld [tilespmem:s6+$0xFFFFFFE0]  }
0xcb: {  	v3 =	vmul.f32 v3, v12;
	v6 =	vmul.f32 v6, v11;
	v9 =	vld [tilespmem:s6+$0x30]  }
0xcc: {  	v11 =	vbroadcast v2, $0x5;
	[tilespmem:s6+$0xFFFFFF80] =	vst v5;
	v5 =	vbroadcast v2, $0x4;
	v12 =	vld [tilespmem:s6+$0x10]  }
0xcd: {  	v14 =	vbroadcast v2, $0x7;
	[tilespmem:s6+$0xFFFFFF90] =	vst v4;
	v4 =	vbroadcast v2, $0x6;
	v15 =	vld [tilespmem:s6+$0x0]  }
0xce: {  	[tilespmem:s6+$0xFFFFFFA0] =	vst v6;
	v5 =	vmul.f32 v13, v5;
	v6 =	vmul.f32 v10, v11;
	v10 =	vld [tilespmem:s6+$0x20]  }
0xcf: {  	[tilespmem:s6+$0xFFFFFFB0] =	vst v3;
	v3 =	vmul.f32 v8, v4;
	v4 =	vmul.f32 v7, v14;
	v7 =	vld [tilespmem:s6+$0x70]  }
0xd0: {  	v8 =	vbroadcast v2, $0x9;
	[tilespmem:s6+$0xFFFFFFC0] =	vst v5;
	v5 =	vbroadcast v2, $0x8;
	v11 =	vld [tilespmem:s6+$0x50]  }
0xd1: {  	v13 =	vbroadcast v2, $0xB;
	[tilespmem:s6+$0xFFFFFFD0] =	vst v6;
	v6 =	vbroadcast v2, $0xA;
	v14 =	vld [tilespmem:s6+$0x40]  }
0xd2: {  	[tilespmem:s6+$0xFFFFFFE0] =	vst v3;
	v3 =	vmul.f32 v15, v5;
	v5 =	vmul.f32 v12, v8;
	v8 =	vld [tilespmem:s6+$0x60]  }
0xd3: {  	[tilespmem:s6+$0xFFFFFFF0] =	vst v4;
	v4 =	vmul.f32 v10, v6;
	v6 =	vmul.f32 v9, v13  }
0xd4: {  	v9 =	vbroadcast v2, $0xD;
	[tilespmem:s6+$0x0] =	vst v3;
	v3 =	vbroadcast v2, $0xC  }
0xd5: {  	[tilespmem:s6+$0x10] =	vst v5;
	v5 =	vbroadcast v2, $0xE;
	v2 =	vbroadcast v2, $0xF  }
0xd6: {  	[tilespmem:s6+$0x20] =	vst v4;
	v3 =	vmul.f32 v14, v3;
	v4 =	vmul.f32 v11, v9  }
.Ltmp4:
0xd7: {  	[tilespmem:s6+$0x30] =	vst v6;
	v5 =	vmul.f32 v8, v5;
	v2 =	vmul.f32 v7, v2;
	(pc) =	sbr.rel @p1 .LBB2_7-.Ltmp4, $4  }
0xd8: {  	[tilespmem:s6+$0x40] =	vst v3  }
0xd9: {  	[tilespmem:s6+$0x50] =	vst v4  }
0xda: {  	[tilespmem:s6+$0x60] =	vst v5  }
0xdb: {  	s18 =	sshra.s32 s7, $0x2;
	s7 =	sadd.s32 $0x40, s7;
	[tilespmem:s6+$0x70] =	vst v2  }
0xdc: {  	_ =	sdelay $0x3  }
0xdd: {  	v1 =	vld.idx.msk [tilespmem:v1+s18+$0x0 ss:$0x1], $0xffff  }
0xde: {  	s6 =	sadd.s32 $0x100, s6  }
0xdf: {  	v2 =	vld [tilespmem:s6+$0xFFFFFF80]  }
0xe0: {  	v3 =	vld [tilespmem:s6+$0xFFFFFF90]  }
0xe1: {  	v4 =	vld [tilespmem:s6+$0xFFFFFFA0]  }
0xe2: {  	v5 =	vld [tilespmem:s6+$0xFFFFFFB0];
	v6 =	vbroadcast v1, $0x0  }
0xe3: {  	v9 =	vld [tilespmem:s6+$0xFFFFFFD0];
	v7 =	vbroadcast v1, $0x1  }
0xe4: {  	v8 =	vld [tilespmem:s6+$0xFFFFFFC0];
	v10 =	vbroadcast v1, $0x2;
	v2 =	vmul.f32 v6, v2  }
0xe5: {  	v49 =	vld [tilespmem:s6+$0xFFFFFFE0];
	v48 =	vbroadcast v1, $0x3;
	v3 =	vmul.f32 v3, v7  }
0xe6: {  	v51 =	vld [tilespmem:s6+$0x10];
	v50 =	vbroadcast v1, $0x5;
	v4 =	vmul.f32 v4, v10;
	[tilespmem:s6+$0xFFFFFF80] =	vst v2  }
0xe7: {  	v11 =	vld [tilespmem:s6+$0xFFFFFFF0];
	v5 =	vmul.f32 v5, v48;
	v2 =	vbroadcast v1, $0x4;
	[tilespmem:s6+$0xFFFFFF90] =	vst v3  }
0xe8: {  	v12 =	vbroadcast v1, $0x6;
	v6 =	vmul.f32 v9, v50;
	v3 =	vld [tilespmem:s6+$0x0];
	[tilespmem:s6+$0xFFFFFFA0] =	vst v4  }
0xe9: {  	v57 =	vld [tilespmem:s6+$0x50];
	v55 =	vbroadcast v1, $0x9;
	[tilespmem:s6+$0xFFFFFFB0] =	vst v5;
	v2 =	vmul.f32 v8, v2  }
0xea: {  	v53 =	vld [tilespmem:s6+$0x20];
	v52 =	vbroadcast v1, $0x7;
	v7 =	vmul.f32 v49, v12;
	[tilespmem:s6+$0xFFFFFFD0] =	vst v6  }
0xeb: {  	v54 =	vld [tilespmem:s6+$0x30];
	v59 =	vmul.f32 v51, v55;
	[tilespmem:s6+$0xFFFFFFC0] =	vst v2;
	v2 =	vbroadcast v1, $0x8  }
0xec: {  	v56 =	vld [tilespmem:s6+$0x40];
	v62 =	vbroadcast v1, $0xD;
	v4 =	vmul.f32 v11, v52;
	[tilespmem:s6+$0xFFFFFFE0] =	vst v7  }
0xed: {  	v60 =	vld [tilespmem:s6+$0x60];
	v58 =	vbroadcast v1, $0xA;
	[tilespmem:s6+$0x10] =	vst v59;
	v2 =	vmul.f32 v3, v2  }
0xee: {  	v61 =	vld [tilespmem:s6+$0x70];
	v5 =	vmul.f32 v57, v62;
	[tilespmem:s6+$0xFFFFFFF0] =	vst v4;
	v3 =	vbroadcast v1, $0xB  }
0xef: {  	v8 =	vmul.f32 v53, v58;
	[tilespmem:s6+$0x0] =	vst v2;
	v2 =	vbroadcast v1, $0xC  }
0xf0: {  	s31 =	sadd.s32 $0x1, s31;
	v63 =	vbroadcast v1, $0xE;
	[tilespmem:s6+$0x50] =	vst v5;
	v3 =	vmul.f32 v54, v3  }
0xf1: {  	p1 =	sne.s32 s31, $0x27;
	[tilespmem:s6+$0x20] =	vst v8;
	v1 =	vbroadcast v1, $0xF;
	v2 =	vmul.f32 v56, v2  }
.Ltmp5:
0xf2: {  	[tilespmem:s6+$0x30] =	vst v3;
	v3 =	vmul.f32 v60, v63;
	(pc) =	sbr.rel @p1 .LBB2_4-.Ltmp5, $4  }
0xf3: {  	v1 =	vmul.f32 v61, v1;
	[tilespmem:s6+$0x40] =	vst v2  }
0xf4: {  	[tilespmem:s6+$0x60] =	vst v3  }
0xf5: {  	s21 =	sadd.s32 $0x7610, s20;
	s0 =	sadd.s32 $0x100, s0;
	s19 =	sadd.s32 $0x100, s19;
	[tilespmem:s6+$0x70] =	vst v1  }
0xf6: {  	[spmem:s3] =	stream.indirect.scatter.add.f32 [tilespmem:s30], [sflag:$0x4], $0x10, s21, s28, $0xb8;
	[tilespmem:$0xFC90] =	vst v63  }
0xf7: {  	_ =	swait.ge [sflag:s24], $0x800  }
.Ltmp6:
0xf8: {  	[sflag:s24] =	ssyncset.done $0x0;
	(pc) =	sbr.rel @p0 .LBB2_13-.Ltmp6, $4  }
0xf9: {  	[sflag:s24] =	ssyncadd.s32 $0xFFFFF800  }
0xfa: {  	_ =	swait.ge [sflag:s25], $0x800  }
0xfb: {  	[sflag:s25] =	ssyncset.done $0x0  }
0xfc: {  	[sflag:s25] =	ssyncadd.s32 $0xFFFFF800  }
0xfd: {  	s0 =	simm.s32 $0x7590  }
0xfe: {  	[tilespmem:s29], [sflag:$0x5] =	stream.indirect.gather [spmem:s2], $0x10, s0, s28, $0xb8;
	[tilespmem:$0xFC90] =	vst v63  }
0xff: {  	_ =	swait.ge [sflag:s22], $0x800  }
0x100: {  	[sflag:s22] =	ssyncset.done $0x0  }
0x101: {  	s0 =	simm.s32 $0xC590;
	[sflag:s22] =	ssyncadd.s32 $0xFFFFF800  }
0x102: {  	s19 =	simm.s32 $0x0;
	s7 =	simm.s32 $0x40;
	s6 =	simm.s32 $0xC590;
	v1 =	vld [tilespmem:s0+$0xFFFFFFB0]  }
.LBB2_11:
0x103: {  	p1 =	sne.s32 s7, $0x1C0;
	v2 =	vld [tilespmem:s19+$0xC490]  }
0x104: {  	v3 =	vld [tilespmem:s0+$0xFFFFFF90]  }
0x105: {  	v4 =	vld [tilespmem:s0+$0xFFFFFF80]  }
0x106: {  	v5 =	vld [tilespmem:s0+$0xFFFFFFA0]  }
0x107: {  	v6 =	vld [tilespmem:s0+$0xFFFFFFF0]  }
0x108: {  	v7 =	vbroadcast v2, $0x0;
	v8 =	vbroadcast v2, $0x1;
	v9 =	vld [tilespmem:s0+$0xFFFFFFD0]  }
0x109: {  	v10 =	vbroadcast v2, $0x2;
	v11 =	vbroadcast v2, $0x3;
	v12 =	vld [tilespmem:s0+$0xFFFFFFC0]  }
0x10a: {  	v4 =	vmul.f32 v7, v4;
	v3 =	vmul.f32 v3, v8;
	v7 =	vld [tilespmem:s0+$0xFFFFFFE0]  }
0x10b: {  	v1 =	vmul.f32 v1, v11;
	v5 =	vmul.f32 v5, v10;
	v8 =	vld [tilespmem:s0+$0x30]  }
0x10c: {  	v10 =	vbroadcast v2, $0x5;
	[tilespmem:s0+$0xFFFFFF80] =	vst v4;
	v4 =	vbroadcast v2, $0x4;
	v11 =	vld [tilespmem:s0+$0x10]  }
0x10d: {  	v13 =	vbroadcast v2, $0x7;
	[tilespmem:s0+$0xFFFFFF90] =	vst v3;
	v3 =	vbroadcast v2, $0x6;
	v14 =	vld [tilespmem:s0+$0x0]  }
0x10e: {  	[tilespmem:s0+$0xFFFFFFA0] =	vst v5;
	v4 =	vmul.f32 v12, v4;
	v5 =	vmul.f32 v9, v10;
	v9 =	vld [tilespmem:s0+$0x20]  }
0x10f: {  	[tilespmem:s0+$0xFFFFFFB0] =	vst v1;
	v1 =	vmul.f32 v7, v3;
	v3 =	vmul.f32 v6, v13;
	v6 =	vld [tilespmem:s0+$0x70]  }
0x110: {  	v7 =	vbroadcast v2, $0x9;
	[tilespmem:s0+$0xFFFFFFC0] =	vst v4;
	v4 =	vbroadcast v2, $0x8;
	v10 =	vld [tilespmem:s0+$0x50]  }
0x111: {  	v12 =	vbroadcast v2, $0xB;
	[tilespmem:s0+$0xFFFFFFD0] =	vst v5;
	v5 =	vbroadcast v2, $0xA;
	v13 =	vld [tilespmem:s0+$0x40]  }
0x112: {  	[tilespmem:s0+$0xFFFFFFE0] =	vst v1;
	v1 =	vmul.f32 v14, v4;
	v4 =	vmul.f32 v11, v7;
	v7 =	vld [tilespmem:s0+$0x60]  }
0x113: {  	[tilespmem:s0+$0xFFFFFFF0] =	vst v3;
	v3 =	vmul.f32 v9, v5;
	v5 =	vmul.f32 v8, v12  }
0x114: {  	v8 =	vbroadcast v2, $0xD;
	[tilespmem:s0+$0x0] =	vst v1;
	v1 =	vbroadcast v2, $0xC  }
0x115: {  	[tilespmem:s0+$0x10] =	vst v4;
	v4 =	vbroadcast v2, $0xE;
	v2 =	vbroadcast v2, $0xF  }
0x116: {  	[tilespmem:s0+$0x20] =	vst v3;
	v1 =	vmul.f32 v13, v1;
	v3 =	vmul.f32 v10, v8  }
.Ltmp7:
0x117: {  	[tilespmem:s0+$0x30] =	vst v5;
	v4 =	vmul.f32 v7, v4;
	v2 =	vmul.f32 v6, v2;
	(pc) =	sbr.rel @p1 .LBB2_11-.Ltmp7, $4  }
0x118: {  	[tilespmem:s0+$0x40] =	vst v1  }
0x119: {  	[tilespmem:s0+$0x50] =	vst v3  }
0x11a: {  	s0 =	sadd.s32 $0x100, s0;
	[tilespmem:s6+$0x60] =	vst v4  }
0x11b: {  	s19 =	sshra.s32 s7, $0x2;
	s7 =	sadd.s32 $0x40, s7;
	v1 =	vld [tilespmem:s0+$0xFFFFFFB0];
	[tilespmem:s6+$0x70] =	vst v2;
	s6 =	smov.u32 s0  }
0x11c: {  	v2 =	vld [tilespmem:s19+$0xC490];
	_ =	sdelay $0x1  }
0x11d: {  	v3 =	vld [tilespmem:s0+$0xFFFFFF80]  }
0x11e: {  	v4 =	vld [tilespmem:s0+$0xFFFFFF90]  }
0x11f: {  	v5 =	vld [tilespmem:s0+$0xFFFFFFA0]  }
0x120: {  	v6 =	vbroadcast v2, $0x0  }
0x121: {  	v9 =	vld [tilespmem:s0+$0xFFFFFFD0];
	v7 =	vbroadcast v2, $0x1  }
0x122: {  	v8 =	vld [tilespmem:s0+$0xFFFFFFC0];
	v10 =	vbroadcast v2, $0x2;
	v3 =	vmul.f32 v6, v3  }
0x123: {  	v48 =	vld [tilespmem:s0+$0xFFFFFFE0];
	v47 =	vbroadcast v2, $0x3;
	v4 =	vmul.f32 v4, v7  }
0x124: {  	v51 =	vld [tilespmem:s0+$0x10];
	v49 =	vbroadcast v2, $0x5;
	v5 =	vmul.f32 v5, v10;
	[tilespmem:s0+$0xFFFFFF80] =	vst v3  }
0x125: {  	v11 =	vld [tilespmem:s0+$0xFFFFFFF0];
	v1 =	vmul.f32 v1, v47;
	v3 =	vbroadcast v2, $0x4;
	[tilespmem:s0+$0xFFFFFF90] =	vst v4  }
0x126: {  	v50 =	vld [tilespmem:s0+$0x0];
	v12 =	vbroadcast v2, $0x6;
	v6 =	vmul.f32 v9, v49;
	[tilespmem:s0+$0xFFFFFFA0] =	vst v5  }
0x127: {  	v56 =	vld [tilespmem:s0+$0x50];
	v54 =	vbroadcast v2, $0x9;
	[tilespmem:s0+$0xFFFFFFB0] =	vst v1;
	v3 =	vmul.f32 v8, v3  }
0x128: {  	v53 =	vld [tilespmem:s0+$0x20];
	v52 =	vbroadcast v2, $0x7;
	v7 =	vmul.f32 v48, v12;
	[tilespmem:s0+$0xFFFFFFD0] =	vst v6  }
0x129: {  	v59 =	vmul.f32 v51, v54;
	v1 =	vld [tilespmem:s0+$0x30];
	[tilespmem:s0+$0xFFFFFFC0] =	vst v3;
	v3 =	vbroadcast v2, $0x8  }
0x12a: {  	v55 =	vld [tilespmem:s0+$0x40];
	v62 =	vbroadcast v2, $0xD;
	v5 =	vmul.f32 v11, v52;
	[tilespmem:s0+$0xFFFFFFE0] =	vst v7  }
0x12b: {  	v60 =	vld [tilespmem:s0+$0x60];
	v57 =	vbroadcast v2, $0xA;
	[tilespmem:s0+$0x10] =	vst v59;
	v3 =	vmul.f32 v50, v3  }
0x12c: {  	v61 =	vld [tilespmem:s0+$0x70];
	v58 =	vbroadcast v2, $0xB;
	v4 =	vmul.f32 v56, v62;
	[tilespmem:s0+$0xFFFFFFF0] =	vst v5  }
0x12d: {  	v8 =	vmul.f32 v53, v57;
	[tilespmem:s0+$0x0] =	vst v3;
	v3 =	vbroadcast v2, $0xC  }
0x12e: {  	v63 =	vbroadcast v2, $0xE;
	[tilespmem:s0+$0x50] =	vst v4;
	v1 =	vmul.f32 v1, v58  }
0x12f: {  	[tilespmem:s0+$0x20] =	vst v8;
	v2 =	vbroadcast v2, $0xF;
	v3 =	vmul.f32 v55, v3  }
0x130: {  	[tilespmem:s0+$0x30] =	vst v1;
	v1 =	vmul.f32 v60, v63  }
0x131: {  	v2 =	vmul.f32 v61, v2;
	[tilespmem:s0+$0x40] =	vst v3  }
0x132: {  	[tilespmem:s6+$0x60] =	vst v1  }
.Ltmp8:
0x133: {  	s31 =	simm.s32 $0x9D10;
	[tilespmem:s6+$0x70] =	vst v2;
	(pc) =	sbr.rel .LBB2_13-.Ltmp8, $4  }
0x134: {  	[spmem:s3] =	stream.indirect.scatter.add.f32 [tilespmem:s29], [sflag:$0x5], $0x10, s31, s28, $0xb8;
	[tilespmem:$0xFC90] =	vst v63  }
0x135: {  	_ =	swait.ge [sflag:s22], $0x800  }
0x136: {  	[sflag:s22] =	ssyncset.done $0x0  }
0x137: {  	[sflag:s22] =	ssyncadd.s32 $0xFFFFF800  }
.LBB2_14:
0x138: {  	_ =	sfence.sel $0x180000  }
0x139: {  	[bflag:$0x0] =	sbarrier.arrive $0xFFFF  }
0x13a: {  	_ =	strace $0x9000004D  }
0x13b: {  	s0 =	stileid.u32;
	[bflag:$0x2] =	sbarrier.arrive $0xFFFF  }
0x13c: {  	p0 =	sne.s32 s0, $0x0;
	s0 =	rddreg [dreg:$0x4]  }
0x13d: {  	s0 =	sadd.s32 @!p0 $0x100000, s0  }
0x13e: {  	[sflag:s0] =	ssyncadd.tile.s32 @!p0 $0x1;
	_ =	shalt  }
.Lfunc_end2:
_tile_overlayer_lowered:
.L_overlay_start_2:
0x13f: {  	(tag) =	ssettag $0x2  }
0x140: {  	s0 =	rddreg [dreg:$0x0];
	s2 =	stileid.u32  }
0x141: {  	s1 =	rddreg [dreg:$0x1];
	p0 =	sne.s32 s2, $0x0  }
0x142: {  	s3 =	rddreg [dreg:$0x2];
	[bflag:$0x3] =	sbarrier.arrive $0xFFFF;
	s2 =	simm.s32 @!p0 $0x1C05  }
0x143: {  	[timem:s3], [sflag:s2] =	dma.local @!p0 [hbm:s0], s1  }
0x144: {  	s0 =	simm.s32 @!p0 $0x5  }
0x145: {  	_ =	swait.ge @!p0 [sflag:s0], s1  }
0x146: {  	s1 =	ssub.s32 @!p0 $0x0, s1;
	[sflag:s0] =	ssyncset.done @!p0 $0x0  }
0x147: {  	[sflag:s0] =	ssyncadd.s32 @!p0 s1  }
0x148: {  	[bflag:$0x3] =	sbarrier.arrive $0xFFFF  }
0x149: {  	_ =	shalt  }

// kernel: kernel.9.cloned.1.call-start
scs
__scs_entry_jumppad:
0x0: {  	(pc) =	sbr.rel $0x88, $3  }
0x1: {  	(tag) =	ssettag $0x0;
	lr =	simm.s32 $0x1  }
0x2: {  	[smem:$0x3F98] =	sst lr;
	_ =	strace $0xD0000000  }
0x3: {  	_ = 	snop  }
0x4: {  	_ = 	snop  }
0x5: {  	_ = 	snop  }
0x6: {  	_ = 	snop  }
0x7: {  	_ = 	snop  }
__scs_overlays_trampoline_lowered:
0x8: {  	[smem:$0x3FA7] =	sst s0  }
0x9: {  	[smem:$0x3FA8] =	sst s1  }
0xa: {  	[smem:$0x3FA9] =	sst s2  }
0xb: {  	[smem:$0x3FAA] =	sst s3  }
0xc: {  	[smem:$0x3FAB] =	sst s4  }
0xd: {  	[smem:$0x3FAC] =	sst s5  }
0xe: {  	[smem:$0x3FAD] =	sst s6  }
0xf: {  	[smem:$0x3FAE] =	sst s7  }
0x10: {  	[smem:$0x3FAF] =	sst s8  }
0x11: {  	[smem:$0x3FB0] =	sst s9;
	s0 =	simm.s32 @!p0 $0x0  }
0x12: {  	s1 =	sld [smem:$0x3F96];
	s0 =	simm.s32 @p0 $0x1  }
0x13: {  	[smem:$0x3FB1] =	sst s0;
	s0 =	simm.s32 @!p1 $0x0  }
0x14: {  	s2 =	sld [smem:$0x3F95];
	s0 =	simm.s32 @p1 $0x1  }
0x15: {  	[smem:$0x3FB2] =	sst s0;
	s0 =	simm.s32 @!p2 $0x0  }
0x16: {  	s3 =	sld [smem:$0x3FDB];
	s0 =	simm.s32 @p2 $0x1  }
0x17: {  	s4 =	simm.s32 $0x1BF5;
	[smem:$0x3FB4] =	sst s0  }
0x18: {  	s0 =	sld [smem:$0x3F97];
	_ =	swait.ge [sflag:s4], $0x0  }
0x19: {  	s7 =	sld [smem:$0x3F98]  }
0x1a: {  	s8 =	sadd.s32 $0xFFFFE003, lr  }
0x1b: {  	s9 =	sadd.s32 $0xFFFFFEF7, lr;
	s5 =	simm.s32 $0xFFFFFFFF;
	p2 =	slt.u32 s8, $0xFFFFF086  }
0x1c: {  	p1 =	slt.u32 s9, $0xF7A;
	s5 =	simm.s32 @!p2 $0x0  }
0x1d: {  	s5 =	simm.s32 @p1 $0x1;
	p0 =	seq.s32 s7, s2  }
0x1e: {  	s7 =	smul.u32 @!p0 $0xF7A, s2;
	p2 =	seq.s32 @!p0 s5, $0x0  }
0x1f: {  	s9 =	smul.u32 $0xF7A, s1;
	s8 =	simm.s32 @!p0 $0x1BF5;
	p2 =	por !p2, p0  }
0x20: {  	[sflag:s8] =	ssyncset.s32 @!p0 $0xFFFFF086;
	s6 =	sadd.s32 @!p0 s3, s7;
	s7 =	simm.s32 @!p0 $0x108  }
0x21: {  	s3 =	sadd.s32 s3, s9;
	s6 =	sadd.s32 @!p0 $0x88, s6;
	s7 =	simm.s32 @p2 $0x1082  }
0x22: {  	[simem:s7], [sflag:s8] =	dma.local @!p0 [hbm:s6], $0xF7A  }
0x23: {  	s9 =	sor.u32 $0xD0000000, s2;
	s6 =	simm.s32 $0x108;
	_ =	swait.ge @!p0 [sflag:s8], $0x0  }
0x24: {  	s3 =	sadd.s32 $0x88, s3;
	s6 =	simm.s32 @!p1 $0x1082;
	[sflag:s4] =	ssyncset.s32 $0xFFFFF086  }
0x25: {  	[simem:s6], [sflag:s4] =	dma.local [hbm:s3], $0xF7A  }
0x26: {  	[smem:$0x3F98] =	sst s1;
	(tag) =	ssettag s2;
	_ =	strace s9  }
0x27: {  	s1 =	sld [smem:$0x3FA8]  }
0x28: {  	s2 =	sld [smem:$0x3FA9]  }
0x29: {  	s4 =	sld [smem:$0x3FAB]  }
0x2a: {  	p0 =	seq.s32 s5, $0x0;
	s5 =	sld [smem:$0x3FAC]  }
0x2b: {  	s6 =	sld [smem:$0x3FAD]  }
0x2c: {  	s7 =	sld [smem:$0x3FAE]  }
0x2d: {  	s3 =	simm.s32 $0x108;
	s8 =	sld [smem:$0x3FAF]  }
0x2e: {  	s3 =	simm.s32 @!p0 $0x1082;
	s9 =	sld [smem:$0x3FB0]  }
0x2f: {  	lr =	sadd.s32 s0, s3;
	s0 =	sld [smem:$0x3FA7]  }
0x30: {  	s3 =	sld [smem:$0x3FAA]  }
0x31: {  	[smem:$0x3FB3] =	sst s10  }
0x32: {  	s10 =	sld [smem:$0x3FB1];
	_ =	sdelay $0x3  }
0x33: {  	p0 =	seq.s32 s10, $0x1;
	s10 =	sld [smem:$0x3FB3];
	_ =	sdelay $0x3  }
0x34: {  	[smem:$0x3FB3] =	sst s10  }
0x35: {  	s10 =	sld [smem:$0x3FB2];
	_ =	sdelay $0x3  }
0x36: {  	p1 =	seq.s32 s10, $0x1;
	s10 =	sld [smem:$0x3FB3];
	_ =	sdelay $0x3  }
0x37: {  	[smem:$0x3FB3] =	sst s10  }
0x38: {  	s10 =	sld [smem:$0x3FB4]  }
0x39: {  	_ = 	snop;
	(pc) =	sbr.ind lr, $3  }
0x3a: {  	_ = 	snop  }
0x3b: {  	_ = 	snop  }
0x3c: {  	p2 =	seq.s32 s10, $0x1;
	s10 =	sld [smem:$0x3FB3]  }
0x3d: {  	_ =	shalt  }
0x3e: {  	_ =	shalt  }
0x3f: {  	_ =	shalt  }
0x40: {  	_ =	shalt  }
0x41: {  	_ =	shalt  }
0x42: {  	_ =	shalt  }
0x43: {  	_ =	shalt  }
0x44: {  	_ =	shalt  }
0x45: {  	_ =	shalt  }
0x46: {  	_ =	shalt  }
0x47: {  	_ =	shalt  }
0x48: {  	_ =	shalt  }
0x49: {  	_ =	shalt  }
0x4a: {  	_ =	shalt  }
0x4b: {  	_ =	shalt  }
0x4c: {  	_ =	shalt  }
0x4d: {  	_ =	shalt  }
0x4e: {  	_ =	shalt  }
0x4f: {  	_ =	shalt  }
0x50: {  	_ =	shalt  }
0x51: {  	_ =	shalt  }
0x52: {  	_ =	shalt  }
0x53: {  	_ =	shalt  }
0x54: {  	_ =	shalt  }
0x55: {  	_ =	shalt  }
0x56: {  	_ =	shalt  }
0x57: {  	_ =	shalt  }
0x58: {  	_ =	shalt  }
0x59: {  	_ =	shalt  }
0x5a: {  	_ =	shalt  }
0x5b: {  	_ =	shalt  }
0x5c: {  	_ =	shalt  }
0x5d: {  	_ =	shalt  }
0x5e: {  	_ =	shalt  }
0x5f: {  	_ =	shalt  }
0x60: {  	_ =	shalt  }
0x61: {  	_ =	shalt  }
0x62: {  	_ =	shalt  }
0x63: {  	_ =	shalt  }
0x64: {  	_ =	shalt  }
0x65: {  	_ =	shalt  }
0x66: {  	_ =	shalt  }
0x67: {  	_ =	shalt  }
0x68: {  	_ =	shalt  }
0x69: {  	_ =	shalt  }
0x6a: {  	_ =	shalt  }
0x6b: {  	_ =	shalt  }
0x6c: {  	_ =	shalt  }
0x6d: {  	_ =	shalt  }
0x6e: {  	_ =	shalt  }
0x6f: {  	_ =	shalt  }
0x70: {  	_ =	shalt  }
0x71: {  	_ =	shalt  }
0x72: {  	_ =	shalt  }
0x73: {  	_ =	shalt  }
0x74: {  	_ =	shalt  }
0x75: {  	_ =	shalt  }
0x76: {  	_ =	shalt  }
0x77: {  	_ =	shalt  }
0x78: {  	_ =	shalt  }
0x79: {  	_ =	shalt  }
0x7a: {  	_ =	shalt  }
0x7b: {  	_ =	shalt  }
0x7c: {  	_ =	shalt  }
0x7d: {  	_ =	shalt  }
0x7e: {  	_ =	shalt  }
0x7f: {  	_ =	shalt  }
0x80: {  	_ =	shalt  }
0x81: {  	_ =	shalt  }
0x82: {  	_ =	shalt  }
0x83: {  	_ =	shalt  }
0x84: {  	_ =	shalt  }
0x85: {  	_ =	shalt  }
0x86: {  	_ =	shalt  }
0x87: {  	_ =	shalt  }
.Lfunc_end0:
.L_simem_size_0:
called_computation_lowered:
.L_overlay_start_0:
0x88: {  	s2 =	sld [smem:$0x3FD9]  }
0x89: {  	s3 =	sld [smem:$0x3FFE];
	_ =	sdelay $0x1  }
0x8a: {  	s1 =	srdreg.scid  }
0x8b: {  	s0 =	sand.u32 $0x1, s1  }
0x8c: {  	s17 =	sshll.u32 s0, $0xA;
	s2 =	sadd.s32 s3, s2  }
0x8d: {  	s2 =	sadd.s32 s2, s17  }
0x8e: {  	[smem:$0x3FBF] =	sst s2  }
0x8f: {  	_ = 	snop  }
0x90: {  	s2 =	sld [smem:$0x3FC7];
	(tm) =	ssettm $0x1  }
0x91: {  	s18 =	sld [smem:$0x3FFB];
	_ =	sdelay $0x3  }
0x92: {  	_ =	strace s18  }
0x93: {  	s3 =	sld [smem:$0x3FFC];
	_ =	sdelay $0x3  }
0x94: {  	_ =	strace s3  }
0x95: {  	s3 =	sld [smem:$0x3FFD];
	_ =	sdelay $0x3  }
0x96: {  	_ =	strace s3  }
0x97: {  	_ =	strace $0x8FFFFFFF  }
0x98: {  	s19 =	sld [smem:$0x3FDB];
	_ =	sdelay $0x1  }
0x99: {  	s4 =	simm.s32 $_scs_section_size  }
0x9a: {  	s5 =	simm.s32 $_size__tile_overlayer_lowered;
	s6 =	simm.s32 $_tile_overlayer_lowered  }
0x9b: {  	s22 =	simm.s32 $0x1BFF;
	s21 =	sshll.u32 s6, $0x1;
	s3 =	sadd.s32 s4, s19  }
0x9c: {  	s7 =	simm.s32 $0x0;
	s20 =	sshll.u32 s5, $0x1;
	s5 =	sadd.s32 s21, s3  }
0x9d: {  	[timem:s7], [sflag:s22] =	dma.local [hbm:s5], s20  }
0x9e: {  	_ =	swait.ge [sflag:s22], s20  }
0x9f: {  	s4 =	ssub.s32 $0x0, s20;
	[sflag:s22] =	ssyncset.done $0x0  }
0xa0: {  	[sflag:s22] =	ssyncadd.s32 s4;
	_ =	sdelay $0x1  }
0xa1: {  	s23 =	simm.s32 $0x1B8B  }
0xa2: {  	_ =	swait.ge [sflag:s23], $0x1  }
0xa3: {  	[sflag:s23] =	ssyncset.done $0x0  }
0xa4: {  	s25 =	simm.s32 $0x1B8E;
	s24 =	sld [smem:$0x3FFE];
	[sflag:s23] =	ssyncadd.s32 $0xFFFFFFFF  }
0xa5: {  	s26 =	simm.s32 $execute0_lowered;
	[smem:$0x3FD2] =	sst s25  }
0xa6: {  	s5 =	sshll.u32 s26, $0x1;
	_ =	strace $0x80000046;
	[dreg:$0x1] =	wrdreg $0xFFFFFFFF  }
0xa7: {  	s28 =	simm.s32 $_size_execute0_lowered;
	s3 =	sadd.s32 s3, s5;
	[dreg:$0x0] =	wrdreg $0x0  }
0xa8: {  	s5 =	sshll.u32 s28, $0x1;
	[dreg:$0x2] =	wrdreg s3  }
0xa9: {  	[dreg:$0x3] =	wrdreg s5  }
0xaa: {  	[dreg:$0x4] =	wrdreg $0xC0  }
0xab: {  	_ =	task [dreg:s7], $0x5FFFF  }
0xac: {  	[dreg:$0x1] =	wrdreg $0xFFFFFFFF  }
0xad: {  	[dreg:$0x0] =	wrdreg $0x60  }
0xae: {  	[dreg:$0x2] =	wrdreg s24  }
0xaf: {  	[dreg:$0x3] =	wrdreg s2  }
0xb0: {  	[dreg:$0x4] =	wrdreg $0x0  }
0xb1: {  	[dreg:$0x5] =	wrdreg $0x9  }
0xb2: {  	_ =	task.clear_ibuf [dreg:s7], $0x6FFFF;
	_ =	strace $0x90000046  }
0xb3: {  	s29 =	simm.s32 $0x9;
	_ =	strace $0x80000048  }
0xb4: {  	_ =	swait.ge [sflag:s29], $0x1  }
0xb5: {  	[sflag:s29] =	ssyncadd.s32 $0xFFFFFFFF  }
0xb6: {  	_ =	strace $0x90000048  }
0xb7: {  	_ =	sfence  }
0xb8: {  	s30 =	sld [smem:$0x0];
	_ =	sdelay $0x2  }
0xb9: {  	s31 =	sshll.u32 s1, $0xD;
	s1 =	sshrl.u32 s1, $0x2  }
0xba: {  	s3 =	sand.u32 $0x4000, s31;
	s1 =	sadd.s32 s1, s30  }
0xbb: {  	s0 =	sor.u32 s3, s0;
	s1 =	sshll.u32 s1, $0x11  }
0xbc: {  	s0 =	sor.u32 s1, s0  }
0xbd: {  	s0 =	sadd.s32 $0x8F2B, s0  }
0xbe: {  	[sflag:s0] =	ssyncadd.remote.s32 $0x1  }
0xbf: {  	_ =	sfence.sel $0xFFFF  }
0xc0: {  	[dreg:$0x0] =	wrdreg $0xFFFFFFFF;
	(pc) =	sbr.abs _section_cstart, $3  }
0xc1: {  	[dreg:$0x1] =	wrdreg $0xFFFFFFFF  }
0xc2: {  	_ =	task.clear_ibuf [dreg:s7], $0x2FFFF;
	_ =	strace $0x9FFFFFFF  }
0xc3: {  	(tm) =	ssettm $0x7FFFFFFF  }
tec
execute0_lowered:
.L_overlay_start_1:
0x0: {  	(tag) =	ssettag $0x1  }
0x1: {  	s4 =	rddreg [dreg:$0x0]  }
0x2: {  	s7 =	rddreg [dreg:$0x1]  }
0x3: {  	s2 =	rddreg [dreg:$0x2]  }
0x4: {  	s0 =	rddreg [dreg:$0x3]  }
0x5: {  	s5 =	srdreg.scid;
	s1 =	stileid.u32  }
0x6: {  	s3 =	simm.s32 $0x0;
	s14 =	simm.s32 $0x278;
	s15 =	simm.s32 $0x80  }
0x7: {  	s16 =	simm.s32 $0x1;
	s19 =	simm.s32 $0x0;
	s5 =	sand.u32 $0x1, s5  }
0x8: {  	s6 =	smul.u32 $0x278, s1;
	[smem:$0x7FF] =	sst s3;
	s9 =	sadd.s32 $0xB400, s4  }
0x9: {  	s13 =	sshll.u32 s1, $0x4;
	s17 =	sshll.u32 s1, $0x6;
	s8 =	smul.u32 $0x2780, s5  }
0xa: {  	_ =	strace $0x80000047;
	s10 =	sshll.u32 s5, $0x4;
	s5 =	ssub.s32 $0x2, s5  }
0xb: {  	s31 =	sor.u32 $0x9C00, s13;
	s13 =	simm.s32 $0x29F8;
	s17 =	sor.u32 $0x1C02, s17  }
0xc: {  	s11 =	sor.u32 s1, s10;
	s29 =	sshrl.u32 s5, $0x1;
	s8 =	sadd.s32 s6, s8  }
0xd: {  	s30 =	smul.u32 $0x4E0, s11;
	s12 =	ssub.s32 s5, s29;
	p0 =	sgt.u32 s11, $0x3  }
0xe: {  	s11 =	simm.s32 $0x5178;
	s8 =	sshrl.u32 s8, $0x3;
	s10 =	smax.u32 s12, $0x1  }
0xf: {  	s12 =	simm.s32 $0x2;
	s28 =	sadd.s32 s8, s4;
	s4 =	sadd.s32 s6, s2  }
0x10: {  	s5 =	sadd.s32 s7, s30;
	s6 =	sadd.s32 s9, s30;
	s7 =	sadd.s32 s7, s31  }
0x11: {  	v0 =	vimm.f32 $0.0e+00;
	s8 =	sadd.s32 s9, s31;
	s9 =	sadd.s32 $0x15200, s28;
	s18 =	sshrl.u32 s4, $0x3  }
.LBB2_1:
0x12: {  	[tilespmem:$0x5178] =	vst v0  }
0x13: {  	[tilespmem:$0x5188] =	vst v0  }
0x14: {  	[tilespmem:$0x5198] =	vst v0  }
0x15: {  	[tilespmem:$0x51A8] =	vst v0  }
0x16: {  	[tilespmem:$0x51B8] =	vst v0  }
0x17: {  	[tilespmem:$0x51C8] =	vst v0  }
0x18: {  	[tilespmem:$0x51D8] =	vst v0  }
0x19: {  	[tilespmem:$0x51E8] =	vst v0  }
0x1a: {  	[tilespmem:$0x51F8] =	vst v0  }
0x1b: {  	[tilespmem:$0x5208] =	vst v0  }
0x1c: {  	[tilespmem:$0x5218] =	vst v0  }
0x1d: {  	[tilespmem:$0x5228] =	vst v0  }
0x1e: {  	[tilespmem:$0x5238] =	vst v0  }
0x1f: {  	[tilespmem:$0x5248] =	vst v0  }
0x20: {  	[tilespmem:$0x5258] =	vst v0  }
0x21: {  	[tilespmem:$0x5268] =	vst v0  }
0x22: {  	[tilespmem:$0x5278] =	vst v0  }
0x23: {  	[tilespmem:$0x5288] =	vst v0  }
0x24: {  	[tilespmem:$0x5298] =	vst v0  }
0x25: {  	[tilespmem:$0x52A8] =	vst v0  }
0x26: {  	[tilespmem:$0x52B8] =	vst v0  }
0x27: {  	[tilespmem:$0x52C8] =	vst v0  }
0x28: {  	[tilespmem:$0x52D8] =	vst v0  }
0x29: {  	[tilespmem:$0x52E8] =	vst v0  }
0x2a: {  	[tilespmem:$0x52F8] =	vst v0  }
0x2b: {  	[tilespmem:$0x5308] =	vst v0  }
0x2c: {  	[tilespmem:$0x5318] =	vst v0  }
0x2d: {  	[tilespmem:$0x5328] =	vst v0  }
0x2e: {  	[tilespmem:$0x5338] =	vst v0  }
0x2f: {  	[tilespmem:$0x5348] =	vst v0  }
0x30: {  	[tilespmem:$0x5358] =	vst v0  }
0x31: {  	[tilespmem:$0x5368] =	vst v0  }
0x32: {  	[tilespmem:$0x5378] =	vst v0  }
0x33: {  	[tilespmem:$0x5388] =	vst v0  }
0x34: {  	[tilespmem:$0x5398] =	vst v0  }
0x35: {  	[tilespmem:$0x53A8] =	vst v0  }
0x36: {  	[tilespmem:$0x53B8] =	vst v0  }
0x37: {  	[tilespmem:$0x53C8] =	vst v0  }
0x38: {  	[tilespmem:$0x53D8] =	vst v0  }
0x39: {  	[tilespmem:$0x53E8] =	vst v0  }
0x3a: {  	[spmem:s4] =	stream.linear.scatter [tilespmem:s11], [sflag:$0x2], $0x278, $0x38;
	[tilespmem:$0x53F0] =	vst v63  }
0x3b: {  	_ =	swait.ge [sflag:s12], $0x278  }
0x3c: {  	[sflag:s12] =	ssyncset.done $0x0  }
0x3d: {  	[sflag:s12] =	ssyncadd.s32 $0xFFFFFD88  }
0x3e: {  	[tilespmem:s13], [sflag:$0x2] =	stream.linear.gather [hbm4b:s5+s3], $0x2700, $0x38;
	[tilespmem:$0x53F0] =	vst v63  }
0x3f: {  	_ =	swait.ge [sflag:s12], $0x2700  }
0x40: {  	[sflag:s12] =	ssyncset.done $0x0  }
0x41: {  	[sflag:s12] =	ssyncadd.s32 $0xFFFFD900  }
0x42: {  	[tilespmem:s14], [sflag:$0x2] =	stream.linear.gather [hbm4b:s6+s3], $0x2700, $0x38;
	[tilespmem:$0x53F0] =	vst v63  }
0x43: {  	_ =	swait.ge [sflag:s12], $0x2700  }
0x44: {  	[sflag:s12] =	ssyncset.done $0x0  }
0x45: {  	s20 =	simm.s32 @!p0 $0x0;
	s21 =	simm.s32 @!p0 $0x50F8;
	[sflag:s12] =	ssyncadd.s32 $0xFFFFD900  }
0x46: {  	[tilespmem:s21], [sflag:$0x2] =	stream.linear.gather @!p0 [hbm4b:s7+s20], $0x80, $0x38;
	[tilespmem:$0x53F0] =	vst v63  }
0x47: {  	s21 =	simm.s32 @!p0 $0x2  }
0x48: {  	_ =	swait.ge @!p0 [sflag:s21], $0x80  }
0x49: {  	[sflag:s21] =	ssyncset.done @!p0 $0x0  }
0x4a: {  	s22 =	simm.s32 @!p0 $0x2978;
	[sflag:s21] =	ssyncadd.s32 @!p0 $0xFFFFFF80  }
0x4b: {  	[tilespmem:s22], [sflag:$0x2] =	stream.linear.gather @!p0 [hbm4b:s8+s20], $0x80, $0x38;
	[tilespmem:$0x53F0] =	vst v63  }
0x4c: {  	_ =	swait.ge @!p0 [sflag:s21], $0x80  }
0x4d: {  	[sflag:s21] =	ssyncset.done @!p0 $0x0  }
0x4e: {  	s20 =	simm.s32 $0x200;
	[sflag:s21] =	ssyncadd.s32 @!p0 $0xFFFFFF80  }
0x4f: {  	s22 =	simm.s32 $0x278;
	s21 =	simm.s32 $0x29F8;
	[bflag:$0x0] =	sbarrier.arrive $0xFFFF  }
.LBB2_2:
0x50: {  	[spmem:s2] =	stream.indirect.scatter.add.f32 [tilespmem:s21], [sflag:$0x1], $0x1, s22, s15, $0xb8;
	[tilespmem:$0x53F0] =	vst v63  }
0x51: {  	s21 =	smov.u32 s20;
	p1 =	sne.s32 s20, $0x9A00  }
.Ltmp0:
0x52: {  	s20 =	sadd.s32 $0x200, s20;
	(pc) =	sbr.rel @p1 .LBB2_2-.Ltmp0, $3  }
0x53: {  	_ =	sdelay $0x1  }
0x54: {  	s22 =	sshra.s32 s21, $0x2  }
0x55: {  	s21 =	sadd.s32 $0x29F8, s22;
	s22 =	sadd.s32 $0x278, s22  }
0x56: {  	[spmem:s2] =	stream.indirect.scatter.add.f32 [tilespmem:s21], [sflag:$0x1], $0x1, s22, s15, $0xb8;
	[tilespmem:$0x53F0] =	vst v63  }
0x57: {  	s20 =	simm.s32 @!p0 $0x80;
	s21 =	simm.s32 @!p0 $0x2978;
	s22 =	simm.s32 @!p0 $0x50F8  }
0x58: {  	[spmem:s2] =	stream.indirect.scatter.add.f32 @!p0 [tilespmem:s22], [sflag:$0x1], $0x1, s21, s20, $0xb8;
	[tilespmem:$0x53F0] =	vst v63  }
0x59: {  	_ =	swait.ge [sflag:s16], $0x80  }
0x5a: {  	s20 =	simm.s32 $0x4D;
	[sflag:s16] =	ssyncset.done $0x0  }
.LBB2_4:
0x5b: {  	p1 =	sne.s32 s20, $0x1;
	s20 =	sadd.s32 $0xFFFFFFFF, s20;
	[sflag:s16] =	ssyncadd.s32 $0xFFFFFF80  }
.Ltmp1:
0x5c: {  	(pc) =	sbr.rel @p1 .LBB2_4-.Ltmp1, $3  }
0x5d: {  	_ =	sdelay $0x1  }
0x5e: {  	_ =	swait.ge [sflag:s16], $0x80  }
0x5f: {  	[sflag:s16] =	ssyncset.done $0x0  }
0x60: {  	[sflag:s16] =	ssyncadd.s32 $0xFFFFFF80;
	s20 =	simm.s32 @!p0 $0x1  }
0x61: {  	_ =	swait.ge @!p0 [sflag:s20], $0x80  }
0x62: {  	s19 =	sadd.s32 $0x1, s19;
	[sflag:s20] =	ssyncset.done @!p0 $0x0  }
0x63: {  	p1 =	sne.s32 s19, s10;
	[sflag:s20] =	ssyncadd.s32 @!p0 $0xFFFFFF80  }
.Ltmp2:
0x64: {  	[bflag:$0x0] =	sbarrier.arrive $0xFFFF;
	(pc) =	sbr.rel @p1 .LBB2_1-.Ltmp2, $4  }
0x65: {  	[hbm:s9], [sflag:s17] =	dma.local [spmem:s18], $0x4F  }
0x66: {  	_ =	swait.ge [sflag:s12], $0x4F  }
0x67: {  	[sflag:s12] =	ssyncset.done $0x0  }
0x68: {  	[sflag:s12] =	ssyncadd.s32 $0xFFFFFFB1  }
0x69: {  	_ =	sfence.sel $0x180000  }
0x6a: {  	[bflag:$0x0] =	sbarrier.arrive $0xFFFF  }
0x6b: {  	p0 =	sne.s32 s1, $0x0;
	_ =	strace $0x90000047  }
0x6c: {  	s0 =	sadd.s32 @!p0 $0x100000, s0;
	[bflag:$0x2] =	sbarrier.arrive $0xFFFF  }
0x6d: {  	[sflag:s0] =	ssyncadd.tile.s32 @!p0 $0x1;
	_ =	shalt  }
.Lfunc_end2:
_tile_overlayer_lowered:
.L_overlay_start_2:
0x6e: {  	(tag) =	ssettag $0x2  }
0x6f: {  	s0 =	rddreg [dreg:$0x0];
	s2 =	stileid.u32  }
0x70: {  	s1 =	rddreg [dreg:$0x1];
	p0 =	sne.s32 s2, $0x0  }
0x71: {  	s3 =	rddreg [dreg:$0x2];
	[bflag:$0x3] =	sbarrier.arrive $0xFFFF;
	s2 =	simm.s32 @!p0 $0x1C02  }
0x72: {  	[timem:s3], [sflag:s2] =	dma.local @!p0 [hbm:s0], s1  }
0x73: {  	s0 =	simm.s32 @!p0 $0x2  }
0x74: {  	_ =	swait.ge @!p0 [sflag:s0], s1  }
0x75: {  	s1 =	ssub.s32 @!p0 $0x0, s1;
	[sflag:s0] =	ssyncset.done @!p0 $0x0  }
0x76: {  	[sflag:s0] =	ssyncadd.s32 @!p0 s1  }
0x77: {  	[bflag:$0x3] =	sbarrier.arrive $0xFFFF  }
0x78: {  	_ =	shalt  }

</sc_bundles>
